<compile_context>
chip_gen: v7x
topology: tpu7x:2x2x1
jax: 0.10.2.dev20260603
libtpu: 0.0.44.dev20260713+nightly
codegen_flags: <defaults>
</compile_context>

<pallas_src>
import functools

import jax
import jax.numpy as jnp
from jax import lax
from jax.experimental import pallas as pl
from jax.experimental.pallas import tpu as pltpu
from jax.experimental.pallas import tpu_sc as plsc

ALPHA = 0.1
NITER = 10
NSC = 2
NTILE = 16
LANES = 16
CHUNK = 512
PAD_ROWS = 16


def _mlp_body(x_ref, w1_ref, w2_ref, o_ref):
    h = lax.dot_general(
        x_ref[...], w1_ref[...], (((1,), (0,)), ((), ())),
        precision=lax.Precision.HIGHEST, preferred_element_type=jnp.float32)
    h = jnp.maximum(h, 0.0)
    o_ref[...] = lax.dot_general(
        h, w2_ref[...], (((1,), (0,)), ((), ())),
        precision=lax.Precision.HIGHEST, preferred_element_type=jnp.float32)


def _mlp(x, W1, W2):
    n, d_feat = x.shape
    hidden = W1.shape[1]
    nclasses = W2.shape[1]
    rows = 1000
    grid = n // rows
    return pl.pallas_call(
        _mlp_body,
        grid=(grid,),
        in_specs=[
            pl.BlockSpec((rows, d_feat), lambda i: (i, 0)),
            pl.BlockSpec((d_feat, hidden), lambda i: (0, 0)),
            pl.BlockSpec((hidden, nclasses), lambda i: (0, 0)),
        ],
        out_specs=pl.BlockSpec((rows, nclasses), lambda i: (i, 0)),
        out_shape=jax.ShapeDtypeStruct((n, nclasses), jnp.float32),
    )(x, W1, W2)


def _rsqrt_newton(d):
    i = plsc.bitcast(d, jnp.int32)
    i = 0x5F3759DF - lax.shift_right_logical(i, 1)
    y = plsc.bitcast(i, jnp.float32)
    for _ in range(3):
        y = y * (1.5 - 0.5 * d * y * y)
    return y


def _propagate(h3, ei_flat, n, e, nchunk):
    _, rows_pt, nclasses = h3.shape
    hc = nclasses // NSC
    tab_rows = n + PAD_ROWS
    out_pt = n // NTILE
    npair = rows_pt * hc // LANES
    ept = e // NTILE
    ept_pad = nchunk * CHUNK

    mesh = plsc.VectorSubcoreMesh(
        core_axis_name="c", subcore_axis_name="s",
        num_cores=NSC, num_subcores=NTILE)

    @functools.partial(
        pl.kernel,
        mesh=mesh,
        compiler_params=pltpu.CompilerParams(
            needs_layout_passes=False, use_tc_tiling_on_sc=False),
        out_type=jax.ShapeDtypeStruct((NTILE, out_pt, nclasses), jnp.float32),
        scratch_types=[
            pltpu.VMEM_SHARED((tab_rows, hc), jnp.float32),
            pltpu.VMEM_SHARED((tab_rows, hc), jnp.float32),
            pltpu.VMEM((nchunk * CHUNK,), jnp.int32),
            pltpu.VMEM((nchunk * CHUNK,), jnp.int32),
            pltpu.VMEM((CHUNK, hc), jnp.float32),
            pltpu.VMEM((CHUNK, hc), jnp.float32),
            pltpu.VMEM((CHUNK, hc), jnp.float32),
            pltpu.VMEM((rows_pt, hc), jnp.float32),
            pltpu.VMEM((rows_pt, nclasses), jnp.float32),
            pltpu.VMEM((rows_pt, hc), jnp.float32),
            pltpu.VMEM((rows_pt, hc), jnp.float32),
            pltpu.VMEM((npair, LANES), jnp.float32),
            pltpu.VMEM((npair, LANES), jnp.float32),
            pltpu.VMEM((npair, LANES), jnp.float32),
            pltpu.SemaphoreType.DMA,
            pltpu.SemaphoreType.DMA,
        ],
    )
    def k(h_r, ei_r, out_r,
          y_tab, s_tab, src_v, dst_v, rows_a, rows_b, ones_v, zeros_v,
          h_v, sb_v, yb_v, dx_v, c1_v, c2_v, sem_a, sem_b):
        wid = lax.axis_index("s")
        cid = lax.axis_index("c")
        r0 = wid * rows_pt
        lane = lax.iota(jnp.int32, LANES)
        col_ix = lax.bitwise_and(lane, jnp.int32(hc - 1))
        colh_ix = col_ix + hc * cid
        rowoff_ix = lax.shift_right_logical(lane, 3)

        def pair_load(ref, f, cols=col_ix):
            row_ix = rowoff_ix + 2 * f
            return plsc.load_gather(ref, [row_ix, cols])

        def pair_store(ref, f, val):
            row_ix = rowoff_ix + 2 * f
            plsc.store_scatter(ref, [row_ix, col_ix], val)

        pltpu.sync_copy(ei_r.at[pl.ds(wid * ept, ept)], src_v.at[pl.ds(0, ept)])
        pltpu.sync_copy(ei_r.at[pl.ds(e + wid * ept, ept)],
                        dst_v.at[pl.ds(0, ept)])
        pltpu.sync_copy(h_r.at[wid], h_v)

        def fill_pad(p, _):
            pos = ept + LANES * p + lane
            trash = jnp.int32(n) + lax.bitwise_and(lane, jnp.int32(PAD_ROWS - 1))
            plsc.store_scatter(src_v, [pos], trash)
            plsc.store_scatter(dst_v, [pos], trash)
            return 0
        lax.fori_loop(0, (ept_pad - ept) // LANES, fill_pad, 0)

        def fill_ones(i, _):
            pair_store(ones_v, i, jnp.full((LANES,), 1.0, jnp.float32))
            return 0
        lax.fori_loop(0, CHUNK * hc // LANES, fill_ones, 0)

        def fill_zeros(i, _):
            pair_store(zeros_v, i, jnp.zeros((LANES,), jnp.float32))
            return 0
        lax.fori_loop(0, npair, fill_zeros, 0)

        pltpu.sync_copy(zeros_v, s_tab.at[pl.ds(r0, rows_pt)])
        plsc.subcore_barrier()

        sems = (sem_a, sem_b)
        for j in range(2):
            pltpu.async_copy(
                ones_v, s_tab.at[dst_v.at[pl.ds(j * CHUNK, CHUNK)]],
                sems[j], add=True)

        def deg_pair(i, _):
            c = 2 * i
            for j in range(2):
                pltpu.make_async_copy(
                    ones_v,
                    s_tab.at[dst_v.at[pl.ds((c + j - 2) * CHUNK, CHUNK)]],
                    sems[j]).wait()
                pltpu.async_copy(
                    ones_v, s_tab.at[dst_v.at[pl.ds((c + j) * CHUNK, CHUNK)]],
                    sems[j], add=True)
            return 0
        lax.fori_loop(1, nchunk // 2, deg_pair, 0)
        for j in range(2):
            pltpu.make_async_copy(
                ones_v,
                s_tab.at[dst_v.at[pl.ds((nchunk - 2 + j) * CHUNK, CHUNK)]],
                sems[j]).wait()
        plsc.subcore_barrier()

        pltpu.sync_copy(s_tab.at[pl.ds(r0, rows_pt)], sb_v)
        pltpu.sync_copy(zeros_v, s_tab.at[pl.ds(r0, rows_pt)])

        @plsc.parallel_loop(0, npair, unroll=4)
        def _(f):
            deg = pair_load(sb_v, f) + 1.0
            dx = _rsqrt_newton(deg)
            h16 = pair_load(h_v, f, colh_ix)
            dx_v[f, :] = dx
            c1_v[f, :] = (1.0 - ALPHA) * dx * dx
            c2_v[f, :] = ALPHA * dx * h16
            pair_store(sb_v, f, dx * h16)
        pltpu.sync_copy(sb_v, y_tab.at[pl.ds(r0, rows_pt)])
        plsc.subcore_barrier()

        def edge_phase():
            def sl(ref, c):
                return ref.at[pl.ds(c * CHUNK, CHUNK)]

            pltpu.async_copy(y_tab.at[sl(src_v, 0)], rows_a, sem_a)

            def edge_pair(i, _):
                c = 2 * i
                pltpu.async_copy(y_tab.at[sl(src_v, c + 1)], rows_b, sem_b)
                pltpu.make_async_copy(y_tab.at[sl(src_v, c)], rows_a, sem_a).wait()
                pltpu.sync_copy(rows_a, s_tab.at[sl(dst_v, c)], add=True)

                @pl.when(c + 2 < nchunk)
                def _():
                    pltpu.async_copy(y_tab.at[sl(src_v, c + 2)], rows_a, sem_a)

                pltpu.make_async_copy(y_tab.at[sl(src_v, c + 1)], rows_b, sem_b).wait()
                pltpu.sync_copy(rows_b, s_tab.at[sl(dst_v, c + 1)], add=True)
                return 0
            lax.fori_loop(0, nchunk // 2, edge_pair, 0)
            plsc.subcore_barrier()

        def update_prologue():
            pltpu.sync_copy(s_tab.at[pl.ds(r0, rows_pt)], sb_v)
            pltpu.sync_copy(y_tab.at[pl.ds(r0, rows_pt)], yb_v)
            pltpu.sync_copy(zeros_v, s_tab.at[pl.ds(r0, rows_pt)])

        for _ in range(NITER - 1):
            edge_phase()
            update_prologue()

            @plsc.parallel_loop(0, npair, unroll=4)
            def _(f):
                v = pair_load(sb_v, f) + pair_load(yb_v, f)
                pair_store(sb_v, f, c1_v[f, :] * v + c2_v[f, :])
            pltpu.sync_copy(sb_v, y_tab.at[pl.ds(r0, rows_pt)])
            plsc.subcore_barrier()

        edge_phase()
        update_prologue()

        @plsc.parallel_loop(0, npair, unroll=4)
        def _(f):
            v = pair_load(sb_v, f) + pair_load(yb_v, f)
            z = (c1_v[f, :] * v + c2_v[f, :]) / dx_v[f, :]
            pair_store(sb_v, f, z)
        pltpu.sync_copy(sb_v, y_tab.at[pl.ds(r0, rows_pt)])
        plsc.subcore_barrier()

        pltpu.sync_copy(y_tab.at[pl.ds(wid * out_pt, out_pt)],
                        sb_v.at[pl.ds(0, out_pt)])
        pltpu.sync_copy(sb_v.at[pl.ds(0, out_pt)],
                        out_r.at[wid, :, pl.ds(hc * cid, hc)])

    return k(h3, ei_flat)


def kernel(x, edge_index, W1, W2):
    n = x.shape[0]
    e = edge_index.shape[1]
    nclasses = W2.shape[1]
    assert n % NTILE == 0 and (n + PAD_ROWS) % NTILE == 0
    assert e % (NTILE * 8) == 0

    h = _mlp(x, W1, W2)

    rows_pt = (n + PAD_ROWS) // NTILE
    h3 = jnp.pad(h, ((0, PAD_ROWS), (0, 0))).reshape(NTILE, rows_pt, nclasses)
    ei_flat = edge_index.reshape(-1)

    per_tile = -(-e // (NTILE * 2 * CHUNK)) * (2 * CHUNK)
    out = _propagate(h3, ei_flat, n, e, per_tile // CHUNK)
    return out.reshape(n, nclasses)

# --- scband reference (transcript-rebuilt; emitter-appended) ---
"""Pipeline reference for scband-ppnp-15762529976747 (READ-ONLY COPY).

The authoritative reference and input builder live on the scoring server;
editing this copy changes nothing except your own understanding.
"""

import jax, jax.numpy as jnp
import numpy as np

N = 10000
E = 320000
D_FEAT = 128
HIDDEN = 64
NCLASSES = 16
ALPHA = 0.1
NITER = 10


def setup_inputs(seed: int = 0) -> dict:
    key = jax.random.key(seed)
    k1, k2, k3, k4 = jax.random.split(key, 4)
    x = jax.random.normal(k1, (N, D_FEAT), dtype=jnp.float32)
    edge_index = jax.random.randint(k2, (2, E), 0, N, dtype=jnp.int32)
    # glorot uniform init for the two dense layers
    lim1 = np.sqrt(6.0 / (D_FEAT + HIDDEN))
    W1 = jax.random.uniform(k3, (D_FEAT, HIDDEN), minval=-lim1, maxval=lim1, dtype=jnp.float32)
    lim2 = np.sqrt(6.0 / (HIDDEN + NCLASSES))
    W2 = jax.random.uniform(k4, (HIDDEN, NCLASSES), minval=-lim2, maxval=lim2, dtype=jnp.float32)
    return {"x": x, "edge_index": edge_index, "W1": W1, "W2": W2}


def reference(x, edge_index, W1, W2):
    # --- local MLP (inference: keep_prob=1, dropout disabled) ---
    h = jax.nn.relu(x @ W1)            # layer_0
    local_logits = h @ W2              # final linear layer, no activation

    # --- PPR power-iteration propagation: Z <- (1-a) * A_hat Z + a * H ---
    src = edge_index[0]
    dst = edge_index[1]
    loop = jnp.arange(N, dtype=edge_index.dtype)
    src_full = jnp.concatenate([src, loop])
    dst_full = jnp.concatenate([dst, loop])

    deg = jnp.zeros((N,), dtype=jnp.float32).at[dst_full].add(1.0)
    deg_inv_sqrt = jax.lax.rsqrt(jnp.maximum(deg, 1.0))
    norm = deg_inv_sqrt[src_full] * deg_inv_sqrt[dst_full]   # [E+N]

    def prop_step(z):
        msg = z[src_full] * norm[:, None]                    # gather
        agg = jnp.zeros((N, NCLASSES), dtype=z.dtype).at[dst_full].add(msg)  # scatter-add
        return (1.0 - ALPHA) * agg + ALPHA * local_logits

    z = local_logits
    for _ in range(NITER):
        z = prop_step(z)
    return z

if __name__ == "__main__":
    import jax
    _d = setup_inputs()
    print(jax.jit(kernel)(*tuple(_d.values())))

</pallas_src>

<mosaic_0001>
#map = affine_map<(d0, d1) -> (0, 0, 0)>
#map1 = affine_map<(d0, d1) -> (0)>
module attributes {stable_mosaic.version = 14 : i64} {
  func.func @k(%arg0: i32, %arg1: i32, %arg2: memref<16x626x16xf32, #tpu.memory_space<hbm>>, %arg3: memref<640000xi32, #tpu.memory_space<hbm>>, %arg4: memref<16x625x16xf32, #tpu.memory_space<hbm>>, %arg5: memref<10016x8xf32, #tpu.memory_space<vmem_shared>>, %arg6: memref<10016x8xf32, #tpu.memory_space<vmem_shared>>, %arg7: memref<20480xi32, #tpu.memory_space<vmem>>, %arg8: memref<20480xi32, #tpu.memory_space<vmem>>, %arg9: memref<512x8xf32, #tpu.memory_space<vmem>>, %arg10: memref<512x8xf32, #tpu.memory_space<vmem>>, %arg11: memref<512x8xf32, #tpu.memory_space<vmem>>, %arg12: memref<626x8xf32, #tpu.memory_space<vmem>>, %arg13: memref<626x16xf32, #tpu.memory_space<vmem>>, %arg14: memref<626x8xf32, #tpu.memory_space<vmem>>, %arg15: memref<626x8xf32, #tpu.memory_space<vmem>>, %arg16: memref<313x16xf32, #tpu.memory_space<vmem>>, %arg17: memref<313x16xf32, #tpu.memory_space<vmem>>, %arg18: memref<313x16xf32, #tpu.memory_space<vmem>>, %arg19: memref<!tpu.dma_semaphore, #tpu.memory_space<semaphore_mem>>, %arg20: memref<!tpu.dma_semaphore, #tpu.memory_space<semaphore_mem>>) attributes {dimension_semantics = [#tpu.dimension_semantics<core_parallel>, #tpu.dimension_semantics<subcore_parallel>], iteration_bounds = array<i64: 2, 16>, scalar_prefetch = 0 : i64, scratch_operands = 16 : i64, tpu.core_type = #tpu.core_type<sc_vector_subcore>, window_params = [{transform_indices = #map}, {transform_indices = #map1}, {transform_indices = #map}]} {
    %mul3A = arith.constant 626 : i32
    %mul3A_0 = arith.muli %arg1, %mul3A : i32
    %iota3A = tpu.iota {dimensions = array<i32: 0>} : vector<16xi32>
    %and3A = arith.constant 7 : i32
    %and3A_1 = vector.broadcast %and3A : i32 to vector<16xi32>
    %and3A_2 = arith.andi %iota3A, %and3A_1 : vector<16xi32>
    %mul3A_3 = arith.constant 8 : i32
    %mul3A_4 = arith.muli %mul3A_3, %arg0 : i32
    %add3A = vector.broadcast %mul3A_4 : i32 to vector<16xi32>
    %add3A_5 = arith.addi %and3A_2, %add3A : vector<16xi32>
    %shift_right_logical3A = arith.constant 3 : i32
    %shift_right_logical3A_6 = vector.broadcast %shift_right_logical3A : i32 to vector<16xi32>
    %shift_right_logical3A_7 = arith.shrui %iota3A, %shift_right_logical3A_6 : vector<16xi32>
    %mul3A_8 = arith.constant 20000 : i32
    %mul3A_9 = arith.muli %arg1, %mul3A_8 : i32
    "tpu.region"() ({
      %run_scoped3A = tpu.sem_alloc : memref<!tpu.dma_semaphore, #tpu.memory_space<semaphore_mem>>
      %dma_start3A_237 = arith.constant 0 : i32
      %dma_start3A_238 = tpu.memref_slice %arg7[%dma_start3A_237] : memref<20480xi32, #tpu.memory_space<vmem>> -> memref<20000xi32, #tpu.memory_space<vmem>>
      %dma_start3A_239 = tpu.memref_slice %arg3[%mul3A_9] : memref<640000xi32, #tpu.memory_space<hbm>> -> memref<20000xi32, #tpu.memory_space<hbm>>
      %dma_start3A_240 = arith.constant 0 : i32
      %dma_start3A_241 = tpu.memref_slice %arg7[%dma_start3A_240] : memref<20480xi32, #tpu.memory_space<vmem>> -> memref<20000xi32, #tpu.memory_space<vmem>>
      %dma_start3A_242 = tpu.memref_slice %arg3[%mul3A_9] : memref<640000xi32, #tpu.memory_space<hbm>> -> memref<20000xi32, #tpu.memory_space<hbm>>
      tpu.enqueue_dma source(%dma_start3A_242 : memref<20000xi32, #tpu.memory_space<hbm>>) target(%dma_start3A_241 : memref<20000xi32, #tpu.memory_space<vmem>>) target_semaphore(%run_scoped3A : memref<!tpu.dma_semaphore, #tpu.memory_space<semaphore_mem>>)
      %dma_wait3A_243 = arith.constant 0 : i32
      %dma_wait3A_244 = tpu.memref_slice %arg7[%dma_wait3A_243] : memref<20480xi32, #tpu.memory_space<vmem>> -> memref<20000xi32, #tpu.memory_space<vmem>>
      %dma_wait3A_245 = tpu.memref_slice %arg3[%mul3A_9] : memref<640000xi32, #tpu.memory_space<hbm>> -> memref<20000xi32, #tpu.memory_space<hbm>>
      %dma_wait3A_246 = arith.constant 0 : i32
      %dma_wait3A_247 = tpu.memref_slice %arg7[%dma_wait3A_246] : memref<20480xi32, #tpu.memory_space<vmem>> -> memref<20000xi32, #tpu.memory_space<vmem>>
      %dma_wait3A_248 = tpu.memref_slice %arg3[%mul3A_9] : memref<640000xi32, #tpu.memory_space<hbm>> -> memref<20000xi32, #tpu.memory_space<hbm>>
      tpu.wait_dma2 semaphore(%run_scoped3A : memref<!tpu.dma_semaphore, #tpu.memory_space<semaphore_mem>>) src(%dma_wait3A_248 : memref<20000xi32, #tpu.memory_space<hbm>>) dst(%dma_wait3A_247 : memref<20000xi32, #tpu.memory_space<vmem>>)
      tpu.yield
    }) : () -> ()
    %mul3A_10 = arith.constant 20000 : i32
    %mul3A_11 = arith.muli %arg1, %mul3A_10 : i32
    %add3A_12 = arith.constant 320000 : i32
    %add3A_13 = arith.addi %add3A_12, %mul3A_11 : i32
    "tpu.region"() ({
      %run_scoped3A = tpu.sem_alloc : memref<!tpu.dma_semaphore, #tpu.memory_space<semaphore_mem>>
      %dma_start3A_237 = arith.constant 0 : i32
      %dma_start3A_238 = tpu.memref_slice %arg8[%dma_start3A_237] : memref<20480xi32, #tpu.memory_space<vmem>> -> memref<20000xi32, #tpu.memory_space<vmem>>
      %dma_start3A_239 = tpu.memref_slice %arg3[%add3A_13] : memref<640000xi32, #tpu.memory_space<hbm>> -> memref<20000xi32, #tpu.memory_space<hbm>>
      %dma_start3A_240 = arith.constant 0 : i32
      %dma_start3A_241 = tpu.memref_slice %arg8[%dma_start3A_240] : memref<20480xi32, #tpu.memory_space<vmem>> -> memref<20000xi32, #tpu.memory_space<vmem>>
      %dma_start3A_242 = tpu.memref_slice %arg3[%add3A_13] : memref<640000xi32, #tpu.memory_space<hbm>> -> memref<20000xi32, #tpu.memory_space<hbm>>
      tpu.enqueue_dma source(%dma_start3A_242 : memref<20000xi32, #tpu.memory_space<hbm>>) target(%dma_start3A_241 : memref<20000xi32, #tpu.memory_space<vmem>>) target_semaphore(%run_scoped3A : memref<!tpu.dma_semaphore, #tpu.memory_space<semaphore_mem>>)
      %dma_wait3A_243 = arith.constant 0 : i32
      %dma_wait3A_244 = tpu.memref_slice %arg8[%dma_wait3A_243] : memref<20480xi32, #tpu.memory_space<vmem>> -> memref<20000xi32, #tpu.memory_space<vmem>>
      %dma_wait3A_245 = tpu.memref_slice %arg3[%add3A_13] : memref<640000xi32, #tpu.memory_space<hbm>> -> memref<20000xi32, #tpu.memory_space<hbm>>
      %dma_wait3A_246 = arith.constant 0 : i32
      %dma_wait3A_247 = tpu.memref_slice %arg8[%dma_wait3A_246] : memref<20480xi32, #tpu.memory_space<vmem>> -> memref<20000xi32, #tpu.memory_space<vmem>>
      %dma_wait3A_248 = tpu.memref_slice %arg3[%add3A_13] : memref<640000xi32, #tpu.memory_space<hbm>> -> memref<20000xi32, #tpu.memory_space<hbm>>
      tpu.wait_dma2 semaphore(%run_scoped3A : memref<!tpu.dma_semaphore, #tpu.memory_space<semaphore_mem>>) src(%dma_wait3A_248 : memref<20000xi32, #tpu.memory_space<hbm>>) dst(%dma_wait3A_247 : memref<20000xi32, #tpu.memory_space<vmem>>)
      tpu.yield
    }) : () -> ()
    "tpu.region"() ({
      %run_scoped3A = tpu.sem_alloc : memref<!tpu.dma_semaphore, #tpu.memory_space<semaphore_mem>>
      %dma_start3A_237 = arith.constant 0 : i32
      %dma_start3A_238 = arith.constant 0 : i32
      %dma_start3A_239 = tpu.memref_slice %arg2[%arg1, %dma_start3A_237, %dma_start3A_238] : memref<16x626x16xf32, #tpu.memory_space<hbm>> -> memref<1x626x16xf32, #tpu.memory_space<hbm>>
      %dma_start3A_240 = tpu.memref_squeeze %dma_start3A_239 : memref<1x626x16xf32, #tpu.memory_space<hbm>> -> memref<626x16xf32, #tpu.memory_space<hbm>>
      %dma_start3A_241 = arith.constant 0 : i32
      %dma_start3A_242 = arith.constant 0 : i32
      %dma_start3A_243 = tpu.memref_slice %arg2[%arg1, %dma_start3A_241, %dma_start3A_242] : memref<16x626x16xf32, #tpu.memory_space<hbm>> -> memref<1x626x16xf32, #tpu.memory_space<hbm>>
      %dma_start3A_244 = tpu.memref_squeeze %dma_start3A_243 : memref<1x626x16xf32, #tpu.memory_space<hbm>> -> memref<626x16xf32, #tpu.memory_space<hbm>>
      tpu.enqueue_dma source(%dma_start3A_244 : memref<626x16xf32, #tpu.memory_space<hbm>>) target(%arg13 : memref<626x16xf32, #tpu.memory_space<vmem>>) target_semaphore(%run_scoped3A : memref<!tpu.dma_semaphore, #tpu.memory_space<semaphore_mem>>)
      %dma_wait3A_245 = arith.constant 0 : i32
      %dma_wait3A_246 = arith.constant 0 : i32
      %dma_wait3A_247 = tpu.memref_slice %arg2[%arg1, %dma_wait3A_245, %dma_wait3A_246] : memref<16x626x16xf32, #tpu.memory_space<hbm>> -> memref<1x626x16xf32, #tpu.memory_space<hbm>>
      %dma_wait3A_248 = tpu.memref_squeeze %dma_wait3A_247 : memref<1x626x16xf32, #tpu.memory_space<hbm>> -> memref<626x16xf32, #tpu.memory_space<hbm>>
      %dma_wait3A_249 = arith.constant 0 : i32
      %dma_wait3A_250 = arith.constant 0 : i32
      %dma_wait3A_251 = tpu.memref_slice %arg2[%arg1, %dma_wait3A_249, %dma_wait3A_250] : memref<16x626x16xf32, #tpu.memory_space<hbm>> -> memref<1x626x16xf32, #tpu.memory_space<hbm>>
      %dma_wait3A_252 = tpu.memref_squeeze %dma_wait3A_251 : memref<1x626x16xf32, #tpu.memory_space<hbm>> -> memref<626x16xf32, #tpu.memory_space<hbm>>
      tpu.wait_dma2 semaphore(%run_scoped3A : memref<!tpu.dma_semaphore, #tpu.memory_space<semaphore_mem>>) src(%dma_wait3A_252 : memref<626x16xf32, #tpu.memory_space<hbm>>) dst(%arg13 : memref<626x16xf32, #tpu.memory_space<vmem>>)
      tpu.yield
    }) : () -> ()
    %scan3A = arith.constant 0 : i32
    %scan3A_14 = arith.constant 0 : i32
    %scan3A_15 = arith.constant 30 : i32
    %scan3A_16 = arith.addi %scan3A_14, %scan3A_15 : i32
    %scan3A_17 = arith.constant 1 : i32
    %scan3A_18 = scf.for %scan3A_237 = %scan3A_14 to %scan3A_16 step %scan3A_17 iter_args(%scan3A_238 = %scan3A) -> (i32)  : i32 {
      %mul3A_239 = arith.constant 16 : i32
      %mul3A_240 = arith.muli %mul3A_239, %scan3A_237 : i32
      %add3A_241 = arith.constant 20000 : i32
      %add3A_242 = arith.addi %add3A_241, %mul3A_240 : i32
      %add3A_243 = vector.broadcast %add3A_242 : i32 to vector<16xi32>
      %add3A_244 = arith.addi %add3A_243, %iota3A : vector<16xi32>
      %and3A_245 = arith.constant 15 : i32
      %and3A_246 = vector.broadcast %and3A_245 : i32 to vector<16xi32>
      %and3A_247 = arith.andi %iota3A, %and3A_246 : vector<16xi32>
      %add3A_248 = arith.constant 10000 : i32
      %add3A_249 = vector.broadcast %add3A_248 : i32 to vector<16xi32>
      %add3A_250 = arith.addi %add3A_249, %and3A_247 : vector<16xi32>
      tpu.vector_store_idx %arg7[%add3A_244], %add3A_250 : memref<20480xi32, #tpu.memory_space<vmem>>[vector<16xi32>], vector<16xi32>,
      tpu.vector_store_idx %arg8[%add3A_244], %add3A_250 : memref<20480xi32, #tpu.memory_space<vmem>>[vector<16xi32>], vector<16xi32>,
      %scan3A_251 = arith.constant 0 : i32
      scf.yield %scan3A_251 : i32
    }
    %scan3A_19 = arith.constant 30 : i32
    %scan3A_20 = arith.constant 0 : i32
    %scan3A_21 = arith.constant 0 : i32
    %scan3A_22 = arith.constant 256 : i32
    %scan3A_23 = arith.addi %scan3A_21, %scan3A_22 : i32
    %scan3A_24 = arith.constant 1 : i32
    %scan3A_25 = scf.for %scan3A_237 = %scan3A_21 to %scan3A_23 step %scan3A_24 iter_args(%scan3A_238 = %scan3A_20) -> (i32)  : i32 {
      %broadcast_in_dim3A = arith.constant 1.000000e+00 : f32
      %broadcast_in_dim3A_239 = vector.broadcast %broadcast_in_dim3A : f32 to vector<16xf32>
      %mul3A_240 = arith.constant 2 : i32
      %mul3A_241 = arith.muli %mul3A_240, %scan3A_237 : i32
      %add3A_242 = vector.broadcast %mul3A_241 : i32 to vector<16xi32>
      %add3A_243 = arith.addi %shift_right_logical3A_7, %add3A_242 : vector<16xi32>
      tpu.vector_store_idx %arg11[%add3A_243, %and3A_2], %broadcast_in_dim3A_239 : memref<512x8xf32, #tpu.memory_space<vmem>>[vector<16xi32>, vector<16xi32>], vector<16xf32>,
      %scan3A_244 = arith.constant 0 : i32
      scf.yield %scan3A_244 : i32
    }
    %scan3A_26 = arith.constant 256 : i32
    %scan3A_27 = arith.constant 0 : i32
    %scan3A_28 = arith.constant 0 : i32
    %scan3A_29 = arith.constant 313 : i32
    %scan3A_30 = arith.addi %scan3A_28, %scan3A_29 : i32
    %scan3A_31 = arith.constant 1 : i32
    %scan3A_32 = scf.for %scan3A_237 = %scan3A_28 to %scan3A_30 step %scan3A_31 iter_args(%scan3A_238 = %scan3A_27) -> (i32)  : i32 {
      %broadcast_in_dim3A = arith.constant 0.000000e+00 : f32
      %broadcast_in_dim3A_239 = vector.broadcast %broadcast_in_dim3A : f32 to vector<16xf32>
      %mul3A_240 = arith.constant 2 : i32
      %mul3A_241 = arith.muli %mul3A_240, %scan3A_237 : i32
      %add3A_242 = vector.broadcast %mul3A_241 : i32 to vector<16xi32>
      %add3A_243 = arith.addi %shift_right_logical3A_7, %add3A_242 : vector<16xi32>
      tpu.vector_store_idx %arg12[%add3A_243, %and3A_2], %broadcast_in_dim3A_239 : memref<626x8xf32, #tpu.memory_space<vmem>>[vector<16xi32>, vector<16xi32>], vector<16xf32>,
      %scan3A_244 = arith.constant 0 : i32
      scf.yield %scan3A_244 : i32
    }
    %scan3A_33 = arith.constant 313 : i32
    "tpu.region"() ({
      %run_scoped3A = tpu.sem_alloc : memref<!tpu.dma_semaphore, #tpu.memory_space<semaphore_mem>>
      %dma_start3A_237 = arith.constant 0 : i32
      %dma_start3A_238 = tpu.memref_slice %arg6[%mul3A_0, %dma_start3A_237] : memref<10016x8xf32, #tpu.memory_space<vmem_shared>> -> memref<626x8xf32, #tpu.memory_space<vmem_shared>>
      %dma_start3A_239 = arith.constant 0 : i32
      %dma_start3A_240 = tpu.memref_slice %arg6[%mul3A_0, %dma_start3A_239] : memref<10016x8xf32, #tpu.memory_space<vmem_shared>> -> memref<626x8xf32, #tpu.memory_space<vmem_shared>>
      tpu.enqueue_dma source(%arg12 : memref<626x8xf32, #tpu.memory_space<vmem>>) target(%dma_start3A_240 : memref<626x8xf32, #tpu.memory_space<vmem_shared>>) target_semaphore(%run_scoped3A : memref<!tpu.dma_semaphore, #tpu.memory_space<semaphore_mem>>)
      %dma_wait3A_241 = arith.constant 0 : i32
      %dma_wait3A_242 = tpu.memref_slice %arg6[%mul3A_0, %dma_wait3A_241] : memref<10016x8xf32, #tpu.memory_space<vmem_shared>> -> memref<626x8xf32, #tpu.memory_space<vmem_shared>>
      %dma_wait3A_243 = arith.constant 0 : i32
      %dma_wait3A_244 = tpu.memref_slice %arg6[%mul3A_0, %dma_wait3A_243] : memref<10016x8xf32, #tpu.memory_space<vmem_shared>> -> memref<626x8xf32, #tpu.memory_space<vmem_shared>>
      tpu.wait_dma2 semaphore(%run_scoped3A : memref<!tpu.dma_semaphore, #tpu.memory_space<semaphore_mem>>) src(%arg12 : memref<626x8xf32, #tpu.memory_space<vmem>>) dst(%dma_wait3A_244 : memref<626x8xf32, #tpu.memory_space<vmem_shared>>)
      tpu.yield
    }) : () -> ()
    %barrier3A = arith.constant 0 : index
    tpu.barrier barrier_id(%barrier3A)
    %dma_start3A = arith.constant 0 : i32
    %dma_start3A_34 = tpu.memref_slice %arg8[%dma_start3A] : memref<20480xi32, #tpu.memory_space<vmem>> -> memref<512xi32, #tpu.memory_space<vmem>>
    %dma_start3A_35 = arith.constant 0 : i32
    %dma_start3A_36 = arith.constant 0 : i32
    %dma_start3A_37 = tpu.memref_slice %arg6[%dma_start3A_35, %dma_start3A_36] : memref<10016x8xf32, #tpu.memory_space<vmem_shared>> -> memref<10016x8xf32, #tpu.memory_space<vmem_shared>>
    tpu.enqueue_indirect_dma source(%arg11 : memref<512x8xf32, #tpu.memory_space<vmem>>) target(%dma_start3A_37 : memref<10016x8xf32, #tpu.memory_space<vmem_shared>>) offsets(%dma_start3A_34 : memref<512xi32, #tpu.memory_space<vmem>>) semaphore(%arg19 : memref<!tpu.dma_semaphore, #tpu.memory_space<semaphore_mem>>) {add = true}
    %dma_start3A_38 = arith.constant 512 : i32
    %dma_start3A_39 = tpu.memref_slice %arg8[%dma_start3A_38] : memref<20480xi32, #tpu.memory_space<vmem>> -> memref<512xi32, #tpu.memory_space<vmem>>
    %dma_start3A_40 = arith.constant 0 : i32
    %dma_start3A_41 = arith.constant 0 : i32
    %dma_start3A_42 = tpu.memref_slice %arg6[%dma_start3A_40, %dma_start3A_41] : memref<10016x8xf32, #tpu.memory_space<vmem_shared>> -> memref<10016x8xf32, #tpu.memory_space<vmem_shared>>
    tpu.enqueue_indirect_dma source(%arg11 : memref<512x8xf32, #tpu.memory_space<vmem>>) target(%dma_start3A_42 : memref<10016x8xf32, #tpu.memory_space<vmem_shared>>) offsets(%dma_start3A_39 : memref<512xi32, #tpu.memory_space<vmem>>) semaphore(%arg20 : memref<!tpu.dma_semaphore, #tpu.memory_space<semaphore_mem>>) {add = true}
    %scan3A_43 = arith.constant 0 : i32
    %scan3A_44 = arith.constant 1 : i32
    %scan3A_45 = arith.constant 19 : i32
    %scan3A_46 = arith.addi %scan3A_44, %scan3A_45 : i32
    %scan3A_47 = arith.constant 1 : i32
    %scan3A_48 = scf.for %scan3A_237 = %scan3A_44 to %scan3A_46 step %scan3A_47 iter_args(%scan3A_238 = %scan3A_43) -> (i32)  : i32 {
      %mul3A_239 = arith.constant 2 : i32
      %mul3A_240 = arith.muli %mul3A_239, %scan3A_237 : i32
      %add3A_241 = arith.constant 0 : i32
      %add3A_242 = arith.addi %mul3A_240, %add3A_241 : i32
      %sub3A = arith.constant 2 : i32
      %sub3A_243 = arith.subi %add3A_242, %sub3A : i32
      %mul3A_244 = arith.constant 512 : i32
      %mul3A_245 = arith.muli %sub3A_243, %mul3A_244 : i32
      %dma_wait3A_246 = tpu.memref_slice %arg8[%mul3A_245] : memref<20480xi32, #tpu.memory_space<vmem>> -> memref<512xi32, #tpu.memory_space<vmem>>
      %dma_wait3A_247 = arith.constant 0 : i32
      %dma_wait3A_248 = arith.constant 0 : i32
      %dma_wait3A_249 = tpu.memref_slice %arg6[%dma_wait3A_247, %dma_wait3A_248] : memref<10016x8xf32, #tpu.memory_space<vmem_shared>> -> memref<10016x8xf32, #tpu.memory_space<vmem_shared>>
      tpu.wait_indirect_dma semaphore(%arg19 : memref<!tpu.dma_semaphore, #tpu.memory_space<semaphore_mem>>) src(%arg11 : memref<512x8xf32, #tpu.memory_space<vmem>>) dst(%dma_wait3A_249 : memref<10016x8xf32, #tpu.memory_space<vmem_shared>>)
      %add3A_250 = arith.constant 0 : i32
      %add3A_251 = arith.addi %mul3A_240, %add3A_250 : i32
      %mul3A_252 = arith.constant 512 : i32
      %mul3A_253 = arith.muli %add3A_251, %mul3A_252 : i32
      %dma_start3A_254 = tpu.memref_slice %arg8[%mul3A_253] : memref<20480xi32, #tpu.memory_space<vmem>> -> memref<512xi32, #tpu.memory_space<vmem>>
      %dma_start3A_255 = arith.constant 0 : i32
      %dma_start3A_256 = arith.constant 0 : i32
      %dma_start3A_257 = tpu.memref_slice %arg6[%dma_start3A_255, %dma_start3A_256] : memref<10016x8xf32, #tpu.memory_space<vmem_shared>> -> memref<10016x8xf32, #tpu.memory_space<vmem_shared>>
      tpu.enqueue_indirect_dma source(%arg11 : memref<512x8xf32, #tpu.memory_space<vmem>>) target(%dma_start3A_257 : memref<10016x8xf32, #tpu.memory_space<vmem_shared>>) offsets(%dma_start3A_254 : memref<512xi32, #tpu.memory_space<vmem>>) semaphore(%arg19 : memref<!tpu.dma_semaphore, #tpu.memory_space<semaphore_mem>>) {add = true}
      %add3A_258 = arith.constant 1 : i32
      %add3A_259 = arith.addi %mul3A_240, %add3A_258 : i32
      %sub3A_260 = arith.constant 2 : i32
      %sub3A_261 = arith.subi %add3A_259, %sub3A_260 : i32
      %mul3A_262 = arith.constant 512 : i32
      %mul3A_263 = arith.muli %sub3A_261, %mul3A_262 : i32
      %dma_wait3A_264 = tpu.memref_slice %arg8[%mul3A_263] : memref<20480xi32, #tpu.memory_space<vmem>> -> memref<512xi32, #tpu.memory_space<vmem>>
      %dma_wait3A_265 = arith.constant 0 : i32
      %dma_wait3A_266 = arith.constant 0 : i32
      %dma_wait3A_267 = tpu.memref_slice %arg6[%dma_wait3A_265, %dma_wait3A_266] : memref<10016x8xf32, #tpu.memory_space<vmem_shared>> -> memref<10016x8xf32, #tpu.memory_space<vmem_shared>>
      tpu.wait_indirect_dma semaphore(%arg20 : memref<!tpu.dma_semaphore, #tpu.memory_space<semaphore_mem>>) src(%arg11 : memref<512x8xf32, #tpu.memory_space<vmem>>) dst(%dma_wait3A_267 : memref<10016x8xf32, #tpu.memory_space<vmem_shared>>)
      %add3A_268 = arith.constant 1 : i32
      %add3A_269 = arith.addi %mul3A_240, %add3A_268 : i32
      %mul3A_270 = arith.constant 512 : i32
      %mul3A_271 = arith.muli %add3A_269, %mul3A_270 : i32
      %dma_start3A_272 = tpu.memref_slice %arg8[%mul3A_271] : memref<20480xi32, #tpu.memory_space<vmem>> -> memref<512xi32, #tpu.memory_space<vmem>>
      %dma_start3A_273 = arith.constant 0 : i32
      %dma_start3A_274 = arith.constant 0 : i32
      %dma_start3A_275 = tpu.memref_slice %arg6[%dma_start3A_273, %dma_start3A_274] : memref<10016x8xf32, #tpu.memory_space<vmem_shared>> -> memref<10016x8xf32, #tpu.memory_space<vmem_shared>>
      tpu.enqueue_indirect_dma source(%arg11 : memref<512x8xf32, #tpu.memory_space<vmem>>) target(%dma_start3A_275 : memref<10016x8xf32, #tpu.memory_space<vmem_shared>>) offsets(%dma_start3A_272 : memref<512xi32, #tpu.memory_space<vmem>>) semaphore(%arg20 : memref<!tpu.dma_semaphore, #tpu.memory_space<semaphore_mem>>) {add = true}
      %scan3A_276 = arith.constant 0 : i32
      scf.yield %scan3A_276 : i32
    }
    %scan3A_49 = arith.constant 19 : i32
    %dma_wait3A = arith.constant 19456 : i32
    %dma_wait3A_50 = tpu.memref_slice %arg8[%dma_wait3A] : memref<20480xi32, #tpu.memory_space<vmem>> -> memref<512xi32, #tpu.memory_space<vmem>>
    %dma_wait3A_51 = arith.constant 0 : i32
    %dma_wait3A_52 = arith.constant 0 : i32
    %dma_wait3A_53 = tpu.memref_slice %arg6[%dma_wait3A_51, %dma_wait3A_52] : memref<10016x8xf32, #tpu.memory_space<vmem_shared>> -> memref<10016x8xf32, #tpu.memory_space<vmem_shared>>
    tpu.wait_indirect_dma semaphore(%arg19 : memref<!tpu.dma_semaphore, #tpu.memory_space<semaphore_mem>>) src(%arg11 : memref<512x8xf32, #tpu.memory_space<vmem>>) dst(%dma_wait3A_53 : memref<10016x8xf32, #tpu.memory_space<vmem_shared>>)
    %dma_wait3A_54 = arith.constant 19968 : i32
    %dma_wait3A_55 = tpu.memref_slice %arg8[%dma_wait3A_54] : memref<20480xi32, #tpu.memory_space<vmem>> -> memref<512xi32, #tpu.memory_space<vmem>>
    %dma_wait3A_56 = arith.constant 0 : i32
    %dma_wait3A_57 = arith.constant 0 : i32
    %dma_wait3A_58 = tpu.memref_slice %arg6[%dma_wait3A_56, %dma_wait3A_57] : memref<10016x8xf32, #tpu.memory_space<vmem_shared>> -> memref<10016x8xf32, #tpu.memory_space<vmem_shared>>
    tpu.wait_indirect_dma semaphore(%arg20 : memref<!tpu.dma_semaphore, #tpu.memory_space<semaphore_mem>>) src(%arg11 : memref<512x8xf32, #tpu.memory_space<vmem>>) dst(%dma_wait3A_58 : memref<10016x8xf32, #tpu.memory_space<vmem_shared>>)
    %barrier3A_59 = arith.constant 0 : index
    tpu.barrier barrier_id(%barrier3A_59)
    "tpu.region"() ({
      %run_scoped3A = tpu.sem_alloc : memref<!tpu.dma_semaphore, #tpu.memory_space<semaphore_mem>>
      %dma_start3A_237 = arith.constant 0 : i32
      %dma_start3A_238 = tpu.memref_slice %arg6[%mul3A_0, %dma_start3A_237] : memref<10016x8xf32, #tpu.memory_space<vmem_shared>> -> memref<626x8xf32, #tpu.memory_space<vmem_shared>>
      %dma_start3A_239 = arith.constant 0 : i32
      %dma_start3A_240 = tpu.memref_slice %arg6[%mul3A_0, %dma_start3A_239] : memref<10016x8xf32, #tpu.memory_space<vmem_shared>> -> memref<626x8xf32, #tpu.memory_space<vmem_shared>>
      tpu.enqueue_dma source(%dma_start3A_240 : memref<626x8xf32, #tpu.memory_space<vmem_shared>>) target(%arg14 : memref<626x8xf32, #tpu.memory_space<vmem>>) target_semaphore(%run_scoped3A : memref<!tpu.dma_semaphore, #tpu.memory_space<semaphore_mem>>)
      %dma_wait3A_241 = arith.constant 0 : i32
      %dma_wait3A_242 = tpu.memref_slice %arg6[%mul3A_0, %dma_wait3A_241] : memref<10016x8xf32, #tpu.memory_space<vmem_shared>> -> memref<626x8xf32, #tpu.memory_space<vmem_shared>>
      %dma_wait3A_243 = arith.constant 0 : i32
      %dma_wait3A_244 = tpu.memref_slice %arg6[%mul3A_0, %dma_wait3A_243] : memref<10016x8xf32, #tpu.memory_space<vmem_shared>> -> memref<626x8xf32, #tpu.memory_space<vmem_shared>>
      tpu.wait_dma2 semaphore(%run_scoped3A : memref<!tpu.dma_semaphore, #tpu.memory_space<semaphore_mem>>) src(%dma_wait3A_244 : memref<626x8xf32, #tpu.memory_space<vmem_shared>>) dst(%arg14 : memref<626x8xf32, #tpu.memory_space<vmem>>)
      tpu.yield
    }) : () -> ()
    "tpu.region"() ({
      %run_scoped3A = tpu.sem_alloc : memref<!tpu.dma_semaphore, #tpu.memory_space<semaphore_mem>>
      %dma_start3A_237 = arith.constant 0 : i32
      %dma_start3A_238 = tpu.memref_slice %arg6[%mul3A_0, %dma_start3A_237] : memref<10016x8xf32, #tpu.memory_space<vmem_shared>> -> memref<626x8xf32, #tpu.memory_space<vmem_shared>>
      %dma_start3A_239 = arith.constant 0 : i32
      %dma_start3A_240 = tpu.memref_slice %arg6[%mul3A_0, %dma_start3A_239] : memref<10016x8xf32, #tpu.memory_space<vmem_shared>> -> memref<626x8xf32, #tpu.memory_space<vmem_shared>>
      tpu.enqueue_dma source(%arg12 : memref<626x8xf32, #tpu.memory_space<vmem>>) target(%dma_start3A_240 : memref<626x8xf32, #tpu.memory_space<vmem_shared>>) target_semaphore(%run_scoped3A : memref<!tpu.dma_semaphore, #tpu.memory_space<semaphore_mem>>)
      %dma_wait3A_241 = arith.constant 0 : i32
      %dma_wait3A_242 = tpu.memref_slice %arg6[%mul3A_0, %dma_wait3A_241] : memref<10016x8xf32, #tpu.memory_space<vmem_shared>> -> memref<626x8xf32, #tpu.memory_space<vmem_shared>>
      %dma_wait3A_243 = arith.constant 0 : i32
      %dma_wait3A_244 = tpu.memref_slice %arg6[%mul3A_0, %dma_wait3A_243] : memref<10016x8xf32, #tpu.memory_space<vmem_shared>> -> memref<626x8xf32, #tpu.memory_space<vmem_shared>>
      tpu.wait_dma2 semaphore(%run_scoped3A : memref<!tpu.dma_semaphore, #tpu.memory_space<semaphore_mem>>) src(%arg12 : memref<626x8xf32, #tpu.memory_space<vmem>>) dst(%dma_wait3A_244 : memref<626x8xf32, #tpu.memory_space<vmem_shared>>)
      tpu.yield
    }) : () -> ()
    %parallel_loop3A = arith.constant 0 : i32
    %parallel_loop3A_60 = arith.constant 313 : i32
    %parallel_loop3A_61 = arith.constant 1 : i32
    scf.for %parallel_loop3A_237 = %parallel_loop3A to %parallel_loop3A_60 step %parallel_loop3A_61  : i32 {
      %parallel_loop3A_238 = arith.constant 2 : i32
      %parallel_loop3A_239 = arith.muli %parallel_loop3A_238, %parallel_loop3A_237 : i32
      %parallel_loop3A_240 = vector.broadcast %parallel_loop3A_239 : i32 to vector<16xi32>
      %parallel_loop3A_241 = arith.addi %shift_right_logical3A_7, %parallel_loop3A_240 : vector<16xi32>
      %parallel_loop3A_242 = tpu.vector_load_idx %arg14[%parallel_loop3A_241, %and3A_2] : memref<626x8xf32, #tpu.memory_space<vmem>>[vector<16xi32>, vector<16xi32>], vector<16xf32>,
      %parallel_loop3A_243 = arith.constant 1.000000e+00 : f32
      %parallel_loop3A_244 = vector.broadcast %parallel_loop3A_243 : f32 to vector<16xf32>
      %parallel_loop3A_245 = arith.addf %parallel_loop3A_242, %parallel_loop3A_244 : vector<16xf32>
      %parallel_loop3A_246 = vector.bitcast %parallel_loop3A_245 : vector<16xf32> to vector<16xi32>
      %parallel_loop3A_247 = arith.constant 1 : i32
      %parallel_loop3A_248 = vector.broadcast %parallel_loop3A_247 : i32 to vector<16xi32>
      %parallel_loop3A_249 = arith.shrui %parallel_loop3A_246, %parallel_loop3A_248 : vector<16xi32>
      %parallel_loop3A_250 = arith.constant 1597463007 : i32
      %parallel_loop3A_251 = vector.broadcast %parallel_loop3A_250 : i32 to vector<16xi32>
      %parallel_loop3A_252 = arith.subi %parallel_loop3A_251, %parallel_loop3A_249 : vector<16xi32>
      %parallel_loop3A_253 = vector.bitcast %parallel_loop3A_252 : vector<16xi32> to vector<16xf32>
      %parallel_loop3A_254 = arith.constant 5.000000e-01 : f32
      %parallel_loop3A_255 = vector.broadcast %parallel_loop3A_254 : f32 to vector<16xf32>
      %parallel_loop3A_256 = arith.mulf %parallel_loop3A_255, %parallel_loop3A_245 : vector<16xf32>
      %parallel_loop3A_257 = arith.mulf %parallel_loop3A_256, %parallel_loop3A_253 : vector<16xf32>
      %parallel_loop3A_258 = arith.mulf %parallel_loop3A_257, %parallel_loop3A_253 : vector<16xf32>
      %parallel_loop3A_259 = arith.constant 1.500000e+00 : f32
      %parallel_loop3A_260 = vector.broadcast %parallel_loop3A_259 : f32 to vector<16xf32>
      %parallel_loop3A_261 = arith.subf %parallel_loop3A_260, %parallel_loop3A_258 : vector<16xf32>
      %parallel_loop3A_262 = arith.mulf %parallel_loop3A_253, %parallel_loop3A_261 : vector<16xf32>
      %parallel_loop3A_263 = arith.constant 5.000000e-01 : f32
      %parallel_loop3A_264 = vector.broadcast %parallel_loop3A_263 : f32 to vector<16xf32>
      %parallel_loop3A_265 = arith.mulf %parallel_loop3A_264, %parallel_loop3A_245 : vector<16xf32>
      %parallel_loop3A_266 = arith.mulf %parallel_loop3A_265, %parallel_loop3A_262 : vector<16xf32>
      %parallel_loop3A_267 = arith.mulf %parallel_loop3A_266, %parallel_loop3A_262 : vector<16xf32>
      %parallel_loop3A_268 = arith.constant 1.500000e+00 : f32
      %parallel_loop3A_269 = vector.broadcast %parallel_loop3A_268 : f32 to vector<16xf32>
      %parallel_loop3A_270 = arith.subf %parallel_loop3A_269, %parallel_loop3A_267 : vector<16xf32>
      %parallel_loop3A_271 = arith.mulf %parallel_loop3A_262, %parallel_loop3A_270 : vector<16xf32>
      %parallel_loop3A_272 = arith.constant 5.000000e-01 : f32
      %parallel_loop3A_273 = vector.broadcast %parallel_loop3A_272 : f32 to vector<16xf32>
      %parallel_loop3A_274 = arith.mulf %parallel_loop3A_273, %parallel_loop3A_245 : vector<16xf32>
      %parallel_loop3A_275 = arith.mulf %parallel_loop3A_274, %parallel_loop3A_271 : vector<16xf32>
      %parallel_loop3A_276 = arith.mulf %parallel_loop3A_275, %parallel_loop3A_271 : vector<16xf32>
      %parallel_loop3A_277 = arith.constant 1.500000e+00 : f32
      %parallel_loop3A_278 = vector.broadcast %parallel_loop3A_277 : f32 to vector<16xf32>
      %parallel_loop3A_279 = arith.subf %parallel_loop3A_278, %parallel_loop3A_276 : vector<16xf32>
      %parallel_loop3A_280 = arith.mulf %parallel_loop3A_271, %parallel_loop3A_279 : vector<16xf32>
      %parallel_loop3A_281 = arith.constant 2 : i32
      %parallel_loop3A_282 = arith.muli %parallel_loop3A_281, %parallel_loop3A_237 : i32
      %parallel_loop3A_283 = vector.broadcast %parallel_loop3A_282 : i32 to vector<16xi32>
      %parallel_loop3A_284 = arith.addi %shift_right_logical3A_7, %parallel_loop3A_283 : vector<16xi32>
      %parallel_loop3A_285 = tpu.vector_load_idx %arg13[%parallel_loop3A_284, %add3A_5] : memref<626x16xf32, #tpu.memory_space<vmem>>[vector<16xi32>, vector<16xi32>], vector<16xf32>,
      %parallel_loop3A_286 = arith.index_cast %parallel_loop3A_237 : i32 to index
      %parallel_loop3A_287 = arith.constant 0 : index
      %parallel_loop3A_288 = tpu.vector_load %arg16[%parallel_loop3A_286, %parallel_loop3A_287] {strides = array<i32>} : memref<313x16xf32, #tpu.memory_space<vmem>>, vector<16xf32>,
      tpu.vector_store %arg16[%parallel_loop3A_286, %parallel_loop3A_287], %parallel_loop3A_280 {strides = array<i32>} : memref<313x16xf32, #tpu.memory_space<vmem>>, vector<16xf32>,
      %parallel_loop3A_289 = arith.constant 0.899999976 : f32
      %parallel_loop3A_290 = vector.broadcast %parallel_loop3A_289 : f32 to vector<16xf32>
      %parallel_loop3A_291 = arith.mulf %parallel_loop3A_290, %parallel_loop3A_280 : vector<16xf32>
      %parallel_loop3A_292 = arith.mulf %parallel_loop3A_291, %parallel_loop3A_280 : vector<16xf32>
      %parallel_loop3A_293 = arith.index_cast %parallel_loop3A_237 : i32 to index
      %parallel_loop3A_294 = arith.constant 0 : index
      %parallel_loop3A_295 = tpu.vector_load %arg17[%parallel_loop3A_293, %parallel_loop3A_294] {strides = array<i32>} : memref<313x16xf32, #tpu.memory_space<vmem>>, vector<16xf32>,
      tpu.vector_store %arg17[%parallel_loop3A_293, %parallel_loop3A_294], %parallel_loop3A_292 {strides = array<i32>} : memref<313x16xf32, #tpu.memory_space<vmem>>, vector<16xf32>,
      %parallel_loop3A_296 = arith.constant 1.000000e-01 : f32
      %parallel_loop3A_297 = vector.broadcast %parallel_loop3A_296 : f32 to vector<16xf32>
      %parallel_loop3A_298 = arith.mulf %parallel_loop3A_297, %parallel_loop3A_280 : vector<16xf32>
      %parallel_loop3A_299 = arith.mulf %parallel_loop3A_298, %parallel_loop3A_285 : vector<16xf32>
      %parallel_loop3A_300 = arith.index_cast %parallel_loop3A_237 : i32 to index
      %parallel_loop3A_301 = arith.constant 0 : index
      %parallel_loop3A_302 = tpu.vector_load %arg18[%parallel_loop3A_300, %parallel_loop3A_301] {strides = array<i32>} : memref<313x16xf32, #tpu.memory_space<vmem>>, vector<16xf32>,
      tpu.vector_store %arg18[%parallel_loop3A_300, %parallel_loop3A_301], %parallel_loop3A_299 {strides = array<i32>} : memref<313x16xf32, #tpu.memory_space<vmem>>, vector<16xf32>,
      %parallel_loop3A_303 = arith.mulf %parallel_loop3A_280, %parallel_loop3A_285 : vector<16xf32>
      %parallel_loop3A_304 = arith.constant 2 : i32
      %parallel_loop3A_305 = arith.muli %parallel_loop3A_304, %parallel_loop3A_237 : i32
      %parallel_loop3A_306 = vector.broadcast %parallel_loop3A_305 : i32 to vector<16xi32>
      %parallel_loop3A_307 = arith.addi %shift_right_logical3A_7, %parallel_loop3A_306 : vector<16xi32>
      tpu.vector_store_idx %arg14[%parallel_loop3A_307, %and3A_2], %parallel_loop3A_303 : memref<626x8xf32, #tpu.memory_space<vmem>>[vector<16xi32>, vector<16xi32>], vector<16xf32>,
    } {sc.loop_unroll_factor = 4 : i64, sc.parallel_access}
    "tpu.region"() ({
      %run_scoped3A = tpu.sem_alloc : memref<!tpu.dma_semaphore, #tpu.memory_space<semaphore_mem>>
      %dma_start3A_237 = arith.constant 0 : i32
      %dma_start3A_238 = tpu.memref_slice %arg5[%mul3A_0, %dma_start3A_237] : memref<10016x8xf32, #tpu.memory_space<vmem_shared>> -> memref<626x8xf32, #tpu.memory_space<vmem_shared>>
      %dma_start3A_239 = arith.constant 0 : i32
      %dma_start3A_240 = tpu.memref_slice %arg5[%mul3A_0, %dma_start3A_239] : memref<10016x8xf32, #tpu.memory_space<vmem_shared>> -> memref<626x8xf32, #tpu.memory_space<vmem_shared>>
      tpu.enqueue_dma source(%arg14 : memref<626x8xf32, #tpu.memory_space<vmem>>) target(%dma_start3A_240 : memref<626x8xf32, #tpu.memory_space<vmem_shared>>) target_semaphore(%run_scoped3A : memref<!tpu.dma_semaphore, #tpu.memory_space<semaphore_mem>>)
      %dma_wait3A_241 = arith.constant 0 : i32
      %dma_wait3A_242 = tpu.memref_slice %arg5[%mul3A_0, %dma_wait3A_241] : memref<10016x8xf32, #tpu.memory_space<vmem_shared>> -> memref<626x8xf32, #tpu.memory_space<vmem_shared>>
      %dma_wait3A_243 = arith.constant 0 : i32
      %dma_wait3A_244 = tpu.memref_slice %arg5[%mul3A_0, %dma_wait3A_243] : memref<10016x8xf32, #tpu.memory_space<vmem_shared>> -> memref<626x8xf32, #tpu.memory_space<vmem_shared>>
      tpu.wait_dma2 semaphore(%run_scoped3A : memref<!tpu.dma_semaphore, #tpu.memory_space<semaphore_mem>>) src(%arg14 : memref<626x8xf32, #tpu.memory_space<vmem>>) dst(%dma_wait3A_244 : memref<626x8xf32, #tpu.memory_space<vmem_shared>>)
      tpu.yield
    }) : () -> ()
    %barrier3A_62 = arith.constant 0 : index
    tpu.barrier barrier_id(%barrier3A_62)
    %dma_start3A_63 = arith.constant 0 : i32
    %dma_start3A_64 = tpu.memref_slice %arg7[%dma_start3A_63] : memref<20480xi32, #tpu.memory_space<vmem>> -> memref<512xi32, #tpu.memory_space<vmem>>
    %dma_start3A_65 = arith.constant 0 : i32
    %dma_start3A_66 = arith.constant 0 : i32
    %dma_start3A_67 = tpu.memref_slice %arg5[%dma_start3A_65, %dma_start3A_66] : memref<10016x8xf32, #tpu.memory_space<vmem_shared>> -> memref<10016x8xf32, #tpu.memory_space<vmem_shared>>
    tpu.enqueue_indirect_dma source(%dma_start3A_67 : memref<10016x8xf32, #tpu.memory_space<vmem_shared>>) target(%arg9 : memref<512x8xf32, #tpu.memory_space<vmem>>) offsets(%dma_start3A_64 : memref<512xi32, #tpu.memory_space<vmem>>) semaphore(%arg19 : memref<!tpu.dma_semaphore, #tpu.memory_space<semaphore_mem>>)
    %scan3A_68 = arith.constant 0 : i32
    %scan3A_69 = arith.constant 0 : i32
    %scan3A_70 = arith.constant 20 : i32
    %scan3A_71 = arith.addi %scan3A_69, %scan3A_70 : i32
    %scan3A_72 = arith.constant 1 : i32
    %scan3A_73 = scf.for %scan3A_237 = %scan3A_69 to %scan3A_71 step %scan3A_72 iter_args(%scan3A_238 = %scan3A_68) -> (i32)  : i32 {
      %mul3A_239 = arith.constant 2 : i32
      %mul3A_240 = arith.muli %mul3A_239, %scan3A_237 : i32
      %add3A_241 = arith.constant 1 : i32
      %add3A_242 = arith.addi %mul3A_240, %add3A_241 : i32
      %mul3A_243 = arith.constant 512 : i32
      %mul3A_244 = arith.muli %add3A_242, %mul3A_243 : i32
      %dma_start3A_245 = tpu.memref_slice %arg7[%mul3A_244] : memref<20480xi32, #tpu.memory_space<vmem>> -> memref<512xi32, #tpu.memory_space<vmem>>
      %dma_start3A_246 = arith.constant 0 : i32
      %dma_start3A_247 = arith.constant 0 : i32
      %dma_start3A_248 = tpu.memref_slice %arg5[%dma_start3A_246, %dma_start3A_247] : memref<10016x8xf32, #tpu.memory_space<vmem_shared>> -> memref<10016x8xf32, #tpu.memory_space<vmem_shared>>
      tpu.enqueue_indirect_dma source(%dma_start3A_248 : memref<10016x8xf32, #tpu.memory_space<vmem_shared>>) target(%arg10 : memref<512x8xf32, #tpu.memory_space<vmem>>) offsets(%dma_start3A_245 : memref<512xi32, #tpu.memory_space<vmem>>) semaphore(%arg20 : memref<!tpu.dma_semaphore, #tpu.memory_space<semaphore_mem>>)
      %mul3A_249 = arith.constant 512 : i32
      %mul3A_250 = arith.muli %mul3A_240, %mul3A_249 : i32
      %dma_wait3A_251 = tpu.memref_slice %arg7[%mul3A_250] : memref<20480xi32, #tpu.memory_space<vmem>> -> memref<512xi32, #tpu.memory_space<vmem>>
      %dma_wait3A_252 = arith.constant 0 : i32
      %dma_wait3A_253 = arith.constant 0 : i32
      %dma_wait3A_254 = tpu.memref_slice %arg5[%dma_wait3A_252, %dma_wait3A_253] : memref<10016x8xf32, #tpu.memory_space<vmem_shared>> -> memref<10016x8xf32, #tpu.memory_space<vmem_shared>>
      tpu.wait_indirect_dma semaphore(%arg19 : memref<!tpu.dma_semaphore, #tpu.memory_space<semaphore_mem>>) src(%dma_wait3A_254 : memref<10016x8xf32, #tpu.memory_space<vmem_shared>>) dst(%arg9 : memref<512x8xf32, #tpu.memory_space<vmem>>)
      %mul3A_255 = arith.constant 512 : i32
      %mul3A_256 = arith.muli %mul3A_240, %mul3A_255 : i32
      "tpu.region"() ({
        %run_scoped3A = tpu.sem_alloc : memref<!tpu.dma_semaphore, #tpu.memory_space<semaphore_mem>>
        %dma_start3A_274 = tpu.memref_slice %arg8[%mul3A_256] : memref<20480xi32, #tpu.memory_space<vmem>> -> memref<512xi32, #tpu.memory_space<vmem>>
        %dma_start3A_275 = arith.constant 0 : i32
        %dma_start3A_276 = arith.constant 0 : i32
        %dma_start3A_277 = tpu.memref_slice %arg6[%dma_start3A_275, %dma_start3A_276] : memref<10016x8xf32, #tpu.memory_space<vmem_shared>> -> memref<10016x8xf32, #tpu.memory_space<vmem_shared>>
        tpu.enqueue_indirect_dma source(%arg9 : memref<512x8xf32, #tpu.memory_space<vmem>>) target(%dma_start3A_277 : memref<10016x8xf32, #tpu.memory_space<vmem_shared>>) offsets(%dma_start3A_274 : memref<512xi32, #tpu.memory_space<vmem>>) semaphore(%run_scoped3A : memref<!tpu.dma_semaphore, #tpu.memory_space<semaphore_mem>>) {add = true}
        %dma_wait3A_278 = tpu.memref_slice %arg8[%mul3A_256] : memref<20480xi32, #tpu.memory_space<vmem>> -> memref<512xi32, #tpu.memory_space<vmem>>
        %dma_wait3A_279 = arith.constant 0 : i32
        %dma_wait3A_280 = arith.constant 0 : i32
        %dma_wait3A_281 = tpu.memref_slice %arg6[%dma_wait3A_279, %dma_wait3A_280] : memref<10016x8xf32, #tpu.memory_space<vmem_shared>> -> memref<10016x8xf32, #tpu.memory_space<vmem_shared>>
        tpu.wait_indirect_dma semaphore(%run_scoped3A : memref<!tpu.dma_semaphore, #tpu.memory_space<semaphore_mem>>) src(%arg9 : memref<512x8xf32, #tpu.memory_space<vmem>>) dst(%dma_wait3A_281 : memref<10016x8xf32, #tpu.memory_space<vmem_shared>>)
        tpu.yield
      }) : () -> ()
      %add3A_257 = arith.constant 2 : i32
      %add3A_258 = arith.addi %mul3A_240, %add3A_257 : i32
      %lt3A = arith.constant 40 : i32
      %lt3A_259 = arith.cmpi slt, %add3A_258, %lt3A : i32
      %convert_element_type3A = arith.extui %lt3A_259 : i1 to i32
      %cond3A = arith.constant 0 : i32
      %cond3A_260 = arith.cmpi ne, %convert_element_type3A, %cond3A : i32
      scf.if %cond3A_260 {
        %add3A_274 = arith.constant 2 : i32
        %add3A_275 = arith.addi %mul3A_240, %add3A_274 : i32
        %mul3A_276 = arith.constant 512 : i32
        %mul3A_277 = arith.muli %add3A_275, %mul3A_276 : i32
        %dma_start3A_278 = tpu.memref_slice %arg7[%mul3A_277] : memref<20480xi32, #tpu.memory_space<vmem>> -> memref<512xi32, #tpu.memory_space<vmem>>
        %dma_start3A_279 = arith.constant 0 : i32
        %dma_start3A_280 = arith.constant 0 : i32
        %dma_start3A_281 = tpu.memref_slice %arg5[%dma_start3A_279, %dma_start3A_280] : memref<10016x8xf32, #tpu.memory_space<vmem_shared>> -> memref<10016x8xf32, #tpu.memory_space<vmem_shared>>
        tpu.enqueue_indirect_dma source(%dma_start3A_281 : memref<10016x8xf32, #tpu.memory_space<vmem_shared>>) target(%arg9 : memref<512x8xf32, #tpu.memory_space<vmem>>) offsets(%dma_start3A_278 : memref<512xi32, #tpu.memory_space<vmem>>) semaphore(%arg19 : memref<!tpu.dma_semaphore, #tpu.memory_space<semaphore_mem>>)
      } else {
      }
      %add3A_261 = arith.constant 1 : i32
      %add3A_262 = arith.addi %mul3A_240, %add3A_261 : i32
      %mul3A_263 = arith.constant 512 : i32
      %mul3A_264 = arith.muli %add3A_262, %mul3A_263 : i32
      %dma_wait3A_265 = tpu.memref_slice %arg7[%mul3A_264] : memref<20480xi32, #tpu.memory_space<vmem>> -> memref<512xi32, #tpu.memory_space<vmem>>
      %dma_wait3A_266 = arith.constant 0 : i32
      %dma_wait3A_267 = arith.constant 0 : i32
      %dma_wait3A_268 = tpu.memref_slice %arg5[%dma_wait3A_266, %dma_wait3A_267] : memref<10016x8xf32, #tpu.memory_space<vmem_shared>> -> memref<10016x8xf32, #tpu.memory_space<vmem_shared>>
      tpu.wait_indirect_dma semaphore(%arg20 : memref<!tpu.dma_semaphore, #tpu.memory_space<semaphore_mem>>) src(%dma_wait3A_268 : memref<10016x8xf32, #tpu.memory_space<vmem_shared>>) dst(%arg10 : memref<512x8xf32, #tpu.memory_space<vmem>>)
      %add3A_269 = arith.constant 1 : i32
      %add3A_270 = arith.addi %mul3A_240, %add3A_269 : i32
      %mul3A_271 = arith.constant 512 : i32
      %mul3A_272 = arith.muli %add3A_270, %mul3A_271 : i32
      "tpu.region"() ({
        %run_scoped3A = tpu.sem_alloc : memref<!tpu.dma_semaphore, #tpu.memory_space<semaphore_mem>>
        %dma_start3A_274 = tpu.memref_slice %arg8[%mul3A_272] : memref<20480xi32, #tpu.memory_space<vmem>> -> memref<512xi32, #tpu.memory_space<vmem>>
        %dma_start3A_275 = arith.constant 0 : i32
        %dma_start3A_276 = arith.constant 0 : i32
        %dma_start3A_277 = tpu.memref_slice %arg6[%dma_start3A_275, %dma_start3A_276] : memref<10016x8xf32, #tpu.memory_space<vmem_shared>> -> memref<10016x8xf32, #tpu.memory_space<vmem_shared>>
        tpu.enqueue_indirect_dma source(%arg10 : memref<512x8xf32, #tpu.memory_space<vmem>>) target(%dma_start3A_277 : memref<10016x8xf32, #tpu.memory_space<vmem_shared>>) offsets(%dma_start3A_274 : memref<512xi32, #tpu.memory_space<vmem>>) semaphore(%run_scoped3A : memref<!tpu.dma_semaphore, #tpu.memory_space<semaphore_mem>>) {add = true}
        %dma_wait3A_278 = tpu.memref_slice %arg8[%mul3A_272] : memref<20480xi32, #tpu.memory_space<vmem>> -> memref<512xi32, #tpu.memory_space<vmem>>
        %dma_wait3A_279 = arith.constant 0 : i32
        %dma_wait3A_280 = arith.constant 0 : i32
        %dma_wait3A_281 = tpu.memref_slice %arg6[%dma_wait3A_279, %dma_wait3A_280] : memref<10016x8xf32, #tpu.memory_space<vmem_shared>> -> memref<10016x8xf32, #tpu.memory_space<vmem_shared>>
        tpu.wait_indirect_dma semaphore(%run_scoped3A : memref<!tpu.dma_semaphore, #tpu.memory_space<semaphore_mem>>) src(%arg10 : memref<512x8xf32, #tpu.memory_space<vmem>>) dst(%dma_wait3A_281 : memref<10016x8xf32, #tpu.memory_space<vmem_shared>>)
        tpu.yield
      }) : () -> ()
      %scan3A_273 = arith.constant 0 : i32
      scf.yield %scan3A_273 : i32
    }
    %scan3A_74 = arith.constant 20 : i32
    %barrier3A_75 = arith.constant 0 : index
    tpu.barrier barrier_id(%barrier3A_75)
    "tpu.region"() ({
      %run_scoped3A = tpu.sem_alloc : memref<!tpu.dma_semaphore, #tpu.memory_space<semaphore_mem>>
      %dma_start3A_237 = arith.constant 0 : i32
      %dma_start3A_238 = tpu.memref_slice %arg6[%mul3A_0, %dma_start3A_237] : memref<10016x8xf32, #tpu.memory_space<vmem_shared>> -> memref<626x8xf32, #tpu.memory_space<vmem_shared>>
      %dma_start3A_239 = arith.constant 0 : i32
      %dma_start3A_240 = tpu.memref_slice %arg6[%mul3A_0, %dma_start3A_239] : memref<10016x8xf32, #tpu.memory_space<vmem_shared>> -> memref<626x8xf32, #tpu.memory_space<vmem_shared>>
      tpu.enqueue_dma source(%dma_start3A_240 : memref<626x8xf32, #tpu.memory_space<vmem_shared>>) target(%arg14 : memref<626x8xf32, #tpu.memory_space<vmem>>) target_semaphore(%run_scoped3A : memref<!tpu.dma_semaphore, #tpu.memory_space<semaphore_mem>>)
      %dma_wait3A_241 = arith.constant 0 : i32
      %dma_wait3A_242 = tpu.memref_slice %arg6[%mul3A_0, %dma_wait3A_241] : memref<10016x8xf32, #tpu.memory_space<vmem_shared>> -> memref<626x8xf32, #tpu.memory_space<vmem_shared>>
      %dma_wait3A_243 = arith.constant 0 : i32
      %dma_wait3A_244 = tpu.memref_slice %arg6[%mul3A_0, %dma_wait3A_243] : memref<10016x8xf32, #tpu.memory_space<vmem_shared>> -> memref<626x8xf32, #tpu.memory_space<vmem_shared>>
      tpu.wait_dma2 semaphore(%run_scoped3A : memref<!tpu.dma_semaphore, #tpu.memory_space<semaphore_mem>>) src(%dma_wait3A_244 : memref<626x8xf32, #tpu.memory_space<vmem_shared>>) dst(%arg14 : memref<626x8xf32, #tpu.memory_space<vmem>>)
      tpu.yield
    }) : () -> ()
    "tpu.region"() ({
      %run_scoped3A = tpu.sem_alloc : memref<!tpu.dma_semaphore, #tpu.memory_space<semaphore_mem>>
      %dma_start3A_237 = arith.constant 0 : i32
      %dma_start3A_238 = tpu.memref_slice %arg5[%mul3A_0, %dma_start3A_237] : memref<10016x8xf32, #tpu.memory_space<vmem_shared>> -> memref<626x8xf32, #tpu.memory_space<vmem_shared>>
      %dma_start3A_239 = arith.constant 0 : i32
      %dma_start3A_240 = tpu.memref_slice %arg5[%mul3A_0, %dma_start3A_239] : memref<10016x8xf32, #tpu.memory_space<vmem_shared>> -> memref<626x8xf32, #tpu.memory_space<vmem_shared>>
      tpu.enqueue_dma source(%dma_start3A_240 : memref<626x8xf32, #tpu.memory_space<vmem_shared>>) target(%arg15 : memref<626x8xf32, #tpu.memory_space<vmem>>) target_semaphore(%run_scoped3A : memref<!tpu.dma_semaphore, #tpu.memory_space<semaphore_mem>>)
      %dma_wait3A_241 = arith.constant 0 : i32
      %dma_wait3A_242 = tpu.memref_slice %arg5[%mul3A_0, %dma_wait3A_241] : memref<10016x8xf32, #tpu.memory_space<vmem_shared>> -> memref<626x8xf32, #tpu.memory_space<vmem_shared>>
      %dma_wait3A_243 = arith.constant 0 : i32
      %dma_wait3A_244 = tpu.memref_slice %arg5[%mul3A_0, %dma_wait3A_243] : memref<10016x8xf32, #tpu.memory_space<vmem_shared>> -> memref<626x8xf32, #tpu.memory_space<vmem_shared>>
      tpu.wait_dma2 semaphore(%run_scoped3A : memref<!tpu.dma_semaphore, #tpu.memory_space<semaphore_mem>>) src(%dma_wait3A_244 : memref<626x8xf32, #tpu.memory_space<vmem_shared>>) dst(%arg15 : memref<626x8xf32, #tpu.memory_space<vmem>>)
      tpu.yield
    }) : () -> ()
    "tpu.region"() ({
      %run_scoped3A = tpu.sem_alloc : memref<!tpu.dma_semaphore, #tpu.memory_space<semaphore_mem>>
      %dma_start3A_237 = arith.constant 0 : i32
      %dma_start3A_238 = tpu.memref_slice %arg6[%mul3A_0, %dma_start3A_237] : memref<10016x8xf32, #tpu.memory_space<vmem_shared>> -> memref<626x8xf32, #tpu.memory_space<vmem_shared>>
      %dma_start3A_239 = arith.constant 0 : i32
      %dma_start3A_240 = tpu.memref_slice %arg6[%mul3A_0, %dma_start3A_239] : memref<10016x8xf32, #tpu.memory_space<vmem_shared>> -> memref<626x8xf32, #tpu.memory_space<vmem_shared>>
      tpu.enqueue_dma source(%arg12 : memref<626x8xf32, #tpu.memory_space<vmem>>) target(%dma_start3A_240 : memref<626x8xf32, #tpu.memory_space<vmem_shared>>) target_semaphore(%run_scoped3A : memref<!tpu.dma_semaphore, #tpu.memory_space<semaphore_mem>>)
      %dma_wait3A_241 = arith.constant 0 : i32
      %dma_wait3A_242 = tpu.memref_slice %arg6[%mul3A_0, %dma_wait3A_241] : memref<10016x8xf32, #tpu.memory_space<vmem_shared>> -> memref<626x8xf32, #tpu.memory_space<vmem_shared>>
      %dma_wait3A_243 = arith.constant 0 : i32
      %dma_wait3A_244 = tpu.memref_slice %arg6[%mul3A_0, %dma_wait3A_243] : memref<10016x8xf32, #tpu.memory_space<vmem_shared>> -> memref<626x8xf32, #tpu.memory_space<vmem_shared>>
      tpu.wait_dma2 semaphore(%run_scoped3A : memref<!tpu.dma_semaphore, #tpu.memory_space<semaphore_mem>>) src(%arg12 : memref<626x8xf32, #tpu.memory_space<vmem>>) dst(%dma_wait3A_244 : memref<626x8xf32, #tpu.memory_space<vmem_shared>>)
      tpu.yield
    }) : () -> ()
    %parallel_loop3A_76 = arith.constant 0 : i32
    %parallel_loop3A_77 = arith.constant 313 : i32
    %parallel_loop3A_78 = arith.constant 1 : i32
    scf.for %parallel_loop3A_237 = %parallel_loop3A_76 to %parallel_loop3A_77 step %parallel_loop3A_78  : i32 {
      %parallel_loop3A_238 = arith.constant 2 : i32
      %parallel_loop3A_239 = arith.muli %parallel_loop3A_238, %parallel_loop3A_237 : i32
      %parallel_loop3A_240 = vector.broadcast %parallel_loop3A_239 : i32 to vector<16xi32>
      %parallel_loop3A_241 = arith.addi %shift_right_logical3A_7, %parallel_loop3A_240 : vector<16xi32>
      %parallel_loop3A_242 = tpu.vector_load_idx %arg14[%parallel_loop3A_241, %and3A_2] : memref<626x8xf32, #tpu.memory_space<vmem>>[vector<16xi32>, vector<16xi32>], vector<16xf32>,
      %parallel_loop3A_243 = arith.constant 2 : i32
      %parallel_loop3A_244 = arith.muli %parallel_loop3A_243, %parallel_loop3A_237 : i32
      %parallel_loop3A_245 = vector.broadcast %parallel_loop3A_244 : i32 to vector<16xi32>
      %parallel_loop3A_246 = arith.addi %shift_right_logical3A_7, %parallel_loop3A_245 : vector<16xi32>
      %parallel_loop3A_247 = tpu.vector_load_idx %arg15[%parallel_loop3A_246, %and3A_2] : memref<626x8xf32, #tpu.memory_space<vmem>>[vector<16xi32>, vector<16xi32>], vector<16xf32>,
      %parallel_loop3A_248 = arith.addf %parallel_loop3A_242, %parallel_loop3A_247 : vector<16xf32>
      %parallel_loop3A_249 = arith.index_cast %parallel_loop3A_237 : i32 to index
      %parallel_loop3A_250 = arith.constant 0 : index
      %parallel_loop3A_251 = tpu.vector_load %arg17[%parallel_loop3A_249, %parallel_loop3A_250] {strides = array<i32>} : memref<313x16xf32, #tpu.memory_space<vmem>>, vector<16xf32>,
      %parallel_loop3A_252 = arith.mulf %parallel_loop3A_251, %parallel_loop3A_248 : vector<16xf32>
      %parallel_loop3A_253 = arith.index_cast %parallel_loop3A_237 : i32 to index
      %parallel_loop3A_254 = arith.constant 0 : index
      %parallel_loop3A_255 = tpu.vector_load %arg18[%parallel_loop3A_253, %parallel_loop3A_254] {strides = array<i32>} : memref<313x16xf32, #tpu.memory_space<vmem>>, vector<16xf32>,
      %parallel_loop3A_256 = arith.addf %parallel_loop3A_252, %parallel_loop3A_255 : vector<16xf32>
      %parallel_loop3A_257 = arith.constant 2 : i32
      %parallel_loop3A_258 = arith.muli %parallel_loop3A_257, %parallel_loop3A_237 : i32
      %parallel_loop3A_259 = vector.broadcast %parallel_loop3A_258 : i32 to vector<16xi32>
      %parallel_loop3A_260 = arith.addi %shift_right_logical3A_7, %parallel_loop3A_259 : vector<16xi32>
      tpu.vector_store_idx %arg14[%parallel_loop3A_260, %and3A_2], %parallel_loop3A_256 : memref<626x8xf32, #tpu.memory_space<vmem>>[vector<16xi32>, vector<16xi32>], vector<16xf32>,
    } {sc.loop_unroll_factor = 4 : i64, sc.parallel_access}
    "tpu.region"() ({
      %run_scoped3A = tpu.sem_alloc : memref<!tpu.dma_semaphore, #tpu.memory_space<semaphore_mem>>
      %dma_start3A_237 = arith.constant 0 : i32
      %dma_start3A_238 = tpu.memref_slice %arg5[%mul3A_0, %dma_start3A_237] : memref<10016x8xf32, #tpu.memory_space<vmem_shared>> -> memref<626x8xf32, #tpu.memory_space<vmem_shared>>
      %dma_start3A_239 = arith.constant 0 : i32
      %dma_start3A_240 = tpu.memref_slice %arg5[%mul3A_0, %dma_start3A_239] : memref<10016x8xf32, #tpu.memory_space<vmem_shared>> -> memref<626x8xf32, #tpu.memory_space<vmem_shared>>
      tpu.enqueue_dma source(%arg14 : memref<626x8xf32, #tpu.memory_space<vmem>>) target(%dma_start3A_240 : memref<626x8xf32, #tpu.memory_space<vmem_shared>>) target_semaphore(%run_scoped3A : memref<!tpu.dma_semaphore, #tpu.memory_space<semaphore_mem>>)
      %dma_wait3A_241 = arith.constant 0 : i32
      %dma_wait3A_242 = tpu.memref_slice %arg5[%mul3A_0, %dma_wait3A_241] : memref<10016x8xf32, #tpu.memory_space<vmem_shared>> -> memref<626x8xf32, #tpu.memory_space<vmem_shared>>
      %dma_wait3A_243 = arith.constant 0 : i32
      %dma_wait3A_244 = tpu.memref_slice %arg5[%mul3A_0, %dma_wait3A_243] : memref<10016x8xf32, #tpu.memory_space<vmem_shared>> -> memref<626x8xf32, #tpu.memory_space<vmem_shared>>
      tpu.wait_dma2 semaphore(%run_scoped3A : memref<!tpu.dma_semaphore, #tpu.memory_space<semaphore_mem>>) src(%arg14 : memref<626x8xf32, #tpu.memory_space<vmem>>) dst(%dma_wait3A_244 : memref<626x8xf32, #tpu.memory_space<vmem_shared>>)
      tpu.yield
    }) : () -> ()
    %barrier3A_79 = arith.constant 0 : index
    tpu.barrier barrier_id(%barrier3A_79)
    %dma_start3A_80 = arith.constant 0 : i32
    %dma_start3A_81 = tpu.memref_slice %arg7[%dma_start3A_80] : memref<20480xi32, #tpu.memory_space<vmem>> -> memref<512xi32, #tpu.memory_space<vmem>>
    %dma_start3A_82 = arith.constant 0 : i32
    %dma_start3A_83 = arith.constant 0 : i32
    %dma_start3A_84 = tpu.memref_slice %arg5[%dma_start3A_82, %dma_start3A_83] : memref<10016x8xf32, #tpu.memory_space<vmem_shared>> -> memref<10016x8xf32, #tpu.memory_space<vmem_shared>>
    tpu.enqueue_indirect_dma source(%dma_start3A_84 : memref<10016x8xf32, #tpu.memory_space<vmem_shared>>) target(%arg9 : memref<512x8xf32, #tpu.memory_space<vmem>>) offsets(%dma_start3A_81 : memref<512xi32, #tpu.memory_space<vmem>>) semaphore(%arg19 : memref<!tpu.dma_semaphore, #tpu.memory_space<semaphore_mem>>)
    %scan3A_85 = arith.constant 0 : i32
    %scan3A_86 = arith.constant 0 : i32
    %scan3A_87 = arith.constant 20 : i32
    %scan3A_88 = arith.addi %scan3A_86, %scan3A_87 : i32
    %scan3A_89 = arith.constant 1 : i32
    %scan3A_90 = scf.for %scan3A_237 = %scan3A_86 to %scan3A_88 step %scan3A_89 iter_args(%scan3A_238 = %scan3A_85) -> (i32)  : i32 {
      %mul3A_239 = arith.constant 2 : i32
      %mul3A_240 = arith.muli %mul3A_239, %scan3A_237 : i32
      %add3A_241 = arith.constant 1 : i32
      %add3A_242 = arith.addi %mul3A_240, %add3A_241 : i32
      %mul3A_243 = arith.constant 512 : i32
      %mul3A_244 = arith.muli %add3A_242, %mul3A_243 : i32
      %dma_start3A_245 = tpu.memref_slice %arg7[%mul3A_244] : memref<20480xi32, #tpu.memory_space<vmem>> -> memref<512xi32, #tpu.memory_space<vmem>>
      %dma_start3A_246 = arith.constant 0 : i32
      %dma_start3A_247 = arith.constant 0 : i32
      %dma_start3A_248 = tpu.memref_slice %arg5[%dma_start3A_246, %dma_start3A_247] : memref<10016x8xf32, #tpu.memory_space<vmem_shared>> -> memref<10016x8xf32, #tpu.memory_space<vmem_shared>>
      tpu.enqueue_indirect_dma source(%dma_start3A_248 : memref<10016x8xf32, #tpu.memory_space<vmem_shared>>) target(%arg10 : memref<512x8xf32, #tpu.memory_space<vmem>>) offsets(%dma_start3A_245 : memref<512xi32, #tpu.memory_space<vmem>>) semaphore(%arg20 : memref<!tpu.dma_semaphore, #tpu.memory_space<semaphore_mem>>)
      %mul3A_249 = arith.constant 512 : i32
      %mul3A_250 = arith.muli %mul3A_240, %mul3A_249 : i32
      %dma_wait3A_251 = tpu.memref_slice %arg7[%mul3A_250] : memref<20480xi32, #tpu.memory_space<vmem>> -> memref<512xi32, #tpu.memory_space<vmem>>
      %dma_wait3A_252 = arith.constant 0 : i32
      %dma_wait3A_253 = arith.constant 0 : i32
      %dma_wait3A_254 = tpu.memref_slice %arg5[%dma_wait3A_252, %dma_wait3A_253] : memref<10016x8xf32, #tpu.memory_space<vmem_shared>> -> memref<10016x8xf32, #tpu.memory_space<vmem_shared>>
      tpu.wait_indirect_dma semaphore(%arg19 : memref<!tpu.dma_semaphore, #tpu.memory_space<semaphore_mem>>) src(%dma_wait3A_254 : memref<10016x8xf32, #tpu.memory_space<vmem_shared>>) dst(%arg9 : memref<512x8xf32, #tpu.memory_space<vmem>>)
      %mul3A_255 = arith.constant 512 : i32
      %mul3A_256 = arith.muli %mul3A_240, %mul3A_255 : i32
      "tpu.region"() ({
        %run_scoped3A = tpu.sem_alloc : memref<!tpu.dma_semaphore, #tpu.memory_space<semaphore_mem>>
        %dma_start3A_274 = tpu.memref_slice %arg8[%mul3A_256] : memref<20480xi32, #tpu.memory_space<vmem>> -> memref<512xi32, #tpu.memory_space<vmem>>
        %dma_start3A_275 = arith.constant 0 : i32
        %dma_start3A_276 = arith.constant 0 : i32
        %dma_start3A_277 = tpu.memref_slice %arg6[%dma_start3A_275, %dma_start3A_276] : memref<10016x8xf32, #tpu.memory_space<vmem_shared>> -> memref<10016x8xf32, #tpu.memory_space<vmem_shared>>
        tpu.enqueue_indirect_dma source(%arg9 : memref<512x8xf32, #tpu.memory_space<vmem>>) target(%dma_start3A_277 : memref<10016x8xf32, #tpu.memory_space<vmem_shared>>) offsets(%dma_start3A_274 : memref<512xi32, #tpu.memory_space<vmem>>) semaphore(%run_scoped3A : memref<!tpu.dma_semaphore, #tpu.memory_space<semaphore_mem>>) {add = true}
        %dma_wait3A_278 = tpu.memref_slice %arg8[%mul3A_256] : memref<20480xi32, #tpu.memory_space<vmem>> -> memref<512xi32, #tpu.memory_space<vmem>>
        %dma_wait3A_279 = arith.constant 0 : i32
        %dma_wait3A_280 = arith.constant 0 : i32
        %dma_wait3A_281 = tpu.memref_slice %arg6[%dma_wait3A_279, %dma_wait3A_280] : memref<10016x8xf32, #tpu.memory_space<vmem_shared>> -> memref<10016x8xf32, #tpu.memory_space<vmem_shared>>
        tpu.wait_indirect_dma semaphore(%run_scoped3A : memref<!tpu.dma_semaphore, #tpu.memory_space<semaphore_mem>>) src(%arg9 : memref<512x8xf32, #tpu.memory_space<vmem>>) dst(%dma_wait3A_281 : memref<10016x8xf32, #tpu.memory_space<vmem_shared>>)
        tpu.yield
      }) : () -> ()
      %add3A_257 = arith.constant 2 : i32
      %add3A_258 = arith.addi %mul3A_240, %add3A_257 : i32
      %lt3A = arith.constant 40 : i32
      %lt3A_259 = arith.cmpi slt, %add3A_258, %lt3A : i32
      %convert_element_type3A = arith.extui %lt3A_259 : i1 to i32
      %cond3A = arith.constant 0 : i32
      %cond3A_260 = arith.cmpi ne, %convert_element_type3A, %cond3A : i32
      scf.if %cond3A_260 {
        %add3A_274 = arith.constant 2 : i32
        %add3A_275 = arith.addi %mul3A_240, %add3A_274 : i32
        %mul3A_276 = arith.constant 512 : i32
        %mul3A_277 = arith.muli %add3A_275, %mul3A_276 : i32
        %dma_start3A_278 = tpu.memref_slice %arg7[%mul3A_277] : memref<20480xi32, #tpu.memory_space<vmem>> -> memref<512xi32, #tpu.memory_space<vmem>>
        %dma_start3A_279 = arith.constant 0 : i32
        %dma_start3A_280 = arith.constant 0 : i32
        %dma_start3A_281 = tpu.memref_slice %arg5[%dma_start3A_279, %dma_start3A_280] : memref<10016x8xf32, #tpu.memory_space<vmem_shared>> -> memref<10016x8xf32, #tpu.memory_space<vmem_shared>>
        tpu.enqueue_indirect_dma source(%dma_start3A_281 : memref<10016x8xf32, #tpu.memory_space<vmem_shared>>) target(%arg9 : memref<512x8xf32, #tpu.memory_space<vmem>>) offsets(%dma_start3A_278 : memref<512xi32, #tpu.memory_space<vmem>>) semaphore(%arg19 : memref<!tpu.dma_semaphore, #tpu.memory_space<semaphore_mem>>)
      } else {
      }
      %add3A_261 = arith.constant 1 : i32
      %add3A_262 = arith.addi %mul3A_240, %add3A_261 : i32
      %mul3A_263 = arith.constant 512 : i32
      %mul3A_264 = arith.muli %add3A_262, %mul3A_263 : i32
      %dma_wait3A_265 = tpu.memref_slice %arg7[%mul3A_264] : memref<20480xi32, #tpu.memory_space<vmem>> -> memref<512xi32, #tpu.memory_space<vmem>>
      %dma_wait3A_266 = arith.constant 0 : i32
      %dma_wait3A_267 = arith.constant 0 : i32
      %dma_wait3A_268 = tpu.memref_slice %arg5[%dma_wait3A_266, %dma_wait3A_267] : memref<10016x8xf32, #tpu.memory_space<vmem_shared>> -> memref<10016x8xf32, #tpu.memory_space<vmem_shared>>
      tpu.wait_indirect_dma semaphore(%arg20 : memref<!tpu.dma_semaphore, #tpu.memory_space<semaphore_mem>>) src(%dma_wait3A_268 : memref<10016x8xf32, #tpu.memory_space<vmem_shared>>) dst(%arg10 : memref<512x8xf32, #tpu.memory_space<vmem>>)
      %add3A_269 = arith.constant 1 : i32
      %add3A_270 = arith.addi %mul3A_240, %add3A_269 : i32
      %mul3A_271 = arith.constant 512 : i32
      %mul3A_272 = arith.muli %add3A_270, %mul3A_271 : i32
      "tpu.region"() ({
        %run_scoped3A = tpu.sem_alloc : memref<!tpu.dma_semaphore, #tpu.memory_space<semaphore_mem>>
        %dma_start3A_274 = tpu.memref_slice %arg8[%mul3A_272] : memref<20480xi32, #tpu.memory_space<vmem>> -> memref<512xi32, #tpu.memory_space<vmem>>
        %dma_start3A_275 = arith.constant 0 : i32
        %dma_start3A_276 = arith.constant 0 : i32
        %dma_start3A_277 = tpu.memref_slice %arg6[%dma_start3A_275, %dma_start3A_276] : memref<10016x8xf32, #tpu.memory_space<vmem_shared>> -> memref<10016x8xf32, #tpu.memory_space<vmem_shared>>
        tpu.enqueue_indirect_dma source(%arg10 : memref<512x8xf32, #tpu.memory_space<vmem>>) target(%dma_start3A_277 : memref<10016x8xf32, #tpu.memory_space<vmem_shared>>) offsets(%dma_start3A_274 : memref<512xi32, #tpu.memory_space<vmem>>) semaphore(%run_scoped3A : memref<!tpu.dma_semaphore, #tpu.memory_space<semaphore_mem>>) {add = true}
        %dma_wait3A_278 = tpu.memref_slice %arg8[%mul3A_272] : memref<20480xi32, #tpu.memory_space<vmem>> -> memref<512xi32, #tpu.memory_space<vmem>>
        %dma_wait3A_279 = arith.constant 0 : i32
        %dma_wait3A_280 = arith.constant 0 : i32
        %dma_wait3A_281 = tpu.memref_slice %arg6[%dma_wait3A_279, %dma_wait3A_280] : memref<10016x8xf32, #tpu.memory_space<vmem_shared>> -> memref<10016x8xf32, #tpu.memory_space<vmem_shared>>
        tpu.wait_indirect_dma semaphore(%run_scoped3A : memref<!tpu.dma_semaphore, #tpu.memory_space<semaphore_mem>>) src(%arg10 : memref<512x8xf32, #tpu.memory_space<vmem>>) dst(%dma_wait3A_281 : memref<10016x8xf32, #tpu.memory_space<vmem_shared>>)
        tpu.yield
      }) : () -> ()
      %scan3A_273 = arith.constant 0 : i32
      scf.yield %scan3A_273 : i32
    }
    %scan3A_91 = arith.constant 20 : i32
    %barrier3A_92 = arith.constant 0 : index
    tpu.barrier barrier_id(%barrier3A_92)
    "tpu.region"() ({
      %run_scoped3A = tpu.sem_alloc : memref<!tpu.dma_semaphore, #tpu.memory_space<semaphore_mem>>
      %dma_start3A_237 = arith.constant 0 : i32
      %dma_start3A_238 = tpu.memref_slice %arg6[%mul3A_0, %dma_start3A_237] : memref<10016x8xf32, #tpu.memory_space<vmem_shared>> -> memref<626x8xf32, #tpu.memory_space<vmem_shared>>
      %dma_start3A_239 = arith.constant 0 : i32
      %dma_start3A_240 = tpu.memref_slice %arg6[%mul3A_0, %dma_start3A_239] : memref<10016x8xf32, #tpu.memory_space<vmem_shared>> -> memref<626x8xf32, #tpu.memory_space<vmem_shared>>
      tpu.enqueue_dma source(%dma_start3A_240 : memref<626x8xf32, #tpu.memory_space<vmem_shared>>) target(%arg14 : memref<626x8xf32, #tpu.memory_space<vmem>>) target_semaphore(%run_scoped3A : memref<!tpu.dma_semaphore, #tpu.memory_space<semaphore_mem>>)
      %dma_wait3A_241 = arith.constant 0 : i32
      %dma_wait3A_242 = tpu.memref_slice %arg6[%mul3A_0, %dma_wait3A_241] : memref<10016x8xf32, #tpu.memory_space<vmem_shared>> -> memref<626x8xf32, #tpu.memory_space<vmem_shared>>
      %dma_wait3A_243 = arith.constant 0 : i32
      %dma_wait3A_244 = tpu.memref_slice %arg6[%mul3A_0, %dma_wait3A_243] : memref<10016x8xf32, #tpu.memory_space<vmem_shared>> -> memref<626x8xf32, #tpu.memory_space<vmem_shared>>
      tpu.wait_dma2 semaphore(%run_scoped3A : memref<!tpu.dma_semaphore, #tpu.memory_space<semaphore_mem>>) src(%dma_wait3A_244 : memref<626x8xf32, #tpu.memory_space<vmem_shared>>) dst(%arg14 : memref<626x8xf32, #tpu.memory_space<vmem>>)
      tpu.yield
    }) : () -> ()
    "tpu.region"() ({
      %run_scoped3A = tpu.sem_alloc : memref<!tpu.dma_semaphore, #tpu.memory_space<semaphore_mem>>
      %dma_start3A_237 = arith.constant 0 : i32
      %dma_start3A_238 = tpu.memref_slice %arg5[%mul3A_0, %dma_start3A_237] : memref<10016x8xf32, #tpu.memory_space<vmem_shared>> -> memref<626x8xf32, #tpu.memory_space<vmem_shared>>
      %dma_start3A_239 = arith.constant 0 : i32
      %dma_start3A_240 = tpu.memref_slice %arg5[%mul3A_0, %dma_start3A_239] : memref<10016x8xf32, #tpu.memory_space<vmem_shared>> -> memref<626x8xf32, #tpu.memory_space<vmem_shared>>
      tpu.enqueue_dma source(%dma_start3A_240 : memref<626x8xf32, #tpu.memory_space<vmem_shared>>) target(%arg15 : memref<626x8xf32, #tpu.memory_space<vmem>>) target_semaphore(%run_scoped3A : memref<!tpu.dma_semaphore, #tpu.memory_space<semaphore_mem>>)
      %dma_wait3A_241 = arith.constant 0 : i32
      %dma_wait3A_242 = tpu.memref_slice %arg5[%mul3A_0, %dma_wait3A_241] : memref<10016x8xf32, #tpu.memory_space<vmem_shared>> -> memref<626x8xf32, #tpu.memory_space<vmem_shared>>
      %dma_wait3A_243 = arith.constant 0 : i32
      %dma_wait3A_244 = tpu.memref_slice %arg5[%mul3A_0, %dma_wait3A_243] : memref<10016x8xf32, #tpu.memory_space<vmem_shared>> -> memref<626x8xf32, #tpu.memory_space<vmem_shared>>
      tpu.wait_dma2 semaphore(%run_scoped3A : memref<!tpu.dma_semaphore, #tpu.memory_space<semaphore_mem>>) src(%dma_wait3A_244 : memref<626x8xf32, #tpu.memory_space<vmem_shared>>) dst(%arg15 : memref<626x8xf32, #tpu.memory_space<vmem>>)
      tpu.yield
    }) : () -> ()
    "tpu.region"() ({
      %run_scoped3A = tpu.sem_alloc : memref<!tpu.dma_semaphore, #tpu.memory_space<semaphore_mem>>
      %dma_start3A_237 = arith.constant 0 : i32
      %dma_start3A_238 = tpu.memref_slice %arg6[%mul3A_0, %dma_start3A_237] : memref<10016x8xf32, #tpu.memory_space<vmem_shared>> -> memref<626x8xf32, #tpu.memory_space<vmem_shared>>
      %dma_start3A_239 = arith.constant 0 : i32
      %dma_start3A_240 = tpu.memref_slice %arg6[%mul3A_0, %dma_start3A_239] : memref<10016x8xf32, #tpu.memory_space<vmem_shared>> -> memref<626x8xf32, #tpu.memory_space<vmem_shared>>
      tpu.enqueue_dma source(%arg12 : memref<626x8xf32, #tpu.memory_space<vmem>>) target(%dma_start3A_240 : memref<626x8xf32, #tpu.memory_space<vmem_shared>>) target_semaphore(%run_scoped3A : memref<!tpu.dma_semaphore, #tpu.memory_space<semaphore_mem>>)
      %dma_wait3A_241 = arith.constant 0 : i32
      %dma_wait3A_242 = tpu.memref_slice %arg6[%mul3A_0, %dma_wait3A_241] : memref<10016x8xf32, #tpu.memory_space<vmem_shared>> -> memref<626x8xf32, #tpu.memory_space<vmem_shared>>
      %dma_wait3A_243 = arith.constant 0 : i32
      %dma_wait3A_244 = tpu.memref_slice %arg6[%mul3A_0, %dma_wait3A_243] : memref<10016x8xf32, #tpu.memory_space<vmem_shared>> -> memref<626x8xf32, #tpu.memory_space<vmem_shared>>
      tpu.wait_dma2 semaphore(%run_scoped3A : memref<!tpu.dma_semaphore, #tpu.memory_space<semaphore_mem>>) src(%arg12 : memref<626x8xf32, #tpu.memory_space<vmem>>) dst(%dma_wait3A_244 : memref<626x8xf32, #tpu.memory_space<vmem_shared>>)
      tpu.yield
    }) : () -> ()
    %parallel_loop3A_93 = arith.constant 0 : i32
    %parallel_loop3A_94 = arith.constant 313 : i32
    %parallel_loop3A_95 = arith.constant 1 : i32
    scf.for %parallel_loop3A_237 = %parallel_loop3A_93 to %parallel_loop3A_94 step %parallel_loop3A_95  : i32 {
      %parallel_loop3A_238 = arith.constant 2 : i32
      %parallel_loop3A_239 = arith.muli %parallel_loop3A_238, %parallel_loop3A_237 : i32
      %parallel_loop3A_240 = vector.broadcast %parallel_loop3A_239 : i32 to vector<16xi32>
      %parallel_loop3A_241 = arith.addi %shift_right_logical3A_7, %parallel_loop3A_240 : vector<16xi32>
      %parallel_loop3A_242 = tpu.vector_load_idx %arg14[%parallel_loop3A_241, %and3A_2] : memref<626x8xf32, #tpu.memory_space<vmem>>[vector<16xi32>, vector<16xi32>], vector<16xf32>,
      %parallel_loop3A_243 = arith.constant 2 : i32
      %parallel_loop3A_244 = arith.muli %parallel_loop3A_243, %parallel_loop3A_237 : i32
      %parallel_loop3A_245 = vector.broadcast %parallel_loop3A_244 : i32 to vector<16xi32>
      %parallel_loop3A_246 = arith.addi %shift_right_logical3A_7, %parallel_loop3A_245 : vector<16xi32>
      %parallel_loop3A_247 = tpu.vector_load_idx %arg15[%parallel_loop3A_246, %and3A_2] : memref<626x8xf32, #tpu.memory_space<vmem>>[vector<16xi32>, vector<16xi32>], vector<16xf32>,
      %parallel_loop3A_248 = arith.addf %parallel_loop3A_242, %parallel_loop3A_247 : vector<16xf32>
      %parallel_loop3A_249 = arith.index_cast %parallel_loop3A_237 : i32 to index
      %parallel_loop3A_250 = arith.constant 0 : index
      %parallel_loop3A_251 = tpu.vector_load %arg17[%parallel_loop3A_249, %parallel_loop3A_250] {strides = array<i32>} : memref<313x16xf32, #tpu.memory_space<vmem>>, vector<16xf32>,
      %parallel_loop3A_252 = arith.mulf %parallel_loop3A_251, %parallel_loop3A_248 : vector<16xf32>
      %parallel_loop3A_253 = arith.index_cast %parallel_loop3A_237 : i32 to index
      %parallel_loop3A_254 = arith.constant 0 : index
      %parallel_loop3A_255 = tpu.vector_load %arg18[%parallel_loop3A_253, %parallel_loop3A_254] {strides = array<i32>} : memref<313x16xf32, #tpu.memory_space<vmem>>, vector<16xf32>,
      %parallel_loop3A_256 = arith.addf %parallel_loop3A_252, %parallel_loop3A_255 : vector<16xf32>
      %parallel_loop3A_257 = arith.constant 2 : i32
      %parallel_loop3A_258 = arith.muli %parallel_loop3A_257, %parallel_loop3A_237 : i32
      %parallel_loop3A_259 = vector.broadcast %parallel_loop3A_258 : i32 to vector<16xi32>
      %parallel_loop3A_260 = arith.addi %shift_right_logical3A_7, %parallel_loop3A_259 : vector<16xi32>
      tpu.vector_store_idx %arg14[%parallel_loop3A_260, %and3A_2], %parallel_loop3A_256 : memref<626x8xf32, #tpu.memory_space<vmem>>[vector<16xi32>, vector<16xi32>], vector<16xf32>,
    } {sc.loop_unroll_factor = 4 : i64, sc.parallel_access}
    "tpu.region"() ({
      %run_scoped3A = tpu.sem_alloc : memref<!tpu.dma_semaphore, #tpu.memory_space<semaphore_mem>>
      %dma_start3A_237 = arith.constant 0 : i32
      %dma_start3A_238 = tpu.memref_slice %arg5[%mul3A_0, %dma_start3A_237] : memref<10016x8xf32, #tpu.memory_space<vmem_shared>> -> memref<626x8xf32, #tpu.memory_space<vmem_shared>>
      %dma_start3A_239 = arith.constant 0 : i32
      %dma_start3A_240 = tpu.memref_slice %arg5[%mul3A_0, %dma_start3A_239] : memref<10016x8xf32, #tpu.memory_space<vmem_shared>> -> memref<626x8xf32, #tpu.memory_space<vmem_shared>>
      tpu.enqueue_dma source(%arg14 : memref<626x8xf32, #tpu.memory_space<vmem>>) target(%dma_start3A_240 : memref<626x8xf32, #tpu.memory_space<vmem_shared>>) target_semaphore(%run_scoped3A : memref<!tpu.dma_semaphore, #tpu.memory_space<semaphore_mem>>)
      %dma_wait3A_241 = arith.constant 0 : i32
      %dma_wait3A_242 = tpu.memref_slice %arg5[%mul3A_0, %dma_wait3A_241] : memref<10016x8xf32, #tpu.memory_space<vmem_shared>> -> memref<626x8xf32, #tpu.memory_space<vmem_shared>>
      %dma_wait3A_243 = arith.constant 0 : i32
      %dma_wait3A_244 = tpu.memref_slice %arg5[%mul3A_0, %dma_wait3A_243] : memref<10016x8xf32, #tpu.memory_space<vmem_shared>> -> memref<626x8xf32, #tpu.memory_space<vmem_shared>>
      tpu.wait_dma2 semaphore(%run_scoped3A : memref<!tpu.dma_semaphore, #tpu.memory_space<semaphore_mem>>) src(%arg14 : memref<626x8xf32, #tpu.memory_space<vmem>>) dst(%dma_wait3A_244 : memref<626x8xf32, #tpu.memory_space<vmem_shared>>)
      tpu.yield
    }) : () -> ()
    %barrier3A_96 = arith.constant 0 : index
    tpu.barrier barrier_id(%barrier3A_96)
    %dma_start3A_97 = arith.constant 0 : i32
    %dma_start3A_98 = tpu.memref_slice %arg7[%dma_start3A_97] : memref<20480xi32, #tpu.memory_space<vmem>> -> memref<512xi32, #tpu.memory_space<vmem>>
    %dma_start3A_99 = arith.constant 0 : i32
    %dma_start3A_100 = arith.constant 0 : i32
    %dma_start3A_101 = tpu.memref_slice %arg5[%dma_start3A_99, %dma_start3A_100] : memref<10016x8xf32, #tpu.memory_space<vmem_shared>> -> memref<10016x8xf32, #tpu.memory_space<vmem_shared>>
    tpu.enqueue_indirect_dma source(%dma_start3A_101 : memref<10016x8xf32, #tpu.memory_space<vmem_shared>>) target(%arg9 : memref<512x8xf32, #tpu.memory_space<vmem>>) offsets(%dma_start3A_98 : memref<512xi32, #tpu.memory_space<vmem>>) semaphore(%arg19 : memref<!tpu.dma_semaphore, #tpu.memory_space<semaphore_mem>>)
    %scan3A_102 = arith.constant 0 : i32
    %scan3A_103 = arith.constant 0 : i32
    %scan3A_104 = arith.constant 20 : i32
    %scan3A_105 = arith.addi %scan3A_103, %scan3A_104 : i32
    %scan3A_106 = arith.constant 1 : i32
    %scan3A_107 = scf.for %scan3A_237 = %scan3A_103 to %scan3A_105 step %scan3A_106 iter_args(%scan3A_238 = %scan3A_102) -> (i32)  : i32 {
      %mul3A_239 = arith.constant 2 : i32
      %mul3A_240 = arith.muli %mul3A_239, %scan3A_237 : i32
      %add3A_241 = arith.constant 1 : i32
      %add3A_242 = arith.addi %mul3A_240, %add3A_241 : i32
      %mul3A_243 = arith.constant 512 : i32
      %mul3A_244 = arith.muli %add3A_242, %mul3A_243 : i32
      %dma_start3A_245 = tpu.memref_slice %arg7[%mul3A_244] : memref<20480xi32, #tpu.memory_space<vmem>> -> memref<512xi32, #tpu.memory_space<vmem>>
      %dma_start3A_246 = arith.constant 0 : i32
      %dma_start3A_247 = arith.constant 0 : i32
      %dma_start3A_248 = tpu.memref_slice %arg5[%dma_start3A_246, %dma_start3A_247] : memref<10016x8xf32, #tpu.memory_space<vmem_shared>> -> memref<10016x8xf32, #tpu.memory_space<vmem_shared>>
      tpu.enqueue_indirect_dma source(%dma_start3A_248 : memref<10016x8xf32, #tpu.memory_space<vmem_shared>>) target(%arg10 : memref<512x8xf32, #tpu.memory_space<vmem>>) offsets(%dma_start3A_245 : memref<512xi32, #tpu.memory_space<vmem>>) semaphore(%arg20 : memref<!tpu.dma_semaphore, #tpu.memory_space<semaphore_mem>>)
      %mul3A_249 = arith.constant 512 : i32
      %mul3A_250 = arith.muli %mul3A_240, %mul3A_249 : i32
      %dma_wait3A_251 = tpu.memref_slice %arg7[%mul3A_250] : memref<20480xi32, #tpu.memory_space<vmem>> -> memref<512xi32, #tpu.memory_space<vmem>>
      %dma_wait3A_252 = arith.constant 0 : i32
      %dma_wait3A_253 = arith.constant 0 : i32
      %dma_wait3A_254 = tpu.memref_slice %arg5[%dma_wait3A_252, %dma_wait3A_253] : memref<10016x8xf32, #tpu.memory_space<vmem_shared>> -> memref<10016x8xf32, #tpu.memory_space<vmem_shared>>
      tpu.wait_indirect_dma semaphore(%arg19 : memref<!tpu.dma_semaphore, #tpu.memory_space<semaphore_mem>>) src(%dma_wait3A_254 : memref<10016x8xf32, #tpu.memory_space<vmem_shared>>) dst(%arg9 : memref<512x8xf32, #tpu.memory_space<vmem>>)
      %mul3A_255 = arith.constant 512 : i32
      %mul3A_256 = arith.muli %mul3A_240, %mul3A_255 : i32
      "tpu.region"() ({
        %run_scoped3A = tpu.sem_alloc : memref<!tpu.dma_semaphore, #tpu.memory_space<semaphore_mem>>
        %dma_start3A_274 = tpu.memref_slice %arg8[%mul3A_256] : memref<20480xi32, #tpu.memory_space<vmem>> -> memref<512xi32, #tpu.memory_space<vmem>>
        %dma_start3A_275 = arith.constant 0 : i32
        %dma_start3A_276 = arith.constant 0 : i32
        %dma_start3A_277 = tpu.memref_slice %arg6[%dma_start3A_275, %dma_start3A_276] : memref<10016x8xf32, #tpu.memory_space<vmem_shared>> -> memref<10016x8xf32, #tpu.memory_space<vmem_shared>>
        tpu.enqueue_indirect_dma source(%arg9 : memref<512x8xf32, #tpu.memory_space<vmem>>) target(%dma_start3A_277 : memref<10016x8xf32, #tpu.memory_space<vmem_shared>>) offsets(%dma_start3A_274 : memref<512xi32, #tpu.memory_space<vmem>>) semaphore(%run_scoped3A : memref<!tpu.dma_semaphore, #tpu.memory_space<semaphore_mem>>) {add = true}
        %dma_wait3A_278 = tpu.memref_slice %arg8[%mul3A_256] : memref<20480xi32, #tpu.memory_space<vmem>> -> memref<512xi32, #tpu.memory_space<vmem>>
        %dma_wait3A_279 = arith.constant 0 : i32
        %dma_wait3A_280 = arith.constant 0 : i32
        %dma_wait3A_281 = tpu.memref_slice %arg6[%dma_wait3A_279, %dma_wait3A_280] : memref<10016x8xf32, #tpu.memory_space<vmem_shared>> -> memref<10016x8xf32, #tpu.memory_space<vmem_shared>>
        tpu.wait_indirect_dma semaphore(%run_scoped3A : memref<!tpu.dma_semaphore, #tpu.memory_space<semaphore_mem>>) src(%arg9 : memref<512x8xf32, #tpu.memory_space<vmem>>) dst(%dma_wait3A_281 : memref<10016x8xf32, #tpu.memory_space<vmem_shared>>)
        tpu.yield
      }) : () -> ()
      %add3A_257 = arith.constant 2 : i32
      %add3A_258 = arith.addi %mul3A_240, %add3A_257 : i32
      %lt3A = arith.constant 40 : i32
      %lt3A_259 = arith.cmpi slt, %add3A_258, %lt3A : i32
      %convert_element_type3A = arith.extui %lt3A_259 : i1 to i32
      %cond3A = arith.constant 0 : i32
      %cond3A_260 = arith.cmpi ne, %convert_element_type3A, %cond3A : i32
      scf.if %cond3A_260 {
        %add3A_274 = arith.constant 2 : i32
        %add3A_275 = arith.addi %mul3A_240, %add3A_274 : i32
        %mul3A_276 = arith.constant 512 : i32
        %mul3A_277 = arith.muli %add3A_275, %mul3A_276 : i32
        %dma_start3A_278 = tpu.memref_slice %arg7[%mul3A_277] : memref<20480xi32, #tpu.memory_space<vmem>> -> memref<512xi32, #tpu.memory_space<vmem>>
        %dma_start3A_279 = arith.constant 0 : i32
        %dma_start3A_280 = arith.constant 0 : i32
        %dma_start3A_281 = tpu.memref_slice %arg5[%dma_start3A_279, %dma_start3A_280] : memref<10016x8xf32, #tpu.memory_space<vmem_shared>> -> memref<10016x8xf32, #tpu.memory_space<vmem_shared>>
        tpu.enqueue_indirect_dma source(%dma_start3A_281 : memref<10016x8xf32, #tpu.memory_space<vmem_shared>>) target(%arg9 : memref<512x8xf32, #tpu.memory_space<vmem>>) offsets(%dma_start3A_278 : memref<512xi32, #tpu.memory_space<vmem>>) semaphore(%arg19 : memref<!tpu.dma_semaphore, #tpu.memory_space<semaphore_mem>>)
      } else {
      }
      %add3A_261 = arith.constant 1 : i32
      %add3A_262 = arith.addi %mul3A_240, %add3A_261 : i32
      %mul3A_263 = arith.constant 512 : i32
      %mul3A_264 = arith.muli %add3A_262, %mul3A_263 : i32
      %dma_wait3A_265 = tpu.memref_slice %arg7[%mul3A_264] : memref<20480xi32, #tpu.memory_space<vmem>> -> memref<512xi32, #tpu.memory_space<vmem>>
      %dma_wait3A_266 = arith.constant 0 : i32
      %dma_wait3A_267 = arith.constant 0 : i32
      %dma_wait3A_268 = tpu.memref_slice %arg5[%dma_wait3A_266, %dma_wait3A_267] : memref<10016x8xf32, #tpu.memory_space<vmem_shared>> -> memref<10016x8xf32, #tpu.memory_space<vmem_shared>>
      tpu.wait_indirect_dma semaphore(%arg20 : memref<!tpu.dma_semaphore, #tpu.memory_space<semaphore_mem>>) src(%dma_wait3A_268 : memref<10016x8xf32, #tpu.memory_space<vmem_shared>>) dst(%arg10 : memref<512x8xf32, #tpu.memory_space<vmem>>)
      %add3A_269 = arith.constant 1 : i32
      %add3A_270 = arith.addi %mul3A_240, %add3A_269 : i32
      %mul3A_271 = arith.constant 512 : i32
      %mul3A_272 = arith.muli %add3A_270, %mul3A_271 : i32
      "tpu.region"() ({
        %run_scoped3A = tpu.sem_alloc : memref<!tpu.dma_semaphore, #tpu.memory_space<semaphore_mem>>
        %dma_start3A_274 = tpu.memref_slice %arg8[%mul3A_272] : memref<20480xi32, #tpu.memory_space<vmem>> -> memref<512xi32, #tpu.memory_space<vmem>>
        %dma_start3A_275 = arith.constant 0 : i32
        %dma_start3A_276 = arith.constant 0 : i32
        %dma_start3A_277 = tpu.memref_slice %arg6[%dma_start3A_275, %dma_start3A_276] : memref<10016x8xf32, #tpu.memory_space<vmem_shared>> -> memref<10016x8xf32, #tpu.memory_space<vmem_shared>>
        tpu.enqueue_indirect_dma source(%arg10 : memref<512x8xf32, #tpu.memory_space<vmem>>) target(%dma_start3A_277 : memref<10016x8xf32, #tpu.memory_space<vmem_shared>>) offsets(%dma_start3A_274 : memref<512xi32, #tpu.memory_space<vmem>>) semaphore(%run_scoped3A : memref<!tpu.dma_semaphore, #tpu.memory_space<semaphore_mem>>) {add = true}
        %dma_wait3A_278 = tpu.memref_slice %arg8[%mul3A_272] : memref<20480xi32, #tpu.memory_space<vmem>> -> memref<512xi32, #tpu.memory_space<vmem>>
        %dma_wait3A_279 = arith.constant 0 : i32
        %dma_wait3A_280 = arith.constant 0 : i32
        %dma_wait3A_281 = tpu.memref_slice %arg6[%dma_wait3A_279, %dma_wait3A_280] : memref<10016x8xf32, #tpu.memory_space<vmem_shared>> -> memref<10016x8xf32, #tpu.memory_space<vmem_shared>>
        tpu.wait_indirect_dma semaphore(%run_scoped3A : memref<!tpu.dma_semaphore, #tpu.memory_space<semaphore_mem>>) src(%arg10 : memref<512x8xf32, #tpu.memory_space<vmem>>) dst(%dma_wait3A_281 : memref<10016x8xf32, #tpu.memory_space<vmem_shared>>)
        tpu.yield
      }) : () -> ()
      %scan3A_273 = arith.constant 0 : i32
      scf.yield %scan3A_273 : i32
    }
    %scan3A_108 = arith.constant 20 : i32
    %barrier3A_109 = arith.constant 0 : index
    tpu.barrier barrier_id(%barrier3A_109)
    "tpu.region"() ({
      %run_scoped3A = tpu.sem_alloc : memref<!tpu.dma_semaphore, #tpu.memory_space<semaphore_mem>>
      %dma_start3A_237 = arith.constant 0 : i32
      %dma_start3A_238 = tpu.memref_slice %arg6[%mul3A_0, %dma_start3A_237] : memref<10016x8xf32, #tpu.memory_space<vmem_shared>> -> memref<626x8xf32, #tpu.memory_space<vmem_shared>>
      %dma_start3A_239 = arith.constant 0 : i32
      %dma_start3A_240 = tpu.memref_slice %arg6[%mul3A_0, %dma_start3A_239] : memref<10016x8xf32, #tpu.memory_space<vmem_shared>> -> memref<626x8xf32, #tpu.memory_space<vmem_shared>>
      tpu.enqueue_dma source(%dma_start3A_240 : memref<626x8xf32, #tpu.memory_space<vmem_shared>>) target(%arg14 : memref<626x8xf32, #tpu.memory_space<vmem>>) target_semaphore(%run_scoped3A : memref<!tpu.dma_semaphore, #tpu.memory_space<semaphore_mem>>)
      %dma_wait3A_241 = arith.constant 0 : i32
      %dma_wait3A_242 = tpu.memref_slice %arg6[%mul3A_0, %dma_wait3A_241] : memref<10016x8xf32, #tpu.memory_space<vmem_shared>> -> memref<626x8xf32, #tpu.memory_space<vmem_shared>>
      %dma_wait3A_243 = arith.constant 0 : i32
      %dma_wait3A_244 = tpu.memref_slice %arg6[%mul3A_0, %dma_wait3A_243] : memref<10016x8xf32, #tpu.memory_space<vmem_shared>> -> memref<626x8xf32, #tpu.memory_space<vmem_shared>>
      tpu.wait_dma2 semaphore(%run_scoped3A : memref<!tpu.dma_semaphore, #tpu.memory_space<semaphore_mem>>) src(%dma_wait3A_244 : memref<626x8xf32, #tpu.memory_space<vmem_shared>>) dst(%arg14 : memref<626x8xf32, #tpu.memory_space<vmem>>)
      tpu.yield
    }) : () -> ()
    "tpu.region"() ({
      %run_scoped3A = tpu.sem_alloc : memref<!tpu.dma_semaphore, #tpu.memory_space<semaphore_mem>>
      %dma_start3A_237 = arith.constant 0 : i32
      %dma_start3A_238 = tpu.memref_slice %arg5[%mul3A_0, %dma_start3A_237] : memref<10016x8xf32, #tpu.memory_space<vmem_shared>> -> memref<626x8xf32, #tpu.memory_space<vmem_shared>>
      %dma_start3A_239 = arith.constant 0 : i32
      %dma_start3A_240 = tpu.memref_slice %arg5[%mul3A_0, %dma_start3A_239] : memref<10016x8xf32, #tpu.memory_space<vmem_shared>> -> memref<626x8xf32, #tpu.memory_space<vmem_shared>>
      tpu.enqueue_dma source(%dma_start3A_240 : memref<626x8xf32, #tpu.memory_space<vmem_shared>>) target(%arg15 : memref<626x8xf32, #tpu.memory_space<vmem>>) target_semaphore(%run_scoped3A : memref<!tpu.dma_semaphore, #tpu.memory_space<semaphore_mem>>)
      %dma_wait3A_241 = arith.constant 0 : i32
      %dma_wait3A_242 = tpu.memref_slice %arg5[%mul3A_0, %dma_wait3A_241] : memref<10016x8xf32, #tpu.memory_space<vmem_shared>> -> memref<626x8xf32, #tpu.memory_space<vmem_shared>>
      %dma_wait3A_243 = arith.constant 0 : i32
      %dma_wait3A_244 = tpu.memref_slice %arg5[%mul3A_0, %dma_wait3A_243] : memref<10016x8xf32, #tpu.memory_space<vmem_shared>> -> memref<626x8xf32, #tpu.memory_space<vmem_shared>>
      tpu.wait_dma2 semaphore(%run_scoped3A : memref<!tpu.dma_semaphore, #tpu.memory_space<semaphore_mem>>) src(%dma_wait3A_244 : memref<626x8xf32, #tpu.memory_space<vmem_shared>>) dst(%arg15 : memref<626x8xf32, #tpu.memory_space<vmem>>)
      tpu.yield
    }) : () -> ()
    "tpu.region"() ({
      %run_scoped3A = tpu.sem_alloc : memref<!tpu.dma_semaphore, #tpu.memory_space<semaphore_mem>>
      %dma_start3A_237 = arith.constant 0 : i32
      %dma_start3A_238 = tpu.memref_slice %arg6[%mul3A_0, %dma_start3A_237] : memref<10016x8xf32, #tpu.memory_space<vmem_shared>> -> memref<626x8xf32, #tpu.memory_space<vmem_shared>>
      %dma_start3A_239 = arith.constant 0 : i32
      %dma_start3A_240 = tpu.memref_slice %arg6[%mul3A_0, %dma_start3A_239] : memref<10016x8xf32, #tpu.memory_space<vmem_shared>> -> memref<626x8xf32, #tpu.memory_space<vmem_shared>>
      tpu.enqueue_dma source(%arg12 : memref<626x8xf32, #tpu.memory_space<vmem>>) target(%dma_start3A_240 : memref<626x8xf32, #tpu.memory_space<vmem_shared>>) target_semaphore(%run_scoped3A : memref<!tpu.dma_semaphore, #tpu.memory_space<semaphore_mem>>)
      %dma_wait3A_241 = arith.constant 0 : i32
      %dma_wait3A_242 = tpu.memref_slice %arg6[%mul3A_0, %dma_wait3A_241] : memref<10016x8xf32, #tpu.memory_space<vmem_shared>> -> memref<626x8xf32, #tpu.memory_space<vmem_shared>>
      %dma_wait3A_243 = arith.constant 0 : i32
      %dma_wait3A_244 = tpu.memref_slice %arg6[%mul3A_0, %dma_wait3A_243] : memref<10016x8xf32, #tpu.memory_space<vmem_shared>> -> memref<626x8xf32, #tpu.memory_space<vmem_shared>>
      tpu.wait_dma2 semaphore(%run_scoped3A : memref<!tpu.dma_semaphore, #tpu.memory_space<semaphore_mem>>) src(%arg12 : memref<626x8xf32, #tpu.memory_space<vmem>>) dst(%dma_wait3A_244 : memref<626x8xf32, #tpu.memory_space<vmem_shared>>)
      tpu.yield
    }) : () -> ()
    %parallel_loop3A_110 = arith.constant 0 : i32
    %parallel_loop3A_111 = arith.constant 313 : i32
    %parallel_loop3A_112 = arith.constant 1 : i32
    scf.for %parallel_loop3A_237 = %parallel_loop3A_110 to %parallel_loop3A_111 step %parallel_loop3A_112  : i32 {
      %parallel_loop3A_238 = arith.constant 2 : i32
      %parallel_loop3A_239 = arith.muli %parallel_loop3A_238, %parallel_loop3A_237 : i32
      %parallel_loop3A_240 = vector.broadcast %parallel_loop3A_239 : i32 to vector<16xi32>
      %parallel_loop3A_241 = arith.addi %shift_right_logical3A_7, %parallel_loop3A_240 : vector<16xi32>
      %parallel_loop3A_242 = tpu.vector_load_idx %arg14[%parallel_loop3A_241, %and3A_2] : memref<626x8xf32, #tpu.memory_space<vmem>>[vector<16xi32>, vector<16xi32>], vector<16xf32>,
      %parallel_loop3A_243 = arith.constant 2 : i32
      %parallel_loop3A_244 = arith.muli %parallel_loop3A_243, %parallel_loop3A_237 : i32
      %parallel_loop3A_245 = vector.broadcast %parallel_loop3A_244 : i32 to vector<16xi32>
      %parallel_loop3A_246 = arith.addi %shift_right_logical3A_7, %parallel_loop3A_245 : vector<16xi32>
      %parallel_loop3A_247 = tpu.vector_load_idx %arg15[%parallel_loop3A_246, %and3A_2] : memref<626x8xf32, #tpu.memory_space<vmem>>[vector<16xi32>, vector<16xi32>], vector<16xf32>,
      %parallel_loop3A_248 = arith.addf %parallel_loop3A_242, %parallel_loop3A_247 : vector<16xf32>
      %parallel_loop3A_249 = arith.index_cast %parallel_loop3A_237 : i32 to index
      %parallel_loop3A_250 = arith.constant 0 : index
      %parallel_loop3A_251 = tpu.vector_load %arg17[%parallel_loop3A_249, %parallel_loop3A_250] {strides = array<i32>} : memref<313x16xf32, #tpu.memory_space<vmem>>, vector<16xf32>,
      %parallel_loop3A_252 = arith.mulf %parallel_loop3A_251, %parallel_loop3A_248 : vector<16xf32>
      %parallel_loop3A_253 = arith.index_cast %parallel_loop3A_237 : i32 to index
      %parallel_loop3A_254 = arith.constant 0 : index
      %parallel_loop3A_255 = tpu.vector_load %arg18[%parallel_loop3A_253, %parallel_loop3A_254] {strides = array<i32>} : memref<313x16xf32, #tpu.memory_space<vmem>>, vector<16xf32>,
      %parallel_loop3A_256 = arith.addf %parallel_loop3A_252, %parallel_loop3A_255 : vector<16xf32>
      %parallel_loop3A_257 = arith.constant 2 : i32
      %parallel_loop3A_258 = arith.muli %parallel_loop3A_257, %parallel_loop3A_237 : i32
      %parallel_loop3A_259 = vector.broadcast %parallel_loop3A_258 : i32 to vector<16xi32>
      %parallel_loop3A_260 = arith.addi %shift_right_logical3A_7, %parallel_loop3A_259 : vector<16xi32>
      tpu.vector_store_idx %arg14[%parallel_loop3A_260, %and3A_2], %parallel_loop3A_256 : memref<626x8xf32, #tpu.memory_space<vmem>>[vector<16xi32>, vector<16xi32>], vector<16xf32>,
    } {sc.loop_unroll_factor = 4 : i64, sc.parallel_access}
    "tpu.region"() ({
      %run_scoped3A = tpu.sem_alloc : memref<!tpu.dma_semaphore, #tpu.memory_space<semaphore_mem>>
      %dma_start3A_237 = arith.constant 0 : i32
      %dma_start3A_238 = tpu.memref_slice %arg5[%mul3A_0, %dma_start3A_237] : memref<10016x8xf32, #tpu.memory_space<vmem_shared>> -> memref<626x8xf32, #tpu.memory_space<vmem_shared>>
      %dma_start3A_239 = arith.constant 0 : i32
      %dma_start3A_240 = tpu.memref_slice %arg5[%mul3A_0, %dma_start3A_239] : memref<10016x8xf32, #tpu.memory_space<vmem_shared>> -> memref<626x8xf32, #tpu.memory_space<vmem_shared>>
      tpu.enqueue_dma source(%arg14 : memref<626x8xf32, #tpu.memory_space<vmem>>) target(%dma_start3A_240 : memref<626x8xf32, #tpu.memory_space<vmem_shared>>) target_semaphore(%run_scoped3A : memref<!tpu.dma_semaphore, #tpu.memory_space<semaphore_mem>>)
      %dma_wait3A_241 = arith.constant 0 : i32
      %dma_wait3A_242 = tpu.memref_slice %arg5[%mul3A_0, %dma_wait3A_241] : memref<10016x8xf32, #tpu.memory_space<vmem_shared>> -> memref<626x8xf32, #tpu.memory_space<vmem_shared>>
      %dma_wait3A_243 = arith.constant 0 : i32
      %dma_wait3A_244 = tpu.memref_slice %arg5[%mul3A_0, %dma_wait3A_243] : memref<10016x8xf32, #tpu.memory_space<vmem_shared>> -> memref<626x8xf32, #tpu.memory_space<vmem_shared>>
      tpu.wait_dma2 semaphore(%run_scoped3A : memref<!tpu.dma_semaphore, #tpu.memory_space<semaphore_mem>>) src(%arg14 : memref<626x8xf32, #tpu.memory_space<vmem>>) dst(%dma_wait3A_244 : memref<626x8xf32, #tpu.memory_space<vmem_shared>>)
      tpu.yield
    }) : () -> ()
    %barrier3A_113 = arith.constant 0 : index
    tpu.barrier barrier_id(%barrier3A_113)
    %dma_start3A_114 = arith.constant 0 : i32
    %dma_start3A_115 = tpu.memref_slice %arg7[%dma_start3A_114] : memref<20480xi32, #tpu.memory_space<vmem>> -> memref<512xi32, #tpu.memory_space<vmem>>
    %dma_start3A_116 = arith.constant 0 : i32
    %dma_start3A_117 = arith.constant 0 : i32
    %dma_start3A_118 = tpu.memref_slice %arg5[%dma_start3A_116, %dma_start3A_117] : memref<10016x8xf32, #tpu.memory_space<vmem_shared>> -> memref<10016x8xf32, #tpu.memory_space<vmem_shared>>
    tpu.enqueue_indirect_dma source(%dma_start3A_118 : memref<10016x8xf32, #tpu.memory_space<vmem_shared>>) target(%arg9 : memref<512x8xf32, #tpu.memory_space<vmem>>) offsets(%dma_start3A_115 : memref<512xi32, #tpu.memory_space<vmem>>) semaphore(%arg19 : memref<!tpu.dma_semaphore, #tpu.memory_space<semaphore_mem>>)
    %scan3A_119 = arith.constant 0 : i32
    %scan3A_120 = arith.constant 0 : i32
    %scan3A_121 = arith.constant 20 : i32
    %scan3A_122 = arith.addi %scan3A_120, %scan3A_121 : i32
    %scan3A_123 = arith.constant 1 : i32
    %scan3A_124 = scf.for %scan3A_237 = %scan3A_120 to %scan3A_122 step %scan3A_123 iter_args(%scan3A_238 = %scan3A_119) -> (i32)  : i32 {
      %mul3A_239 = arith.constant 2 : i32
      %mul3A_240 = arith.muli %mul3A_239, %scan3A_237 : i32
      %add3A_241 = arith.constant 1 : i32
      %add3A_242 = arith.addi %mul3A_240, %add3A_241 : i32
      %mul3A_243 = arith.constant 512 : i32
      %mul3A_244 = arith.muli %add3A_242, %mul3A_243 : i32
      %dma_start3A_245 = tpu.memref_slice %arg7[%mul3A_244] : memref<20480xi32, #tpu.memory_space<vmem>> -> memref<512xi32, #tpu.memory_space<vmem>>
      %dma_start3A_246 = arith.constant 0 : i32
      %dma_start3A_247 = arith.constant 0 : i32
      %dma_start3A_248 = tpu.memref_slice %arg5[%dma_start3A_246, %dma_start3A_247] : memref<10016x8xf32, #tpu.memory_space<vmem_shared>> -> memref<10016x8xf32, #tpu.memory_space<vmem_shared>>
      tpu.enqueue_indirect_dma source(%dma_start3A_248 : memref<10016x8xf32, #tpu.memory_space<vmem_shared>>) target(%arg10 : memref<512x8xf32, #tpu.memory_space<vmem>>) offsets(%dma_start3A_245 : memref<512xi32, #tpu.memory_space<vmem>>) semaphore(%arg20 : memref<!tpu.dma_semaphore, #tpu.memory_space<semaphore_mem>>)
      %mul3A_249 = arith.constant 512 : i32
      %mul3A_250 = arith.muli %mul3A_240, %mul3A_249 : i32
      %dma_wait3A_251 = tpu.memref_slice %arg7[%mul3A_250] : memref<20480xi32, #tpu.memory_space<vmem>> -> memref<512xi32, #tpu.memory_space<vmem>>
      %dma_wait3A_252 = arith.constant 0 : i32
      %dma_wait3A_253 = arith.constant 0 : i32
      %dma_wait3A_254 = tpu.memref_slice %arg5[%dma_wait3A_252, %dma_wait3A_253] : memref<10016x8xf32, #tpu.memory_space<vmem_shared>> -> memref<10016x8xf32, #tpu.memory_space<vmem_shared>>
      tpu.wait_indirect_dma semaphore(%arg19 : memref<!tpu.dma_semaphore, #tpu.memory_space<semaphore_mem>>) src(%dma_wait3A_254 : memref<10016x8xf32, #tpu.memory_space<vmem_shared>>) dst(%arg9 : memref<512x8xf32, #tpu.memory_space<vmem>>)
      %mul3A_255 = arith.constant 512 : i32
      %mul3A_256 = arith.muli %mul3A_240, %mul3A_255 : i32
      "tpu.region"() ({
        %run_scoped3A = tpu.sem_alloc : memref<!tpu.dma_semaphore, #tpu.memory_space<semaphore_mem>>
        %dma_start3A_274 = tpu.memref_slice %arg8[%mul3A_256] : memref<20480xi32, #tpu.memory_space<vmem>> -> memref<512xi32, #tpu.memory_space<vmem>>
        %dma_start3A_275 = arith.constant 0 : i32
        %dma_start3A_276 = arith.constant 0 : i32
        %dma_start3A_277 = tpu.memref_slice %arg6[%dma_start3A_275, %dma_start3A_276] : memref<10016x8xf32, #tpu.memory_space<vmem_shared>> -> memref<10016x8xf32, #tpu.memory_space<vmem_shared>>
        tpu.enqueue_indirect_dma source(%arg9 : memref<512x8xf32, #tpu.memory_space<vmem>>) target(%dma_start3A_277 : memref<10016x8xf32, #tpu.memory_space<vmem_shared>>) offsets(%dma_start3A_274 : memref<512xi32, #tpu.memory_space<vmem>>) semaphore(%run_scoped3A : memref<!tpu.dma_semaphore, #tpu.memory_space<semaphore_mem>>) {add = true}
        %dma_wait3A_278 = tpu.memref_slice %arg8[%mul3A_256] : memref<20480xi32, #tpu.memory_space<vmem>> -> memref<512xi32, #tpu.memory_space<vmem>>
        %dma_wait3A_279 = arith.constant 0 : i32
        %dma_wait3A_280 = arith.constant 0 : i32
        %dma_wait3A_281 = tpu.memref_slice %arg6[%dma_wait3A_279, %dma_wait3A_280] : memref<10016x8xf32, #tpu.memory_space<vmem_shared>> -> memref<10016x8xf32, #tpu.memory_space<vmem_shared>>
        tpu.wait_indirect_dma semaphore(%run_scoped3A : memref<!tpu.dma_semaphore, #tpu.memory_space<semaphore_mem>>) src(%arg9 : memref<512x8xf32, #tpu.memory_space<vmem>>) dst(%dma_wait3A_281 : memref<10016x8xf32, #tpu.memory_space<vmem_shared>>)
        tpu.yield
      }) : () -> ()
      %add3A_257 = arith.constant 2 : i32
      %add3A_258 = arith.addi %mul3A_240, %add3A_257 : i32
      %lt3A = arith.constant 40 : i32
      %lt3A_259 = arith.cmpi slt, %add3A_258, %lt3A : i32
      %convert_element_type3A = arith.extui %lt3A_259 : i1 to i32
      %cond3A = arith.constant 0 : i32
      %cond3A_260 = arith.cmpi ne, %convert_element_type3A, %cond3A : i32
      scf.if %cond3A_260 {
        %add3A_274 = arith.constant 2 : i32
        %add3A_275 = arith.addi %mul3A_240, %add3A_274 : i32
        %mul3A_276 = arith.constant 512 : i32
        %mul3A_277 = arith.muli %add3A_275, %mul3A_276 : i32
        %dma_start3A_278 = tpu.memref_slice %arg7[%mul3A_277] : memref<20480xi32, #tpu.memory_space<vmem>> -> memref<512xi32, #tpu.memory_space<vmem>>
        %dma_start3A_279 = arith.constant 0 : i32
        %dma_start3A_280 = arith.constant 0 : i32
        %dma_start3A_281 = tpu.memref_slice %arg5[%dma_start3A_279, %dma_start3A_280] : memref<10016x8xf32, #tpu.memory_space<vmem_shared>> -> memref<10016x8xf32, #tpu.memory_space<vmem_shared>>
        tpu.enqueue_indirect_dma source(%dma_start3A_281 : memref<10016x8xf32, #tpu.memory_space<vmem_shared>>) target(%arg9 : memref<512x8xf32, #tpu.memory_space<vmem>>) offsets(%dma_start3A_278 : memref<512xi32, #tpu.memory_space<vmem>>) semaphore(%arg19 : memref<!tpu.dma_semaphore, #tpu.memory_space<semaphore_mem>>)
      } else {
      }
      %add3A_261 = arith.constant 1 : i32
      %add3A_262 = arith.addi %mul3A_240, %add3A_261 : i32
      %mul3A_263 = arith.constant 512 : i32
      %mul3A_264 = arith.muli %add3A_262, %mul3A_263 : i32
      %dma_wait3A_265 = tpu.memref_slice %arg7[%mul3A_264] : memref<20480xi32, #tpu.memory_space<vmem>> -> memref<512xi32, #tpu.memory_space<vmem>>
      %dma_wait3A_266 = arith.constant 0 : i32
      %dma_wait3A_267 = arith.constant 0 : i32
      %dma_wait3A_268 = tpu.memref_slice %arg5[%dma_wait3A_266, %dma_wait3A_267] : memref<10016x8xf32, #tpu.memory_space<vmem_shared>> -> memref<10016x8xf32, #tpu.memory_space<vmem_shared>>
      tpu.wait_indirect_dma semaphore(%arg20 : memref<!tpu.dma_semaphore, #tpu.memory_space<semaphore_mem>>) src(%dma_wait3A_268 : memref<10016x8xf32, #tpu.memory_space<vmem_shared>>) dst(%arg10 : memref<512x8xf32, #tpu.memory_space<vmem>>)
      %add3A_269 = arith.constant 1 : i32
      %add3A_270 = arith.addi %mul3A_240, %add3A_269 : i32
      %mul3A_271 = arith.constant 512 : i32
      %mul3A_272 = arith.muli %add3A_270, %mul3A_271 : i32
      "tpu.region"() ({
        %run_scoped3A = tpu.sem_alloc : memref<!tpu.dma_semaphore, #tpu.memory_space<semaphore_mem>>
        %dma_start3A_274 = tpu.memref_slice %arg8[%mul3A_272] : memref<20480xi32, #tpu.memory_space<vmem>> -> memref<512xi32, #tpu.memory_space<vmem>>
        %dma_start3A_275 = arith.constant 0 : i32
        %dma_start3A_276 = arith.constant 0 : i32
        %dma_start3A_277 = tpu.memref_slice %arg6[%dma_start3A_275, %dma_start3A_276] : memref<10016x8xf32, #tpu.memory_space<vmem_shared>> -> memref<10016x8xf32, #tpu.memory_space<vmem_shared>>
        tpu.enqueue_indirect_dma source(%arg10 : memref<512x8xf32, #tpu.memory_space<vmem>>) target(%dma_start3A_277 : memref<10016x8xf32, #tpu.memory_space<vmem_shared>>) offsets(%dma_start3A_274 : memref<512xi32, #tpu.memory_space<vmem>>) semaphore(%run_scoped3A : memref<!tpu.dma_semaphore, #tpu.memory_space<semaphore_mem>>) {add = true}
        %dma_wait3A_278 = tpu.memref_slice %arg8[%mul3A_272] : memref<20480xi32, #tpu.memory_space<vmem>> -> memref<512xi32, #tpu.memory_space<vmem>>
        %dma_wait3A_279 = arith.constant 0 : i32
        %dma_wait3A_280 = arith.constant 0 : i32
        %dma_wait3A_281 = tpu.memref_slice %arg6[%dma_wait3A_279, %dma_wait3A_280] : memref<10016x8xf32, #tpu.memory_space<vmem_shared>> -> memref<10016x8xf32, #tpu.memory_space<vmem_shared>>
        tpu.wait_indirect_dma semaphore(%run_scoped3A : memref<!tpu.dma_semaphore, #tpu.memory_space<semaphore_mem>>) src(%arg10 : memref<512x8xf32, #tpu.memory_space<vmem>>) dst(%dma_wait3A_281 : memref<10016x8xf32, #tpu.memory_space<vmem_shared>>)
        tpu.yield
      }) : () -> ()
      %scan3A_273 = arith.constant 0 : i32
      scf.yield %scan3A_273 : i32
    }
    %scan3A_125 = arith.constant 20 : i32
    %barrier3A_126 = arith.constant 0 : index
    tpu.barrier barrier_id(%barrier3A_126)
    "tpu.region"() ({
      %run_scoped3A = tpu.sem_alloc : memref<!tpu.dma_semaphore, #tpu.memory_space<semaphore_mem>>
      %dma_start3A_237 = arith.constant 0 : i32
      %dma_start3A_238 = tpu.memref_slice %arg6[%mul3A_0, %dma_start3A_237] : memref<10016x8xf32, #tpu.memory_space<vmem_shared>> -> memref<626x8xf32, #tpu.memory_space<vmem_shared>>
      %dma_start3A_239 = arith.constant 0 : i32
      %dma_start3A_240 = tpu.memref_slice %arg6[%mul3A_0, %dma_start3A_239] : memref<10016x8xf32, #tpu.memory_space<vmem_shared>> -> memref<626x8xf32, #tpu.memory_space<vmem_shared>>
      tpu.enqueue_dma source(%dma_start3A_240 : memref<626x8xf32, #tpu.memory_space<vmem_shared>>) target(%arg14 : memref<626x8xf32, #tpu.memory_space<vmem>>) target_semaphore(%run_scoped3A : memref<!tpu.dma_semaphore, #tpu.memory_space<semaphore_mem>>)
      %dma_wait3A_241 = arith.constant 0 : i32
      %dma_wait3A_242 = tpu.memref_slice %arg6[%mul3A_0, %dma_wait3A_241] : memref<10016x8xf32, #tpu.memory_space<vmem_shared>> -> memref<626x8xf32, #tpu.memory_space<vmem_shared>>
      %dma_wait3A_243 = arith.constant 0 : i32
      %dma_wait3A_244 = tpu.memref_slice %arg6[%mul3A_0, %dma_wait3A_243] : memref<10016x8xf32, #tpu.memory_space<vmem_shared>> -> memref<626x8xf32, #tpu.memory_space<vmem_shared>>
      tpu.wait_dma2 semaphore(%run_scoped3A : memref<!tpu.dma_semaphore, #tpu.memory_space<semaphore_mem>>) src(%dma_wait3A_244 : memref<626x8xf32, #tpu.memory_space<vmem_shared>>) dst(%arg14 : memref<626x8xf32, #tpu.memory_space<vmem>>)
      tpu.yield
    }) : () -> ()
    "tpu.region"() ({
      %run_scoped3A = tpu.sem_alloc : memref<!tpu.dma_semaphore, #tpu.memory_space<semaphore_mem>>
      %dma_start3A_237 = arith.constant 0 : i32
      %dma_start3A_238 = tpu.memref_slice %arg5[%mul3A_0, %dma_start3A_237] : memref<10016x8xf32, #tpu.memory_space<vmem_shared>> -> memref<626x8xf32, #tpu.memory_space<vmem_shared>>
      %dma_start3A_239 = arith.constant 0 : i32
      %dma_start3A_240 = tpu.memref_slice %arg5[%mul3A_0, %dma_start3A_239] : memref<10016x8xf32, #tpu.memory_space<vmem_shared>> -> memref<626x8xf32, #tpu.memory_space<vmem_shared>>
      tpu.enqueue_dma source(%dma_start3A_240 : memref<626x8xf32, #tpu.memory_space<vmem_shared>>) target(%arg15 : memref<626x8xf32, #tpu.memory_space<vmem>>) target_semaphore(%run_scoped3A : memref<!tpu.dma_semaphore, #tpu.memory_space<semaphore_mem>>)
      %dma_wait3A_241 = arith.constant 0 : i32
      %dma_wait3A_242 = tpu.memref_slice %arg5[%mul3A_0, %dma_wait3A_241] : memref<10016x8xf32, #tpu.memory_space<vmem_shared>> -> memref<626x8xf32, #tpu.memory_space<vmem_shared>>
      %dma_wait3A_243 = arith.constant 0 : i32
      %dma_wait3A_244 = tpu.memref_slice %arg5[%mul3A_0, %dma_wait3A_243] : memref<10016x8xf32, #tpu.memory_space<vmem_shared>> -> memref<626x8xf32, #tpu.memory_space<vmem_shared>>
      tpu.wait_dma2 semaphore(%run_scoped3A : memref<!tpu.dma_semaphore, #tpu.memory_space<semaphore_mem>>) src(%dma_wait3A_244 : memref<626x8xf32, #tpu.memory_space<vmem_shared>>) dst(%arg15 : memref<626x8xf32, #tpu.memory_space<vmem>>)
      tpu.yield
    }) : () -> ()
    "tpu.region"() ({
      %run_scoped3A = tpu.sem_alloc : memref<!tpu.dma_semaphore, #tpu.memory_space<semaphore_mem>>
      %dma_start3A_237 = arith.constant 0 : i32
      %dma_start3A_238 = tpu.memref_slice %arg6[%mul3A_0, %dma_start3A_237] : memref<10016x8xf32, #tpu.memory_space<vmem_shared>> -> memref<626x8xf32, #tpu.memory_space<vmem_shared>>
      %dma_start3A_239 = arith.constant 0 : i32
      %dma_start3A_240 = tpu.memref_slice %arg6[%mul3A_0, %dma_start3A_239] : memref<10016x8xf32, #tpu.memory_space<vmem_shared>> -> memref<626x8xf32, #tpu.memory_space<vmem_shared>>
      tpu.enqueue_dma source(%arg12 : memref<626x8xf32, #tpu.memory_space<vmem>>) target(%dma_start3A_240 : memref<626x8xf32, #tpu.memory_space<vmem_shared>>) target_semaphore(%run_scoped3A : memref<!tpu.dma_semaphore, #tpu.memory_space<semaphore_mem>>)
      %dma_wait3A_241 = arith.constant 0 : i32
      %dma_wait3A_242 = tpu.memref_slice %arg6[%mul3A_0, %dma_wait3A_241] : memref<10016x8xf32, #tpu.memory_space<vmem_shared>> -> memref<626x8xf32, #tpu.memory_space<vmem_shared>>
      %dma_wait3A_243 = arith.constant 0 : i32
      %dma_wait3A_244 = tpu.memref_slice %arg6[%mul3A_0, %dma_wait3A_243] : memref<10016x8xf32, #tpu.memory_space<vmem_shared>> -> memref<626x8xf32, #tpu.memory_space<vmem_shared>>
      tpu.wait_dma2 semaphore(%run_scoped3A : memref<!tpu.dma_semaphore, #tpu.memory_space<semaphore_mem>>) src(%arg12 : memref<626x8xf32, #tpu.memory_space<vmem>>) dst(%dma_wait3A_244 : memref<626x8xf32, #tpu.memory_space<vmem_shared>>)
      tpu.yield
    }) : () -> ()
    %parallel_loop3A_127 = arith.constant 0 : i32
    %parallel_loop3A_128 = arith.constant 313 : i32
    %parallel_loop3A_129 = arith.constant 1 : i32
    scf.for %parallel_loop3A_237 = %parallel_loop3A_127 to %parallel_loop3A_128 step %parallel_loop3A_129  : i32 {
      %parallel_loop3A_238 = arith.constant 2 : i32
      %parallel_loop3A_239 = arith.muli %parallel_loop3A_238, %parallel_loop3A_237 : i32
      %parallel_loop3A_240 = vector.broadcast %parallel_loop3A_239 : i32 to vector<16xi32>
      %parallel_loop3A_241 = arith.addi %shift_right_logical3A_7, %parallel_loop3A_240 : vector<16xi32>
      %parallel_loop3A_242 = tpu.vector_load_idx %arg14[%parallel_loop3A_241, %and3A_2] : memref<626x8xf32, #tpu.memory_space<vmem>>[vector<16xi32>, vector<16xi32>], vector<16xf32>,
      %parallel_loop3A_243 = arith.constant 2 : i32
      %parallel_loop3A_244 = arith.muli %parallel_loop3A_243, %parallel_loop3A_237 : i32
      %parallel_loop3A_245 = vector.broadcast %parallel_loop3A_244 : i32 to vector<16xi32>
      %parallel_loop3A_246 = arith.addi %shift_right_logical3A_7, %parallel_loop3A_245 : vector<16xi32>
      %parallel_loop3A_247 = tpu.vector_load_idx %arg15[%parallel_loop3A_246, %and3A_2] : memref<626x8xf32, #tpu.memory_space<vmem>>[vector<16xi32>, vector<16xi32>], vector<16xf32>,
      %parallel_loop3A_248 = arith.addf %parallel_loop3A_242, %parallel_loop3A_247 : vector<16xf32>
      %parallel_loop3A_249 = arith.index_cast %parallel_loop3A_237 : i32 to index
      %parallel_loop3A_250 = arith.constant 0 : index
      %parallel_loop3A_251 = tpu.vector_load %arg17[%parallel_loop3A_249, %parallel_loop3A_250] {strides = array<i32>} : memref<313x16xf32, #tpu.memory_space<vmem>>, vector<16xf32>,
      %parallel_loop3A_252 = arith.mulf %parallel_loop3A_251, %parallel_loop3A_248 : vector<16xf32>
      %parallel_loop3A_253 = arith.index_cast %parallel_loop3A_237 : i32 to index
      %parallel_loop3A_254 = arith.constant 0 : index
      %parallel_loop3A_255 = tpu.vector_load %arg18[%parallel_loop3A_253, %parallel_loop3A_254] {strides = array<i32>} : memref<313x16xf32, #tpu.memory_space<vmem>>, vector<16xf32>,
      %parallel_loop3A_256 = arith.addf %parallel_loop3A_252, %parallel_loop3A_255 : vector<16xf32>
      %parallel_loop3A_257 = arith.constant 2 : i32
      %parallel_loop3A_258 = arith.muli %parallel_loop3A_257, %parallel_loop3A_237 : i32
      %parallel_loop3A_259 = vector.broadcast %parallel_loop3A_258 : i32 to vector<16xi32>
      %parallel_loop3A_260 = arith.addi %shift_right_logical3A_7, %parallel_loop3A_259 : vector<16xi32>
      tpu.vector_store_idx %arg14[%parallel_loop3A_260, %and3A_2], %parallel_loop3A_256 : memref<626x8xf32, #tpu.memory_space<vmem>>[vector<16xi32>, vector<16xi32>], vector<16xf32>,
    } {sc.loop_unroll_factor = 4 : i64, sc.parallel_access}
    "tpu.region"() ({
      %run_scoped3A = tpu.sem_alloc : memref<!tpu.dma_semaphore, #tpu.memory_space<semaphore_mem>>
      %dma_start3A_237 = arith.constant 0 : i32
      %dma_start3A_238 = tpu.memref_slice %arg5[%mul3A_0, %dma_start3A_237] : memref<10016x8xf32, #tpu.memory_space<vmem_shared>> -> memref<626x8xf32, #tpu.memory_space<vmem_shared>>
      %dma_start3A_239 = arith.constant 0 : i32
      %dma_start3A_240 = tpu.memref_slice %arg5[%mul3A_0, %dma_start3A_239] : memref<10016x8xf32, #tpu.memory_space<vmem_shared>> -> memref<626x8xf32, #tpu.memory_space<vmem_shared>>
      tpu.enqueue_dma source(%arg14 : memref<626x8xf32, #tpu.memory_space<vmem>>) target(%dma_start3A_240 : memref<626x8xf32, #tpu.memory_space<vmem_shared>>) target_semaphore(%run_scoped3A : memref<!tpu.dma_semaphore, #tpu.memory_space<semaphore_mem>>)
      %dma_wait3A_241 = arith.constant 0 : i32
      %dma_wait3A_242 = tpu.memref_slice %arg5[%mul3A_0, %dma_wait3A_241] : memref<10016x8xf32, #tpu.memory_space<vmem_shared>> -> memref<626x8xf32, #tpu.memory_space<vmem_shared>>
      %dma_wait3A_243 = arith.constant 0 : i32
      %dma_wait3A_244 = tpu.memref_slice %arg5[%mul3A_0, %dma_wait3A_243] : memref<10016x8xf32, #tpu.memory_space<vmem_shared>> -> memref<626x8xf32, #tpu.memory_space<vmem_shared>>
      tpu.wait_dma2 semaphore(%run_scoped3A : memref<!tpu.dma_semaphore, #tpu.memory_space<semaphore_mem>>) src(%arg14 : memref<626x8xf32, #tpu.memory_space<vmem>>) dst(%dma_wait3A_244 : memref<626x8xf32, #tpu.memory_space<vmem_shared>>)
      tpu.yield
    }) : () -> ()
    %barrier3A_130 = arith.constant 0 : index
    tpu.barrier barrier_id(%barrier3A_130)
    %dma_start3A_131 = arith.constant 0 : i32
    %dma_start3A_132 = tpu.memref_slice %arg7[%dma_start3A_131] : memref<20480xi32, #tpu.memory_space<vmem>> -> memref<512xi32, #tpu.memory_space<vmem>>
    %dma_start3A_133 = arith.constant 0 : i32
    %dma_start3A_134 = arith.constant 0 : i32
    %dma_start3A_135 = tpu.memref_slice %arg5[%dma_start3A_133, %dma_start3A_134] : memref<10016x8xf32, #tpu.memory_space<vmem_shared>> -> memref<10016x8xf32, #tpu.memory_space<vmem_shared>>
    tpu.enqueue_indirect_dma source(%dma_start3A_135 : memref<10016x8xf32, #tpu.memory_space<vmem_shared>>) target(%arg9 : memref<512x8xf32, #tpu.memory_space<vmem>>) offsets(%dma_start3A_132 : memref<512xi32, #tpu.memory_space<vmem>>) semaphore(%arg19 : memref<!tpu.dma_semaphore, #tpu.memory_space<semaphore_mem>>)
    %scan3A_136 = arith.constant 0 : i32
    %scan3A_137 = arith.constant 0 : i32
    %scan3A_138 = arith.constant 20 : i32
    %scan3A_139 = arith.addi %scan3A_137, %scan3A_138 : i32
    %scan3A_140 = arith.constant 1 : i32
    %scan3A_141 = scf.for %scan3A_237 = %scan3A_137 to %scan3A_139 step %scan3A_140 iter_args(%scan3A_238 = %scan3A_136) -> (i32)  : i32 {
      %mul3A_239 = arith.constant 2 : i32
      %mul3A_240 = arith.muli %mul3A_239, %scan3A_237 : i32
      %add3A_241 = arith.constant 1 : i32
      %add3A_242 = arith.addi %mul3A_240, %add3A_241 : i32
      %mul3A_243 = arith.constant 512 : i32
      %mul3A_244 = arith.muli %add3A_242, %mul3A_243 : i32
      %dma_start3A_245 = tpu.memref_slice %arg7[%mul3A_244] : memref<20480xi32, #tpu.memory_space<vmem>> -> memref<512xi32, #tpu.memory_space<vmem>>
      %dma_start3A_246 = arith.constant 0 : i32
      %dma_start3A_247 = arith.constant 0 : i32
      %dma_start3A_248 = tpu.memref_slice %arg5[%dma_start3A_246, %dma_start3A_247] : memref<10016x8xf32, #tpu.memory_space<vmem_shared>> -> memref<10016x8xf32, #tpu.memory_space<vmem_shared>>
      tpu.enqueue_indirect_dma source(%dma_start3A_248 : memref<10016x8xf32, #tpu.memory_space<vmem_shared>>) target(%arg10 : memref<512x8xf32, #tpu.memory_space<vmem>>) offsets(%dma_start3A_245 : memref<512xi32, #tpu.memory_space<vmem>>) semaphore(%arg20 : memref<!tpu.dma_semaphore, #tpu.memory_space<semaphore_mem>>)
      %mul3A_249 = arith.constant 512 : i32
      %mul3A_250 = arith.muli %mul3A_240, %mul3A_249 : i32
      %dma_wait3A_251 = tpu.memref_slice %arg7[%mul3A_250] : memref<20480xi32, #tpu.memory_space<vmem>> -> memref<512xi32, #tpu.memory_space<vmem>>
      %dma_wait3A_252 = arith.constant 0 : i32
      %dma_wait3A_253 = arith.constant 0 : i32
      %dma_wait3A_254 = tpu.memref_slice %arg5[%dma_wait3A_252, %dma_wait3A_253] : memref<10016x8xf32, #tpu.memory_space<vmem_shared>> -> memref<10016x8xf32, #tpu.memory_space<vmem_shared>>
      tpu.wait_indirect_dma semaphore(%arg19 : memref<!tpu.dma_semaphore, #tpu.memory_space<semaphore_mem>>) src(%dma_wait3A_254 : memref<10016x8xf32, #tpu.memory_space<vmem_shared>>) dst(%arg9 : memref<512x8xf32, #tpu.memory_space<vmem>>)
      %mul3A_255 = arith.constant 512 : i32
      %mul3A_256 = arith.muli %mul3A_240, %mul3A_255 : i32
      "tpu.region"() ({
        %run_scoped3A = tpu.sem_alloc : memref<!tpu.dma_semaphore, #tpu.memory_space<semaphore_mem>>
        %dma_start3A_274 = tpu.memref_slice %arg8[%mul3A_256] : memref<20480xi32, #tpu.memory_space<vmem>> -> memref<512xi32, #tpu.memory_space<vmem>>
        %dma_start3A_275 = arith.constant 0 : i32
        %dma_start3A_276 = arith.constant 0 : i32
        %dma_start3A_277 = tpu.memref_slice %arg6[%dma_start3A_275, %dma_start3A_276] : memref<10016x8xf32, #tpu.memory_space<vmem_shared>> -> memref<10016x8xf32, #tpu.memory_space<vmem_shared>>
        tpu.enqueue_indirect_dma source(%arg9 : memref<512x8xf32, #tpu.memory_space<vmem>>) target(%dma_start3A_277 : memref<10016x8xf32, #tpu.memory_space<vmem_shared>>) offsets(%dma_start3A_274 : memref<512xi32, #tpu.memory_space<vmem>>) semaphore(%run_scoped3A : memref<!tpu.dma_semaphore, #tpu.memory_space<semaphore_mem>>) {add = true}
        %dma_wait3A_278 = tpu.memref_slice %arg8[%mul3A_256] : memref<20480xi32, #tpu.memory_space<vmem>> -> memref<512xi32, #tpu.memory_space<vmem>>
        %dma_wait3A_279 = arith.constant 0 : i32
        %dma_wait3A_280 = arith.constant 0 : i32
        %dma_wait3A_281 = tpu.memref_slice %arg6[%dma_wait3A_279, %dma_wait3A_280] : memref<10016x8xf32, #tpu.memory_space<vmem_shared>> -> memref<10016x8xf32, #tpu.memory_space<vmem_shared>>
        tpu.wait_indirect_dma semaphore(%run_scoped3A : memref<!tpu.dma_semaphore, #tpu.memory_space<semaphore_mem>>) src(%arg9 : memref<512x8xf32, #tpu.memory_space<vmem>>) dst(%dma_wait3A_281 : memref<10016x8xf32, #tpu.memory_space<vmem_shared>>)
        tpu.yield
      }) : () -> ()
      %add3A_257 = arith.constant 2 : i32
      %add3A_258 = arith.addi %mul3A_240, %add3A_257 : i32
      %lt3A = arith.constant 40 : i32
      %lt3A_259 = arith.cmpi slt, %add3A_258, %lt3A : i32
      %convert_element_type3A = arith.extui %lt3A_259 : i1 to i32
      %cond3A = arith.constant 0 : i32
      %cond3A_260 = arith.cmpi ne, %convert_element_type3A, %cond3A : i32
      scf.if %cond3A_260 {
        %add3A_274 = arith.constant 2 : i32
        %add3A_275 = arith.addi %mul3A_240, %add3A_274 : i32
        %mul3A_276 = arith.constant 512 : i32
        %mul3A_277 = arith.muli %add3A_275, %mul3A_276 : i32
        %dma_start3A_278 = tpu.memref_slice %arg7[%mul3A_277] : memref<20480xi32, #tpu.memory_space<vmem>> -> memref<512xi32, #tpu.memory_space<vmem>>
        %dma_start3A_279 = arith.constant 0 : i32
        %dma_start3A_280 = arith.constant 0 : i32
        %dma_start3A_281 = tpu.memref_slice %arg5[%dma_start3A_279, %dma_start3A_280] : memref<10016x8xf32, #tpu.memory_space<vmem_shared>> -> memref<10016x8xf32, #tpu.memory_space<vmem_shared>>
        tpu.enqueue_indirect_dma source(%dma_start3A_281 : memref<10016x8xf32, #tpu.memory_space<vmem_shared>>) target(%arg9 : memref<512x8xf32, #tpu.memory_space<vmem>>) offsets(%dma_start3A_278 : memref<512xi32, #tpu.memory_space<vmem>>) semaphore(%arg19 : memref<!tpu.dma_semaphore, #tpu.memory_space<semaphore_mem>>)
      } else {
      }
      %add3A_261 = arith.constant 1 : i32
      %add3A_262 = arith.addi %mul3A_240, %add3A_261 : i32
      %mul3A_263 = arith.constant 512 : i32
      %mul3A_264 = arith.muli %add3A_262, %mul3A_263 : i32
      %dma_wait3A_265 = tpu.memref_slice %arg7[%mul3A_264] : memref<20480xi32, #tpu.memory_space<vmem>> -> memref<512xi32, #tpu.memory_space<vmem>>
      %dma_wait3A_266 = arith.constant 0 : i32
      %dma_wait3A_267 = arith.constant 0 : i32
      %dma_wait3A_268 = tpu.memref_slice %arg5[%dma_wait3A_266, %dma_wait3A_267] : memref<10016x8xf32, #tpu.memory_space<vmem_shared>> -> memref<10016x8xf32, #tpu.memory_space<vmem_shared>>
      tpu.wait_indirect_dma semaphore(%arg20 : memref<!tpu.dma_semaphore, #tpu.memory_space<semaphore_mem>>) src(%dma_wait3A_268 : memref<10016x8xf32, #tpu.memory_space<vmem_shared>>) dst(%arg10 : memref<512x8xf32, #tpu.memory_space<vmem>>)
      %add3A_269 = arith.constant 1 : i32
      %add3A_270 = arith.addi %mul3A_240, %add3A_269 : i32
      %mul3A_271 = arith.constant 512 : i32
      %mul3A_272 = arith.muli %add3A_270, %mul3A_271 : i32
      "tpu.region"() ({
        %run_scoped3A = tpu.sem_alloc : memref<!tpu.dma_semaphore, #tpu.memory_space<semaphore_mem>>
        %dma_start3A_274 = tpu.memref_slice %arg8[%mul3A_272] : memref<20480xi32, #tpu.memory_space<vmem>> -> memref<512xi32, #tpu.memory_space<vmem>>
        %dma_start3A_275 = arith.constant 0 : i32
        %dma_start3A_276 = arith.constant 0 : i32
        %dma_start3A_277 = tpu.memref_slice %arg6[%dma_start3A_275, %dma_start3A_276] : memref<10016x8xf32, #tpu.memory_space<vmem_shared>> -> memref<10016x8xf32, #tpu.memory_space<vmem_shared>>
        tpu.enqueue_indirect_dma source(%arg10 : memref<512x8xf32, #tpu.memory_space<vmem>>) target(%dma_start3A_277 : memref<10016x8xf32, #tpu.memory_space<vmem_shared>>) offsets(%dma_start3A_274 : memref<512xi32, #tpu.memory_space<vmem>>) semaphore(%run_scoped3A : memref<!tpu.dma_semaphore, #tpu.memory_space<semaphore_mem>>) {add = true}
        %dma_wait3A_278 = tpu.memref_slice %arg8[%mul3A_272] : memref<20480xi32, #tpu.memory_space<vmem>> -> memref<512xi32, #tpu.memory_space<vmem>>
        %dma_wait3A_279 = arith.constant 0 : i32
        %dma_wait3A_280 = arith.constant 0 : i32
        %dma_wait3A_281 = tpu.memref_slice %arg6[%dma_wait3A_279, %dma_wait3A_280] : memref<10016x8xf32, #tpu.memory_space<vmem_shared>> -> memref<10016x8xf32, #tpu.memory_space<vmem_shared>>
        tpu.wait_indirect_dma semaphore(%run_scoped3A : memref<!tpu.dma_semaphore, #tpu.memory_space<semaphore_mem>>) src(%arg10 : memref<512x8xf32, #tpu.memory_space<vmem>>) dst(%dma_wait3A_281 : memref<10016x8xf32, #tpu.memory_space<vmem_shared>>)
        tpu.yield
      }) : () -> ()
      %scan3A_273 = arith.constant 0 : i32
      scf.yield %scan3A_273 : i32
    }
    %scan3A_142 = arith.constant 20 : i32
    %barrier3A_143 = arith.constant 0 : index
    tpu.barrier barrier_id(%barrier3A_143)
    "tpu.region"() ({
      %run_scoped3A = tpu.sem_alloc : memref<!tpu.dma_semaphore, #tpu.memory_space<semaphore_mem>>
      %dma_start3A_237 = arith.constant 0 : i32
      %dma_start3A_238 = tpu.memref_slice %arg6[%mul3A_0, %dma_start3A_237] : memref<10016x8xf32, #tpu.memory_space<vmem_shared>> -> memref<626x8xf32, #tpu.memory_space<vmem_shared>>
      %dma_start3A_239 = arith.constant 0 : i32
      %dma_start3A_240 = tpu.memref_slice %arg6[%mul3A_0, %dma_start3A_239] : memref<10016x8xf32, #tpu.memory_space<vmem_shared>> -> memref<626x8xf32, #tpu.memory_space<vmem_shared>>
      tpu.enqueue_dma source(%dma_start3A_240 : memref<626x8xf32, #tpu.memory_space<vmem_shared>>) target(%arg14 : memref<626x8xf32, #tpu.memory_space<vmem>>) target_semaphore(%run_scoped3A : memref<!tpu.dma_semaphore, #tpu.memory_space<semaphore_mem>>)
      %dma_wait3A_241 = arith.constant 0 : i32
      %dma_wait3A_242 = tpu.memref_slice %arg6[%mul3A_0, %dma_wait3A_241] : memref<10016x8xf32, #tpu.memory_space<vmem_shared>> -> memref<626x8xf32, #tpu.memory_space<vmem_shared>>
      %dma_wait3A_243 = arith.constant 0 : i32
      %dma_wait3A_244 = tpu.memref_slice %arg6[%mul3A_0, %dma_wait3A_243] : memref<10016x8xf32, #tpu.memory_space<vmem_shared>> -> memref<626x8xf32, #tpu.memory_space<vmem_shared>>
      tpu.wait_dma2 semaphore(%run_scoped3A : memref<!tpu.dma_semaphore, #tpu.memory_space<semaphore_mem>>) src(%dma_wait3A_244 : memref<626x8xf32, #tpu.memory_space<vmem_shared>>) dst(%arg14 : memref<626x8xf32, #tpu.memory_space<vmem>>)
      tpu.yield
    }) : () -> ()
    "tpu.region"() ({
      %run_scoped3A = tpu.sem_alloc : memref<!tpu.dma_semaphore, #tpu.memory_space<semaphore_mem>>
      %dma_start3A_237 = arith.constant 0 : i32
      %dma_start3A_238 = tpu.memref_slice %arg5[%mul3A_0, %dma_start3A_237] : memref<10016x8xf32, #tpu.memory_space<vmem_shared>> -> memref<626x8xf32, #tpu.memory_space<vmem_shared>>
      %dma_start3A_239 = arith.constant 0 : i32
      %dma_start3A_240 = tpu.memref_slice %arg5[%mul3A_0, %dma_start3A_239] : memref<10016x8xf32, #tpu.memory_space<vmem_shared>> -> memref<626x8xf32, #tpu.memory_space<vmem_shared>>
      tpu.enqueue_dma source(%dma_start3A_240 : memref<626x8xf32, #tpu.memory_space<vmem_shared>>) target(%arg15 : memref<626x8xf32, #tpu.memory_space<vmem>>) target_semaphore(%run_scoped3A : memref<!tpu.dma_semaphore, #tpu.memory_space<semaphore_mem>>)
      %dma_wait3A_241 = arith.constant 0 : i32
      %dma_wait3A_242 = tpu.memref_slice %arg5[%mul3A_0, %dma_wait3A_241] : memref<10016x8xf32, #tpu.memory_space<vmem_shared>> -> memref<626x8xf32, #tpu.memory_space<vmem_shared>>
      %dma_wait3A_243 = arith.constant 0 : i32
      %dma_wait3A_244 = tpu.memref_slice %arg5[%mul3A_0, %dma_wait3A_243] : memref<10016x8xf32, #tpu.memory_space<vmem_shared>> -> memref<626x8xf32, #tpu.memory_space<vmem_shared>>
      tpu.wait_dma2 semaphore(%run_scoped3A : memref<!tpu.dma_semaphore, #tpu.memory_space<semaphore_mem>>) src(%dma_wait3A_244 : memref<626x8xf32, #tpu.memory_space<vmem_shared>>) dst(%arg15 : memref<626x8xf32, #tpu.memory_space<vmem>>)
      tpu.yield
    }) : () -> ()
    "tpu.region"() ({
      %run_scoped3A = tpu.sem_alloc : memref<!tpu.dma_semaphore, #tpu.memory_space<semaphore_mem>>
      %dma_start3A_237 = arith.constant 0 : i32
      %dma_start3A_238 = tpu.memref_slice %arg6[%mul3A_0, %dma_start3A_237] : memref<10016x8xf32, #tpu.memory_space<vmem_shared>> -> memref<626x8xf32, #tpu.memory_space<vmem_shared>>
      %dma_start3A_239 = arith.constant 0 : i32
      %dma_start3A_240 = tpu.memref_slice %arg6[%mul3A_0, %dma_start3A_239] : memref<10016x8xf32, #tpu.memory_space<vmem_shared>> -> memref<626x8xf32, #tpu.memory_space<vmem_shared>>
      tpu.enqueue_dma source(%arg12 : memref<626x8xf32, #tpu.memory_space<vmem>>) target(%dma_start3A_240 : memref<626x8xf32, #tpu.memory_space<vmem_shared>>) target_semaphore(%run_scoped3A : memref<!tpu.dma_semaphore, #tpu.memory_space<semaphore_mem>>)
      %dma_wait3A_241 = arith.constant 0 : i32
      %dma_wait3A_242 = tpu.memref_slice %arg6[%mul3A_0, %dma_wait3A_241] : memref<10016x8xf32, #tpu.memory_space<vmem_shared>> -> memref<626x8xf32, #tpu.memory_space<vmem_shared>>
      %dma_wait3A_243 = arith.constant 0 : i32
      %dma_wait3A_244 = tpu.memref_slice %arg6[%mul3A_0, %dma_wait3A_243] : memref<10016x8xf32, #tpu.memory_space<vmem_shared>> -> memref<626x8xf32, #tpu.memory_space<vmem_shared>>
      tpu.wait_dma2 semaphore(%run_scoped3A : memref<!tpu.dma_semaphore, #tpu.memory_space<semaphore_mem>>) src(%arg12 : memref<626x8xf32, #tpu.memory_space<vmem>>) dst(%dma_wait3A_244 : memref<626x8xf32, #tpu.memory_space<vmem_shared>>)
      tpu.yield
    }) : () -> ()
    %parallel_loop3A_144 = arith.constant 0 : i32
    %parallel_loop3A_145 = arith.constant 313 : i32
    %parallel_loop3A_146 = arith.constant 1 : i32
    scf.for %parallel_loop3A_237 = %parallel_loop3A_144 to %parallel_loop3A_145 step %parallel_loop3A_146  : i32 {
      %parallel_loop3A_238 = arith.constant 2 : i32
      %parallel_loop3A_239 = arith.muli %parallel_loop3A_238, %parallel_loop3A_237 : i32
      %parallel_loop3A_240 = vector.broadcast %parallel_loop3A_239 : i32 to vector<16xi32>
      %parallel_loop3A_241 = arith.addi %shift_right_logical3A_7, %parallel_loop3A_240 : vector<16xi32>
      %parallel_loop3A_242 = tpu.vector_load_idx %arg14[%parallel_loop3A_241, %and3A_2] : memref<626x8xf32, #tpu.memory_space<vmem>>[vector<16xi32>, vector<16xi32>], vector<16xf32>,
      %parallel_loop3A_243 = arith.constant 2 : i32
      %parallel_loop3A_244 = arith.muli %parallel_loop3A_243, %parallel_loop3A_237 : i32
      %parallel_loop3A_245 = vector.broadcast %parallel_loop3A_244 : i32 to vector<16xi32>
      %parallel_loop3A_246 = arith.addi %shift_right_logical3A_7, %parallel_loop3A_245 : vector<16xi32>
      %parallel_loop3A_247 = tpu.vector_load_idx %arg15[%parallel_loop3A_246, %and3A_2] : memref<626x8xf32, #tpu.memory_space<vmem>>[vector<16xi32>, vector<16xi32>], vector<16xf32>,
      %parallel_loop3A_248 = arith.addf %parallel_loop3A_242, %parallel_loop3A_247 : vector<16xf32>
      %parallel_loop3A_249 = arith.index_cast %parallel_loop3A_237 : i32 to index
      %parallel_loop3A_250 = arith.constant 0 : index
      %parallel_loop3A_251 = tpu.vector_load %arg17[%parallel_loop3A_249, %parallel_loop3A_250] {strides = array<i32>} : memref<313x16xf32, #tpu.memory_space<vmem>>, vector<16xf32>,
      %parallel_loop3A_252 = arith.mulf %parallel_loop3A_251, %parallel_loop3A_248 : vector<16xf32>
      %parallel_loop3A_253 = arith.index_cast %parallel_loop3A_237 : i32 to index
      %parallel_loop3A_254 = arith.constant 0 : index
      %parallel_loop3A_255 = tpu.vector_load %arg18[%parallel_loop3A_253, %parallel_loop3A_254] {strides = array<i32>} : memref<313x16xf32, #tpu.memory_space<vmem>>, vector<16xf32>,
      %parallel_loop3A_256 = arith.addf %parallel_loop3A_252, %parallel_loop3A_255 : vector<16xf32>
      %parallel_loop3A_257 = arith.constant 2 : i32
      %parallel_loop3A_258 = arith.muli %parallel_loop3A_257, %parallel_loop3A_237 : i32
      %parallel_loop3A_259 = vector.broadcast %parallel_loop3A_258 : i32 to vector<16xi32>
      %parallel_loop3A_260 = arith.addi %shift_right_logical3A_7, %parallel_loop3A_259 : vector<16xi32>
      tpu.vector_store_idx %arg14[%parallel_loop3A_260, %and3A_2], %parallel_loop3A_256 : memref<626x8xf32, #tpu.memory_space<vmem>>[vector<16xi32>, vector<16xi32>], vector<16xf32>,
    } {sc.loop_unroll_factor = 4 : i64, sc.parallel_access}
    "tpu.region"() ({
      %run_scoped3A = tpu.sem_alloc : memref<!tpu.dma_semaphore, #tpu.memory_space<semaphore_mem>>
      %dma_start3A_237 = arith.constant 0 : i32
      %dma_start3A_238 = tpu.memref_slice %arg5[%mul3A_0, %dma_start3A_237] : memref<10016x8xf32, #tpu.memory_space<vmem_shared>> -> memref<626x8xf32, #tpu.memory_space<vmem_shared>>
      %dma_start3A_239 = arith.constant 0 : i32
      %dma_start3A_240 = tpu.memref_slice %arg5[%mul3A_0, %dma_start3A_239] : memref<10016x8xf32, #tpu.memory_space<vmem_shared>> -> memref<626x8xf32, #tpu.memory_space<vmem_shared>>
      tpu.enqueue_dma source(%arg14 : memref<626x8xf32, #tpu.memory_space<vmem>>) target(%dma_start3A_240 : memref<626x8xf32, #tpu.memory_space<vmem_shared>>) target_semaphore(%run_scoped3A : memref<!tpu.dma_semaphore, #tpu.memory_space<semaphore_mem>>)
      %dma_wait3A_241 = arith.constant 0 : i32
      %dma_wait3A_242 = tpu.memref_slice %arg5[%mul3A_0, %dma_wait3A_241] : memref<10016x8xf32, #tpu.memory_space<vmem_shared>> -> memref<626x8xf32, #tpu.memory_space<vmem_shared>>
      %dma_wait3A_243 = arith.constant 0 : i32
      %dma_wait3A_244 = tpu.memref_slice %arg5[%mul3A_0, %dma_wait3A_243] : memref<10016x8xf32, #tpu.memory_space<vmem_shared>> -> memref<626x8xf32, #tpu.memory_space<vmem_shared>>
      tpu.wait_dma2 semaphore(%run_scoped3A : memref<!tpu.dma_semaphore, #tpu.memory_space<semaphore_mem>>) src(%arg14 : memref<626x8xf32, #tpu.memory_space<vmem>>) dst(%dma_wait3A_244 : memref<626x8xf32, #tpu.memory_space<vmem_shared>>)
      tpu.yield
    }) : () -> ()
    %barrier3A_147 = arith.constant 0 : index
    tpu.barrier barrier_id(%barrier3A_147)
    %dma_start3A_148 = arith.constant 0 : i32
    %dma_start3A_149 = tpu.memref_slice %arg7[%dma_start3A_148] : memref<20480xi32, #tpu.memory_space<vmem>> -> memref<512xi32, #tpu.memory_space<vmem>>
    %dma_start3A_150 = arith.constant 0 : i32
    %dma_start3A_151 = arith.constant 0 : i32
    %dma_start3A_152 = tpu.memref_slice %arg5[%dma_start3A_150, %dma_start3A_151] : memref<10016x8xf32, #tpu.memory_space<vmem_shared>> -> memref<10016x8xf32, #tpu.memory_space<vmem_shared>>
    tpu.enqueue_indirect_dma source(%dma_start3A_152 : memref<10016x8xf32, #tpu.memory_space<vmem_shared>>) target(%arg9 : memref<512x8xf32, #tpu.memory_space<vmem>>) offsets(%dma_start3A_149 : memref<512xi32, #tpu.memory_space<vmem>>) semaphore(%arg19 : memref<!tpu.dma_semaphore, #tpu.memory_space<semaphore_mem>>)
    %scan3A_153 = arith.constant 0 : i32
    %scan3A_154 = arith.constant 0 : i32
    %scan3A_155 = arith.constant 20 : i32
    %scan3A_156 = arith.addi %scan3A_154, %scan3A_155 : i32
    %scan3A_157 = arith.constant 1 : i32
    %scan3A_158 = scf.for %scan3A_237 = %scan3A_154 to %scan3A_156 step %scan3A_157 iter_args(%scan3A_238 = %scan3A_153) -> (i32)  : i32 {
      %mul3A_239 = arith.constant 2 : i32
      %mul3A_240 = arith.muli %mul3A_239, %scan3A_237 : i32
      %add3A_241 = arith.constant 1 : i32
      %add3A_242 = arith.addi %mul3A_240, %add3A_241 : i32
      %mul3A_243 = arith.constant 512 : i32
      %mul3A_244 = arith.muli %add3A_242, %mul3A_243 : i32
      %dma_start3A_245 = tpu.memref_slice %arg7[%mul3A_244] : memref<20480xi32, #tpu.memory_space<vmem>> -> memref<512xi32, #tpu.memory_space<vmem>>
      %dma_start3A_246 = arith.constant 0 : i32
      %dma_start3A_247 = arith.constant 0 : i32
      %dma_start3A_248 = tpu.memref_slice %arg5[%dma_start3A_246, %dma_start3A_247] : memref<10016x8xf32, #tpu.memory_space<vmem_shared>> -> memref<10016x8xf32, #tpu.memory_space<vmem_shared>>
      tpu.enqueue_indirect_dma source(%dma_start3A_248 : memref<10016x8xf32, #tpu.memory_space<vmem_shared>>) target(%arg10 : memref<512x8xf32, #tpu.memory_space<vmem>>) offsets(%dma_start3A_245 : memref<512xi32, #tpu.memory_space<vmem>>) semaphore(%arg20 : memref<!tpu.dma_semaphore, #tpu.memory_space<semaphore_mem>>)
      %mul3A_249 = arith.constant 512 : i32
      %mul3A_250 = arith.muli %mul3A_240, %mul3A_249 : i32
      %dma_wait3A_251 = tpu.memref_slice %arg7[%mul3A_250] : memref<20480xi32, #tpu.memory_space<vmem>> -> memref<512xi32, #tpu.memory_space<vmem>>
      %dma_wait3A_252 = arith.constant 0 : i32
      %dma_wait3A_253 = arith.constant 0 : i32
      %dma_wait3A_254 = tpu.memref_slice %arg5[%dma_wait3A_252, %dma_wait3A_253] : memref<10016x8xf32, #tpu.memory_space<vmem_shared>> -> memref<10016x8xf32, #tpu.memory_space<vmem_shared>>
      tpu.wait_indirect_dma semaphore(%arg19 : memref<!tpu.dma_semaphore, #tpu.memory_space<semaphore_mem>>) src(%dma_wait3A_254 : memref<10016x8xf32, #tpu.memory_space<vmem_shared>>) dst(%arg9 : memref<512x8xf32, #tpu.memory_space<vmem>>)
      %mul3A_255 = arith.constant 512 : i32
      %mul3A_256 = arith.muli %mul3A_240, %mul3A_255 : i32
      "tpu.region"() ({
        %run_scoped3A = tpu.sem_alloc : memref<!tpu.dma_semaphore, #tpu.memory_space<semaphore_mem>>
        %dma_start3A_274 = tpu.memref_slice %arg8[%mul3A_256] : memref<20480xi32, #tpu.memory_space<vmem>> -> memref<512xi32, #tpu.memory_space<vmem>>
        %dma_start3A_275 = arith.constant 0 : i32
        %dma_start3A_276 = arith.constant 0 : i32
        %dma_start3A_277 = tpu.memref_slice %arg6[%dma_start3A_275, %dma_start3A_276] : memref<10016x8xf32, #tpu.memory_space<vmem_shared>> -> memref<10016x8xf32, #tpu.memory_space<vmem_shared>>
        tpu.enqueue_indirect_dma source(%arg9 : memref<512x8xf32, #tpu.memory_space<vmem>>) target(%dma_start3A_277 : memref<10016x8xf32, #tpu.memory_space<vmem_shared>>) offsets(%dma_start3A_274 : memref<512xi32, #tpu.memory_space<vmem>>) semaphore(%run_scoped3A : memref<!tpu.dma_semaphore, #tpu.memory_space<semaphore_mem>>) {add = true}
        %dma_wait3A_278 = tpu.memref_slice %arg8[%mul3A_256] : memref<20480xi32, #tpu.memory_space<vmem>> -> memref<512xi32, #tpu.memory_space<vmem>>
        %dma_wait3A_279 = arith.constant 0 : i32
        %dma_wait3A_280 = arith.constant 0 : i32
        %dma_wait3A_281 = tpu.memref_slice %arg6[%dma_wait3A_279, %dma_wait3A_280] : memref<10016x8xf32, #tpu.memory_space<vmem_shared>> -> memref<10016x8xf32, #tpu.memory_space<vmem_shared>>
        tpu.wait_indirect_dma semaphore(%run_scoped3A : memref<!tpu.dma_semaphore, #tpu.memory_space<semaphore_mem>>) src(%arg9 : memref<512x8xf32, #tpu.memory_space<vmem>>) dst(%dma_wait3A_281 : memref<10016x8xf32, #tpu.memory_space<vmem_shared>>)
        tpu.yield
      }) : () -> ()
      %add3A_257 = arith.constant 2 : i32
      %add3A_258 = arith.addi %mul3A_240, %add3A_257 : i32
      %lt3A = arith.constant 40 : i32
      %lt3A_259 = arith.cmpi slt, %add3A_258, %lt3A : i32
      %convert_element_type3A = arith.extui %lt3A_259 : i1 to i32
      %cond3A = arith.constant 0 : i32
      %cond3A_260 = arith.cmpi ne, %convert_element_type3A, %cond3A : i32
      scf.if %cond3A_260 {
        %add3A_274 = arith.constant 2 : i32
        %add3A_275 = arith.addi %mul3A_240, %add3A_274 : i32
        %mul3A_276 = arith.constant 512 : i32
        %mul3A_277 = arith.muli %add3A_275, %mul3A_276 : i32
        %dma_start3A_278 = tpu.memref_slice %arg7[%mul3A_277] : memref<20480xi32, #tpu.memory_space<vmem>> -> memref<512xi32, #tpu.memory_space<vmem>>
        %dma_start3A_279 = arith.constant 0 : i32
        %dma_start3A_280 = arith.constant 0 : i32
        %dma_start3A_281 = tpu.memref_slice %arg5[%dma_start3A_279, %dma_start3A_280] : memref<10016x8xf32, #tpu.memory_space<vmem_shared>> -> memref<10016x8xf32, #tpu.memory_space<vmem_shared>>
        tpu.enqueue_indirect_dma source(%dma_start3A_281 : memref<10016x8xf32, #tpu.memory_space<vmem_shared>>) target(%arg9 : memref<512x8xf32, #tpu.memory_space<vmem>>) offsets(%dma_start3A_278 : memref<512xi32, #tpu.memory_space<vmem>>) semaphore(%arg19 : memref<!tpu.dma_semaphore, #tpu.memory_space<semaphore_mem>>)
      } else {
      }
      %add3A_261 = arith.constant 1 : i32
      %add3A_262 = arith.addi %mul3A_240, %add3A_261 : i32
      %mul3A_263 = arith.constant 512 : i32
      %mul3A_264 = arith.muli %add3A_262, %mul3A_263 : i32
      %dma_wait3A_265 = tpu.memref_slice %arg7[%mul3A_264] : memref<20480xi32, #tpu.memory_space<vmem>> -> memref<512xi32, #tpu.memory_space<vmem>>
      %dma_wait3A_266 = arith.constant 0 : i32
      %dma_wait3A_267 = arith.constant 0 : i32
      %dma_wait3A_268 = tpu.memref_slice %arg5[%dma_wait3A_266, %dma_wait3A_267] : memref<10016x8xf32, #tpu.memory_space<vmem_shared>> -> memref<10016x8xf32, #tpu.memory_space<vmem_shared>>
      tpu.wait_indirect_dma semaphore(%arg20 : memref<!tpu.dma_semaphore, #tpu.memory_space<semaphore_mem>>) src(%dma_wait3A_268 : memref<10016x8xf32, #tpu.memory_space<vmem_shared>>) dst(%arg10 : memref<512x8xf32, #tpu.memory_space<vmem>>)
      %add3A_269 = arith.constant 1 : i32
      %add3A_270 = arith.addi %mul3A_240, %add3A_269 : i32
      %mul3A_271 = arith.constant 512 : i32
      %mul3A_272 = arith.muli %add3A_270, %mul3A_271 : i32
      "tpu.region"() ({
        %run_scoped3A = tpu.sem_alloc : memref<!tpu.dma_semaphore, #tpu.memory_space<semaphore_mem>>
        %dma_start3A_274 = tpu.memref_slice %arg8[%mul3A_272] : memref<20480xi32, #tpu.memory_space<vmem>> -> memref<512xi32, #tpu.memory_space<vmem>>
        %dma_start3A_275 = arith.constant 0 : i32
        %dma_start3A_276 = arith.constant 0 : i32
        %dma_start3A_277 = tpu.memref_slice %arg6[%dma_start3A_275, %dma_start3A_276] : memref<10016x8xf32, #tpu.memory_space<vmem_shared>> -> memref<10016x8xf32, #tpu.memory_space<vmem_shared>>
        tpu.enqueue_indirect_dma source(%arg10 : memref<512x8xf32, #tpu.memory_space<vmem>>) target(%dma_start3A_277 : memref<10016x8xf32, #tpu.memory_space<vmem_shared>>) offsets(%dma_start3A_274 : memref<512xi32, #tpu.memory_space<vmem>>) semaphore(%run_scoped3A : memref<!tpu.dma_semaphore, #tpu.memory_space<semaphore_mem>>) {add = true}
        %dma_wait3A_278 = tpu.memref_slice %arg8[%mul3A_272] : memref<20480xi32, #tpu.memory_space<vmem>> -> memref<512xi32, #tpu.memory_space<vmem>>
        %dma_wait3A_279 = arith.constant 0 : i32
        %dma_wait3A_280 = arith.constant 0 : i32
        %dma_wait3A_281 = tpu.memref_slice %arg6[%dma_wait3A_279, %dma_wait3A_280] : memref<10016x8xf32, #tpu.memory_space<vmem_shared>> -> memref<10016x8xf32, #tpu.memory_space<vmem_shared>>
        tpu.wait_indirect_dma semaphore(%run_scoped3A : memref<!tpu.dma_semaphore, #tpu.memory_space<semaphore_mem>>) src(%arg10 : memref<512x8xf32, #tpu.memory_space<vmem>>) dst(%dma_wait3A_281 : memref<10016x8xf32, #tpu.memory_space<vmem_shared>>)
        tpu.yield
      }) : () -> ()
      %scan3A_273 = arith.constant 0 : i32
      scf.yield %scan3A_273 : i32
    }
    %scan3A_159 = arith.constant 20 : i32
    %barrier3A_160 = arith.constant 0 : index
    tpu.barrier barrier_id(%barrier3A_160)
    "tpu.region"() ({
      %run_scoped3A = tpu.sem_alloc : memref<!tpu.dma_semaphore, #tpu.memory_space<semaphore_mem>>
      %dma_start3A_237 = arith.constant 0 : i32
      %dma_start3A_238 = tpu.memref_slice %arg6[%mul3A_0, %dma_start3A_237] : memref<10016x8xf32, #tpu.memory_space<vmem_shared>> -> memref<626x8xf32, #tpu.memory_space<vmem_shared>>
      %dma_start3A_239 = arith.constant 0 : i32
      %dma_start3A_240 = tpu.memref_slice %arg6[%mul3A_0, %dma_start3A_239] : memref<10016x8xf32, #tpu.memory_space<vmem_shared>> -> memref<626x8xf32, #tpu.memory_space<vmem_shared>>
      tpu.enqueue_dma source(%dma_start3A_240 : memref<626x8xf32, #tpu.memory_space<vmem_shared>>) target(%arg14 : memref<626x8xf32, #tpu.memory_space<vmem>>) target_semaphore(%run_scoped3A : memref<!tpu.dma_semaphore, #tpu.memory_space<semaphore_mem>>)
      %dma_wait3A_241 = arith.constant 0 : i32
      %dma_wait3A_242 = tpu.memref_slice %arg6[%mul3A_0, %dma_wait3A_241] : memref<10016x8xf32, #tpu.memory_space<vmem_shared>> -> memref<626x8xf32, #tpu.memory_space<vmem_shared>>
      %dma_wait3A_243 = arith.constant 0 : i32
      %dma_wait3A_244 = tpu.memref_slice %arg6[%mul3A_0, %dma_wait3A_243] : memref<10016x8xf32, #tpu.memory_space<vmem_shared>> -> memref<626x8xf32, #tpu.memory_space<vmem_shared>>
      tpu.wait_dma2 semaphore(%run_scoped3A : memref<!tpu.dma_semaphore, #tpu.memory_space<semaphore_mem>>) src(%dma_wait3A_244 : memref<626x8xf32, #tpu.memory_space<vmem_shared>>) dst(%arg14 : memref<626x8xf32, #tpu.memory_space<vmem>>)
      tpu.yield
    }) : () -> ()
    "tpu.region"() ({
      %run_scoped3A = tpu.sem_alloc : memref<!tpu.dma_semaphore, #tpu.memory_space<semaphore_mem>>
      %dma_start3A_237 = arith.constant 0 : i32
      %dma_start3A_238 = tpu.memref_slice %arg5[%mul3A_0, %dma_start3A_237] : memref<10016x8xf32, #tpu.memory_space<vmem_shared>> -> memref<626x8xf32, #tpu.memory_space<vmem_shared>>
      %dma_start3A_239 = arith.constant 0 : i32
      %dma_start3A_240 = tpu.memref_slice %arg5[%mul3A_0, %dma_start3A_239] : memref<10016x8xf32, #tpu.memory_space<vmem_shared>> -> memref<626x8xf32, #tpu.memory_space<vmem_shared>>
      tpu.enqueue_dma source(%dma_start3A_240 : memref<626x8xf32, #tpu.memory_space<vmem_shared>>) target(%arg15 : memref<626x8xf32, #tpu.memory_space<vmem>>) target_semaphore(%run_scoped3A : memref<!tpu.dma_semaphore, #tpu.memory_space<semaphore_mem>>)
      %dma_wait3A_241 = arith.constant 0 : i32
      %dma_wait3A_242 = tpu.memref_slice %arg5[%mul3A_0, %dma_wait3A_241] : memref<10016x8xf32, #tpu.memory_space<vmem_shared>> -> memref<626x8xf32, #tpu.memory_space<vmem_shared>>
      %dma_wait3A_243 = arith.constant 0 : i32
      %dma_wait3A_244 = tpu.memref_slice %arg5[%mul3A_0, %dma_wait3A_243] : memref<10016x8xf32, #tpu.memory_space<vmem_shared>> -> memref<626x8xf32, #tpu.memory_space<vmem_shared>>
      tpu.wait_dma2 semaphore(%run_scoped3A : memref<!tpu.dma_semaphore, #tpu.memory_space<semaphore_mem>>) src(%dma_wait3A_244 : memref<626x8xf32, #tpu.memory_space<vmem_shared>>) dst(%arg15 : memref<626x8xf32, #tpu.memory_space<vmem>>)
      tpu.yield
    }) : () -> ()
    "tpu.region"() ({
      %run_scoped3A = tpu.sem_alloc : memref<!tpu.dma_semaphore, #tpu.memory_space<semaphore_mem>>
      %dma_start3A_237 = arith.constant 0 : i32
      %dma_start3A_238 = tpu.memref_slice %arg6[%mul3A_0, %dma_start3A_237] : memref<10016x8xf32, #tpu.memory_space<vmem_shared>> -> memref<626x8xf32, #tpu.memory_space<vmem_shared>>
      %dma_start3A_239 = arith.constant 0 : i32
      %dma_start3A_240 = tpu.memref_slice %arg6[%mul3A_0, %dma_start3A_239] : memref<10016x8xf32, #tpu.memory_space<vmem_shared>> -> memref<626x8xf32, #tpu.memory_space<vmem_shared>>
      tpu.enqueue_dma source(%arg12 : memref<626x8xf32, #tpu.memory_space<vmem>>) target(%dma_start3A_240 : memref<626x8xf32, #tpu.memory_space<vmem_shared>>) target_semaphore(%run_scoped3A : memref<!tpu.dma_semaphore, #tpu.memory_space<semaphore_mem>>)
      %dma_wait3A_241 = arith.constant 0 : i32
      %dma_wait3A_242 = tpu.memref_slice %arg6[%mul3A_0, %dma_wait3A_241] : memref<10016x8xf32, #tpu.memory_space<vmem_shared>> -> memref<626x8xf32, #tpu.memory_space<vmem_shared>>
      %dma_wait3A_243 = arith.constant 0 : i32
      %dma_wait3A_244 = tpu.memref_slice %arg6[%mul3A_0, %dma_wait3A_243] : memref<10016x8xf32, #tpu.memory_space<vmem_shared>> -> memref<626x8xf32, #tpu.memory_space<vmem_shared>>
      tpu.wait_dma2 semaphore(%run_scoped3A : memref<!tpu.dma_semaphore, #tpu.memory_space<semaphore_mem>>) src(%arg12 : memref<626x8xf32, #tpu.memory_space<vmem>>) dst(%dma_wait3A_244 : memref<626x8xf32, #tpu.memory_space<vmem_shared>>)
      tpu.yield
    }) : () -> ()
    %parallel_loop3A_161 = arith.constant 0 : i32
    %parallel_loop3A_162 = arith.constant 313 : i32
    %parallel_loop3A_163 = arith.constant 1 : i32
    scf.for %parallel_loop3A_237 = %parallel_loop3A_161 to %parallel_loop3A_162 step %parallel_loop3A_163  : i32 {
      %parallel_loop3A_238 = arith.constant 2 : i32
      %parallel_loop3A_239 = arith.muli %parallel_loop3A_238, %parallel_loop3A_237 : i32
      %parallel_loop3A_240 = vector.broadcast %parallel_loop3A_239 : i32 to vector<16xi32>
      %parallel_loop3A_241 = arith.addi %shift_right_logical3A_7, %parallel_loop3A_240 : vector<16xi32>
      %parallel_loop3A_242 = tpu.vector_load_idx %arg14[%parallel_loop3A_241, %and3A_2] : memref<626x8xf32, #tpu.memory_space<vmem>>[vector<16xi32>, vector<16xi32>], vector<16xf32>,
      %parallel_loop3A_243 = arith.constant 2 : i32
      %parallel_loop3A_244 = arith.muli %parallel_loop3A_243, %parallel_loop3A_237 : i32
      %parallel_loop3A_245 = vector.broadcast %parallel_loop3A_244 : i32 to vector<16xi32>
      %parallel_loop3A_246 = arith.addi %shift_right_logical3A_7, %parallel_loop3A_245 : vector<16xi32>
      %parallel_loop3A_247 = tpu.vector_load_idx %arg15[%parallel_loop3A_246, %and3A_2] : memref<626x8xf32, #tpu.memory_space<vmem>>[vector<16xi32>, vector<16xi32>], vector<16xf32>,
      %parallel_loop3A_248 = arith.addf %parallel_loop3A_242, %parallel_loop3A_247 : vector<16xf32>
      %parallel_loop3A_249 = arith.index_cast %parallel_loop3A_237 : i32 to index
      %parallel_loop3A_250 = arith.constant 0 : index
      %parallel_loop3A_251 = tpu.vector_load %arg17[%parallel_loop3A_249, %parallel_loop3A_250] {strides = array<i32>} : memref<313x16xf32, #tpu.memory_space<vmem>>, vector<16xf32>,
      %parallel_loop3A_252 = arith.mulf %parallel_loop3A_251, %parallel_loop3A_248 : vector<16xf32>
      %parallel_loop3A_253 = arith.index_cast %parallel_loop3A_237 : i32 to index
      %parallel_loop3A_254 = arith.constant 0 : index
      %parallel_loop3A_255 = tpu.vector_load %arg18[%parallel_loop3A_253, %parallel_loop3A_254] {strides = array<i32>} : memref<313x16xf32, #tpu.memory_space<vmem>>, vector<16xf32>,
      %parallel_loop3A_256 = arith.addf %parallel_loop3A_252, %parallel_loop3A_255 : vector<16xf32>
      %parallel_loop3A_257 = arith.constant 2 : i32
      %parallel_loop3A_258 = arith.muli %parallel_loop3A_257, %parallel_loop3A_237 : i32
      %parallel_loop3A_259 = vector.broadcast %parallel_loop3A_258 : i32 to vector<16xi32>
      %parallel_loop3A_260 = arith.addi %shift_right_logical3A_7, %parallel_loop3A_259 : vector<16xi32>
      tpu.vector_store_idx %arg14[%parallel_loop3A_260, %and3A_2], %parallel_loop3A_256 : memref<626x8xf32, #tpu.memory_space<vmem>>[vector<16xi32>, vector<16xi32>], vector<16xf32>,
    } {sc.loop_unroll_factor = 4 : i64, sc.parallel_access}
    "tpu.region"() ({
      %run_scoped3A = tpu.sem_alloc : memref<!tpu.dma_semaphore, #tpu.memory_space<semaphore_mem>>
      %dma_start3A_237 = arith.constant 0 : i32
      %dma_start3A_238 = tpu.memref_slice %arg5[%mul3A_0, %dma_start3A_237] : memref<10016x8xf32, #tpu.memory_space<vmem_shared>> -> memref<626x8xf32, #tpu.memory_space<vmem_shared>>
      %dma_start3A_239 = arith.constant 0 : i32
      %dma_start3A_240 = tpu.memref_slice %arg5[%mul3A_0, %dma_start3A_239] : memref<10016x8xf32, #tpu.memory_space<vmem_shared>> -> memref<626x8xf32, #tpu.memory_space<vmem_shared>>
      tpu.enqueue_dma source(%arg14 : memref<626x8xf32, #tpu.memory_space<vmem>>) target(%dma_start3A_240 : memref<626x8xf32, #tpu.memory_space<vmem_shared>>) target_semaphore(%run_scoped3A : memref<!tpu.dma_semaphore, #tpu.memory_space<semaphore_mem>>)
      %dma_wait3A_241 = arith.constant 0 : i32
      %dma_wait3A_242 = tpu.memref_slice %arg5[%mul3A_0, %dma_wait3A_241] : memref<10016x8xf32, #tpu.memory_space<vmem_shared>> -> memref<626x8xf32, #tpu.memory_space<vmem_shared>>
      %dma_wait3A_243 = arith.constant 0 : i32
      %dma_wait3A_244 = tpu.memref_slice %arg5[%mul3A_0, %dma_wait3A_243] : memref<10016x8xf32, #tpu.memory_space<vmem_shared>> -> memref<626x8xf32, #tpu.memory_space<vmem_shared>>
      tpu.wait_dma2 semaphore(%run_scoped3A : memref<!tpu.dma_semaphore, #tpu.memory_space<semaphore_mem>>) src(%arg14 : memref<626x8xf32, #tpu.memory_space<vmem>>) dst(%dma_wait3A_244 : memref<626x8xf32, #tpu.memory_space<vmem_shared>>)
      tpu.yield
    }) : () -> ()
    %barrier3A_164 = arith.constant 0 : index
    tpu.barrier barrier_id(%barrier3A_164)
    %dma_start3A_165 = arith.constant 0 : i32
    %dma_start3A_166 = tpu.memref_slice %arg7[%dma_start3A_165] : memref<20480xi32, #tpu.memory_space<vmem>> -> memref<512xi32, #tpu.memory_space<vmem>>
    %dma_start3A_167 = arith.constant 0 : i32
    %dma_start3A_168 = arith.constant 0 : i32
    %dma_start3A_169 = tpu.memref_slice %arg5[%dma_start3A_167, %dma_start3A_168] : memref<10016x8xf32, #tpu.memory_space<vmem_shared>> -> memref<10016x8xf32, #tpu.memory_space<vmem_shared>>
    tpu.enqueue_indirect_dma source(%dma_start3A_169 : memref<10016x8xf32, #tpu.memory_space<vmem_shared>>) target(%arg9 : memref<512x8xf32, #tpu.memory_space<vmem>>) offsets(%dma_start3A_166 : memref<512xi32, #tpu.memory_space<vmem>>) semaphore(%arg19 : memref<!tpu.dma_semaphore, #tpu.memory_space<semaphore_mem>>)
    %scan3A_170 = arith.constant 0 : i32
    %scan3A_171 = arith.constant 0 : i32
    %scan3A_172 = arith.constant 20 : i32
    %scan3A_173 = arith.addi %scan3A_171, %scan3A_172 : i32
    %scan3A_174 = arith.constant 1 : i32
    %scan3A_175 = scf.for %scan3A_237 = %scan3A_171 to %scan3A_173 step %scan3A_174 iter_args(%scan3A_238 = %scan3A_170) -> (i32)  : i32 {
      %mul3A_239 = arith.constant 2 : i32
      %mul3A_240 = arith.muli %mul3A_239, %scan3A_237 : i32
      %add3A_241 = arith.constant 1 : i32
      %add3A_242 = arith.addi %mul3A_240, %add3A_241 : i32
      %mul3A_243 = arith.constant 512 : i32
      %mul3A_244 = arith.muli %add3A_242, %mul3A_243 : i32
      %dma_start3A_245 = tpu.memref_slice %arg7[%mul3A_244] : memref<20480xi32, #tpu.memory_space<vmem>> -> memref<512xi32, #tpu.memory_space<vmem>>
      %dma_start3A_246 = arith.constant 0 : i32
      %dma_start3A_247 = arith.constant 0 : i32
      %dma_start3A_248 = tpu.memref_slice %arg5[%dma_start3A_246, %dma_start3A_247] : memref<10016x8xf32, #tpu.memory_space<vmem_shared>> -> memref<10016x8xf32, #tpu.memory_space<vmem_shared>>
      tpu.enqueue_indirect_dma source(%dma_start3A_248 : memref<10016x8xf32, #tpu.memory_space<vmem_shared>>) target(%arg10 : memref<512x8xf32, #tpu.memory_space<vmem>>) offsets(%dma_start3A_245 : memref<512xi32, #tpu.memory_space<vmem>>) semaphore(%arg20 : memref<!tpu.dma_semaphore, #tpu.memory_space<semaphore_mem>>)
      %mul3A_249 = arith.constant 512 : i32
      %mul3A_250 = arith.muli %mul3A_240, %mul3A_249 : i32
      %dma_wait3A_251 = tpu.memref_slice %arg7[%mul3A_250] : memref<20480xi32, #tpu.memory_space<vmem>> -> memref<512xi32, #tpu.memory_space<vmem>>
      %dma_wait3A_252 = arith.constant 0 : i32
      %dma_wait3A_253 = arith.constant 0 : i32
      %dma_wait3A_254 = tpu.memref_slice %arg5[%dma_wait3A_252, %dma_wait3A_253] : memref<10016x8xf32, #tpu.memory_space<vmem_shared>> -> memref<10016x8xf32, #tpu.memory_space<vmem_shared>>
      tpu.wait_indirect_dma semaphore(%arg19 : memref<!tpu.dma_semaphore, #tpu.memory_space<semaphore_mem>>) src(%dma_wait3A_254 : memref<10016x8xf32, #tpu.memory_space<vmem_shared>>) dst(%arg9 : memref<512x8xf32, #tpu.memory_space<vmem>>)
      %mul3A_255 = arith.constant 512 : i32
      %mul3A_256 = arith.muli %mul3A_240, %mul3A_255 : i32
      "tpu.region"() ({
        %run_scoped3A = tpu.sem_alloc : memref<!tpu.dma_semaphore, #tpu.memory_space<semaphore_mem>>
        %dma_start3A_274 = tpu.memref_slice %arg8[%mul3A_256] : memref<20480xi32, #tpu.memory_space<vmem>> -> memref<512xi32, #tpu.memory_space<vmem>>
        %dma_start3A_275 = arith.constant 0 : i32
        %dma_start3A_276 = arith.constant 0 : i32
        %dma_start3A_277 = tpu.memref_slice %arg6[%dma_start3A_275, %dma_start3A_276] : memref<10016x8xf32, #tpu.memory_space<vmem_shared>> -> memref<10016x8xf32, #tpu.memory_space<vmem_shared>>
        tpu.enqueue_indirect_dma source(%arg9 : memref<512x8xf32, #tpu.memory_space<vmem>>) target(%dma_start3A_277 : memref<10016x8xf32, #tpu.memory_space<vmem_shared>>) offsets(%dma_start3A_274 : memref<512xi32, #tpu.memory_space<vmem>>) semaphore(%run_scoped3A : memref<!tpu.dma_semaphore, #tpu.memory_space<semaphore_mem>>) {add = true}
        %dma_wait3A_278 = tpu.memref_slice %arg8[%mul3A_256] : memref<20480xi32, #tpu.memory_space<vmem>> -> memref<512xi32, #tpu.memory_space<vmem>>
        %dma_wait3A_279 = arith.constant 0 : i32
        %dma_wait3A_280 = arith.constant 0 : i32
        %dma_wait3A_281 = tpu.memref_slice %arg6[%dma_wait3A_279, %dma_wait3A_280] : memref<10016x8xf32, #tpu.memory_space<vmem_shared>> -> memref<10016x8xf32, #tpu.memory_space<vmem_shared>>
        tpu.wait_indirect_dma semaphore(%run_scoped3A : memref<!tpu.dma_semaphore, #tpu.memory_space<semaphore_mem>>) src(%arg9 : memref<512x8xf32, #tpu.memory_space<vmem>>) dst(%dma_wait3A_281 : memref<10016x8xf32, #tpu.memory_space<vmem_shared>>)
        tpu.yield
      }) : () -> ()
      %add3A_257 = arith.constant 2 : i32
      %add3A_258 = arith.addi %mul3A_240, %add3A_257 : i32
      %lt3A = arith.constant 40 : i32
      %lt3A_259 = arith.cmpi slt, %add3A_258, %lt3A : i32
      %convert_element_type3A = arith.extui %lt3A_259 : i1 to i32
      %cond3A = arith.constant 0 : i32
      %cond3A_260 = arith.cmpi ne, %convert_element_type3A, %cond3A : i32
      scf.if %cond3A_260 {
        %add3A_274 = arith.constant 2 : i32
        %add3A_275 = arith.addi %mul3A_240, %add3A_274 : i32
        %mul3A_276 = arith.constant 512 : i32
        %mul3A_277 = arith.muli %add3A_275, %mul3A_276 : i32
        %dma_start3A_278 = tpu.memref_slice %arg7[%mul3A_277] : memref<20480xi32, #tpu.memory_space<vmem>> -> memref<512xi32, #tpu.memory_space<vmem>>
        %dma_start3A_279 = arith.constant 0 : i32
        %dma_start3A_280 = arith.constant 0 : i32
        %dma_start3A_281 = tpu.memref_slice %arg5[%dma_start3A_279, %dma_start3A_280] : memref<10016x8xf32, #tpu.memory_space<vmem_shared>> -> memref<10016x8xf32, #tpu.memory_space<vmem_shared>>
        tpu.enqueue_indirect_dma source(%dma_start3A_281 : memref<10016x8xf32, #tpu.memory_space<vmem_shared>>) target(%arg9 : memref<512x8xf32, #tpu.memory_space<vmem>>) offsets(%dma_start3A_278 : memref<512xi32, #tpu.memory_space<vmem>>) semaphore(%arg19 : memref<!tpu.dma_semaphore, #tpu.memory_space<semaphore_mem>>)
      } else {
      }
      %add3A_261 = arith.constant 1 : i32
      %add3A_262 = arith.addi %mul3A_240, %add3A_261 : i32
      %mul3A_263 = arith.constant 512 : i32
      %mul3A_264 = arith.muli %add3A_262, %mul3A_263 : i32
      %dma_wait3A_265 = tpu.memref_slice %arg7[%mul3A_264] : memref<20480xi32, #tpu.memory_space<vmem>> -> memref<512xi32, #tpu.memory_space<vmem>>
      %dma_wait3A_266 = arith.constant 0 : i32
      %dma_wait3A_267 = arith.constant 0 : i32
      %dma_wait3A_268 = tpu.memref_slice %arg5[%dma_wait3A_266, %dma_wait3A_267] : memref<10016x8xf32, #tpu.memory_space<vmem_shared>> -> memref<10016x8xf32, #tpu.memory_space<vmem_shared>>
      tpu.wait_indirect_dma semaphore(%arg20 : memref<!tpu.dma_semaphore, #tpu.memory_space<semaphore_mem>>) src(%dma_wait3A_268 : memref<10016x8xf32, #tpu.memory_space<vmem_shared>>) dst(%arg10 : memref<512x8xf32, #tpu.memory_space<vmem>>)
      %add3A_269 = arith.constant 1 : i32
      %add3A_270 = arith.addi %mul3A_240, %add3A_269 : i32
      %mul3A_271 = arith.constant 512 : i32
      %mul3A_272 = arith.muli %add3A_270, %mul3A_271 : i32
      "tpu.region"() ({
        %run_scoped3A = tpu.sem_alloc : memref<!tpu.dma_semaphore, #tpu.memory_space<semaphore_mem>>
        %dma_start3A_274 = tpu.memref_slice %arg8[%mul3A_272] : memref<20480xi32, #tpu.memory_space<vmem>> -> memref<512xi32, #tpu.memory_space<vmem>>
        %dma_start3A_275 = arith.constant 0 : i32
        %dma_start3A_276 = arith.constant 0 : i32
        %dma_start3A_277 = tpu.memref_slice %arg6[%dma_start3A_275, %dma_start3A_276] : memref<10016x8xf32, #tpu.memory_space<vmem_shared>> -> memref<10016x8xf32, #tpu.memory_space<vmem_shared>>
        tpu.enqueue_indirect_dma source(%arg10 : memref<512x8xf32, #tpu.memory_space<vmem>>) target(%dma_start3A_277 : memref<10016x8xf32, #tpu.memory_space<vmem_shared>>) offsets(%dma_start3A_274 : memref<512xi32, #tpu.memory_space<vmem>>) semaphore(%run_scoped3A : memref<!tpu.dma_semaphore, #tpu.memory_space<semaphore_mem>>) {add = true}
        %dma_wait3A_278 = tpu.memref_slice %arg8[%mul3A_272] : memref<20480xi32, #tpu.memory_space<vmem>> -> memref<512xi32, #tpu.memory_space<vmem>>
        %dma_wait3A_279 = arith.constant 0 : i32
        %dma_wait3A_280 = arith.constant 0 : i32
        %dma_wait3A_281 = tpu.memref_slice %arg6[%dma_wait3A_279, %dma_wait3A_280] : memref<10016x8xf32, #tpu.memory_space<vmem_shared>> -> memref<10016x8xf32, #tpu.memory_space<vmem_shared>>
        tpu.wait_indirect_dma semaphore(%run_scoped3A : memref<!tpu.dma_semaphore, #tpu.memory_space<semaphore_mem>>) src(%arg10 : memref<512x8xf32, #tpu.memory_space<vmem>>) dst(%dma_wait3A_281 : memref<10016x8xf32, #tpu.memory_space<vmem_shared>>)
        tpu.yield
      }) : () -> ()
      %scan3A_273 = arith.constant 0 : i32
      scf.yield %scan3A_273 : i32
    }
    %scan3A_176 = arith.constant 20 : i32
    %barrier3A_177 = arith.constant 0 : index
    tpu.barrier barrier_id(%barrier3A_177)
    "tpu.region"() ({
      %run_scoped3A = tpu.sem_alloc : memref<!tpu.dma_semaphore, #tpu.memory_space<semaphore_mem>>
      %dma_start3A_237 = arith.constant 0 : i32
      %dma_start3A_238 = tpu.memref_slice %arg6[%mul3A_0, %dma_start3A_237] : memref<10016x8xf32, #tpu.memory_space<vmem_shared>> -> memref<626x8xf32, #tpu.memory_space<vmem_shared>>
      %dma_start3A_239 = arith.constant 0 : i32
      %dma_start3A_240 = tpu.memref_slice %arg6[%mul3A_0, %dma_start3A_239] : memref<10016x8xf32, #tpu.memory_space<vmem_shared>> -> memref<626x8xf32, #tpu.memory_space<vmem_shared>>
      tpu.enqueue_dma source(%dma_start3A_240 : memref<626x8xf32, #tpu.memory_space<vmem_shared>>) target(%arg14 : memref<626x8xf32, #tpu.memory_space<vmem>>) target_semaphore(%run_scoped3A : memref<!tpu.dma_semaphore, #tpu.memory_space<semaphore_mem>>)
      %dma_wait3A_241 = arith.constant 0 : i32
      %dma_wait3A_242 = tpu.memref_slice %arg6[%mul3A_0, %dma_wait3A_241] : memref<10016x8xf32, #tpu.memory_space<vmem_shared>> -> memref<626x8xf32, #tpu.memory_space<vmem_shared>>
      %dma_wait3A_243 = arith.constant 0 : i32
      %dma_wait3A_244 = tpu.memref_slice %arg6[%mul3A_0, %dma_wait3A_243] : memref<10016x8xf32, #tpu.memory_space<vmem_shared>> -> memref<626x8xf32, #tpu.memory_space<vmem_shared>>
      tpu.wait_dma2 semaphore(%run_scoped3A : memref<!tpu.dma_semaphore, #tpu.memory_space<semaphore_mem>>) src(%dma_wait3A_244 : memref<626x8xf32, #tpu.memory_space<vmem_shared>>) dst(%arg14 : memref<626x8xf32, #tpu.memory_space<vmem>>)
      tpu.yield
    }) : () -> ()
    "tpu.region"() ({
      %run_scoped3A = tpu.sem_alloc : memref<!tpu.dma_semaphore, #tpu.memory_space<semaphore_mem>>
      %dma_start3A_237 = arith.constant 0 : i32
      %dma_start3A_238 = tpu.memref_slice %arg5[%mul3A_0, %dma_start3A_237] : memref<10016x8xf32, #tpu.memory_space<vmem_shared>> -> memref<626x8xf32, #tpu.memory_space<vmem_shared>>
      %dma_start3A_239 = arith.constant 0 : i32
      %dma_start3A_240 = tpu.memref_slice %arg5[%mul3A_0, %dma_start3A_239] : memref<10016x8xf32, #tpu.memory_space<vmem_shared>> -> memref<626x8xf32, #tpu.memory_space<vmem_shared>>
      tpu.enqueue_dma source(%dma_start3A_240 : memref<626x8xf32, #tpu.memory_space<vmem_shared>>) target(%arg15 : memref<626x8xf32, #tpu.memory_space<vmem>>) target_semaphore(%run_scoped3A : memref<!tpu.dma_semaphore, #tpu.memory_space<semaphore_mem>>)
      %dma_wait3A_241 = arith.constant 0 : i32
      %dma_wait3A_242 = tpu.memref_slice %arg5[%mul3A_0, %dma_wait3A_241] : memref<10016x8xf32, #tpu.memory_space<vmem_shared>> -> memref<626x8xf32, #tpu.memory_space<vmem_shared>>
      %dma_wait3A_243 = arith.constant 0 : i32
      %dma_wait3A_244 = tpu.memref_slice %arg5[%mul3A_0, %dma_wait3A_243] : memref<10016x8xf32, #tpu.memory_space<vmem_shared>> -> memref<626x8xf32, #tpu.memory_space<vmem_shared>>
      tpu.wait_dma2 semaphore(%run_scoped3A : memref<!tpu.dma_semaphore, #tpu.memory_space<semaphore_mem>>) src(%dma_wait3A_244 : memref<626x8xf32, #tpu.memory_space<vmem_shared>>) dst(%arg15 : memref<626x8xf32, #tpu.memory_space<vmem>>)
      tpu.yield
    }) : () -> ()
    "tpu.region"() ({
      %run_scoped3A = tpu.sem_alloc : memref<!tpu.dma_semaphore, #tpu.memory_space<semaphore_mem>>
      %dma_start3A_237 = arith.constant 0 : i32
      %dma_start3A_238 = tpu.memref_slice %arg6[%mul3A_0, %dma_start3A_237] : memref<10016x8xf32, #tpu.memory_space<vmem_shared>> -> memref<626x8xf32, #tpu.memory_space<vmem_shared>>
      %dma_start3A_239 = arith.constant 0 : i32
      %dma_start3A_240 = tpu.memref_slice %arg6[%mul3A_0, %dma_start3A_239] : memref<10016x8xf32, #tpu.memory_space<vmem_shared>> -> memref<626x8xf32, #tpu.memory_space<vmem_shared>>
      tpu.enqueue_dma source(%arg12 : memref<626x8xf32, #tpu.memory_space<vmem>>) target(%dma_start3A_240 : memref<626x8xf32, #tpu.memory_space<vmem_shared>>) target_semaphore(%run_scoped3A : memref<!tpu.dma_semaphore, #tpu.memory_space<semaphore_mem>>)
      %dma_wait3A_241 = arith.constant 0 : i32
      %dma_wait3A_242 = tpu.memref_slice %arg6[%mul3A_0, %dma_wait3A_241] : memref<10016x8xf32, #tpu.memory_space<vmem_shared>> -> memref<626x8xf32, #tpu.memory_space<vmem_shared>>
      %dma_wait3A_243 = arith.constant 0 : i32
      %dma_wait3A_244 = tpu.memref_slice %arg6[%mul3A_0, %dma_wait3A_243] : memref<10016x8xf32, #tpu.memory_space<vmem_shared>> -> memref<626x8xf32, #tpu.memory_space<vmem_shared>>
      tpu.wait_dma2 semaphore(%run_scoped3A : memref<!tpu.dma_semaphore, #tpu.memory_space<semaphore_mem>>) src(%arg12 : memref<626x8xf32, #tpu.memory_space<vmem>>) dst(%dma_wait3A_244 : memref<626x8xf32, #tpu.memory_space<vmem_shared>>)
      tpu.yield
    }) : () -> ()
    %parallel_loop3A_178 = arith.constant 0 : i32
    %parallel_loop3A_179 = arith.constant 313 : i32
    %parallel_loop3A_180 = arith.constant 1 : i32
    scf.for %parallel_loop3A_237 = %parallel_loop3A_178 to %parallel_loop3A_179 step %parallel_loop3A_180  : i32 {
      %parallel_loop3A_238 = arith.constant 2 : i32
      %parallel_loop3A_239 = arith.muli %parallel_loop3A_238, %parallel_loop3A_237 : i32
      %parallel_loop3A_240 = vector.broadcast %parallel_loop3A_239 : i32 to vector<16xi32>
      %parallel_loop3A_241 = arith.addi %shift_right_logical3A_7, %parallel_loop3A_240 : vector<16xi32>
      %parallel_loop3A_242 = tpu.vector_load_idx %arg14[%parallel_loop3A_241, %and3A_2] : memref<626x8xf32, #tpu.memory_space<vmem>>[vector<16xi32>, vector<16xi32>], vector<16xf32>,
      %parallel_loop3A_243 = arith.constant 2 : i32
      %parallel_loop3A_244 = arith.muli %parallel_loop3A_243, %parallel_loop3A_237 : i32
      %parallel_loop3A_245 = vector.broadcast %parallel_loop3A_244 : i32 to vector<16xi32>
      %parallel_loop3A_246 = arith.addi %shift_right_logical3A_7, %parallel_loop3A_245 : vector<16xi32>
      %parallel_loop3A_247 = tpu.vector_load_idx %arg15[%parallel_loop3A_246, %and3A_2] : memref<626x8xf32, #tpu.memory_space<vmem>>[vector<16xi32>, vector<16xi32>], vector<16xf32>,
      %parallel_loop3A_248 = arith.addf %parallel_loop3A_242, %parallel_loop3A_247 : vector<16xf32>
      %parallel_loop3A_249 = arith.index_cast %parallel_loop3A_237 : i32 to index
      %parallel_loop3A_250 = arith.constant 0 : index
      %parallel_loop3A_251 = tpu.vector_load %arg17[%parallel_loop3A_249, %parallel_loop3A_250] {strides = array<i32>} : memref<313x16xf32, #tpu.memory_space<vmem>>, vector<16xf32>,
      %parallel_loop3A_252 = arith.mulf %parallel_loop3A_251, %parallel_loop3A_248 : vector<16xf32>
      %parallel_loop3A_253 = arith.index_cast %parallel_loop3A_237 : i32 to index
      %parallel_loop3A_254 = arith.constant 0 : index
      %parallel_loop3A_255 = tpu.vector_load %arg18[%parallel_loop3A_253, %parallel_loop3A_254] {strides = array<i32>} : memref<313x16xf32, #tpu.memory_space<vmem>>, vector<16xf32>,
      %parallel_loop3A_256 = arith.addf %parallel_loop3A_252, %parallel_loop3A_255 : vector<16xf32>
      %parallel_loop3A_257 = arith.constant 2 : i32
      %parallel_loop3A_258 = arith.muli %parallel_loop3A_257, %parallel_loop3A_237 : i32
      %parallel_loop3A_259 = vector.broadcast %parallel_loop3A_258 : i32 to vector<16xi32>
      %parallel_loop3A_260 = arith.addi %shift_right_logical3A_7, %parallel_loop3A_259 : vector<16xi32>
      tpu.vector_store_idx %arg14[%parallel_loop3A_260, %and3A_2], %parallel_loop3A_256 : memref<626x8xf32, #tpu.memory_space<vmem>>[vector<16xi32>, vector<16xi32>], vector<16xf32>,
    } {sc.loop_unroll_factor = 4 : i64, sc.parallel_access}
    "tpu.region"() ({
      %run_scoped3A = tpu.sem_alloc : memref<!tpu.dma_semaphore, #tpu.memory_space<semaphore_mem>>
      %dma_start3A_237 = arith.constant 0 : i32
      %dma_start3A_238 = tpu.memref_slice %arg5[%mul3A_0, %dma_start3A_237] : memref<10016x8xf32, #tpu.memory_space<vmem_shared>> -> memref<626x8xf32, #tpu.memory_space<vmem_shared>>
      %dma_start3A_239 = arith.constant 0 : i32
      %dma_start3A_240 = tpu.memref_slice %arg5[%mul3A_0, %dma_start3A_239] : memref<10016x8xf32, #tpu.memory_space<vmem_shared>> -> memref<626x8xf32, #tpu.memory_space<vmem_shared>>
      tpu.enqueue_dma source(%arg14 : memref<626x8xf32, #tpu.memory_space<vmem>>) target(%dma_start3A_240 : memref<626x8xf32, #tpu.memory_space<vmem_shared>>) target_semaphore(%run_scoped3A : memref<!tpu.dma_semaphore, #tpu.memory_space<semaphore_mem>>)
      %dma_wait3A_241 = arith.constant 0 : i32
      %dma_wait3A_242 = tpu.memref_slice %arg5[%mul3A_0, %dma_wait3A_241] : memref<10016x8xf32, #tpu.memory_space<vmem_shared>> -> memref<626x8xf32, #tpu.memory_space<vmem_shared>>
      %dma_wait3A_243 = arith.constant 0 : i32
      %dma_wait3A_244 = tpu.memref_slice %arg5[%mul3A_0, %dma_wait3A_243] : memref<10016x8xf32, #tpu.memory_space<vmem_shared>> -> memref<626x8xf32, #tpu.memory_space<vmem_shared>>
      tpu.wait_dma2 semaphore(%run_scoped3A : memref<!tpu.dma_semaphore, #tpu.memory_space<semaphore_mem>>) src(%arg14 : memref<626x8xf32, #tpu.memory_space<vmem>>) dst(%dma_wait3A_244 : memref<626x8xf32, #tpu.memory_space<vmem_shared>>)
      tpu.yield
    }) : () -> ()
    %barrier3A_181 = arith.constant 0 : index
    tpu.barrier barrier_id(%barrier3A_181)
    %dma_start3A_182 = arith.constant 0 : i32
    %dma_start3A_183 = tpu.memref_slice %arg7[%dma_start3A_182] : memref<20480xi32, #tpu.memory_space<vmem>> -> memref<512xi32, #tpu.memory_space<vmem>>
    %dma_start3A_184 = arith.constant 0 : i32
    %dma_start3A_185 = arith.constant 0 : i32
    %dma_start3A_186 = tpu.memref_slice %arg5[%dma_start3A_184, %dma_start3A_185] : memref<10016x8xf32, #tpu.memory_space<vmem_shared>> -> memref<10016x8xf32, #tpu.memory_space<vmem_shared>>
    tpu.enqueue_indirect_dma source(%dma_start3A_186 : memref<10016x8xf32, #tpu.memory_space<vmem_shared>>) target(%arg9 : memref<512x8xf32, #tpu.memory_space<vmem>>) offsets(%dma_start3A_183 : memref<512xi32, #tpu.memory_space<vmem>>) semaphore(%arg19 : memref<!tpu.dma_semaphore, #tpu.memory_space<semaphore_mem>>)
    %scan3A_187 = arith.constant 0 : i32
    %scan3A_188 = arith.constant 0 : i32
    %scan3A_189 = arith.constant 20 : i32
    %scan3A_190 = arith.addi %scan3A_188, %scan3A_189 : i32
    %scan3A_191 = arith.constant 1 : i32
    %scan3A_192 = scf.for %scan3A_237 = %scan3A_188 to %scan3A_190 step %scan3A_191 iter_args(%scan3A_238 = %scan3A_187) -> (i32)  : i32 {
      %mul3A_239 = arith.constant 2 : i32
      %mul3A_240 = arith.muli %mul3A_239, %scan3A_237 : i32
      %add3A_241 = arith.constant 1 : i32
      %add3A_242 = arith.addi %mul3A_240, %add3A_241 : i32
      %mul3A_243 = arith.constant 512 : i32
      %mul3A_244 = arith.muli %add3A_242, %mul3A_243 : i32
      %dma_start3A_245 = tpu.memref_slice %arg7[%mul3A_244] : memref<20480xi32, #tpu.memory_space<vmem>> -> memref<512xi32, #tpu.memory_space<vmem>>
      %dma_start3A_246 = arith.constant 0 : i32
      %dma_start3A_247 = arith.constant 0 : i32
      %dma_start3A_248 = tpu.memref_slice %arg5[%dma_start3A_246, %dma_start3A_247] : memref<10016x8xf32, #tpu.memory_space<vmem_shared>> -> memref<10016x8xf32, #tpu.memory_space<vmem_shared>>
      tpu.enqueue_indirect_dma source(%dma_start3A_248 : memref<10016x8xf32, #tpu.memory_space<vmem_shared>>) target(%arg10 : memref<512x8xf32, #tpu.memory_space<vmem>>) offsets(%dma_start3A_245 : memref<512xi32, #tpu.memory_space<vmem>>) semaphore(%arg20 : memref<!tpu.dma_semaphore, #tpu.memory_space<semaphore_mem>>)
      %mul3A_249 = arith.constant 512 : i32
      %mul3A_250 = arith.muli %mul3A_240, %mul3A_249 : i32
      %dma_wait3A_251 = tpu.memref_slice %arg7[%mul3A_250] : memref<20480xi32, #tpu.memory_space<vmem>> -> memref<512xi32, #tpu.memory_space<vmem>>
      %dma_wait3A_252 = arith.constant 0 : i32
      %dma_wait3A_253 = arith.constant 0 : i32
      %dma_wait3A_254 = tpu.memref_slice %arg5[%dma_wait3A_252, %dma_wait3A_253] : memref<10016x8xf32, #tpu.memory_space<vmem_shared>> -> memref<10016x8xf32, #tpu.memory_space<vmem_shared>>
      tpu.wait_indirect_dma semaphore(%arg19 : memref<!tpu.dma_semaphore, #tpu.memory_space<semaphore_mem>>) src(%dma_wait3A_254 : memref<10016x8xf32, #tpu.memory_space<vmem_shared>>) dst(%arg9 : memref<512x8xf32, #tpu.memory_space<vmem>>)
      %mul3A_255 = arith.constant 512 : i32
      %mul3A_256 = arith.muli %mul3A_240, %mul3A_255 : i32
      "tpu.region"() ({
        %run_scoped3A = tpu.sem_alloc : memref<!tpu.dma_semaphore, #tpu.memory_space<semaphore_mem>>
        %dma_start3A_274 = tpu.memref_slice %arg8[%mul3A_256] : memref<20480xi32, #tpu.memory_space<vmem>> -> memref<512xi32, #tpu.memory_space<vmem>>
        %dma_start3A_275 = arith.constant 0 : i32
        %dma_start3A_276 = arith.constant 0 : i32
        %dma_start3A_277 = tpu.memref_slice %arg6[%dma_start3A_275, %dma_start3A_276] : memref<10016x8xf32, #tpu.memory_space<vmem_shared>> -> memref<10016x8xf32, #tpu.memory_space<vmem_shared>>
        tpu.enqueue_indirect_dma source(%arg9 : memref<512x8xf32, #tpu.memory_space<vmem>>) target(%dma_start3A_277 : memref<10016x8xf32, #tpu.memory_space<vmem_shared>>) offsets(%dma_start3A_274 : memref<512xi32, #tpu.memory_space<vmem>>) semaphore(%run_scoped3A : memref<!tpu.dma_semaphore, #tpu.memory_space<semaphore_mem>>) {add = true}
        %dma_wait3A_278 = tpu.memref_slice %arg8[%mul3A_256] : memref<20480xi32, #tpu.memory_space<vmem>> -> memref<512xi32, #tpu.memory_space<vmem>>
        %dma_wait3A_279 = arith.constant 0 : i32
        %dma_wait3A_280 = arith.constant 0 : i32
        %dma_wait3A_281 = tpu.memref_slice %arg6[%dma_wait3A_279, %dma_wait3A_280] : memref<10016x8xf32, #tpu.memory_space<vmem_shared>> -> memref<10016x8xf32, #tpu.memory_space<vmem_shared>>
        tpu.wait_indirect_dma semaphore(%run_scoped3A : memref<!tpu.dma_semaphore, #tpu.memory_space<semaphore_mem>>) src(%arg9 : memref<512x8xf32, #tpu.memory_space<vmem>>) dst(%dma_wait3A_281 : memref<10016x8xf32, #tpu.memory_space<vmem_shared>>)
        tpu.yield
      }) : () -> ()
      %add3A_257 = arith.constant 2 : i32
      %add3A_258 = arith.addi %mul3A_240, %add3A_257 : i32
      %lt3A = arith.constant 40 : i32
      %lt3A_259 = arith.cmpi slt, %add3A_258, %lt3A : i32
      %convert_element_type3A = arith.extui %lt3A_259 : i1 to i32
      %cond3A = arith.constant 0 : i32
      %cond3A_260 = arith.cmpi ne, %convert_element_type3A, %cond3A : i32
      scf.if %cond3A_260 {
        %add3A_274 = arith.constant 2 : i32
        %add3A_275 = arith.addi %mul3A_240, %add3A_274 : i32
        %mul3A_276 = arith.constant 512 : i32
        %mul3A_277 = arith.muli %add3A_275, %mul3A_276 : i32
        %dma_start3A_278 = tpu.memref_slice %arg7[%mul3A_277] : memref<20480xi32, #tpu.memory_space<vmem>> -> memref<512xi32, #tpu.memory_space<vmem>>
        %dma_start3A_279 = arith.constant 0 : i32
        %dma_start3A_280 = arith.constant 0 : i32
        %dma_start3A_281 = tpu.memref_slice %arg5[%dma_start3A_279, %dma_start3A_280] : memref<10016x8xf32, #tpu.memory_space<vmem_shared>> -> memref<10016x8xf32, #tpu.memory_space<vmem_shared>>
        tpu.enqueue_indirect_dma source(%dma_start3A_281 : memref<10016x8xf32, #tpu.memory_space<vmem_shared>>) target(%arg9 : memref<512x8xf32, #tpu.memory_space<vmem>>) offsets(%dma_start3A_278 : memref<512xi32, #tpu.memory_space<vmem>>) semaphore(%arg19 : memref<!tpu.dma_semaphore, #tpu.memory_space<semaphore_mem>>)
      } else {
      }
      %add3A_261 = arith.constant 1 : i32
      %add3A_262 = arith.addi %mul3A_240, %add3A_261 : i32
      %mul3A_263 = arith.constant 512 : i32
      %mul3A_264 = arith.muli %add3A_262, %mul3A_263 : i32
      %dma_wait3A_265 = tpu.memref_slice %arg7[%mul3A_264] : memref<20480xi32, #tpu.memory_space<vmem>> -> memref<512xi32, #tpu.memory_space<vmem>>
      %dma_wait3A_266 = arith.constant 0 : i32
      %dma_wait3A_267 = arith.constant 0 : i32
      %dma_wait3A_268 = tpu.memref_slice %arg5[%dma_wait3A_266, %dma_wait3A_267] : memref<10016x8xf32, #tpu.memory_space<vmem_shared>> -> memref<10016x8xf32, #tpu.memory_space<vmem_shared>>
      tpu.wait_indirect_dma semaphore(%arg20 : memref<!tpu.dma_semaphore, #tpu.memory_space<semaphore_mem>>) src(%dma_wait3A_268 : memref<10016x8xf32, #tpu.memory_space<vmem_shared>>) dst(%arg10 : memref<512x8xf32, #tpu.memory_space<vmem>>)
      %add3A_269 = arith.constant 1 : i32
      %add3A_270 = arith.addi %mul3A_240, %add3A_269 : i32
      %mul3A_271 = arith.constant 512 : i32
      %mul3A_272 = arith.muli %add3A_270, %mul3A_271 : i32
      "tpu.region"() ({
        %run_scoped3A = tpu.sem_alloc : memref<!tpu.dma_semaphore, #tpu.memory_space<semaphore_mem>>
        %dma_start3A_274 = tpu.memref_slice %arg8[%mul3A_272] : memref<20480xi32, #tpu.memory_space<vmem>> -> memref<512xi32, #tpu.memory_space<vmem>>
        %dma_start3A_275 = arith.constant 0 : i32
        %dma_start3A_276 = arith.constant 0 : i32
        %dma_start3A_277 = tpu.memref_slice %arg6[%dma_start3A_275, %dma_start3A_276] : memref<10016x8xf32, #tpu.memory_space<vmem_shared>> -> memref<10016x8xf32, #tpu.memory_space<vmem_shared>>
        tpu.enqueue_indirect_dma source(%arg10 : memref<512x8xf32, #tpu.memory_space<vmem>>) target(%dma_start3A_277 : memref<10016x8xf32, #tpu.memory_space<vmem_shared>>) offsets(%dma_start3A_274 : memref<512xi32, #tpu.memory_space<vmem>>) semaphore(%run_scoped3A : memref<!tpu.dma_semaphore, #tpu.memory_space<semaphore_mem>>) {add = true}
        %dma_wait3A_278 = tpu.memref_slice %arg8[%mul3A_272] : memref<20480xi32, #tpu.memory_space<vmem>> -> memref<512xi32, #tpu.memory_space<vmem>>
        %dma_wait3A_279 = arith.constant 0 : i32
        %dma_wait3A_280 = arith.constant 0 : i32
        %dma_wait3A_281 = tpu.memref_slice %arg6[%dma_wait3A_279, %dma_wait3A_280] : memref<10016x8xf32, #tpu.memory_space<vmem_shared>> -> memref<10016x8xf32, #tpu.memory_space<vmem_shared>>
        tpu.wait_indirect_dma semaphore(%run_scoped3A : memref<!tpu.dma_semaphore, #tpu.memory_space<semaphore_mem>>) src(%arg10 : memref<512x8xf32, #tpu.memory_space<vmem>>) dst(%dma_wait3A_281 : memref<10016x8xf32, #tpu.memory_space<vmem_shared>>)
        tpu.yield
      }) : () -> ()
      %scan3A_273 = arith.constant 0 : i32
      scf.yield %scan3A_273 : i32
    }
    %scan3A_193 = arith.constant 20 : i32
    %barrier3A_194 = arith.constant 0 : index
    tpu.barrier barrier_id(%barrier3A_194)
    "tpu.region"() ({
      %run_scoped3A = tpu.sem_alloc : memref<!tpu.dma_semaphore, #tpu.memory_space<semaphore_mem>>
      %dma_start3A_237 = arith.constant 0 : i32
      %dma_start3A_238 = tpu.memref_slice %arg6[%mul3A_0, %dma_start3A_237] : memref<10016x8xf32, #tpu.memory_space<vmem_shared>> -> memref<626x8xf32, #tpu.memory_space<vmem_shared>>
      %dma_start3A_239 = arith.constant 0 : i32
      %dma_start3A_240 = tpu.memref_slice %arg6[%mul3A_0, %dma_start3A_239] : memref<10016x8xf32, #tpu.memory_space<vmem_shared>> -> memref<626x8xf32, #tpu.memory_space<vmem_shared>>
      tpu.enqueue_dma source(%dma_start3A_240 : memref<626x8xf32, #tpu.memory_space<vmem_shared>>) target(%arg14 : memref<626x8xf32, #tpu.memory_space<vmem>>) target_semaphore(%run_scoped3A : memref<!tpu.dma_semaphore, #tpu.memory_space<semaphore_mem>>)
      %dma_wait3A_241 = arith.constant 0 : i32
      %dma_wait3A_242 = tpu.memref_slice %arg6[%mul3A_0, %dma_wait3A_241] : memref<10016x8xf32, #tpu.memory_space<vmem_shared>> -> memref<626x8xf32, #tpu.memory_space<vmem_shared>>
      %dma_wait3A_243 = arith.constant 0 : i32
      %dma_wait3A_244 = tpu.memref_slice %arg6[%mul3A_0, %dma_wait3A_243] : memref<10016x8xf32, #tpu.memory_space<vmem_shared>> -> memref<626x8xf32, #tpu.memory_space<vmem_shared>>
      tpu.wait_dma2 semaphore(%run_scoped3A : memref<!tpu.dma_semaphore, #tpu.memory_space<semaphore_mem>>) src(%dma_wait3A_244 : memref<626x8xf32, #tpu.memory_space<vmem_shared>>) dst(%arg14 : memref<626x8xf32, #tpu.memory_space<vmem>>)
      tpu.yield
    }) : () -> ()
    "tpu.region"() ({
      %run_scoped3A = tpu.sem_alloc : memref<!tpu.dma_semaphore, #tpu.memory_space<semaphore_mem>>
      %dma_start3A_237 = arith.constant 0 : i32
      %dma_start3A_238 = tpu.memref_slice %arg5[%mul3A_0, %dma_start3A_237] : memref<10016x8xf32, #tpu.memory_space<vmem_shared>> -> memref<626x8xf32, #tpu.memory_space<vmem_shared>>
      %dma_start3A_239 = arith.constant 0 : i32
      %dma_start3A_240 = tpu.memref_slice %arg5[%mul3A_0, %dma_start3A_239] : memref<10016x8xf32, #tpu.memory_space<vmem_shared>> -> memref<626x8xf32, #tpu.memory_space<vmem_shared>>
      tpu.enqueue_dma source(%dma_start3A_240 : memref<626x8xf32, #tpu.memory_space<vmem_shared>>) target(%arg15 : memref<626x8xf32, #tpu.memory_space<vmem>>) target_semaphore(%run_scoped3A : memref<!tpu.dma_semaphore, #tpu.memory_space<semaphore_mem>>)
      %dma_wait3A_241 = arith.constant 0 : i32
      %dma_wait3A_242 = tpu.memref_slice %arg5[%mul3A_0, %dma_wait3A_241] : memref<10016x8xf32, #tpu.memory_space<vmem_shared>> -> memref<626x8xf32, #tpu.memory_space<vmem_shared>>
      %dma_wait3A_243 = arith.constant 0 : i32
      %dma_wait3A_244 = tpu.memref_slice %arg5[%mul3A_0, %dma_wait3A_243] : memref<10016x8xf32, #tpu.memory_space<vmem_shared>> -> memref<626x8xf32, #tpu.memory_space<vmem_shared>>
      tpu.wait_dma2 semaphore(%run_scoped3A : memref<!tpu.dma_semaphore, #tpu.memory_space<semaphore_mem>>) src(%dma_wait3A_244 : memref<626x8xf32, #tpu.memory_space<vmem_shared>>) dst(%arg15 : memref<626x8xf32, #tpu.memory_space<vmem>>)
      tpu.yield
    }) : () -> ()
    "tpu.region"() ({
      %run_scoped3A = tpu.sem_alloc : memref<!tpu.dma_semaphore, #tpu.memory_space<semaphore_mem>>
      %dma_start3A_237 = arith.constant 0 : i32
      %dma_start3A_238 = tpu.memref_slice %arg6[%mul3A_0, %dma_start3A_237] : memref<10016x8xf32, #tpu.memory_space<vmem_shared>> -> memref<626x8xf32, #tpu.memory_space<vmem_shared>>
      %dma_start3A_239 = arith.constant 0 : i32
      %dma_start3A_240 = tpu.memref_slice %arg6[%mul3A_0, %dma_start3A_239] : memref<10016x8xf32, #tpu.memory_space<vmem_shared>> -> memref<626x8xf32, #tpu.memory_space<vmem_shared>>
      tpu.enqueue_dma source(%arg12 : memref<626x8xf32, #tpu.memory_space<vmem>>) target(%dma_start3A_240 : memref<626x8xf32, #tpu.memory_space<vmem_shared>>) target_semaphore(%run_scoped3A : memref<!tpu.dma_semaphore, #tpu.memory_space<semaphore_mem>>)
      %dma_wait3A_241 = arith.constant 0 : i32
      %dma_wait3A_242 = tpu.memref_slice %arg6[%mul3A_0, %dma_wait3A_241] : memref<10016x8xf32, #tpu.memory_space<vmem_shared>> -> memref<626x8xf32, #tpu.memory_space<vmem_shared>>
      %dma_wait3A_243 = arith.constant 0 : i32
      %dma_wait3A_244 = tpu.memref_slice %arg6[%mul3A_0, %dma_wait3A_243] : memref<10016x8xf32, #tpu.memory_space<vmem_shared>> -> memref<626x8xf32, #tpu.memory_space<vmem_shared>>
      tpu.wait_dma2 semaphore(%run_scoped3A : memref<!tpu.dma_semaphore, #tpu.memory_space<semaphore_mem>>) src(%arg12 : memref<626x8xf32, #tpu.memory_space<vmem>>) dst(%dma_wait3A_244 : memref<626x8xf32, #tpu.memory_space<vmem_shared>>)
      tpu.yield
    }) : () -> ()
    %parallel_loop3A_195 = arith.constant 0 : i32
    %parallel_loop3A_196 = arith.constant 313 : i32
    %parallel_loop3A_197 = arith.constant 1 : i32
    scf.for %parallel_loop3A_237 = %parallel_loop3A_195 to %parallel_loop3A_196 step %parallel_loop3A_197  : i32 {
      %parallel_loop3A_238 = arith.constant 2 : i32
      %parallel_loop3A_239 = arith.muli %parallel_loop3A_238, %parallel_loop3A_237 : i32
      %parallel_loop3A_240 = vector.broadcast %parallel_loop3A_239 : i32 to vector<16xi32>
      %parallel_loop3A_241 = arith.addi %shift_right_logical3A_7, %parallel_loop3A_240 : vector<16xi32>
      %parallel_loop3A_242 = tpu.vector_load_idx %arg14[%parallel_loop3A_241, %and3A_2] : memref<626x8xf32, #tpu.memory_space<vmem>>[vector<16xi32>, vector<16xi32>], vector<16xf32>,
      %parallel_loop3A_243 = arith.constant 2 : i32
      %parallel_loop3A_244 = arith.muli %parallel_loop3A_243, %parallel_loop3A_237 : i32
      %parallel_loop3A_245 = vector.broadcast %parallel_loop3A_244 : i32 to vector<16xi32>
      %parallel_loop3A_246 = arith.addi %shift_right_logical3A_7, %parallel_loop3A_245 : vector<16xi32>
      %parallel_loop3A_247 = tpu.vector_load_idx %arg15[%parallel_loop3A_246, %and3A_2] : memref<626x8xf32, #tpu.memory_space<vmem>>[vector<16xi32>, vector<16xi32>], vector<16xf32>,
      %parallel_loop3A_248 = arith.addf %parallel_loop3A_242, %parallel_loop3A_247 : vector<16xf32>
      %parallel_loop3A_249 = arith.index_cast %parallel_loop3A_237 : i32 to index
      %parallel_loop3A_250 = arith.constant 0 : index
      %parallel_loop3A_251 = tpu.vector_load %arg17[%parallel_loop3A_249, %parallel_loop3A_250] {strides = array<i32>} : memref<313x16xf32, #tpu.memory_space<vmem>>, vector<16xf32>,
      %parallel_loop3A_252 = arith.mulf %parallel_loop3A_251, %parallel_loop3A_248 : vector<16xf32>
      %parallel_loop3A_253 = arith.index_cast %parallel_loop3A_237 : i32 to index
      %parallel_loop3A_254 = arith.constant 0 : index
      %parallel_loop3A_255 = tpu.vector_load %arg18[%parallel_loop3A_253, %parallel_loop3A_254] {strides = array<i32>} : memref<313x16xf32, #tpu.memory_space<vmem>>, vector<16xf32>,
      %parallel_loop3A_256 = arith.addf %parallel_loop3A_252, %parallel_loop3A_255 : vector<16xf32>
      %parallel_loop3A_257 = arith.constant 2 : i32
      %parallel_loop3A_258 = arith.muli %parallel_loop3A_257, %parallel_loop3A_237 : i32
      %parallel_loop3A_259 = vector.broadcast %parallel_loop3A_258 : i32 to vector<16xi32>
      %parallel_loop3A_260 = arith.addi %shift_right_logical3A_7, %parallel_loop3A_259 : vector<16xi32>
      tpu.vector_store_idx %arg14[%parallel_loop3A_260, %and3A_2], %parallel_loop3A_256 : memref<626x8xf32, #tpu.memory_space<vmem>>[vector<16xi32>, vector<16xi32>], vector<16xf32>,
    } {sc.loop_unroll_factor = 4 : i64, sc.parallel_access}
    "tpu.region"() ({
      %run_scoped3A = tpu.sem_alloc : memref<!tpu.dma_semaphore, #tpu.memory_space<semaphore_mem>>
      %dma_start3A_237 = arith.constant 0 : i32
      %dma_start3A_238 = tpu.memref_slice %arg5[%mul3A_0, %dma_start3A_237] : memref<10016x8xf32, #tpu.memory_space<vmem_shared>> -> memref<626x8xf32, #tpu.memory_space<vmem_shared>>
      %dma_start3A_239 = arith.constant 0 : i32
      %dma_start3A_240 = tpu.memref_slice %arg5[%mul3A_0, %dma_start3A_239] : memref<10016x8xf32, #tpu.memory_space<vmem_shared>> -> memref<626x8xf32, #tpu.memory_space<vmem_shared>>
      tpu.enqueue_dma source(%arg14 : memref<626x8xf32, #tpu.memory_space<vmem>>) target(%dma_start3A_240 : memref<626x8xf32, #tpu.memory_space<vmem_shared>>) target_semaphore(%run_scoped3A : memref<!tpu.dma_semaphore, #tpu.memory_space<semaphore_mem>>)
      %dma_wait3A_241 = arith.constant 0 : i32
      %dma_wait3A_242 = tpu.memref_slice %arg5[%mul3A_0, %dma_wait3A_241] : memref<10016x8xf32, #tpu.memory_space<vmem_shared>> -> memref<626x8xf32, #tpu.memory_space<vmem_shared>>
      %dma_wait3A_243 = arith.constant 0 : i32
      %dma_wait3A_244 = tpu.memref_slice %arg5[%mul3A_0, %dma_wait3A_243] : memref<10016x8xf32, #tpu.memory_space<vmem_shared>> -> memref<626x8xf32, #tpu.memory_space<vmem_shared>>
      tpu.wait_dma2 semaphore(%run_scoped3A : memref<!tpu.dma_semaphore, #tpu.memory_space<semaphore_mem>>) src(%arg14 : memref<626x8xf32, #tpu.memory_space<vmem>>) dst(%dma_wait3A_244 : memref<626x8xf32, #tpu.memory_space<vmem_shared>>)
      tpu.yield
    }) : () -> ()
    %barrier3A_198 = arith.constant 0 : index
    tpu.barrier barrier_id(%barrier3A_198)
    %dma_start3A_199 = arith.constant 0 : i32
    %dma_start3A_200 = tpu.memref_slice %arg7[%dma_start3A_199] : memref<20480xi32, #tpu.memory_space<vmem>> -> memref<512xi32, #tpu.memory_space<vmem>>
    %dma_start3A_201 = arith.constant 0 : i32
    %dma_start3A_202 = arith.constant 0 : i32
    %dma_start3A_203 = tpu.memref_slice %arg5[%dma_start3A_201, %dma_start3A_202] : memref<10016x8xf32, #tpu.memory_space<vmem_shared>> -> memref<10016x8xf32, #tpu.memory_space<vmem_shared>>
    tpu.enqueue_indirect_dma source(%dma_start3A_203 : memref<10016x8xf32, #tpu.memory_space<vmem_shared>>) target(%arg9 : memref<512x8xf32, #tpu.memory_space<vmem>>) offsets(%dma_start3A_200 : memref<512xi32, #tpu.memory_space<vmem>>) semaphore(%arg19 : memref<!tpu.dma_semaphore, #tpu.memory_space<semaphore_mem>>)
    %scan3A_204 = arith.constant 0 : i32
    %scan3A_205 = arith.constant 0 : i32
    %scan3A_206 = arith.constant 20 : i32
    %scan3A_207 = arith.addi %scan3A_205, %scan3A_206 : i32
    %scan3A_208 = arith.constant 1 : i32
    %scan3A_209 = scf.for %scan3A_237 = %scan3A_205 to %scan3A_207 step %scan3A_208 iter_args(%scan3A_238 = %scan3A_204) -> (i32)  : i32 {
      %mul3A_239 = arith.constant 2 : i32
      %mul3A_240 = arith.muli %mul3A_239, %scan3A_237 : i32
      %add3A_241 = arith.constant 1 : i32
      %add3A_242 = arith.addi %mul3A_240, %add3A_241 : i32
      %mul3A_243 = arith.constant 512 : i32
      %mul3A_244 = arith.muli %add3A_242, %mul3A_243 : i32
      %dma_start3A_245 = tpu.memref_slice %arg7[%mul3A_244] : memref<20480xi32, #tpu.memory_space<vmem>> -> memref<512xi32, #tpu.memory_space<vmem>>
      %dma_start3A_246 = arith.constant 0 : i32
      %dma_start3A_247 = arith.constant 0 : i32
      %dma_start3A_248 = tpu.memref_slice %arg5[%dma_start3A_246, %dma_start3A_247] : memref<10016x8xf32, #tpu.memory_space<vmem_shared>> -> memref<10016x8xf32, #tpu.memory_space<vmem_shared>>
      tpu.enqueue_indirect_dma source(%dma_start3A_248 : memref<10016x8xf32, #tpu.memory_space<vmem_shared>>) target(%arg10 : memref<512x8xf32, #tpu.memory_space<vmem>>) offsets(%dma_start3A_245 : memref<512xi32, #tpu.memory_space<vmem>>) semaphore(%arg20 : memref<!tpu.dma_semaphore, #tpu.memory_space<semaphore_mem>>)
      %mul3A_249 = arith.constant 512 : i32
      %mul3A_250 = arith.muli %mul3A_240, %mul3A_249 : i32
      %dma_wait3A_251 = tpu.memref_slice %arg7[%mul3A_250] : memref<20480xi32, #tpu.memory_space<vmem>> -> memref<512xi32, #tpu.memory_space<vmem>>
      %dma_wait3A_252 = arith.constant 0 : i32
      %dma_wait3A_253 = arith.constant 0 : i32
      %dma_wait3A_254 = tpu.memref_slice %arg5[%dma_wait3A_252, %dma_wait3A_253] : memref<10016x8xf32, #tpu.memory_space<vmem_shared>> -> memref<10016x8xf32, #tpu.memory_space<vmem_shared>>
      tpu.wait_indirect_dma semaphore(%arg19 : memref<!tpu.dma_semaphore, #tpu.memory_space<semaphore_mem>>) src(%dma_wait3A_254 : memref<10016x8xf32, #tpu.memory_space<vmem_shared>>) dst(%arg9 : memref<512x8xf32, #tpu.memory_space<vmem>>)
      %mul3A_255 = arith.constant 512 : i32
      %mul3A_256 = arith.muli %mul3A_240, %mul3A_255 : i32
      "tpu.region"() ({
        %run_scoped3A = tpu.sem_alloc : memref<!tpu.dma_semaphore, #tpu.memory_space<semaphore_mem>>
        %dma_start3A_274 = tpu.memref_slice %arg8[%mul3A_256] : memref<20480xi32, #tpu.memory_space<vmem>> -> memref<512xi32, #tpu.memory_space<vmem>>
        %dma_start3A_275 = arith.constant 0 : i32
        %dma_start3A_276 = arith.constant 0 : i32
        %dma_start3A_277 = tpu.memref_slice %arg6[%dma_start3A_275, %dma_start3A_276] : memref<10016x8xf32, #tpu.memory_space<vmem_shared>> -> memref<10016x8xf32, #tpu.memory_space<vmem_shared>>
        tpu.enqueue_indirect_dma source(%arg9 : memref<512x8xf32, #tpu.memory_space<vmem>>) target(%dma_start3A_277 : memref<10016x8xf32, #tpu.memory_space<vmem_shared>>) offsets(%dma_start3A_274 : memref<512xi32, #tpu.memory_space<vmem>>) semaphore(%run_scoped3A : memref<!tpu.dma_semaphore, #tpu.memory_space<semaphore_mem>>) {add = true}
        %dma_wait3A_278 = tpu.memref_slice %arg8[%mul3A_256] : memref<20480xi32, #tpu.memory_space<vmem>> -> memref<512xi32, #tpu.memory_space<vmem>>
        %dma_wait3A_279 = arith.constant 0 : i32
        %dma_wait3A_280 = arith.constant 0 : i32
        %dma_wait3A_281 = tpu.memref_slice %arg6[%dma_wait3A_279, %dma_wait3A_280] : memref<10016x8xf32, #tpu.memory_space<vmem_shared>> -> memref<10016x8xf32, #tpu.memory_space<vmem_shared>>
        tpu.wait_indirect_dma semaphore(%run_scoped3A : memref<!tpu.dma_semaphore, #tpu.memory_space<semaphore_mem>>) src(%arg9 : memref<512x8xf32, #tpu.memory_space<vmem>>) dst(%dma_wait3A_281 : memref<10016x8xf32, #tpu.memory_space<vmem_shared>>)
        tpu.yield
      }) : () -> ()
      %add3A_257 = arith.constant 2 : i32
      %add3A_258 = arith.addi %mul3A_240, %add3A_257 : i32
      %lt3A = arith.constant 40 : i32
      %lt3A_259 = arith.cmpi slt, %add3A_258, %lt3A : i32
      %convert_element_type3A = arith.extui %lt3A_259 : i1 to i32
      %cond3A = arith.constant 0 : i32
      %cond3A_260 = arith.cmpi ne, %convert_element_type3A, %cond3A : i32
      scf.if %cond3A_260 {
        %add3A_274 = arith.constant 2 : i32
        %add3A_275 = arith.addi %mul3A_240, %add3A_274 : i32
        %mul3A_276 = arith.constant 512 : i32
        %mul3A_277 = arith.muli %add3A_275, %mul3A_276 : i32
        %dma_start3A_278 = tpu.memref_slice %arg7[%mul3A_277] : memref<20480xi32, #tpu.memory_space<vmem>> -> memref<512xi32, #tpu.memory_space<vmem>>
        %dma_start3A_279 = arith.constant 0 : i32
        %dma_start3A_280 = arith.constant 0 : i32
        %dma_start3A_281 = tpu.memref_slice %arg5[%dma_start3A_279, %dma_start3A_280] : memref<10016x8xf32, #tpu.memory_space<vmem_shared>> -> memref<10016x8xf32, #tpu.memory_space<vmem_shared>>
        tpu.enqueue_indirect_dma source(%dma_start3A_281 : memref<10016x8xf32, #tpu.memory_space<vmem_shared>>) target(%arg9 : memref<512x8xf32, #tpu.memory_space<vmem>>) offsets(%dma_start3A_278 : memref<512xi32, #tpu.memory_space<vmem>>) semaphore(%arg19 : memref<!tpu.dma_semaphore, #tpu.memory_space<semaphore_mem>>)
      } else {
      }
      %add3A_261 = arith.constant 1 : i32
      %add3A_262 = arith.addi %mul3A_240, %add3A_261 : i32
      %mul3A_263 = arith.constant 512 : i32
      %mul3A_264 = arith.muli %add3A_262, %mul3A_263 : i32
      %dma_wait3A_265 = tpu.memref_slice %arg7[%mul3A_264] : memref<20480xi32, #tpu.memory_space<vmem>> -> memref<512xi32, #tpu.memory_space<vmem>>
      %dma_wait3A_266 = arith.constant 0 : i32
      %dma_wait3A_267 = arith.constant 0 : i32
      %dma_wait3A_268 = tpu.memref_slice %arg5[%dma_wait3A_266, %dma_wait3A_267] : memref<10016x8xf32, #tpu.memory_space<vmem_shared>> -> memref<10016x8xf32, #tpu.memory_space<vmem_shared>>
      tpu.wait_indirect_dma semaphore(%arg20 : memref<!tpu.dma_semaphore, #tpu.memory_space<semaphore_mem>>) src(%dma_wait3A_268 : memref<10016x8xf32, #tpu.memory_space<vmem_shared>>) dst(%arg10 : memref<512x8xf32, #tpu.memory_space<vmem>>)
      %add3A_269 = arith.constant 1 : i32
      %add3A_270 = arith.addi %mul3A_240, %add3A_269 : i32
      %mul3A_271 = arith.constant 512 : i32
      %mul3A_272 = arith.muli %add3A_270, %mul3A_271 : i32
      "tpu.region"() ({
        %run_scoped3A = tpu.sem_alloc : memref<!tpu.dma_semaphore, #tpu.memory_space<semaphore_mem>>
        %dma_start3A_274 = tpu.memref_slice %arg8[%mul3A_272] : memref<20480xi32, #tpu.memory_space<vmem>> -> memref<512xi32, #tpu.memory_space<vmem>>
        %dma_start3A_275 = arith.constant 0 : i32
        %dma_start3A_276 = arith.constant 0 : i32
        %dma_start3A_277 = tpu.memref_slice %arg6[%dma_start3A_275, %dma_start3A_276] : memref<10016x8xf32, #tpu.memory_space<vmem_shared>> -> memref<10016x8xf32, #tpu.memory_space<vmem_shared>>
        tpu.enqueue_indirect_dma source(%arg10 : memref<512x8xf32, #tpu.memory_space<vmem>>) target(%dma_start3A_277 : memref<10016x8xf32, #tpu.memory_space<vmem_shared>>) offsets(%dma_start3A_274 : memref<512xi32, #tpu.memory_space<vmem>>) semaphore(%run_scoped3A : memref<!tpu.dma_semaphore, #tpu.memory_space<semaphore_mem>>) {add = true}
        %dma_wait3A_278 = tpu.memref_slice %arg8[%mul3A_272] : memref<20480xi32, #tpu.memory_space<vmem>> -> memref<512xi32, #tpu.memory_space<vmem>>
        %dma_wait3A_279 = arith.constant 0 : i32
        %dma_wait3A_280 = arith.constant 0 : i32
        %dma_wait3A_281 = tpu.memref_slice %arg6[%dma_wait3A_279, %dma_wait3A_280] : memref<10016x8xf32, #tpu.memory_space<vmem_shared>> -> memref<10016x8xf32, #tpu.memory_space<vmem_shared>>
        tpu.wait_indirect_dma semaphore(%run_scoped3A : memref<!tpu.dma_semaphore, #tpu.memory_space<semaphore_mem>>) src(%arg10 : memref<512x8xf32, #tpu.memory_space<vmem>>) dst(%dma_wait3A_281 : memref<10016x8xf32, #tpu.memory_space<vmem_shared>>)
        tpu.yield
      }) : () -> ()
      %scan3A_273 = arith.constant 0 : i32
      scf.yield %scan3A_273 : i32
    }
    %scan3A_210 = arith.constant 20 : i32
    %barrier3A_211 = arith.constant 0 : index
    tpu.barrier barrier_id(%barrier3A_211)
    "tpu.region"() ({
      %run_scoped3A = tpu.sem_alloc : memref<!tpu.dma_semaphore, #tpu.memory_space<semaphore_mem>>
      %dma_start3A_237 = arith.constant 0 : i32
      %dma_start3A_238 = tpu.memref_slice %arg6[%mul3A_0, %dma_start3A_237] : memref<10016x8xf32, #tpu.memory_space<vmem_shared>> -> memref<626x8xf32, #tpu.memory_space<vmem_shared>>
      %dma_start3A_239 = arith.constant 0 : i32
      %dma_start3A_240 = tpu.memref_slice %arg6[%mul3A_0, %dma_start3A_239] : memref<10016x8xf32, #tpu.memory_space<vmem_shared>> -> memref<626x8xf32, #tpu.memory_space<vmem_shared>>
      tpu.enqueue_dma source(%dma_start3A_240 : memref<626x8xf32, #tpu.memory_space<vmem_shared>>) target(%arg14 : memref<626x8xf32, #tpu.memory_space<vmem>>) target_semaphore(%run_scoped3A : memref<!tpu.dma_semaphore, #tpu.memory_space<semaphore_mem>>)
      %dma_wait3A_241 = arith.constant 0 : i32
      %dma_wait3A_242 = tpu.memref_slice %arg6[%mul3A_0, %dma_wait3A_241] : memref<10016x8xf32, #tpu.memory_space<vmem_shared>> -> memref<626x8xf32, #tpu.memory_space<vmem_shared>>
      %dma_wait3A_243 = arith.constant 0 : i32
      %dma_wait3A_244 = tpu.memref_slice %arg6[%mul3A_0, %dma_wait3A_243] : memref<10016x8xf32, #tpu.memory_space<vmem_shared>> -> memref<626x8xf32, #tpu.memory_space<vmem_shared>>
      tpu.wait_dma2 semaphore(%run_scoped3A : memref<!tpu.dma_semaphore, #tpu.memory_space<semaphore_mem>>) src(%dma_wait3A_244 : memref<626x8xf32, #tpu.memory_space<vmem_shared>>) dst(%arg14 : memref<626x8xf32, #tpu.memory_space<vmem>>)
      tpu.yield
    }) : () -> ()
    "tpu.region"() ({
      %run_scoped3A = tpu.sem_alloc : memref<!tpu.dma_semaphore, #tpu.memory_space<semaphore_mem>>
      %dma_start3A_237 = arith.constant 0 : i32
      %dma_start3A_238 = tpu.memref_slice %arg5[%mul3A_0, %dma_start3A_237] : memref<10016x8xf32, #tpu.memory_space<vmem_shared>> -> memref<626x8xf32, #tpu.memory_space<vmem_shared>>
      %dma_start3A_239 = arith.constant 0 : i32
      %dma_start3A_240 = tpu.memref_slice %arg5[%mul3A_0, %dma_start3A_239] : memref<10016x8xf32, #tpu.memory_space<vmem_shared>> -> memref<626x8xf32, #tpu.memory_space<vmem_shared>>
      tpu.enqueue_dma source(%dma_start3A_240 : memref<626x8xf32, #tpu.memory_space<vmem_shared>>) target(%arg15 : memref<626x8xf32, #tpu.memory_space<vmem>>) target_semaphore(%run_scoped3A : memref<!tpu.dma_semaphore, #tpu.memory_space<semaphore_mem>>)
      %dma_wait3A_241 = arith.constant 0 : i32
      %dma_wait3A_242 = tpu.memref_slice %arg5[%mul3A_0, %dma_wait3A_241] : memref<10016x8xf32, #tpu.memory_space<vmem_shared>> -> memref<626x8xf32, #tpu.memory_space<vmem_shared>>
      %dma_wait3A_243 = arith.constant 0 : i32
      %dma_wait3A_244 = tpu.memref_slice %arg5[%mul3A_0, %dma_wait3A_243] : memref<10016x8xf32, #tpu.memory_space<vmem_shared>> -> memref<626x8xf32, #tpu.memory_space<vmem_shared>>
      tpu.wait_dma2 semaphore(%run_scoped3A : memref<!tpu.dma_semaphore, #tpu.memory_space<semaphore_mem>>) src(%dma_wait3A_244 : memref<626x8xf32, #tpu.memory_space<vmem_shared>>) dst(%arg15 : memref<626x8xf32, #tpu.memory_space<vmem>>)
      tpu.yield
    }) : () -> ()
    "tpu.region"() ({
      %run_scoped3A = tpu.sem_alloc : memref<!tpu.dma_semaphore, #tpu.memory_space<semaphore_mem>>
      %dma_start3A_237 = arith.constant 0 : i32
      %dma_start3A_238 = tpu.memref_slice %arg6[%mul3A_0, %dma_start3A_237] : memref<10016x8xf32, #tpu.memory_space<vmem_shared>> -> memref<626x8xf32, #tpu.memory_space<vmem_shared>>
      %dma_start3A_239 = arith.constant 0 : i32
      %dma_start3A_240 = tpu.memref_slice %arg6[%mul3A_0, %dma_start3A_239] : memref<10016x8xf32, #tpu.memory_space<vmem_shared>> -> memref<626x8xf32, #tpu.memory_space<vmem_shared>>
      tpu.enqueue_dma source(%arg12 : memref<626x8xf32, #tpu.memory_space<vmem>>) target(%dma_start3A_240 : memref<626x8xf32, #tpu.memory_space<vmem_shared>>) target_semaphore(%run_scoped3A : memref<!tpu.dma_semaphore, #tpu.memory_space<semaphore_mem>>)
      %dma_wait3A_241 = arith.constant 0 : i32
      %dma_wait3A_242 = tpu.memref_slice %arg6[%mul3A_0, %dma_wait3A_241] : memref<10016x8xf32, #tpu.memory_space<vmem_shared>> -> memref<626x8xf32, #tpu.memory_space<vmem_shared>>
      %dma_wait3A_243 = arith.constant 0 : i32
      %dma_wait3A_244 = tpu.memref_slice %arg6[%mul3A_0, %dma_wait3A_243] : memref<10016x8xf32, #tpu.memory_space<vmem_shared>> -> memref<626x8xf32, #tpu.memory_space<vmem_shared>>
      tpu.wait_dma2 semaphore(%run_scoped3A : memref<!tpu.dma_semaphore, #tpu.memory_space<semaphore_mem>>) src(%arg12 : memref<626x8xf32, #tpu.memory_space<vmem>>) dst(%dma_wait3A_244 : memref<626x8xf32, #tpu.memory_space<vmem_shared>>)
      tpu.yield
    }) : () -> ()
    %parallel_loop3A_212 = arith.constant 0 : i32
    %parallel_loop3A_213 = arith.constant 313 : i32
    %parallel_loop3A_214 = arith.constant 1 : i32
    scf.for %parallel_loop3A_237 = %parallel_loop3A_212 to %parallel_loop3A_213 step %parallel_loop3A_214  : i32 {
      %parallel_loop3A_238 = arith.constant 2 : i32
      %parallel_loop3A_239 = arith.muli %parallel_loop3A_238, %parallel_loop3A_237 : i32
      %parallel_loop3A_240 = vector.broadcast %parallel_loop3A_239 : i32 to vector<16xi32>
      %parallel_loop3A_241 = arith.addi %shift_right_logical3A_7, %parallel_loop3A_240 : vector<16xi32>
      %parallel_loop3A_242 = tpu.vector_load_idx %arg14[%parallel_loop3A_241, %and3A_2] : memref<626x8xf32, #tpu.memory_space<vmem>>[vector<16xi32>, vector<16xi32>], vector<16xf32>,
      %parallel_loop3A_243 = arith.constant 2 : i32
      %parallel_loop3A_244 = arith.muli %parallel_loop3A_243, %parallel_loop3A_237 : i32
      %parallel_loop3A_245 = vector.broadcast %parallel_loop3A_244 : i32 to vector<16xi32>
      %parallel_loop3A_246 = arith.addi %shift_right_logical3A_7, %parallel_loop3A_245 : vector<16xi32>
      %parallel_loop3A_247 = tpu.vector_load_idx %arg15[%parallel_loop3A_246, %and3A_2] : memref<626x8xf32, #tpu.memory_space<vmem>>[vector<16xi32>, vector<16xi32>], vector<16xf32>,
      %parallel_loop3A_248 = arith.addf %parallel_loop3A_242, %parallel_loop3A_247 : vector<16xf32>
      %parallel_loop3A_249 = arith.index_cast %parallel_loop3A_237 : i32 to index
      %parallel_loop3A_250 = arith.constant 0 : index
      %parallel_loop3A_251 = tpu.vector_load %arg17[%parallel_loop3A_249, %parallel_loop3A_250] {strides = array<i32>} : memref<313x16xf32, #tpu.memory_space<vmem>>, vector<16xf32>,
      %parallel_loop3A_252 = arith.mulf %parallel_loop3A_251, %parallel_loop3A_248 : vector<16xf32>
      %parallel_loop3A_253 = arith.index_cast %parallel_loop3A_237 : i32 to index
      %parallel_loop3A_254 = arith.constant 0 : index
      %parallel_loop3A_255 = tpu.vector_load %arg18[%parallel_loop3A_253, %parallel_loop3A_254] {strides = array<i32>} : memref<313x16xf32, #tpu.memory_space<vmem>>, vector<16xf32>,
      %parallel_loop3A_256 = arith.addf %parallel_loop3A_252, %parallel_loop3A_255 : vector<16xf32>
      %parallel_loop3A_257 = arith.constant 2 : i32
      %parallel_loop3A_258 = arith.muli %parallel_loop3A_257, %parallel_loop3A_237 : i32
      %parallel_loop3A_259 = vector.broadcast %parallel_loop3A_258 : i32 to vector<16xi32>
      %parallel_loop3A_260 = arith.addi %shift_right_logical3A_7, %parallel_loop3A_259 : vector<16xi32>
      tpu.vector_store_idx %arg14[%parallel_loop3A_260, %and3A_2], %parallel_loop3A_256 : memref<626x8xf32, #tpu.memory_space<vmem>>[vector<16xi32>, vector<16xi32>], vector<16xf32>,
    } {sc.loop_unroll_factor = 4 : i64, sc.parallel_access}
    "tpu.region"() ({
      %run_scoped3A = tpu.sem_alloc : memref<!tpu.dma_semaphore, #tpu.memory_space<semaphore_mem>>
      %dma_start3A_237 = arith.constant 0 : i32
      %dma_start3A_238 = tpu.memref_slice %arg5[%mul3A_0, %dma_start3A_237] : memref<10016x8xf32, #tpu.memory_space<vmem_shared>> -> memref<626x8xf32, #tpu.memory_space<vmem_shared>>
      %dma_start3A_239 = arith.constant 0 : i32
      %dma_start3A_240 = tpu.memref_slice %arg5[%mul3A_0, %dma_start3A_239] : memref<10016x8xf32, #tpu.memory_space<vmem_shared>> -> memref<626x8xf32, #tpu.memory_space<vmem_shared>>
      tpu.enqueue_dma source(%arg14 : memref<626x8xf32, #tpu.memory_space<vmem>>) target(%dma_start3A_240 : memref<626x8xf32, #tpu.memory_space<vmem_shared>>) target_semaphore(%run_scoped3A : memref<!tpu.dma_semaphore, #tpu.memory_space<semaphore_mem>>)
      %dma_wait3A_241 = arith.constant 0 : i32
      %dma_wait3A_242 = tpu.memref_slice %arg5[%mul3A_0, %dma_wait3A_241] : memref<10016x8xf32, #tpu.memory_space<vmem_shared>> -> memref<626x8xf32, #tpu.memory_space<vmem_shared>>
      %dma_wait3A_243 = arith.constant 0 : i32
      %dma_wait3A_244 = tpu.memref_slice %arg5[%mul3A_0, %dma_wait3A_243] : memref<10016x8xf32, #tpu.memory_space<vmem_shared>> -> memref<626x8xf32, #tpu.memory_space<vmem_shared>>
      tpu.wait_dma2 semaphore(%run_scoped3A : memref<!tpu.dma_semaphore, #tpu.memory_space<semaphore_mem>>) src(%arg14 : memref<626x8xf32, #tpu.memory_space<vmem>>) dst(%dma_wait3A_244 : memref<626x8xf32, #tpu.memory_space<vmem_shared>>)
      tpu.yield
    }) : () -> ()
    %barrier3A_215 = arith.constant 0 : index
    tpu.barrier barrier_id(%barrier3A_215)
    %dma_start3A_216 = arith.constant 0 : i32
    %dma_start3A_217 = tpu.memref_slice %arg7[%dma_start3A_216] : memref<20480xi32, #tpu.memory_space<vmem>> -> memref<512xi32, #tpu.memory_space<vmem>>
    %dma_start3A_218 = arith.constant 0 : i32
    %dma_start3A_219 = arith.constant 0 : i32
    %dma_start3A_220 = tpu.memref_slice %arg5[%dma_start3A_218, %dma_start3A_219] : memref<10016x8xf32, #tpu.memory_space<vmem_shared>> -> memref<10016x8xf32, #tpu.memory_space<vmem_shared>>
    tpu.enqueue_indirect_dma source(%dma_start3A_220 : memref<10016x8xf32, #tpu.memory_space<vmem_shared>>) target(%arg9 : memref<512x8xf32, #tpu.memory_space<vmem>>) offsets(%dma_start3A_217 : memref<512xi32, #tpu.memory_space<vmem>>) semaphore(%arg19 : memref<!tpu.dma_semaphore, #tpu.memory_space<semaphore_mem>>)
    %scan3A_221 = arith.constant 0 : i32
    %scan3A_222 = arith.constant 0 : i32
    %scan3A_223 = arith.constant 20 : i32
    %scan3A_224 = arith.addi %scan3A_222, %scan3A_223 : i32
    %scan3A_225 = arith.constant 1 : i32
    %scan3A_226 = scf.for %scan3A_237 = %scan3A_222 to %scan3A_224 step %scan3A_225 iter_args(%scan3A_238 = %scan3A_221) -> (i32)  : i32 {
      %mul3A_239 = arith.constant 2 : i32
      %mul3A_240 = arith.muli %mul3A_239, %scan3A_237 : i32
      %add3A_241 = arith.constant 1 : i32
      %add3A_242 = arith.addi %mul3A_240, %add3A_241 : i32
      %mul3A_243 = arith.constant 512 : i32
      %mul3A_244 = arith.muli %add3A_242, %mul3A_243 : i32
      %dma_start3A_245 = tpu.memref_slice %arg7[%mul3A_244] : memref<20480xi32, #tpu.memory_space<vmem>> -> memref<512xi32, #tpu.memory_space<vmem>>
      %dma_start3A_246 = arith.constant 0 : i32
      %dma_start3A_247 = arith.constant 0 : i32
      %dma_start3A_248 = tpu.memref_slice %arg5[%dma_start3A_246, %dma_start3A_247] : memref<10016x8xf32, #tpu.memory_space<vmem_shared>> -> memref<10016x8xf32, #tpu.memory_space<vmem_shared>>
      tpu.enqueue_indirect_dma source(%dma_start3A_248 : memref<10016x8xf32, #tpu.memory_space<vmem_shared>>) target(%arg10 : memref<512x8xf32, #tpu.memory_space<vmem>>) offsets(%dma_start3A_245 : memref<512xi32, #tpu.memory_space<vmem>>) semaphore(%arg20 : memref<!tpu.dma_semaphore, #tpu.memory_space<semaphore_mem>>)
      %mul3A_249 = arith.constant 512 : i32
      %mul3A_250 = arith.muli %mul3A_240, %mul3A_249 : i32
      %dma_wait3A_251 = tpu.memref_slice %arg7[%mul3A_250] : memref<20480xi32, #tpu.memory_space<vmem>> -> memref<512xi32, #tpu.memory_space<vmem>>
      %dma_wait3A_252 = arith.constant 0 : i32
      %dma_wait3A_253 = arith.constant 0 : i32
      %dma_wait3A_254 = tpu.memref_slice %arg5[%dma_wait3A_252, %dma_wait3A_253] : memref<10016x8xf32, #tpu.memory_space<vmem_shared>> -> memref<10016x8xf32, #tpu.memory_space<vmem_shared>>
      tpu.wait_indirect_dma semaphore(%arg19 : memref<!tpu.dma_semaphore, #tpu.memory_space<semaphore_mem>>) src(%dma_wait3A_254 : memref<10016x8xf32, #tpu.memory_space<vmem_shared>>) dst(%arg9 : memref<512x8xf32, #tpu.memory_space<vmem>>)
      %mul3A_255 = arith.constant 512 : i32
      %mul3A_256 = arith.muli %mul3A_240, %mul3A_255 : i32
      "tpu.region"() ({
        %run_scoped3A = tpu.sem_alloc : memref<!tpu.dma_semaphore, #tpu.memory_space<semaphore_mem>>
        %dma_start3A_274 = tpu.memref_slice %arg8[%mul3A_256] : memref<20480xi32, #tpu.memory_space<vmem>> -> memref<512xi32, #tpu.memory_space<vmem>>
        %dma_start3A_275 = arith.constant 0 : i32
        %dma_start3A_276 = arith.constant 0 : i32
        %dma_start3A_277 = tpu.memref_slice %arg6[%dma_start3A_275, %dma_start3A_276] : memref<10016x8xf32, #tpu.memory_space<vmem_shared>> -> memref<10016x8xf32, #tpu.memory_space<vmem_shared>>
        tpu.enqueue_indirect_dma source(%arg9 : memref<512x8xf32, #tpu.memory_space<vmem>>) target(%dma_start3A_277 : memref<10016x8xf32, #tpu.memory_space<vmem_shared>>) offsets(%dma_start3A_274 : memref<512xi32, #tpu.memory_space<vmem>>) semaphore(%run_scoped3A : memref<!tpu.dma_semaphore, #tpu.memory_space<semaphore_mem>>) {add = true}
        %dma_wait3A_278 = tpu.memref_slice %arg8[%mul3A_256] : memref<20480xi32, #tpu.memory_space<vmem>> -> memref<512xi32, #tpu.memory_space<vmem>>
        %dma_wait3A_279 = arith.constant 0 : i32
        %dma_wait3A_280 = arith.constant 0 : i32
        %dma_wait3A_281 = tpu.memref_slice %arg6[%dma_wait3A_279, %dma_wait3A_280] : memref<10016x8xf32, #tpu.memory_space<vmem_shared>> -> memref<10016x8xf32, #tpu.memory_space<vmem_shared>>
        tpu.wait_indirect_dma semaphore(%run_scoped3A : memref<!tpu.dma_semaphore, #tpu.memory_space<semaphore_mem>>) src(%arg9 : memref<512x8xf32, #tpu.memory_space<vmem>>) dst(%dma_wait3A_281 : memref<10016x8xf32, #tpu.memory_space<vmem_shared>>)
        tpu.yield
      }) : () -> ()
      %add3A_257 = arith.constant 2 : i32
      %add3A_258 = arith.addi %mul3A_240, %add3A_257 : i32
      %lt3A = arith.constant 40 : i32
      %lt3A_259 = arith.cmpi slt, %add3A_258, %lt3A : i32
      %convert_element_type3A = arith.extui %lt3A_259 : i1 to i32
      %cond3A = arith.constant 0 : i32
      %cond3A_260 = arith.cmpi ne, %convert_element_type3A, %cond3A : i32
      scf.if %cond3A_260 {
        %add3A_274 = arith.constant 2 : i32
        %add3A_275 = arith.addi %mul3A_240, %add3A_274 : i32
        %mul3A_276 = arith.constant 512 : i32
        %mul3A_277 = arith.muli %add3A_275, %mul3A_276 : i32
        %dma_start3A_278 = tpu.memref_slice %arg7[%mul3A_277] : memref<20480xi32, #tpu.memory_space<vmem>> -> memref<512xi32, #tpu.memory_space<vmem>>
        %dma_start3A_279 = arith.constant 0 : i32
        %dma_start3A_280 = arith.constant 0 : i32
        %dma_start3A_281 = tpu.memref_slice %arg5[%dma_start3A_279, %dma_start3A_280] : memref<10016x8xf32, #tpu.memory_space<vmem_shared>> -> memref<10016x8xf32, #tpu.memory_space<vmem_shared>>
        tpu.enqueue_indirect_dma source(%dma_start3A_281 : memref<10016x8xf32, #tpu.memory_space<vmem_shared>>) target(%arg9 : memref<512x8xf32, #tpu.memory_space<vmem>>) offsets(%dma_start3A_278 : memref<512xi32, #tpu.memory_space<vmem>>) semaphore(%arg19 : memref<!tpu.dma_semaphore, #tpu.memory_space<semaphore_mem>>)
      } else {
      }
      %add3A_261 = arith.constant 1 : i32
      %add3A_262 = arith.addi %mul3A_240, %add3A_261 : i32
      %mul3A_263 = arith.constant 512 : i32
      %mul3A_264 = arith.muli %add3A_262, %mul3A_263 : i32
      %dma_wait3A_265 = tpu.memref_slice %arg7[%mul3A_264] : memref<20480xi32, #tpu.memory_space<vmem>> -> memref<512xi32, #tpu.memory_space<vmem>>
      %dma_wait3A_266 = arith.constant 0 : i32
      %dma_wait3A_267 = arith.constant 0 : i32
      %dma_wait3A_268 = tpu.memref_slice %arg5[%dma_wait3A_266, %dma_wait3A_267] : memref<10016x8xf32, #tpu.memory_space<vmem_shared>> -> memref<10016x8xf32, #tpu.memory_space<vmem_shared>>
      tpu.wait_indirect_dma semaphore(%arg20 : memref<!tpu.dma_semaphore, #tpu.memory_space<semaphore_mem>>) src(%dma_wait3A_268 : memref<10016x8xf32, #tpu.memory_space<vmem_shared>>) dst(%arg10 : memref<512x8xf32, #tpu.memory_space<vmem>>)
      %add3A_269 = arith.constant 1 : i32
      %add3A_270 = arith.addi %mul3A_240, %add3A_269 : i32
      %mul3A_271 = arith.constant 512 : i32
      %mul3A_272 = arith.muli %add3A_270, %mul3A_271 : i32
      "tpu.region"() ({
        %run_scoped3A = tpu.sem_alloc : memref<!tpu.dma_semaphore, #tpu.memory_space<semaphore_mem>>
        %dma_start3A_274 = tpu.memref_slice %arg8[%mul3A_272] : memref<20480xi32, #tpu.memory_space<vmem>> -> memref<512xi32, #tpu.memory_space<vmem>>
        %dma_start3A_275 = arith.constant 0 : i32
        %dma_start3A_276 = arith.constant 0 : i32
        %dma_start3A_277 = tpu.memref_slice %arg6[%dma_start3A_275, %dma_start3A_276] : memref<10016x8xf32, #tpu.memory_space<vmem_shared>> -> memref<10016x8xf32, #tpu.memory_space<vmem_shared>>
        tpu.enqueue_indirect_dma source(%arg10 : memref<512x8xf32, #tpu.memory_space<vmem>>) target(%dma_start3A_277 : memref<10016x8xf32, #tpu.memory_space<vmem_shared>>) offsets(%dma_start3A_274 : memref<512xi32, #tpu.memory_space<vmem>>) semaphore(%run_scoped3A : memref<!tpu.dma_semaphore, #tpu.memory_space<semaphore_mem>>) {add = true}
        %dma_wait3A_278 = tpu.memref_slice %arg8[%mul3A_272] : memref<20480xi32, #tpu.memory_space<vmem>> -> memref<512xi32, #tpu.memory_space<vmem>>
        %dma_wait3A_279 = arith.constant 0 : i32
        %dma_wait3A_280 = arith.constant 0 : i32
        %dma_wait3A_281 = tpu.memref_slice %arg6[%dma_wait3A_279, %dma_wait3A_280] : memref<10016x8xf32, #tpu.memory_space<vmem_shared>> -> memref<10016x8xf32, #tpu.memory_space<vmem_shared>>
        tpu.wait_indirect_dma semaphore(%run_scoped3A : memref<!tpu.dma_semaphore, #tpu.memory_space<semaphore_mem>>) src(%arg10 : memref<512x8xf32, #tpu.memory_space<vmem>>) dst(%dma_wait3A_281 : memref<10016x8xf32, #tpu.memory_space<vmem_shared>>)
        tpu.yield
      }) : () -> ()
      %scan3A_273 = arith.constant 0 : i32
      scf.yield %scan3A_273 : i32
    }
    %scan3A_227 = arith.constant 20 : i32
    %barrier3A_228 = arith.constant 0 : index
    tpu.barrier barrier_id(%barrier3A_228)
    "tpu.region"() ({
      %run_scoped3A = tpu.sem_alloc : memref<!tpu.dma_semaphore, #tpu.memory_space<semaphore_mem>>
      %dma_start3A_237 = arith.constant 0 : i32
      %dma_start3A_238 = tpu.memref_slice %arg6[%mul3A_0, %dma_start3A_237] : memref<10016x8xf32, #tpu.memory_space<vmem_shared>> -> memref<626x8xf32, #tpu.memory_space<vmem_shared>>
      %dma_start3A_239 = arith.constant 0 : i32
      %dma_start3A_240 = tpu.memref_slice %arg6[%mul3A_0, %dma_start3A_239] : memref<10016x8xf32, #tpu.memory_space<vmem_shared>> -> memref<626x8xf32, #tpu.memory_space<vmem_shared>>
      tpu.enqueue_dma source(%dma_start3A_240 : memref<626x8xf32, #tpu.memory_space<vmem_shared>>) target(%arg14 : memref<626x8xf32, #tpu.memory_space<vmem>>) target_semaphore(%run_scoped3A : memref<!tpu.dma_semaphore, #tpu.memory_space<semaphore_mem>>)
      %dma_wait3A_241 = arith.constant 0 : i32
      %dma_wait3A_242 = tpu.memref_slice %arg6[%mul3A_0, %dma_wait3A_241] : memref<10016x8xf32, #tpu.memory_space<vmem_shared>> -> memref<626x8xf32, #tpu.memory_space<vmem_shared>>
      %dma_wait3A_243 = arith.constant 0 : i32
      %dma_wait3A_244 = tpu.memref_slice %arg6[%mul3A_0, %dma_wait3A_243] : memref<10016x8xf32, #tpu.memory_space<vmem_shared>> -> memref<626x8xf32, #tpu.memory_space<vmem_shared>>
      tpu.wait_dma2 semaphore(%run_scoped3A : memref<!tpu.dma_semaphore, #tpu.memory_space<semaphore_mem>>) src(%dma_wait3A_244 : memref<626x8xf32, #tpu.memory_space<vmem_shared>>) dst(%arg14 : memref<626x8xf32, #tpu.memory_space<vmem>>)
      tpu.yield
    }) : () -> ()
    "tpu.region"() ({
      %run_scoped3A = tpu.sem_alloc : memref<!tpu.dma_semaphore, #tpu.memory_space<semaphore_mem>>
      %dma_start3A_237 = arith.constant 0 : i32
      %dma_start3A_238 = tpu.memref_slice %arg5[%mul3A_0, %dma_start3A_237] : memref<10016x8xf32, #tpu.memory_space<vmem_shared>> -> memref<626x8xf32, #tpu.memory_space<vmem_shared>>
      %dma_start3A_239 = arith.constant 0 : i32
      %dma_start3A_240 = tpu.memref_slice %arg5[%mul3A_0, %dma_start3A_239] : memref<10016x8xf32, #tpu.memory_space<vmem_shared>> -> memref<626x8xf32, #tpu.memory_space<vmem_shared>>
      tpu.enqueue_dma source(%dma_start3A_240 : memref<626x8xf32, #tpu.memory_space<vmem_shared>>) target(%arg15 : memref<626x8xf32, #tpu.memory_space<vmem>>) target_semaphore(%run_scoped3A : memref<!tpu.dma_semaphore, #tpu.memory_space<semaphore_mem>>)
      %dma_wait3A_241 = arith.constant 0 : i32
      %dma_wait3A_242 = tpu.memref_slice %arg5[%mul3A_0, %dma_wait3A_241] : memref<10016x8xf32, #tpu.memory_space<vmem_shared>> -> memref<626x8xf32, #tpu.memory_space<vmem_shared>>
      %dma_wait3A_243 = arith.constant 0 : i32
      %dma_wait3A_244 = tpu.memref_slice %arg5[%mul3A_0, %dma_wait3A_243] : memref<10016x8xf32, #tpu.memory_space<vmem_shared>> -> memref<626x8xf32, #tpu.memory_space<vmem_shared>>
      tpu.wait_dma2 semaphore(%run_scoped3A : memref<!tpu.dma_semaphore, #tpu.memory_space<semaphore_mem>>) src(%dma_wait3A_244 : memref<626x8xf32, #tpu.memory_space<vmem_shared>>) dst(%arg15 : memref<626x8xf32, #tpu.memory_space<vmem>>)
      tpu.yield
    }) : () -> ()
    "tpu.region"() ({
      %run_scoped3A = tpu.sem_alloc : memref<!tpu.dma_semaphore, #tpu.memory_space<semaphore_mem>>
      %dma_start3A_237 = arith.constant 0 : i32
      %dma_start3A_238 = tpu.memref_slice %arg6[%mul3A_0, %dma_start3A_237] : memref<10016x8xf32, #tpu.memory_space<vmem_shared>> -> memref<626x8xf32, #tpu.memory_space<vmem_shared>>
      %dma_start3A_239 = arith.constant 0 : i32
      %dma_start3A_240 = tpu.memref_slice %arg6[%mul3A_0, %dma_start3A_239] : memref<10016x8xf32, #tpu.memory_space<vmem_shared>> -> memref<626x8xf32, #tpu.memory_space<vmem_shared>>
      tpu.enqueue_dma source(%arg12 : memref<626x8xf32, #tpu.memory_space<vmem>>) target(%dma_start3A_240 : memref<626x8xf32, #tpu.memory_space<vmem_shared>>) target_semaphore(%run_scoped3A : memref<!tpu.dma_semaphore, #tpu.memory_space<semaphore_mem>>)
      %dma_wait3A_241 = arith.constant 0 : i32
      %dma_wait3A_242 = tpu.memref_slice %arg6[%mul3A_0, %dma_wait3A_241] : memref<10016x8xf32, #tpu.memory_space<vmem_shared>> -> memref<626x8xf32, #tpu.memory_space<vmem_shared>>
      %dma_wait3A_243 = arith.constant 0 : i32
      %dma_wait3A_244 = tpu.memref_slice %arg6[%mul3A_0, %dma_wait3A_243] : memref<10016x8xf32, #tpu.memory_space<vmem_shared>> -> memref<626x8xf32, #tpu.memory_space<vmem_shared>>
      tpu.wait_dma2 semaphore(%run_scoped3A : memref<!tpu.dma_semaphore, #tpu.memory_space<semaphore_mem>>) src(%arg12 : memref<626x8xf32, #tpu.memory_space<vmem>>) dst(%dma_wait3A_244 : memref<626x8xf32, #tpu.memory_space<vmem_shared>>)
      tpu.yield
    }) : () -> ()
    %parallel_loop3A_229 = arith.constant 0 : i32
    %parallel_loop3A_230 = arith.constant 313 : i32
    %parallel_loop3A_231 = arith.constant 1 : i32
    scf.for %parallel_loop3A_237 = %parallel_loop3A_229 to %parallel_loop3A_230 step %parallel_loop3A_231  : i32 {
      %parallel_loop3A_238 = arith.constant 2 : i32
      %parallel_loop3A_239 = arith.muli %parallel_loop3A_238, %parallel_loop3A_237 : i32
      %parallel_loop3A_240 = vector.broadcast %parallel_loop3A_239 : i32 to vector<16xi32>
      %parallel_loop3A_241 = arith.addi %shift_right_logical3A_7, %parallel_loop3A_240 : vector<16xi32>
      %parallel_loop3A_242 = tpu.vector_load_idx %arg14[%parallel_loop3A_241, %and3A_2] : memref<626x8xf32, #tpu.memory_space<vmem>>[vector<16xi32>, vector<16xi32>], vector<16xf32>,
      %parallel_loop3A_243 = arith.constant 2 : i32
      %parallel_loop3A_244 = arith.muli %parallel_loop3A_243, %parallel_loop3A_237 : i32
      %parallel_loop3A_245 = vector.broadcast %parallel_loop3A_244 : i32 to vector<16xi32>
      %parallel_loop3A_246 = arith.addi %shift_right_logical3A_7, %parallel_loop3A_245 : vector<16xi32>
      %parallel_loop3A_247 = tpu.vector_load_idx %arg15[%parallel_loop3A_246, %and3A_2] : memref<626x8xf32, #tpu.memory_space<vmem>>[vector<16xi32>, vector<16xi32>], vector<16xf32>,
      %parallel_loop3A_248 = arith.addf %parallel_loop3A_242, %parallel_loop3A_247 : vector<16xf32>
      %parallel_loop3A_249 = arith.index_cast %parallel_loop3A_237 : i32 to index
      %parallel_loop3A_250 = arith.constant 0 : index
      %parallel_loop3A_251 = tpu.vector_load %arg17[%parallel_loop3A_249, %parallel_loop3A_250] {strides = array<i32>} : memref<313x16xf32, #tpu.memory_space<vmem>>, vector<16xf32>,
      %parallel_loop3A_252 = arith.mulf %parallel_loop3A_251, %parallel_loop3A_248 : vector<16xf32>
      %parallel_loop3A_253 = arith.index_cast %parallel_loop3A_237 : i32 to index
      %parallel_loop3A_254 = arith.constant 0 : index
      %parallel_loop3A_255 = tpu.vector_load %arg18[%parallel_loop3A_253, %parallel_loop3A_254] {strides = array<i32>} : memref<313x16xf32, #tpu.memory_space<vmem>>, vector<16xf32>,
      %parallel_loop3A_256 = arith.addf %parallel_loop3A_252, %parallel_loop3A_255 : vector<16xf32>
      %parallel_loop3A_257 = arith.index_cast %parallel_loop3A_237 : i32 to index
      %parallel_loop3A_258 = arith.constant 0 : index
      %parallel_loop3A_259 = tpu.vector_load %arg16[%parallel_loop3A_257, %parallel_loop3A_258] {strides = array<i32>} : memref<313x16xf32, #tpu.memory_space<vmem>>, vector<16xf32>,
      %parallel_loop3A_260 = arith.divf %parallel_loop3A_256, %parallel_loop3A_259 : vector<16xf32>
      %parallel_loop3A_261 = arith.constant 2 : i32
      %parallel_loop3A_262 = arith.muli %parallel_loop3A_261, %parallel_loop3A_237 : i32
      %parallel_loop3A_263 = vector.broadcast %parallel_loop3A_262 : i32 to vector<16xi32>
      %parallel_loop3A_264 = arith.addi %shift_right_logical3A_7, %parallel_loop3A_263 : vector<16xi32>
      tpu.vector_store_idx %arg14[%parallel_loop3A_264, %and3A_2], %parallel_loop3A_260 : memref<626x8xf32, #tpu.memory_space<vmem>>[vector<16xi32>, vector<16xi32>], vector<16xf32>,
    } {sc.loop_unroll_factor = 4 : i64, sc.parallel_access}
    "tpu.region"() ({
      %run_scoped3A = tpu.sem_alloc : memref<!tpu.dma_semaphore, #tpu.memory_space<semaphore_mem>>
      %dma_start3A_237 = arith.constant 0 : i32
      %dma_start3A_238 = tpu.memref_slice %arg5[%mul3A_0, %dma_start3A_237] : memref<10016x8xf32, #tpu.memory_space<vmem_shared>> -> memref<626x8xf32, #tpu.memory_space<vmem_shared>>
      %dma_start3A_239 = arith.constant 0 : i32
      %dma_start3A_240 = tpu.memref_slice %arg5[%mul3A_0, %dma_start3A_239] : memref<10016x8xf32, #tpu.memory_space<vmem_shared>> -> memref<626x8xf32, #tpu.memory_space<vmem_shared>>
      tpu.enqueue_dma source(%arg14 : memref<626x8xf32, #tpu.memory_space<vmem>>) target(%dma_start3A_240 : memref<626x8xf32, #tpu.memory_space<vmem_shared>>) target_semaphore(%run_scoped3A : memref<!tpu.dma_semaphore, #tpu.memory_space<semaphore_mem>>)
      %dma_wait3A_241 = arith.constant 0 : i32
      %dma_wait3A_242 = tpu.memref_slice %arg5[%mul3A_0, %dma_wait3A_241] : memref<10016x8xf32, #tpu.memory_space<vmem_shared>> -> memref<626x8xf32, #tpu.memory_space<vmem_shared>>
      %dma_wait3A_243 = arith.constant 0 : i32
      %dma_wait3A_244 = tpu.memref_slice %arg5[%mul3A_0, %dma_wait3A_243] : memref<10016x8xf32, #tpu.memory_space<vmem_shared>> -> memref<626x8xf32, #tpu.memory_space<vmem_shared>>
      tpu.wait_dma2 semaphore(%run_scoped3A : memref<!tpu.dma_semaphore, #tpu.memory_space<semaphore_mem>>) src(%arg14 : memref<626x8xf32, #tpu.memory_space<vmem>>) dst(%dma_wait3A_244 : memref<626x8xf32, #tpu.memory_space<vmem_shared>>)
      tpu.yield
    }) : () -> ()
    %barrier3A_232 = arith.constant 0 : index
    tpu.barrier barrier_id(%barrier3A_232)
    %mul3A_233 = arith.constant 625 : i32
    %mul3A_234 = arith.muli %arg1, %mul3A_233 : i32
    "tpu.region"() ({
      %run_scoped3A = tpu.sem_alloc : memref<!tpu.dma_semaphore, #tpu.memory_space<semaphore_mem>>
      %dma_start3A_237 = arith.constant 0 : i32
      %dma_start3A_238 = arith.constant 0 : i32
      %dma_start3A_239 = tpu.memref_slice %arg14[%dma_start3A_237, %dma_start3A_238] : memref<626x8xf32, #tpu.memory_space<vmem>> -> memref<625x8xf32, #tpu.memory_space<vmem>>
      %dma_start3A_240 = arith.constant 0 : i32
      %dma_start3A_241 = tpu.memref_slice %arg5[%mul3A_234, %dma_start3A_240] : memref<10016x8xf32, #tpu.memory_space<vmem_shared>> -> memref<625x8xf32, #tpu.memory_space<vmem_shared>>
      %dma_start3A_242 = arith.constant 0 : i32
      %dma_start3A_243 = arith.constant 0 : i32
      %dma_start3A_244 = tpu.memref_slice %arg14[%dma_start3A_242, %dma_start3A_243] : memref<626x8xf32, #tpu.memory_space<vmem>> -> memref<625x8xf32, #tpu.memory_space<vmem>>
      %dma_start3A_245 = arith.constant 0 : i32
      %dma_start3A_246 = tpu.memref_slice %arg5[%mul3A_234, %dma_start3A_245] : memref<10016x8xf32, #tpu.memory_space<vmem_shared>> -> memref<625x8xf32, #tpu.memory_space<vmem_shared>>
      tpu.enqueue_dma source(%dma_start3A_246 : memref<625x8xf32, #tpu.memory_space<vmem_shared>>) target(%dma_start3A_244 : memref<625x8xf32, #tpu.memory_space<vmem>>) target_semaphore(%run_scoped3A : memref<!tpu.dma_semaphore, #tpu.memory_space<semaphore_mem>>)
      %dma_wait3A_247 = arith.constant 0 : i32
      %dma_wait3A_248 = arith.constant 0 : i32
      %dma_wait3A_249 = tpu.memref_slice %arg14[%dma_wait3A_247, %dma_wait3A_248] : memref<626x8xf32, #tpu.memory_space<vmem>> -> memref<625x8xf32, #tpu.memory_space<vmem>>
      %dma_wait3A_250 = arith.constant 0 : i32
      %dma_wait3A_251 = tpu.memref_slice %arg5[%mul3A_234, %dma_wait3A_250] : memref<10016x8xf32, #tpu.memory_space<vmem_shared>> -> memref<625x8xf32, #tpu.memory_space<vmem_shared>>
      %dma_wait3A_252 = arith.constant 0 : i32
      %dma_wait3A_253 = arith.constant 0 : i32
      %dma_wait3A_254 = tpu.memref_slice %arg14[%dma_wait3A_252, %dma_wait3A_253] : memref<626x8xf32, #tpu.memory_space<vmem>> -> memref<625x8xf32, #tpu.memory_space<vmem>>
      %dma_wait3A_255 = arith.constant 0 : i32
      %dma_wait3A_256 = tpu.memref_slice %arg5[%mul3A_234, %dma_wait3A_255] : memref<10016x8xf32, #tpu.memory_space<vmem_shared>> -> memref<625x8xf32, #tpu.memory_space<vmem_shared>>
      tpu.wait_dma2 semaphore(%run_scoped3A : memref<!tpu.dma_semaphore, #tpu.memory_space<semaphore_mem>>) src(%dma_wait3A_256 : memref<625x8xf32, #tpu.memory_space<vmem_shared>>) dst(%dma_wait3A_254 : memref<625x8xf32, #tpu.memory_space<vmem>>)
      tpu.yield
    }) : () -> ()
    %mul3A_235 = arith.constant 8 : i32
    %mul3A_236 = arith.muli %mul3A_235, %arg0 : i32
    "tpu.region"() ({
      %run_scoped3A = tpu.sem_alloc : memref<!tpu.dma_semaphore, #tpu.memory_space<semaphore_mem>>
      %dma_start3A_237 = arith.constant 0 : i32
      %dma_start3A_238 = arith.constant 0 : i32
      %dma_start3A_239 = tpu.memref_slice %arg14[%dma_start3A_237, %dma_start3A_238] : memref<626x8xf32, #tpu.memory_space<vmem>> -> memref<625x8xf32, #tpu.memory_space<vmem>>
      %dma_start3A_240 = arith.constant 0 : i32
      %dma_start3A_241 = tpu.memref_slice %arg4[%arg1, %dma_start3A_240, %mul3A_236] : memref<16x625x16xf32, #tpu.memory_space<hbm>> -> memref<1x625x8xf32, #tpu.memory_space<hbm>>
      %dma_start3A_242 = tpu.memref_squeeze %dma_start3A_241 : memref<1x625x8xf32, #tpu.memory_space<hbm>> -> memref<625x8xf32, #tpu.memory_space<hbm>>
      %dma_start3A_243 = arith.constant 0 : i32
      %dma_start3A_244 = tpu.memref_slice %arg4[%arg1, %dma_start3A_243, %mul3A_236] : memref<16x625x16xf32, #tpu.memory_space<hbm>> -> memref<1x625x8xf32, #tpu.memory_space<hbm>>
      %dma_start3A_245 = tpu.memref_squeeze %dma_start3A_244 : memref<1x625x8xf32, #tpu.memory_space<hbm>> -> memref<625x8xf32, #tpu.memory_space<hbm>>
      %dma_start3A_246 = arith.constant 0 : i32
      %dma_start3A_247 = arith.constant 0 : i32
      %dma_start3A_248 = tpu.memref_slice %arg14[%dma_start3A_246, %dma_start3A_247] : memref<626x8xf32, #tpu.memory_space<vmem>> -> memref<625x8xf32, #tpu.memory_space<vmem>>
      tpu.enqueue_dma source(%dma_start3A_248 : memref<625x8xf32, #tpu.memory_space<vmem>>) target(%dma_start3A_245 : memref<625x8xf32, #tpu.memory_space<hbm>>) target_semaphore(%run_scoped3A : memref<!tpu.dma_semaphore, #tpu.memory_space<semaphore_mem>>)
      %dma_wait3A_249 = arith.constant 0 : i32
      %dma_wait3A_250 = arith.constant 0 : i32
      %dma_wait3A_251 = tpu.memref_slice %arg14[%dma_wait3A_249, %dma_wait3A_250] : memref<626x8xf32, #tpu.memory_space<vmem>> -> memref<625x8xf32, #tpu.memory_space<vmem>>
      %dma_wait3A_252 = arith.constant 0 : i32
      %dma_wait3A_253 = tpu.memref_slice %arg4[%arg1, %dma_wait3A_252, %mul3A_236] : memref<16x625x16xf32, #tpu.memory_space<hbm>> -> memref<1x625x8xf32, #tpu.memory_space<hbm>>
      %dma_wait3A_254 = tpu.memref_squeeze %dma_wait3A_253 : memref<1x625x8xf32, #tpu.memory_space<hbm>> -> memref<625x8xf32, #tpu.memory_space<hbm>>
      %dma_wait3A_255 = arith.constant 0 : i32
      %dma_wait3A_256 = tpu.memref_slice %arg4[%arg1, %dma_wait3A_255, %mul3A_236] : memref<16x625x16xf32, #tpu.memory_space<hbm>> -> memref<1x625x8xf32, #tpu.memory_space<hbm>>
      %dma_wait3A_257 = tpu.memref_squeeze %dma_wait3A_256 : memref<1x625x8xf32, #tpu.memory_space<hbm>> -> memref<625x8xf32, #tpu.memory_space<hbm>>
      %dma_wait3A_258 = arith.constant 0 : i32
      %dma_wait3A_259 = arith.constant 0 : i32
      %dma_wait3A_260 = tpu.memref_slice %arg14[%dma_wait3A_258, %dma_wait3A_259] : memref<626x8xf32, #tpu.memory_space<vmem>> -> memref<625x8xf32, #tpu.memory_space<vmem>>
      tpu.wait_dma2 semaphore(%run_scoped3A : memref<!tpu.dma_semaphore, #tpu.memory_space<semaphore_mem>>) src(%dma_wait3A_260 : memref<625x8xf32, #tpu.memory_space<vmem>>) dst(%dma_wait3A_257 : memref<625x8xf32, #tpu.memory_space<hbm>>)
      tpu.yield
    }) : () -> ()
    return
  }
}

module attributes {stable_mosaic.version = 14 : i64} {
  func.func @_mlp_body(%arg0: i32, %arg1: memref<1000x128xf32, #tpu.memory_space<vmem>>, %arg2: memref<128x64xf32, #tpu.memory_space<vmem>>, %arg3: memref<64x16xf32, #tpu.memory_space<vmem>>, %arg4: memref<1000x16xf32, #tpu.memory_space<vmem>>) attributes {dimension_semantics = [#tpu.dimension_semantics<arbitrary>], iteration_bounds = array<i64: 10>, scalar_prefetch = 0 : i64, scratch_operands = 0 : i64, tpu.core_type = #tpu.core_type<tc>, window_params = [{transform_indices = @transform_0, window_bounds = array<i64: 1000, 128>}, {pipeline_mode = #tpu.pipeline_mode<synchronous>, transform_indices = @transform_1, window_bounds = array<i64: 128, 64>}, {pipeline_mode = #tpu.pipeline_mode<synchronous>, transform_indices = @transform_2, window_bounds = array<i64: 64, 16>}, {transform_indices = @transform_3, window_bounds = array<i64: 1000, 16>}]} {
    %get3A = arith.constant 0 : index
    %get3A_0 = arith.constant 0 : index
    %get3A_1 = vector.load %arg1[%get3A, %get3A_0] : memref<1000x128xf32, #tpu.memory_space<vmem>>, vector<1000x128xf32>
    %get3A_2 = arith.constant 0 : index
    %get3A_3 = arith.constant 0 : index
    %get3A_4 = vector.load %arg2[%get3A_2, %get3A_3] : memref<128x64xf32, #tpu.memory_space<vmem>>, vector<128x64xf32>
    %dot_general3A = arith.constant dense<0.000000e+00> : vector<1000x64xf32>
    %dot_general3A_5 = tpu.matmul %get3A_1, %get3A_4, %dot_general3A {dimension_numbers = #tpu.dot_dimension_numbers<[1], [0], [0], [1], [0, 0, 1, 1], [], []>, precision = #tpu.contract_precision<fp32>, transpose_lhs_hint = false} : vector<1000x128xf32>, vector<128x64xf32>, vector<1000x64xf32> -> vector<1000x64xf32>
    %max3A = arith.constant 0.000000e+00 : f32
    %max3A_6 = vector.broadcast %max3A : f32 to vector<1000x64xf32>
    %max3A_7 = arith.maximumf %dot_general3A_5, %max3A_6 : vector<1000x64xf32>
    %get3A_8 = arith.constant 0 : index
    %get3A_9 = arith.constant 0 : index
    %get3A_10 = vector.load %arg3[%get3A_8, %get3A_9] : memref<64x16xf32, #tpu.memory_space<vmem>>, vector<64x16xf32>
    %dot_general3A_11 = arith.constant dense<0.000000e+00> : vector<1000x16xf32>
    %dot_general3A_12 = tpu.matmul %max3A_7, %get3A_10, %dot_general3A_11 {dimension_numbers = #tpu.dot_dimension_numbers<[1], [0], [0], [1], [0, 0, 1, 1], [], []>, precision = #tpu.contract_precision<fp32>, transpose_lhs_hint = false} : vector<1000x64xf32>, vector<64x16xf32>, vector<1000x16xf32> -> vector<1000x16xf32>
    %swap3A = arith.constant 0 : index
    %swap3A_13 = arith.constant 0 : index
    %swap3A_14 = vector.load %arg4[%swap3A, %swap3A_13] : memref<1000x16xf32, #tpu.memory_space<vmem>>, vector<1000x16xf32>
    tpu.vector_store %arg4[%swap3A, %swap3A_13], %dot_general3A_12 {strides = array<i32>} : memref<1000x16xf32, #tpu.memory_space<vmem>>, vector<1000x16xf32>,
    return
  }
  func.func @transform_0(%arg0: i32) -> (i32, i32) {
    %c0_i32 = arith.constant 0 : i32
    %c0_i32_0 = arith.constant 0 : i32
    return %arg0, %c0_i32 : i32, i32
  }
  func.func @transform_1(%arg0: i32) -> (i32, i32) {
    %c0_i32 = arith.constant 0 : i32
    %c0_i32_0 = arith.constant 0 : i32
    %c0_i32_1 = arith.constant 0 : i32
    return %c0_i32, %c0_i32_0 : i32, i32
  }
  func.func @transform_2(%arg0: i32) -> (i32, i32) {
    %c0_i32 = arith.constant 0 : i32
    %c0_i32_0 = arith.constant 0 : i32
    %c0_i32_1 = arith.constant 0 : i32
    return %c0_i32, %c0_i32_0 : i32, i32
  }
  func.func @transform_3(%arg0: i32) -> (i32, i32) {
    %c0_i32 = arith.constant 0 : i32
    %c0_i32_0 = arith.constant 0 : i32
    return %arg0, %c0_i32 : i32, i32
  }
}

</mosaic_0001>

<sc_bundles>
// kernel: kernel.4.cloned.1.call-start
scs
__scs_entry_jumppad:
0x0: {  	(pc) =	sbr.rel $0x88, $3  }
0x1: {  	(tag) =	ssettag $0x0;
	lr =	simm.s32 $0x1  }
0x2: {  	[smem:$0x3F9D] =	sst lr;
	_ =	strace $0xD0000000  }
0x3: {  	_ = 	snop  }
0x4: {  	_ = 	snop  }
0x5: {  	_ = 	snop  }
0x6: {  	_ = 	snop  }
0x7: {  	_ = 	snop  }
__scs_overlays_trampoline_lowered:
0x8: {  	[smem:$0x3FAC] =	sst s0  }
0x9: {  	[smem:$0x3FAD] =	sst s1  }
0xa: {  	[smem:$0x3FAE] =	sst s2  }
0xb: {  	[smem:$0x3FAF] =	sst s3  }
0xc: {  	[smem:$0x3FB0] =	sst s4  }
0xd: {  	[smem:$0x3FB1] =	sst s5  }
0xe: {  	[smem:$0x3FB2] =	sst s6  }
0xf: {  	[smem:$0x3FB3] =	sst s7  }
0x10: {  	[smem:$0x3FB4] =	sst s8  }
0x11: {  	[smem:$0x3FB5] =	sst s9;
	s0 =	simm.s32 @!p0 $0x0  }
0x12: {  	s1 =	sld [smem:$0x3F9B];
	s0 =	simm.s32 @p0 $0x1  }
0x13: {  	[smem:$0x3FB6] =	sst s0;
	s0 =	simm.s32 @!p1 $0x0  }
0x14: {  	s2 =	sld [smem:$0x3F9A];
	s0 =	simm.s32 @p1 $0x1  }
0x15: {  	[smem:$0x3FB7] =	sst s0;
	s0 =	simm.s32 @!p2 $0x0  }
0x16: {  	s3 =	sld [smem:$0x3FDB];
	s0 =	simm.s32 @p2 $0x1  }
0x17: {  	s4 =	simm.s32 $0x1BF5;
	[smem:$0x3FB9] =	sst s0  }
0x18: {  	s0 =	sld [smem:$0x3F9C];
	_ =	swait.ge [sflag:s4], $0x0  }
0x19: {  	s7 =	sld [smem:$0x3F9D]  }
0x1a: {  	s8 =	sadd.s32 $0xFFFFE003, lr  }
0x1b: {  	s9 =	sadd.s32 $0xFFFFFEF7, lr;
	s5 =	simm.s32 $0xFFFFFFFF;
	p2 =	slt.u32 s8, $0xFFFFF086  }
0x1c: {  	p1 =	slt.u32 s9, $0xF7A;
	s5 =	simm.s32 @!p2 $0x0  }
0x1d: {  	s5 =	simm.s32 @p1 $0x1;
	p0 =	seq.s32 s7, s2  }
0x1e: {  	s7 =	smul.u32 @!p0 $0xF7A, s2;
	p2 =	seq.s32 @!p0 s5, $0x0  }
0x1f: {  	s9 =	smul.u32 $0xF7A, s1;
	s8 =	simm.s32 @!p0 $0x1BF5;
	p2 =	por !p2, p0  }
0x20: {  	[sflag:s8] =	ssyncset.s32 @!p0 $0xFFFFF086;
	s6 =	sadd.s32 @!p0 s3, s7;
	s7 =	simm.s32 @!p0 $0x108  }
0x21: {  	s3 =	sadd.s32 s3, s9;
	s6 =	sadd.s32 @!p0 $0x88, s6;
	s7 =	simm.s32 @p2 $0x1082  }
0x22: {  	[simem:s7], [sflag:s8] =	dma.local @!p0 [hbm:s6], $0xF7A  }
0x23: {  	s9 =	sor.u32 $0xD0000000, s2;
	s6 =	simm.s32 $0x108;
	_ =	swait.ge @!p0 [sflag:s8], $0x0  }
0x24: {  	s3 =	sadd.s32 $0x88, s3;
	s6 =	simm.s32 @!p1 $0x1082;
	[sflag:s4] =	ssyncset.s32 $0xFFFFF086  }
0x25: {  	[simem:s6], [sflag:s4] =	dma.local [hbm:s3], $0xF7A  }
0x26: {  	[smem:$0x3F9D] =	sst s1;
	(tag) =	ssettag s2;
	_ =	strace s9  }
0x27: {  	s1 =	sld [smem:$0x3FAD]  }
0x28: {  	s2 =	sld [smem:$0x3FAE]  }
0x29: {  	s4 =	sld [smem:$0x3FB0]  }
0x2a: {  	p0 =	seq.s32 s5, $0x0;
	s5 =	sld [smem:$0x3FB1]  }
0x2b: {  	s6 =	sld [smem:$0x3FB2]  }
0x2c: {  	s7 =	sld [smem:$0x3FB3]  }
0x2d: {  	s3 =	simm.s32 $0x108;
	s8 =	sld [smem:$0x3FB4]  }
0x2e: {  	s3 =	simm.s32 @!p0 $0x1082;
	s9 =	sld [smem:$0x3FB5]  }
0x2f: {  	lr =	sadd.s32 s0, s3;
	s0 =	sld [smem:$0x3FAC]  }
0x30: {  	s3 =	sld [smem:$0x3FAF]  }
0x31: {  	[smem:$0x3FB8] =	sst s10  }
0x32: {  	s10 =	sld [smem:$0x3FB6];
	_ =	sdelay $0x3  }
0x33: {  	p0 =	seq.s32 s10, $0x1;
	s10 =	sld [smem:$0x3FB8];
	_ =	sdelay $0x3  }
0x34: {  	[smem:$0x3FB8] =	sst s10  }
0x35: {  	s10 =	sld [smem:$0x3FB7];
	_ =	sdelay $0x3  }
0x36: {  	p1 =	seq.s32 s10, $0x1;
	s10 =	sld [smem:$0x3FB8];
	_ =	sdelay $0x3  }
0x37: {  	[smem:$0x3FB8] =	sst s10  }
0x38: {  	s10 =	sld [smem:$0x3FB9]  }
0x39: {  	_ = 	snop;
	(pc) =	sbr.ind lr, $3  }
0x3a: {  	_ = 	snop  }
0x3b: {  	_ = 	snop  }
0x3c: {  	p2 =	seq.s32 s10, $0x1;
	s10 =	sld [smem:$0x3FB8]  }
0x3d: {  	_ =	shalt  }
0x3e: {  	_ =	shalt  }
0x3f: {  	_ =	shalt  }
0x40: {  	_ =	shalt  }
0x41: {  	_ =	shalt  }
0x42: {  	_ =	shalt  }
0x43: {  	_ =	shalt  }
0x44: {  	_ =	shalt  }
0x45: {  	_ =	shalt  }
0x46: {  	_ =	shalt  }
0x47: {  	_ =	shalt  }
0x48: {  	_ =	shalt  }
0x49: {  	_ =	shalt  }
0x4a: {  	_ =	shalt  }
0x4b: {  	_ =	shalt  }
0x4c: {  	_ =	shalt  }
0x4d: {  	_ =	shalt  }
0x4e: {  	_ =	shalt  }
0x4f: {  	_ =	shalt  }
0x50: {  	_ =	shalt  }
0x51: {  	_ =	shalt  }
0x52: {  	_ =	shalt  }
0x53: {  	_ =	shalt  }
0x54: {  	_ =	shalt  }
0x55: {  	_ =	shalt  }
0x56: {  	_ =	shalt  }
0x57: {  	_ =	shalt  }
0x58: {  	_ =	shalt  }
0x59: {  	_ =	shalt  }
0x5a: {  	_ =	shalt  }
0x5b: {  	_ =	shalt  }
0x5c: {  	_ =	shalt  }
0x5d: {  	_ =	shalt  }
0x5e: {  	_ =	shalt  }
0x5f: {  	_ =	shalt  }
0x60: {  	_ =	shalt  }
0x61: {  	_ =	shalt  }
0x62: {  	_ =	shalt  }
0x63: {  	_ =	shalt  }
0x64: {  	_ =	shalt  }
0x65: {  	_ =	shalt  }
0x66: {  	_ =	shalt  }
0x67: {  	_ =	shalt  }
0x68: {  	_ =	shalt  }
0x69: {  	_ =	shalt  }
0x6a: {  	_ =	shalt  }
0x6b: {  	_ =	shalt  }
0x6c: {  	_ =	shalt  }
0x6d: {  	_ =	shalt  }
0x6e: {  	_ =	shalt  }
0x6f: {  	_ =	shalt  }
0x70: {  	_ =	shalt  }
0x71: {  	_ =	shalt  }
0x72: {  	_ =	shalt  }
0x73: {  	_ =	shalt  }
0x74: {  	_ =	shalt  }
0x75: {  	_ =	shalt  }
0x76: {  	_ =	shalt  }
0x77: {  	_ =	shalt  }
0x78: {  	_ =	shalt  }
0x79: {  	_ =	shalt  }
0x7a: {  	_ =	shalt  }
0x7b: {  	_ =	shalt  }
0x7c: {  	_ =	shalt  }
0x7d: {  	_ =	shalt  }
0x7e: {  	_ =	shalt  }
0x7f: {  	_ =	shalt  }
0x80: {  	_ =	shalt  }
0x81: {  	_ =	shalt  }
0x82: {  	_ =	shalt  }
0x83: {  	_ =	shalt  }
0x84: {  	_ =	shalt  }
0x85: {  	_ =	shalt  }
0x86: {  	_ =	shalt  }
0x87: {  	_ =	shalt  }
.Lfunc_end0:
.L_simem_size_0:
called_computation_lowered:
.L_overlay_start_0:
0x88: {  	s2 =	sld [smem:$0x3FD9]  }
0x89: {  	s3 =	sld [smem:$0x3FFE];
	_ =	sdelay $0x1  }
0x8a: {  	s1 =	srdreg.scid  }
0x8b: {  	s0 =	sand.u32 $0x1, s1  }
0x8c: {  	s17 =	sshll.u32 s0, $0xA;
	s2 =	sadd.s32 s3, s2  }
0x8d: {  	s2 =	sadd.s32 s2, s17  }
0x8e: {  	[smem:$0x3FC4] =	sst s2  }
0x8f: {  	_ = 	snop  }
0x90: {  	s2 =	sld [smem:$0x3FD0];
	(tm) =	ssettm $0x1  }
0x91: {  	s18 =	sld [smem:$0x3FFB];
	_ =	sdelay $0x3  }
0x92: {  	_ =	strace s18  }
0x93: {  	s3 =	sld [smem:$0x3FFC];
	_ =	sdelay $0x3  }
0x94: {  	_ =	strace s3  }
0x95: {  	s3 =	sld [smem:$0x3FFD];
	_ =	sdelay $0x3  }
0x96: {  	_ =	strace s3  }
0x97: {  	_ =	strace $0x8FFFFFFF  }
0x98: {  	s19 =	sld [smem:$0x3FDB];
	_ =	sdelay $0x1  }
0x99: {  	s4 =	simm.s32 $_scs_section_size  }
0x9a: {  	s5 =	simm.s32 $_size__tile_overlayer_lowered;
	s6 =	simm.s32 $_tile_overlayer_lowered  }
0x9b: {  	s22 =	simm.s32 $0x1BFF;
	s21 =	sshll.u32 s6, $0x1;
	s3 =	sadd.s32 s4, s19  }
0x9c: {  	s7 =	simm.s32 $0x0;
	s20 =	sshll.u32 s5, $0x1;
	s5 =	sadd.s32 s21, s3  }
0x9d: {  	[timem:s7], [sflag:s22] =	dma.local [hbm:s5], s20  }
0x9e: {  	_ =	swait.ge [sflag:s22], s20  }
0x9f: {  	s4 =	ssub.s32 $0x0, s20;
	[sflag:s22] =	ssyncset.done $0x0  }
0xa0: {  	[sflag:s22] =	ssyncadd.s32 s4;
	_ =	sdelay $0x1  }
0xa1: {  	s23 =	simm.s32 $0x1B8B  }
0xa2: {  	_ =	swait.ge [sflag:s23], $0x1  }
0xa3: {  	[sflag:s23] =	ssyncset.done $0x0  }
0xa4: {  	s25 =	simm.s32 $0x1B8E;
	s24 =	sld [smem:$0x3FFE];
	[sflag:s23] =	ssyncadd.s32 $0xFFFFFFFF  }
0xa5: {  	s26 =	simm.s32 $execute0_lowered;
	[smem:$0x3FD2] =	sst s25  }
0xa6: {  	s5 =	sshll.u32 s26, $0x1;
	_ =	strace $0x80000046;
	[dreg:$0x1] =	wrdreg $0xFFFFFFFF  }
0xa7: {  	s28 =	simm.s32 $_size_execute0_lowered;
	s3 =	sadd.s32 s3, s5;
	[dreg:$0x0] =	wrdreg $0x0  }
0xa8: {  	s5 =	sshll.u32 s28, $0x1;
	[dreg:$0x2] =	wrdreg s3  }
0xa9: {  	[dreg:$0x3] =	wrdreg s5  }
0xaa: {  	[dreg:$0x4] =	wrdreg $0xC0  }
0xab: {  	_ =	task [dreg:s7], $0x5FFFF  }
0xac: {  	[dreg:$0x1] =	wrdreg $0xFFFFFFFF  }
0xad: {  	[dreg:$0x0] =	wrdreg $0x60  }
0xae: {  	[dreg:$0x2] =	wrdreg s2  }
0xaf: {  	[dreg:$0x3] =	wrdreg s24  }
0xb0: {  	[dreg:$0x4] =	wrdreg $0x13900  }
0xb1: {  	[dreg:$0x5] =	wrdreg $0x0  }
0xb2: {  	[dreg:$0x6] =	wrdreg $0x9  }
0xb3: {  	_ =	task.clear_ibuf [dreg:s7], $0x7FFFF;
	_ =	strace $0x90000046  }
0xb4: {  	s29 =	simm.s32 $0x9;
	_ =	strace $0x80000048  }
0xb5: {  	_ =	swait.ge [sflag:s29], $0x1  }
0xb6: {  	[sflag:s29] =	ssyncadd.s32 $0xFFFFFFFF  }
0xb7: {  	_ =	strace $0x90000048  }
0xb8: {  	_ =	sfence  }
0xb9: {  	s30 =	sld [smem:$0x0];
	_ =	sdelay $0x2  }
0xba: {  	s31 =	sshll.u32 s1, $0xD;
	s1 =	sshrl.u32 s1, $0x2  }
0xbb: {  	s3 =	sand.u32 $0x4000, s31;
	s1 =	sadd.s32 s1, s30  }
0xbc: {  	s0 =	sor.u32 s3, s0;
	s1 =	sshll.u32 s1, $0x11  }
0xbd: {  	s0 =	sor.u32 s1, s0  }
0xbe: {  	s0 =	sadd.s32 $0x8F2B, s0  }
0xbf: {  	[sflag:s0] =	ssyncadd.remote.s32 $0x1  }
0xc0: {  	_ =	sfence.sel $0xFFFF  }
0xc1: {  	[dreg:$0x0] =	wrdreg $0xFFFFFFFF;
	(pc) =	sbr.abs _section_cstart, $3  }
0xc2: {  	[dreg:$0x1] =	wrdreg $0xFFFFFFFF  }
0xc3: {  	_ =	task.clear_ibuf [dreg:s7], $0x2FFFF;
	_ =	strace $0x9FFFFFFF  }
0xc4: {  	(tm) =	ssettm $0x7FFFFFFF  }
0xc5: {  	_ =	shalt  }
tec
execute0_lowered:
.L_overlay_start_1:
0x0: {  	(tag) =	ssettag $0x1  }
0x1: {  	s0 =	rddreg [dreg:$0x0]  }
0x2: {  	s2 =	rddreg [dreg:$0x1]  }
0x3: {  	s1 =	rddreg [dreg:$0x2]  }
0x4: {  	v0 =	vimm.s32 $0x2717;
	vm0 =	vcmask $0x300;
	s3 =	rddreg [dreg:$0x3];
	s4 =	stileid.u32;
	s6 =	simm.s32 $0x0  }
0x5: {  	vm14 =	vcmask $0x704;
	s22 =	srdreg.scid;
	s13 =	simm.s32 $0x2720;
	s14 =	simm.s32 $0x3;
	v0 =	vsel vm0, $0x2700, v0  }
0x6: {  	vm15 =	vcmask $0xB08;
	s15 =	simm.s32 $0x7720;
	s16 =	simm.s32 $0x10AB0;
	s17 =	simm.s32 $0xE720;
	v0 =	vsel vm14, $0x2701, v0  }
0x7: {  	vm4 =	vcmask $0xF0C;
	s18 =	simm.s32 $0xF720;
	s19 =	simm.s32 $0x200;
	s5 =	smul.u32 $0x4E20, s4;
	v0 =	vsel vm15, $0x2702, v0  }
0x8: {  	vm5 =	vcmask $0x1310;
	s21 =	simm.s32 $0x1;
	s28 =	simm.s32 $0xC320;
	s9 =	smul.u32 $0x4E4, s4;
	v0 =	vsel vm4, $0x2703, v0  }
0x9: {  	vm6 =	vcmask $0x1714;
	s29 =	simm.s32 $0xC520;
	s30 =	simm.s32 $0x14560;
	s11 =	smul.u32 $0x1390, s4;
	v0 =	vsel vm5, $0x2704, v0  }
0xa: {  	vm7 =	vcmask $0x1B18;
	[smem:$0x7FF] =	sst s6;
	s6 =	sand.u32 $0x1, s22;
	s12 =	smul.u32 $0x4E2, s4;
	v0 =	vsel vm6, $0x2705, v0  }
0xb: {  	vm8 =	vcmask $0x1F1C;
	s22 =	simm.s32 $0x2;
	_ =	strace $0x80000047;
	s8 =	ssub.s32 $0x2, s6;
	v0 =	vsel vm7, $0x2706, v0  }
0xc: {  	vm9 =	vcmask $0x2320;
	s7 =	sshrl.u32 s5, $0x3;
	s10 =	sshrl.u32 s8, $0x1;
	s0 =	sadd.s32 s0, s9;
	v0 =	vsel vm8, $0x2707, v0  }
0xd: {  	vm10 =	vcmask $0x2724;
	s25 =	sshrl.u32 s5, $0x2;
	s9 =	sadd.s32 s11, s3;
	s7 =	sadd.s32 s7, s2;
	v0 =	vsel vm9, $0x2710, v0  }
0xe: {  	vm11 =	vcmask $0x2B28;
	vm12 =	vcmask $0x2F2C;
	s2 =	sadd.s32 s6, s2;
	s10 =	ssub.s32 s8, s10;
	s6 =	sshll.u32 s6, $0x3;
	v0 =	vsel vm10, $0x2711, v0  }
0xf: {  	vm13 =	vcmask $0x3330;
	v7 =	vimm.f32 $1.000000000e+00;
	[dreg:$0x7] =	wrdreg s0;
	s8 =	sadd.s32 s11, s1;
	s0 =	sadd.s32 s25, s3;
	v0 =	vsel vm11, $0x2712, v0  }
0x10: {  	v8 =	vimm.f32 $0.0e+00;
	vm14 =	vcmask $0x3734;
	s25 =	simm.s32 $0xD720;
	s23 =	sadd.s32 $0x800, s7;
	[dreg:$0x8] =	wrdreg s0;
	v1 =	vsel vm12, $0x2713, v0  }
0x11: {  	vm15 =	vcmask $0x3B38;
	s24 =	sadd.s32 $0xA440, s7;
	s2 =	sadd.s32 s12, s2;
	[dreg:$0x5] =	wrdreg s23;
	v0 =	vlaneseq.u32;
	v2 =	vsel vm13, $0x2714, v1  }
0x12: {  	s31 =	smax.u32 s10, $0x1;
	s0 =	simm.s32 $0x0;
	[dreg:$0x6] =	wrdreg s24;
	v1 =	vand.u32 $0x7, v0;
	v5 =	vor.u32 $0x2710, v0;
	v3 =	vsel vm14, $0x2715, v2  }
0x13: {  	s26 =	sadd.s32 $0x14200, s2;
	[dreg:$0xa] =	wrdreg s31;
	s23 =	simm.s32 $0x131D0;
	v9 =	vor.u32 $0x1380, v0;
	v4 =	vsel vm15, $0x2716, v3;
	v3 =	vshrl.u32 v0, $0x3  }
0x14: {  	s24 =	simm.s32 $0xC720;
	[dreg:$0x9] =	wrdreg s26;
	s26 =	simm.s32 $0x7520;
	v2 =	vor.u32 s6, v1;
	v4 =	vor.u32 s6, v4;
	v6 =	vmul.u32 $0x8, v3  }
.LBB2_1:
0x15: {  	s4 =	simm.s32 $0x0;
	s2 =	rddreg [dreg:$0x5]  }
0x16: {  	[tilespmem:s13], [sflag:$0x3] =	stream.linear.gather [hbm4b:s2+s4], $0x4E20, $0x38;
	[tilespmem:$0x193A0] =	vst v63  }
0x17: {  	_ =	swait.ge [sflag:s14], $0x4E20  }
0x18: {  	[sflag:s14] =	ssyncset.done $0x0  }
0x19: {  	s12 =	rddreg [dreg:$0x6];
	[sflag:s14] =	ssyncadd.s32 $0xFFFFB1E0  }
0x1a: {  	[tilespmem:s15], [sflag:$0x3] =	stream.linear.gather [hbm4b:s12+s4], $0x4E20, $0x38;
	[tilespmem:$0x193A0] =	vst v63  }
0x1b: {  	_ =	swait.ge [sflag:s14], $0x4E20  }
0x1c: {  	s20 =	simm.s32 $0x4E20;
	[sflag:s14] =	ssyncset.done $0x0  }
0x1d: {  	v10 =	vor.u32 s20, v0;
	s31 =	rddreg [dreg:$0x7];
	[sflag:s14] =	ssyncadd.s32 $0xFFFFB1E0  }
0x1e: {  	[tilespmem:s16], [sflag:$0x3] =	stream.linear.gather [hbm4b:s31+s4], $0x2720, $0x38;
	[tilespmem:$0x193A0] =	vst v63  }
0x1f: {  	_ =	swait.ge [sflag:s14], $0x2720  }
0x20: {  	[sflag:s14] =	ssyncset.done $0x0  }
0x21: {  	[sflag:s14] =	ssyncadd.s32 $0xFFFFD8E0  }
0x22: {  	s2 =	simm.s32 $0x4E30;
	[tilespmem:v10+s13+$0x0] =	vst.idx.msk $0xffff, v5  }
.LBB2_2:
0x23: {  	[tilespmem:v10+s15+$0x0] =	vst.idx.msk $0xffff, v5;
	v10 =	vor.u32 s2, v0;
	p0 =	sne.s32 s2, $0x4FF0  }
.Ltmp0:
0x24: {  	s2 =	sadd.s32 $0x10, s2;
	(pc) =	sbr.rel @p0 .LBB2_2-.Ltmp0, $2  }
0x25: {  	_ =	sdelay $0x2  }
0x26: {  	[tilespmem:v10+s13+$0x0] =	vst.idx.msk $0xffff, v5  }
0x27: {  	s2 =	simm.s32 $0x0  }
0x28: {  	v11 =	vmov s2  }
0x29: {  	v11 =	vshll.u32 v11, $0x3  }
0x2a: {  	v11 =	vor.u32 v6, v11  }
0x2b: {  	[tilespmem:v10+s15+$0x0] =	vst.idx.msk $0xffff, v5;
	s2 =	simm.s32 $0x2;
	v10 =	vor.u32 v1, v11  }
.LBB2_4:
0x2c: {  	p0 =	sne.s32 s2, $0x1FE  }
.Ltmp1:
0x2d: {  	_ = 	snop;
	(pc) =	sbr.rel @p0 .LBB2_4-.Ltmp1, $4  }
0x2e: {  	v12 =	vmov s2  }
0x2f: {  	v12 =	vshll.u32 v12, $0x3  }
0x30: {  	v12 =	vor.u32 v6, v12  }
0x31: {  	s2 =	sadd.s32 $0x2, s2;
	[tilespmem:v10+s17+$0x0] =	vst.idx.msk $0xffff, v7;
	v10 =	vor.u32 v1, v12  }
0x32: {  	_ =	sdelay $0x3  }
0x33: {  	[tilespmem:v10+s17+$0x0] =	vst.idx.msk $0xffff, v7;
	s2 =	simm.s32 $0x2;
	v10 =	vor.u32 v1, v11  }
.LBB2_6:
0x34: {  	p0 =	sne.s32 s2, $0x270  }
.Ltmp2:
0x35: {  	_ = 	snop;
	(pc) =	sbr.rel @p0 .LBB2_6-.Ltmp2, $4  }
0x36: {  	v11 =	vmov s2  }
0x37: {  	v11 =	vshll.u32 v11, $0x3  }
0x38: {  	v11 =	vor.u32 v6, v11  }
0x39: {  	s2 =	sadd.s32 $0x2, s2;
	[tilespmem:v10+s18+$0x0] =	vst.idx.msk $0xffff, v8;
	v10 =	vor.u32 v1, v11  }
0x3a: {  	_ =	sdelay $0x3  }
0x3b: {  	[tilespmem:v10+s18+$0x0] =	vst.idx.msk $0xffff, v8  }
0x3c: {  	[spmem:s8] =	stream.linear.scatter [tilespmem:s18], [sflag:$0x3], $0x1390, $0x38;
	[tilespmem:$0x193A0] =	vst v63  }
0x3d: {  	_ =	swait.ge [sflag:s14], $0x1390  }
0x3e: {  	[sflag:s14] =	ssyncset.done $0x0  }
0x3f: {  	[sflag:s14] =	ssyncadd.s32 $0xFFFFEC70  }
0x40: {  	[bflag:$0x0] =	sbarrier.arrive $0xFFFF  }
0x41: {  	[spmem:s1] =	stream.indirect.scatter.add.f32 [tilespmem:s17], [sflag:$0x1], $0x8, s15, s19, $0xb8;
	[tilespmem:$0x193A0] =	vst v63  }
0x42: {  	s2 =	simm.s32 $0x7920  }
0x43: {  	[spmem:s1] =	stream.indirect.scatter.add.f32 [tilespmem:s17], [sflag:$0x2], $0x8, s2, s19, $0xb8;
	[tilespmem:$0x193A0] =	vst v63  }
0x44: {  	_ =	swait.ge [sflag:s21], $0x1000  }
0x45: {  	[sflag:s21] =	ssyncset.done $0x0  }
0x46: {  	s31 =	simm.s32 $0x7B20;
	[sflag:s21] =	ssyncadd.s32 $0xFFFFF000  }
0x47: {  	[spmem:s1] =	stream.indirect.scatter.add.f32 [tilespmem:s17], [sflag:$0x1], $0x8, s31, s19, $0xb8;
	[tilespmem:$0x193A0] =	vst v63  }
0x48: {  	_ =	swait.ge [sflag:s22], $0x1000  }
0x49: {  	[sflag:s22] =	ssyncset.done $0x0  }
0x4a: {  	s5 =	simm.s32 $0x7D20;
	s2 =	simm.s32 $0xFFFEE000;
	[sflag:s22] =	ssyncadd.s32 $0xFFFFF000  }
.LBB2_8:
0x4b: {  	[spmem:s1] =	stream.indirect.scatter.add.f32 [tilespmem:s17], [sflag:$0x2], $0x8, s5, s19, $0xb8;
	[tilespmem:$0x193A0] =	vst v63  }
0x4c: {  	s5 =	smov.u32 s2  }
0x4d: {  	p0 =	sne.s32 s2, $0xFFFFF000;
	s2 =	sadd.s32 $0x1000, s2;
	_ =	swait.ge [sflag:s21], $0x1000  }
0x4e: {  	s5 =	sshra.s32 s5, $0x2;
	[sflag:s21] =	ssyncset.done $0x0  }
.Ltmp3:
0x4f: {  	s6 =	sadd.s32 $0xC720, s5;
	[sflag:s21] =	ssyncadd.s32 $0xFFFFF000;
	(pc) =	sbr.rel @p0 .LBB2_8-.Ltmp3, $4  }
0x50: {  	[spmem:s1] =	stream.indirect.scatter.add.f32 [tilespmem:s17], [sflag:$0x1], $0x8, s6, s19, $0xb8;
	[tilespmem:$0x193A0] =	vst v63  }
0x51: {  	_ =	swait.ge [sflag:s22], $0x1000  }
0x52: {  	[sflag:s22] =	ssyncset.done $0x0  }
0x53: {  	s5 =	sadd.s32 $0xC920, s5;
	[sflag:s22] =	ssyncadd.s32 $0xFFFFF000  }
0x54: {  	[spmem:s1] =	stream.indirect.scatter.add.f32 [tilespmem:s17], [sflag:$0x2], $0x8, s5, s19, $0xb8;
	[tilespmem:$0x193A0] =	vst v63  }
0x55: {  	_ =	swait.ge [sflag:s21], $0x1000  }
0x56: {  	[sflag:s21] =	ssyncset.done $0x0  }
0x57: {  	[sflag:s21] =	ssyncadd.s32 $0xFFFFF000  }
0x58: {  	_ =	swait.ge [sflag:s22], $0x1000  }
0x59: {  	[sflag:s22] =	ssyncset.done $0x0  }
0x5a: {  	[sflag:s22] =	ssyncadd.s32 $0xFFFFF000  }
0x5b: {  	s2 =	simm.s32 $0x6;
	[bflag:$0x0] =	sbarrier.arrive $0xFFFF  }
0x5c: {  	[tilespmem:s23], [sflag:$0x3] =	stream.linear.gather [spmem:s8], $0x1390, $0x38;
	[tilespmem:$0x193A0] =	vst v63  }
0x5d: {  	v10 =	vor.u32 s2, v3;
	_ =	swait.ge [sflag:s14], $0x1390  }
0x5e: {  	v11 =	vshll.u32 v10, $0x3;
	[sflag:s14] =	ssyncset.done $0x0  }
0x5f: {  	v24 =	vor.u32 v1, v11;
	[sflag:s14] =	ssyncadd.s32 $0xFFFFEC70  }
0x60: {  	[spmem:s8] =	stream.linear.scatter [tilespmem:s18], [sflag:$0x3], $0x1390, $0x38;
	[tilespmem:$0x193A0] =	vst v63  }
0x61: {  	_ =	swait.ge [sflag:s14], $0x1390  }
0x62: {  	s4 =	simm.s32 $0x4;
	[sflag:s14] =	ssyncset.done $0x0  }
0x63: {  	v12 =	vor.u32 s4, v3;
	[sflag:s14] =	ssyncadd.s32 $0xFFFFEC70  }
0x64: {  	v11 =	vshll.u32 v12, $0x3;
	v13 =	vld.idx.msk [tilespmem:v24+s23+$0x0], $0xffff  }
0x65: {  	v23 =	vor.u32 v1, v11;
	_ =	sdelay $0x3  }
0x66: {  	v11 =	vadd.f32 $1.000000000e+00, v13  }
0x67: {  	v13 =	vld.idx.msk [tilespmem:v23+s23+$0x0], $0xffff  }
0x68: {  	s5 =	simm.s32 $0x2;
	v14 =	vshrl.u32 v11, $0x1;
	v15 =	vmul.f32 $5.000000000e-01, v11  }
0x69: {  	v16 =	vor.u32 s5, v3;
	v14 =	vsub.s32 $0x5F3759DF, v14  }
0x6a: {  	v11 =	vshll.u32 v16, $0x3;
	v17 =	vmul.f32 v14, v15  }
0x6b: {  	v11 =	vor.u32 v1, v11  }
0x6c: {  	v13 =	vadd.f32 $1.000000000e+00, v13;
	v17 =	vmul.f32 v14, v17;
	_ =	sdelay $0x1  }
0x6d: {  	v18 =	vshrl.u32 v13, $0x1;
	v13 =	vmul.f32 $5.000000000e-01, v13;
	v17 =	vsub.f32 $1.500000000e+00, v17  }
0x6e: {  	v18 =	vsub.s32 $0x5F3759DF, v18  }
0x6f: {  	s10 =	simm.s32 $0xC;
	s11 =	simm.s32 $0xA;
	s12 =	simm.s32 $0x8;
	v19 =	vld.idx.msk [tilespmem:v11+s23+$0x0], $0xffff;
	v20 =	vmul.f32 v18, v13;
	v14 =	vmul.f32 v14, v17  }
0x70: {  	s6 =	simm.s32 $0x0;
	v28 =	vor.u32 s10, v3;
	v30 =	vor.u32 s11, v3;
	v44 =	vor.u32 s12, v3  }
0x71: {  	s20 =	simm.s32 $0x12;
	v17 =	vor.u32 s6, v3;
	v20 =	vmul.f32 v18, v20;
	v21 =	vmul.f32 v14, v15  }
0x72: {  	v47 =	vor.u32 s20, v3;
	v10 =	vshll.u32 v10, $0x4;
	v22 =	vshll.u32 v17, $0x3  }
0x73: {  	v27 =	vor.u32 v1, v22;
	v20 =	vsub.f32 $1.500000000e+00, v20;
	v21 =	vmul.f32 v21, v14  }
0x74: {  	s7 =	simm.s32 $0xE;
	v22 =	vor.u32 v2, v10;
	v10 =	vshll.u32 v12, $0x4;
	v12 =	vadd.f32 $1.000000000e+00, v19  }
0x75: {  	v18 =	vmul.f32 v18, v20;
	v20 =	vor.u32 s7, v3;
	v19 =	vsub.f32 $1.500000000e+00, v21  }
0x76: {  	v26 =	vmul.f32 $5.000000000e-01, v12;
	v21 =	vshrl.u32 v12, $0x1;
	v12 =	vshll.u32 v20, $0x3  }
0x77: {  	s4 =	simm.s32 $0x14;
	v46 =	vshll.u32 v44, $0x3;
	v32 =	vor.u32 v1, v12;
	v14 =	vmul.f32 v19, v14  }
0x78: {  	v44 =	vshll.u32 v44, $0x4;
	v48 =	vor.u32 s4, v3;
	v25 =	vmul.f32 v18, v13  }
0x79: {  	v12 =	vshll.u32 v28, $0x3;
	v19 =	vsub.s32 $0x5F3759DF, v21;
	v15 =	vmul.f32 v14, v15  }
0x7a: {  	v21 =	vor.u32 v2, v10;
	v10 =	vld.idx.msk [tilespmem:v27+s23+$0x0], $0xffff;
	v12 =	vor.u32 v1, v12;
	v25 =	vmul.f32 v25, v18  }
0x7b: {  	v52 =	vshll.u32 v47, $0x3;
	v16 =	vshll.u32 v16, $0x4;
	v15 =	vmul.f32 v15, v14  }
0x7c: {  	v35 =	vor.u32 v2, v16;
	v17 =	vshll.u32 v17, $0x4;
	v31 =	vsub.f32 $1.500000000e+00, v25;
	v33 =	vld.idx.msk [tilespmem:v32+s23+$0x0], $0xffff  }
0x7d: {  	v16 =	vshll.u32 v20, $0x4;
	v29 =	vmul.f32 v19, v26;
	v15 =	vsub.f32 $1.500000000e+00, v15  }
0x7e: {  	v25 =	vor.u32 v2, v17;
	v17 =	vshll.u32 v30, $0x3;
	v18 =	vmul.f32 v31, v18  }
0x7f: {  	v31 =	vadd.f32 $1.000000000e+00, v10;
	v10 =	vor.u32 v1, v17;
	v36 =	vmul.f32 v15, v14;
	v14 =	vld.idx.msk [tilespmem:v12+s23+$0x0], $0xffff  }
0x80: {  	v37 =	vor.u32 v2, v16;
	v29 =	vmul.f32 v19, v29;
	v13 =	vmul.f32 v18, v13  }
0x81: {  	v17 =	vld.idx.msk [tilespmem:v22+s16+$0x0], $0xffff;
	v20 =	vmul.f32 $5.000000000e-01, v31;
	v15 =	vshrl.u32 v31, $0x1;
	v31 =	vadd.f32 $1.000000000e+00, v33  }
0x82: {  	v15 =	vsub.s32 $0x5F3759DF, v15;
	v13 =	vmul.f32 v13, v18;
	v22 =	vmul.f32 $8.999999760e-01, v36  }
0x83: {  	v54 =	vmul.f32 $1.000000010e-01, v36;
	v38 =	vshrl.u32 v31, $0x1;
	v31 =	vmul.f32 $5.000000000e-01, v31  }
0x84: {  	v34 =	vld.idx.msk [tilespmem:v10+s23+$0x0], $0xffff;
	v39 =	vmul.f32 v22, v36;
	v22 =	vsub.s32 $0x5F3759DF, v38;
	v14 =	vadd.f32 $1.000000000e+00, v14  }
0x85: {  	v16 =	vmul.f32 v15, v20;
	v13 =	vsub.f32 $1.500000000e+00, v13;
	v55 =	vmul.f32 v22, v31  }
0x86: {  	v38 =	vmul.f32 v54, v17;
	v40 =	vshrl.u32 v14, $0x1;
	v41 =	vmul.f32 $5.000000000e-01, v14  }
0x87: {  	s6 =	simm.s32 $0x16;
	v21 =	vld.idx.msk [tilespmem:v21+s16+$0x0], $0xffff;
	v42 =	vmul.f32 v13, v18;
	v13 =	vmul.f32 v22, v55;
	v14 =	vsub.s32 $0x5F3759DF, v40  }
0x88: {  	v49 =	vor.u32 s6, v3;
	v16 =	vmul.f32 v15, v16;
	v18 =	vmul.f32 v14, v41  }
0x89: {  	v40 =	vmul.f32 v36, v17;
	v17 =	vadd.f32 $1.000000000e+00, v34;
	v13 =	vsub.f32 $1.500000000e+00, v13  }
0x8a: {  	v29 =	vsub.f32 $1.500000000e+00, v29;
	v16 =	vsub.f32 $1.500000000e+00, v16;
	v45 =	vmul.f32 v14, v18  }
0x8b: {  	v56 =	vshrl.u32 v17, $0x1;
	v18 =	vmul.f32 $5.000000000e-01, v17;
	v17 =	vmul.f32 v22, v13  }
0x8c: {  	v29 =	vmul.f32 v19, v29;
	v43 =	vmul.f32 v42, v21;
	v22 =	vsub.f32 $1.500000000e+00, v45  }
0x8d: {  	v28 =	vshll.u32 v28, $0x4;
	v15 =	vmul.f32 v15, v16;
	v16 =	vmul.f32 v17, v31  }
0x8e: {  	v30 =	vshll.u32 v30, $0x4;
	v22 =	vmul.f32 v14, v22;
	v14 =	vmul.f32 $8.999999760e-01, v42  }
0x8f: {  	v57 =	vmul.f32 v15, v20;
	v13 =	vor.u32 v1, v46;
	v58 =	vmul.f32 v16, v17  }
0x90: {  	v16 =	vor.u32 v2, v44;
	v44 =	vmul.f32 v14, v42;
	v14 =	vmul.f32 v22, v41  }
0x91: {  	v34 =	vsub.s32 $0x5F3759DF, v56;
	v45 =	vmul.f32 v57, v15;
	v46 =	vsub.f32 $1.500000000e+00, v58  }
0x92: {  	v19 =	vor.u32 v2, v30;
	v33 =	vmul.f32 v34, v18;
	v14 =	vmul.f32 v14, v22  }
0x93: {  	v45 =	vsub.f32 $1.500000000e+00, v45;
	v30 =	vmul.f32 v46, v17;
	v17 =	vmul.f32 v29, v26  }
0x94: {  	v28 =	vor.u32 v2, v28;
	v59 =	vmul.f32 $1.000000010e-01, v42;
	v33 =	vmul.f32 v34, v33  }
0x95: {  	v51 =	vld.idx.msk [tilespmem:v13+s23+$0x0], $0xffff;
	v45 =	vmul.f32 v45, v15;
	v50 =	vsub.f32 $1.500000000e+00, v14;
	v14 =	vmul.f32 v17, v29  }
0x96: {  	v46 =	vmul.f32 v59, v21;
	v21 =	vshll.u32 v48, $0x3;
	v31 =	vmul.f32 v30, v31  }
0x97: {  	v60 =	vmul.f32 v45, v20;
	v17 =	vshll.u32 v49, $0x3;
	v53 =	vsub.f32 $1.500000000e+00, v14  }
0x98: {  	v17 =	vor.u32 v1, v17;
	v14 =	vor.u32 v1, v21;
	v21 =	vmul.f32 v31, v30  }
0x99: {  	v15 =	vor.u32 v1, v52;
	v31 =	vmul.f32 v50, v22;
	v29 =	vmul.f32 v53, v29  }
0x9a: {  	s6 =	simm.s32 $0x15910;
	v48 =	vshll.u32 v48, $0x4;
	v61 =	vadd.f32 $1.000000000e+00, v51;
	v21 =	vsub.f32 $1.500000000e+00, v21  }
0x9b: {  	s7 =	simm.s32 $0x16CA0;
	v37 =	vld.idx.msk [tilespmem:v37+s16+$0x0], $0xffff;
	[tilespmem:s6+$0x10] =	vst v36;
	v22 =	vshll.u32 v49, $0x4;
	v41 =	vmul.f32 v31, v41;
	v26 =	vmul.f32 v29, v26  }
0x9c: {  	s12 =	simm.s32 $0x18030;
	[tilespmem:s7+$0x10] =	vst v39;
	v20 =	vor.u32 v2, v22;
	v52 =	vmul.f32 v21, v30;
	v30 =	vmul.f32 v60, v45  }
0x9d: {  	[tilespmem:s12+$0x10] =	vst v38;
	v22 =	vshrl.u32 v61, $0x1;
	v62 =	vld.idx.msk [tilespmem:v17+s23+$0x0], $0xffff;
	v21 =	vmul.f32 $5.000000000e-01, v61;
	v41 =	vmul.f32 v41, v31  }
0x9e: {  	[tilespmem:v24+s23+$0x0] =	vst.idx.msk $0xffff, v40;
	v50 =	vsub.s32 $0x5F3759DF, v22;
	v63 =	vld.idx.msk [tilespmem:v14+s23+$0x0], $0xffff;
	v59 =	vmul.f32 $8.999999760e-01, v52;
	v55 =	vmul.f32 $1.000000010e-01, v52  }
0x9f: {  	[tilespmem:s6+$0x0] =	vst v42;
	v22 =	vld.idx.msk [tilespmem:v28+s16+$0x0], $0xffff;
	v26 =	vmul.f32 v26, v29;
	v54 =	vmul.f32 v50, v21;
	v28 =	vsub.f32 $1.500000000e+00, v41  }
0xa0: {  	v35 =	vld.idx.msk [tilespmem:v35+s16+$0x0], $0xffff;
	[tilespmem:s7+$0x0] =	vst v44;
	v60 =	vsub.f32 $1.500000000e+00, v30;
	v41 =	vmul.f32 v59, v52;
	v55 =	vmul.f32 v55, v37  }
0xa1: {  	s11 =	simm.s32 $0x10;
	[tilespmem:s12+$0x0] =	vst v46;
	v26 =	vsub.f32 $1.500000000e+00, v26;
	v61 =	vmul.f32 v50, v54;
	v37 =	vmul.f32 v52, v37  }
0xa2: {  	[tilespmem:v23+s23+$0x0] =	vst.idx.msk $0xffff, v43;
	v42 =	vmul.f32 v60, v45;
	v60 =	vor.u32 s11, v3;
	v51 =	vadd.f32 $1.000000000e+00, v62  }
0xa3: {  	s31 =	simm.s32 $0x15950;
	v43 =	vld.idx.msk [tilespmem:v25+s16+$0x0], $0xffff;
	v56 =	vmul.f32 v26, v29;
	v26 =	vmul.f32 v28, v31;
	v28 =	vadd.f32 $1.000000000e+00, v63  }
0xa4: {  	s20 =	simm.s32 $0x16CE0;
	[tilespmem:s31+$0x10] =	vst v52;
	v29 =	vld.idx.msk [tilespmem:v15+s23+$0x0], $0xffff;
	v57 =	vsub.f32 $1.500000000e+00, v61;
	v62 =	vshrl.u32 v51, $0x1;
	v30 =	vmul.f32 $5.000000000e-01, v51  }
0xa5: {  	s2 =	simm.s32 $0x18070;
	v23 =	vmul.f32 $1.000000010e-01, v42;
	[tilespmem:s20+$0x10] =	vst v41;
	v63 =	vsub.s32 $0x5F3759DF, v62;
	v31 =	vmul.f32 v56, v35  }
0xa6: {  	v61 =	vshll.u32 v60, $0x3;
	[tilespmem:s2+$0x10] =	vst v55;
	v24 =	vmul.f32 v26, v22;
	v49 =	vmul.f32 v63, v30  }
0xa7: {  	v51 =	vshrl.u32 v28, $0x1;
	v54 =	vmul.f32 $1.000000010e-01, v56;
	[tilespmem:v32+s23+$0x0] =	vst.idx.msk $0xffff, v37;
	v32 =	vor.u32 v2, v48  }
0xa8: {  	v55 =	vmul.f32 v23, v43;
	v23 =	vshll.u32 v60, $0x4;
	v38 =	vmul.f32 v63, v49  }
0xa9: {  	v40 =	vsub.s32 $0x5F3759DF, v51;
	v45 =	vadd.f32 $1.000000000e+00, v29;
	v29 =	vmul.f32 $5.000000000e-01, v28  }
0xaa: {  	v52 =	vmul.f32 v54, v35;
	v28 =	vmul.f32 $8.999999760e-01, v42;
	v58 =	vsub.f32 $1.500000000e+00, v38  }
0xab: {  	v60 =	vsub.f32 $1.500000000e+00, v33;
	v49 =	vmul.f32 $8.999999760e-01, v56;
	v25 =	vmul.f32 v40, v29  }
0xac: {  	v23 =	vor.u32 v2, v23;
	v38 =	vmul.f32 v50, v57;
	v51 =	vmul.f32 v63, v58  }
0xad: {  	v59 =	vshrl.u32 v45, $0x1;
	v62 =	vmul.f32 v40, v25;
	v63 =	vmul.f32 v28, v42  }
0xae: {  	v36 =	vsub.s32 $0x5F3759DF, v59;
	v25 =	vmul.f32 $5.000000000e-01, v45;
	v57 =	vmul.f32 v38, v21  }
0xaf: {  	[tilespmem:s6+$0xFFFFFFE0] =	vst v42;
	v58 =	vmul.f32 $8.999999760e-01, v26;
	v53 =	vsub.f32 $1.500000000e+00, v62;
	v54 =	vmul.f32 v51, v30  }
0xb0: {  	[tilespmem:s6+$0xFFFFFFF0] =	vst v56;
	v28 =	vor.u32 v1, v61;
	v42 =	vmul.f32 v42, v43;
	v61 =	vmul.f32 v49, v56  }
0xb1: {  	v59 =	vshll.u32 v47, $0x4;
	[tilespmem:s7+$0xFFFFFFE0] =	vst v63;
	v39 =	vmul.f32 v40, v53;
	v37 =	vmul.f32 v54, v51  }
0xb2: {  	v33 =	vor.u32 v2, v59;
	v43 =	vmul.f32 v34, v60;
	v45 =	vmul.f32 v36, v25;
	[tilespmem:s7+$0xFFFFFFF0] =	vst v61  }
0xb3: {  	v63 =	vmul.f32 v57, v38;
	[tilespmem:s12+$0xFFFFFFE0] =	vst v55;
	v62 =	vmul.f32 v39, v29;
	v37 =	vsub.f32 $1.500000000e+00, v37  }
0xb4: {  	s10 =	simm.s32 $0x8;
	s5 =	simm.s32 $0x180B0;
	v40 =	vmul.f32 v58, v26;
	[tilespmem:v27+s23+$0x0] =	vst.idx.msk $0xffff, v42;
	v27 =	vmul.f32 v36, v45  }
0xb5: {  	s11 =	simm.s32 $0x18;
	s6 =	simm.s32 $0x16D20;
	s7 =	simm.s32 $0x15990;
	[tilespmem:s12+$0xFFFFFFF0] =	vst v52;
	v44 =	vsub.f32 $1.500000000e+00, v63;
	v42 =	vld.idx.msk [tilespmem:v28+s23+$0x0], $0xffff;
	v35 =	vmul.f32 v62, v39;
	v41 =	vmul.f32 v37, v51  }
.LBB2_10:
0xb6: {  	s12 =	sadd.s32 $0x2, s11;
	s4 =	sadd.s32 $0x4, s11;
	s10 =	sadd.s32 $0x4, s10;
	v45 =	vmul.f32 v43, v18;
	v46 =	vmul.f32 $1.000000010e-01, v26;
	[tilespmem:v11+s23+$0x0] =	vst.idx.msk $0xffff, v31;
	v11 =	vmovc v10;
	v10 =	vmov v15  }
0xb7: {  	v34 =	vmovc v28;
	v37 =	vor.u32 s12, v3;
	v31 =	vor.u32 s4, v3;
	s4 =	sadd.s32 $0x6, s11;
	p0 =	slt.u32 s10, $0x134;
	v47 =	vsub.f32 $1.500000000e+00, v35;
	v35 =	vmovc v36;
	s12 =	smov.u32 s2  }
0xb8: {  	s2 =	smov.u32 s5;
	v15 =	vshll.u32 v37, $0x3;
	v28 =	vor.u32 s4, v3;
	v36 =	vmul.f32 v45, v43  }
0xb9: {  	v30 =	vmul.f32 v41, v30;
	v22 =	vmul.f32 v46, v22;
	v45 =	vshll.u32 v28, $0x3;
	[tilespmem:s31+$0x0] =	vst v26  }
0xba: {  	v26 =	vshll.u32 v31, $0x3;
	v45 =	vor.u32 v1, v45;
	v36 =	vsub.f32 $1.500000000e+00, v36;
	[tilespmem:s20+$0x0] =	vst v40  }
0xbb: {  	v38 =	vmul.f32 v44, v38;
	v30 =	vmul.f32 v30, v41;
	v26 =	vor.u32 v1, v26;
	[tilespmem:s12+$0x0] =	vst v22  }
0xbc: {  	v15 =	vor.u32 v1, v15;
	v39 =	vmul.f32 v47, v39;
	v36 =	vmul.f32 v36, v43;
	v40 =	vld.idx.msk [tilespmem:v19+s16+$0x0], $0xffff  }
0xbd: {  	v21 =	vmul.f32 v38, v21;
	v19 =	vshll.u32 v28, $0x4;
	v28 =	vsub.f32 $1.500000000e+00, v30;
	v22 =	vld.idx.msk [tilespmem:v32+s16+$0x0], $0xffff;
	[tilespmem:v12+s23+$0x0] =	vst.idx.msk $0xffff, v24  }
0xbe: {  	v29 =	vmul.f32 v39, v29;
	v24 =	vadd.f32 $1.000000000e+00, v42;
	v12 =	vmovc v14;
	v30 =	vld.idx.msk [tilespmem:v20+s16+$0x0], $0xffff;
	v43 =	vmul.f32 v36, v18  }
0xbf: {  	v20 =	vor.u32 v2, v19;
	v28 =	vmul.f32 v28, v41;
	v41 =	vmul.f32 v21, v38;
	v32 =	vld.idx.msk [tilespmem:v45+s23+$0x0], $0xffff  }
0xc0: {  	v14 =	vmovc v26;
	v18 =	vmovc v25;
	v44 =	vshrl.u32 v24, $0x1;
	v21 =	vmul.f32 $5.000000000e-01, v24;
	v42 =	vld.idx.msk [tilespmem:v26+s23+$0x0], $0xffff;
	v24 =	vmul.f32 v43, v36  }
0xc1: {  	v19 =	vmovc v33;
	v43 =	vsub.s32 $0x5F3759DF, v44;
	v26 =	vmul.f32 v29, v39;
	v29 =	vmul.f32 $8.999999760e-01, v28;
	v25 =	vld.idx.msk [tilespmem:v15+s23+$0x0], $0xffff  }
0xc2: {  	v44 =	vmul.f32 $1.000000010e-01, v28;
	v33 =	vmul.f32 v43, v21;
	v24 =	vsub.f32 $1.500000000e+00, v24  }
0xc3: {  	v41 =	vsub.f32 $1.500000000e+00, v41;
	v26 =	vsub.f32 $1.500000000e+00, v26;
	v29 =	vmul.f32 v29, v28  }
0xc4: {  	v46 =	vshll.u32 v31, $0x4;
	v44 =	vmul.f32 v44, v30;
	[tilespmem:s7+$0x10] =	vst v28;
	v47 =	vmul.f32 v24, v36  }
0xc5: {  	v24 =	vadd.f32 $1.000000000e+00, v32;
	v32 =	vmul.f32 v43, v33;
	v26 =	vmul.f32 v26, v39  }
0xc6: {  	v28 =	vmul.f32 v28, v30;
	v33 =	vadd.f32 $1.000000000e+00, v42;
	[tilespmem:s6+$0x10] =	vst v29;
	v31 =	vmul.f32 v47, v40  }
0xc7: {  	v29 =	vshrl.u32 v24, $0x1;
	v30 =	vmul.f32 $5.000000000e-01, v24;
	v24 =	vmul.f32 v26, v22;
	[tilespmem:s5+$0x10] =	vst v44  }
0xc8: {  	v41 =	vmul.f32 v41, v38;
	v36 =	vshrl.u32 v33, $0x1;
	v39 =	vsub.s32 $0x5F3759DF, v29;
	[tilespmem:v17+s23+$0x0] =	vst.idx.msk $0xffff, v28;
	v17 =	vmovc v45  }
0xc9: {  	v42 =	vsub.s32 $0x5F3759DF, v36;
	v28 =	vmul.f32 v39, v30;
	v36 =	vmul.f32 $1.000000010e-01, v47  }
0xca: {  	v25 =	vadd.f32 $1.000000000e+00, v25;
	v29 =	vmul.f32 $5.000000000e-01, v33;
	v33 =	vmul.f32 $8.999999760e-01, v41  }
0xcb: {  	v32 =	vsub.f32 $1.500000000e+00, v32;
	v45 =	vmul.f32 $1.000000010e-01, v41;
	v28 =	vmul.f32 v39, v28;
	v44 =	vld.idx.msk [tilespmem:v16+s16+$0x0], $0xffff;
	v16 =	vmovc v23  }
0xcc: {  	v48 =	vmul.f32 $8.999999760e-01, v47;
	v38 =	vmul.f32 v42, v29;
	v23 =	vshrl.u32 v25, $0x1  }
0xcd: {  	v49 =	vor.u32 s11, v3;
	v33 =	vmul.f32 v33, v41;
	v50 =	vsub.f32 $1.500000000e+00, v28  }
0xce: {  	v25 =	vmul.f32 $5.000000000e-01, v25;
	v38 =	vmul.f32 v42, v38;
	v28 =	vshll.u32 v49, $0x3;
	[tilespmem:s31+$0xFFFFFFE0] =	vst v41  }
0xcf: {  	v51 =	vmul.f32 v36, v40;
	v28 =	vor.u32 v1, v28;
	v50 =	vmul.f32 v39, v50;
	[tilespmem:s20+$0xFFFFFFE0] =	vst v33  }
0xd0: {  	v36 =	vsub.s32 $0x5F3759DF, v23;
	v23 =	vsub.f32 $1.500000000e+00, v38;
	v38 =	vmul.f32 v43, v32  }
0xd1: {  	v32 =	vor.u32 v2, v46;
	v33 =	vmul.f32 v50, v30;
	v40 =	vmul.f32 v45, v44  }
0xd2: {  	v43 =	vshll.u32 v49, $0x4;
	v39 =	vmul.f32 v42, v23;
	v45 =	vmul.f32 v36, v25  }
0xd3: {  	v46 =	vmul.f32 $8.999999760e-01, v26;
	v23 =	vor.u32 v2, v43;
	v43 =	vmul.f32 v38, v21;
	[tilespmem:s12+$0xFFFFFFE0] =	vst v40  }
.Ltmp4:
0xd4: {  	v37 =	vshll.u32 v37, $0x4;
	v41 =	vmul.f32 v41, v44;
	v33 =	vmul.f32 v33, v50;
	v42 =	vld.idx.msk [tilespmem:v28+s23+$0x0], $0xffff;
	(pc) =	sbr.rel @p0 .LBB2_10-.Ltmp4, $4  }
0xd5: {  	v44 =	vsub.f32 $1.500000000e+00, v27;
	v40 =	vmul.f32 v46, v26;
	v46 =	vmul.f32 v48, v47;
	[tilespmem:s31+$0xFFFFFFF0] =	vst v47;
	s31 =	smov.u32 s7  }
0xd6: {  	v49 =	vmul.f32 v43, v38;
	v48 =	vsub.f32 $1.500000000e+00, v33;
	v47 =	vmul.f32 v39, v29;
	[tilespmem:v13+s23+$0x0] =	vst.idx.msk $0xffff, v41  }
0xd7: {  	s5 =	sadd.s32 $0x40, s5;
	v27 =	vmul.f32 v36, v45;
	v43 =	vmul.f32 v35, v44;
	v33 =	vor.u32 v2, v37;
	[tilespmem:s20+$0xFFFFFFF0] =	vst v46;
	s20 =	smov.u32 s6  }
0xd8: {  	s11 =	sadd.s32 $0x8, s11;
	v44 =	vsub.f32 $1.500000000e+00, v49;
	s7 =	sadd.s32 $0x40, s7;
	v41 =	vmul.f32 v48, v50;
	v13 =	vmovc v34;
	v35 =	vmul.f32 v47, v39;
	s6 =	sadd.s32 $0x40, s6;
	[tilespmem:s12+$0xFFFFFFF0] =	vst v51  }
0xd9: {  	v34 =	vmul.f32 v43, v18  }
0xda: {  	v37 =	vmul.f32 $1.000000010e-01, v26;
	v42 =	vadd.f32 $1.000000000e+00, v42;
	v30 =	vmul.f32 v41, v30  }
0xdb: {  	v35 =	vsub.f32 $1.500000000e+00, v35;
	v38 =	vmul.f32 v44, v38;
	v34 =	vmul.f32 v34, v43  }
0xdc: {  	v22 =	vmul.f32 v37, v22;
	v55 =	vshrl.u32 v42, $0x1;
	v42 =	vmul.f32 $5.000000000e-01, v42  }
0xdd: {  	v30 =	vmul.f32 v30, v41;
	v37 =	vsub.s32 $0x5F3759DF, v55;
	v34 =	vsub.f32 $1.500000000e+00, v34  }
0xde: {  	v35 =	vmul.f32 v35, v39;
	v56 =	vmul.f32 v37, v42  }
0xdf: {  	v21 =	vmul.f32 v38, v21;
	v34 =	vmul.f32 v34, v43  }
0xe0: {  	v30 =	vsub.f32 $1.500000000e+00, v30;
	v29 =	vmul.f32 v35, v29;
	v58 =	vmul.f32 v37, v56  }
0xe1: {  	v21 =	vmul.f32 v21, v38;
	v57 =	vmul.f32 v34, v18  }
0xe2: {  	v20 =	vld.idx.msk [tilespmem:v20+s16+$0x0], $0xffff;
	v30 =	vmul.f32 v30, v41;
	v39 =	vsub.f32 $1.500000000e+00, v58  }
0xe3: {  	v29 =	vmul.f32 v29, v35;
	v21 =	vsub.f32 $1.500000000e+00, v21;
	v18 =	vmul.f32 v57, v34  }
0xe4: {  	[tilespmem:v11+s23+$0x0] =	vst.idx.msk $0xffff, v31;
	v41 =	vmul.f32 $8.999999760e-01, v30;
	v59 =	vmul.f32 v37, v39  }
0xe5: {  	[tilespmem:s31+$0x0] =	vst v26;
	v11 =	vmul.f32 $1.000000010e-01, v30;
	v21 =	vmul.f32 v21, v38;
	v18 =	vsub.f32 $1.500000000e+00, v18  }
0xe6: {  	v27 =	vsub.f32 $1.500000000e+00, v27;
	[tilespmem:s20+$0x0] =	vst v40;
	v60 =	vmul.f32 v41, v30;
	v37 =	vmul.f32 v59, v42  }
0xe7: {  	[tilespmem:s2+$0x0] =	vst v22;
	v61 =	vsub.f32 $1.500000000e+00, v29;
	v11 =	vmul.f32 v11, v20;
	v18 =	vmul.f32 v18, v34  }
0xe8: {  	v62 =	vld.idx.msk [tilespmem:v16+s16+$0x0], $0xffff;
	[tilespmem:v12+s23+$0x0] =	vst.idx.msk $0xffff, v24;
	v63 =	vmul.f32 v37, v59;
	v34 =	vmul.f32 v36, v27  }
0xe9: {  	[tilespmem:s7+$0x10] =	vst v30;
	v22 =	vmul.f32 v61, v35;
	v35 =	vmul.f32 $8.999999760e-01, v21  }
0xea: {  	v20 =	vmul.f32 v30, v20;
	[tilespmem:s6+$0x10] =	vst v60;
	v16 =	vsub.f32 $1.500000000e+00, v63;
	v36 =	vmul.f32 v34, v25  }
0xeb: {  	[tilespmem:s5+$0x10] =	vst v11;
	v11 =	vmul.f32 $1.000000010e-01, v21;
	v27 =	vmul.f32 v35, v21  }
0xec: {  	v19 =	vld.idx.msk [tilespmem:v19+s16+$0x0], $0xffff;
	[tilespmem:s31+$0xFFFFFFE0] =	vst v21;
	v37 =	vmul.f32 v36, v34;
	v16 =	vmul.f32 v16, v59  }
0xed: {  	[tilespmem:v17+s23+$0x0] =	vst.idx.msk $0xffff, v20;
	v38 =	vmul.f32 $8.999999760e-01, v18;
	v11 =	vmul.f32 v11, v62  }
0xee: {  	v39 =	vmul.f32 $1.000000010e-01, v18;
	[tilespmem:s20+$0xFFFFFFE0] =	vst v27;
	v17 =	vsub.f32 $1.500000000e+00, v37;
	v40 =	vmul.f32 v16, v42  }
0xef: {  	[tilespmem:s2+$0xFFFFFFE0] =	vst v11;
	v11 =	vmul.f32 v21, v62;
	v41 =	vmul.f32 v38, v18  }
0xf0: {  	[tilespmem:s31+$0xFFFFFFF0] =	vst v18;
	v42 =	vld.idx.msk [tilespmem:v32+s16+$0x0], $0xffff;
	v17 =	vmul.f32 v17, v34;
	v43 =	vmul.f32 v40, v16  }
0xf1: {  	v45 =	vmul.f32 $8.999999760e-01, v22;
	v44 =	vmul.f32 v39, v19;
	[tilespmem:v13+s23+$0x0] =	vst.idx.msk $0xffff, v11  }
0xf2: {  	v11 =	vmul.f32 v18, v19;
	[tilespmem:s20+$0xFFFFFFF0] =	vst v41;
	v46 =	vmul.f32 v17, v25;
	v47 =	vsub.f32 $1.500000000e+00, v43  }
0xf3: {  	v49 =	vmul.f32 $1.000000010e-01, v22;
	v48 =	vmul.f32 v45, v22;
	[tilespmem:s2+$0xFFFFFFF0] =	vst v44  }
0xf4: {  	[tilespmem:v10+s23+$0x0] =	vst.idx.msk $0xffff, v11;
	v10 =	vmul.f32 v46, v17;
	v11 =	vmul.f32 v47, v16  }
0xf5: {  	v50 =	vld.idx.msk [tilespmem:v23+s16+$0x0], $0xffff;
	[tilespmem:s7+$0x0] =	vst v22;
	v51 =	vmul.f32 v49, v42  }
0xf6: {  	[tilespmem:s6+$0x0] =	vst v48;
	v52 =	vmul.f32 v22, v42;
	v10 =	vsub.f32 $1.500000000e+00, v10;
	v53 =	vmul.f32 $8.999999760e-01, v11  }
0xf7: {  	[tilespmem:s5+$0x0] =	vst v51;
	v54 =	vmul.f32 $1.000000010e-01, v11  }
0xf8: {  	v55 =	vld.idx.msk [tilespmem:v33+s16+$0x0], $0xffff;
	[tilespmem:v14+s23+$0x0] =	vst.idx.msk $0xffff, v52;
	v10 =	vmul.f32 v10, v17;
	v56 =	vmul.f32 v53, v11  }
0xf9: {  	[tilespmem:s7+$0xFFFFFFE0] =	vst v11  }
0xfa: {  	v13 =	vmul.f32 v54, v50;
	v57 =	vmul.f32 $8.999999760e-01, v10;
	[tilespmem:s6+$0xFFFFFFE0] =	vst v56  }
0xfb: {  	v11 =	vmul.f32 v11, v50;
	v58 =	vmul.f32 $1.000000010e-01, v10;
	[tilespmem:s7+$0xFFFFFFF0] =	vst v10  }
0xfc: {  	[tilespmem:s5+$0xFFFFFFE0] =	vst v13;
	v59 =	vmul.f32 v57, v10  }
0xfd: {  	v60 =	vmul.f32 v58, v55;
	[tilespmem:v28+s23+$0x0] =	vst.idx.msk $0xffff, v11  }
0xfe: {  	v10 =	vmul.f32 v10, v55;
	[tilespmem:s6+$0xFFFFFFF0] =	vst v59  }
0xff: {  	[tilespmem:s5+$0xFFFFFFF0] =	vst v60  }
0x100: {  	[tilespmem:v15+s23+$0x0] =	vst.idx.msk $0xffff, v10  }
0x101: {  	v10 =	vld.idx.msk [tilespmem:v9+s23+$0x0], $0xffff;
	_ =	sdelay $0x4  }
0x102: {  	v10 =	vadd.f32 $1.000000000e+00, v10;
	_ =	sdelay $0x1  }
0x103: {  	v11 =	vshrl.u32 v10, $0x1;
	v10 =	vmul.f32 $5.000000000e-01, v10  }
0x104: {  	v11 =	vsub.s32 $0x5F3759DF, v11  }
0x105: {  	v61 =	vmul.f32 v11, v10;
	_ =	sdelay $0x1  }
0x106: {  	v12 =	vmul.f32 v11, v61;
	_ =	sdelay $0x1  }
0x107: {  	v12 =	vsub.f32 $1.500000000e+00, v12;
	_ =	sdelay $0x1  }
0x108: {  	v11 =	vmul.f32 v11, v12;
	_ =	sdelay $0x1  }
0x109: {  	v12 =	vmul.f32 v11, v10;
	_ =	sdelay $0x1  }
0x10a: {  	v12 =	vmul.f32 v12, v11;
	_ =	sdelay $0x1  }
0x10b: {  	v12 =	vsub.f32 $1.500000000e+00, v12;
	_ =	sdelay $0x1  }
0x10c: {  	v11 =	vmul.f32 v12, v11;
	_ =	sdelay $0x1  }
0x10d: {  	v10 =	vmul.f32 v11, v10;
	_ =	sdelay $0x1  }
0x10e: {  	v10 =	vmul.f32 v10, v11;
	_ =	sdelay $0x1  }
0x10f: {  	v10 =	vsub.f32 $1.500000000e+00, v10;
	_ =	sdelay $0x1  }
0x110: {  	v10 =	vmul.f32 v10, v11;
	v11 =	vld.idx.msk [tilespmem:v4+s16+$0x0], $0xffff;
	_ =	sdelay $0x1  }
0x111: {  	v62 =	vmul.f32 $8.999999760e-01, v10  }
0x112: {  	v63 =	vmul.f32 $1.000000010e-01, v10  }
0x113: {  	v12 =	vmul.f32 v62, v10  }
0x114: {  	[tilespmem:$0x16C70] =	vst v10;
	v13 =	vmul.f32 v63, v11  }
0x115: {  	v10 =	vmul.f32 v10, v11;
	[tilespmem:$0x18000] =	vst v12  }
0x116: {  	[tilespmem:$0x19390] =	vst v13  }
0x117: {  	[tilespmem:v9+s23+$0x0] =	vst.idx.msk $0xffff, v10  }
0x118: {  	[spmem:s9] =	stream.linear.scatter [tilespmem:s23], [sflag:$0x3], $0x1390, $0x38;
	[tilespmem:$0x193A0] =	vst v63  }
0x119: {  	_ =	swait.ge [sflag:s14], $0x1390  }
0x11a: {  	[sflag:s14] =	ssyncset.done $0x0  }
0x11b: {  	[sflag:s14] =	ssyncadd.s32 $0xFFFFEC70  }
0x11c: {  	[bflag:$0x0] =	sbarrier.arrive $0xFFFF  }
0x11d: {  	[tilespmem:s24], [sflag:$0x1] =	stream.indirect.gather [spmem:s3], $0x8, s13, s19, $0xb8;
	[tilespmem:$0x193A0] =	vst v63  }
0x11e: {  	s11 =	simm.s32 $0x2920  }
0x11f: {  	[tilespmem:s25], [sflag:$0x2] =	stream.indirect.gather [spmem:s3], $0x8, s11, s19, $0xb8;
	[tilespmem:$0x193A0] =	vst v63  }
0x120: {  	_ =	swait.ge [sflag:s21], $0x1000  }
0x121: {  	[sflag:s21] =	ssyncset.done $0x0  }
0x122: {  	s12 =	simm.s32 $0x7720;
	[sflag:s21] =	ssyncadd.s32 $0xFFFFF000  }
0x123: {  	[spmem:s1] =	stream.indirect.scatter.add.f32 [tilespmem:s24], [sflag:$0x3], $0x8, s12, s19, $0xb8;
	[tilespmem:$0x193A0] =	vst v63  }
0x124: {  	_ =	swait.ge [sflag:s14], $0x1000  }
0x125: {  	[sflag:s14] =	ssyncset.done $0x0  }
0x126: {  	s20 =	simm.s32 $0x2B20;
	[sflag:s14] =	ssyncadd.s32 $0xFFFFF000  }
0x127: {  	[tilespmem:s24], [sflag:$0x1] =	stream.indirect.gather [spmem:s3], $0x8, s20, s19, $0xb8;
	[tilespmem:$0x193A0] =	vst v63  }
0x128: {  	_ =	swait.ge [sflag:s22], $0x1000  }
0x129: {  	[sflag:s22] =	ssyncset.done $0x0  }
0x12a: {  	s31 =	simm.s32 $0x7920;
	[sflag:s22] =	ssyncadd.s32 $0xFFFFF000  }
0x12b: {  	[spmem:s1] =	stream.indirect.scatter.add.f32 [tilespmem:s25], [sflag:$0x3], $0x8, s31, s19, $0xb8;
	[tilespmem:$0x193A0] =	vst v63  }
0x12c: {  	_ =	swait.ge [sflag:s14], $0x1000  }
0x12d: {  	s2 =	simm.s32 $0x400;
	s5 =	simm.s32 $0x2000;
	[sflag:s14] =	ssyncset.done $0x0  }
.LBB2_12:
0x12e: {  	s4 =	sadd.s32 $0x2920, s2  }
0x12f: {  	[sflag:s14] =	ssyncadd.s32 $0xFFFFF000;
	s6 =	smov.u32 s5;
	s7 =	sadd.s32 $0x1000, s5  }
0x130: {  	[tilespmem:s25], [sflag:$0x2] =	stream.indirect.gather [spmem:s3], $0x8, s4, s19, $0xb8;
	[tilespmem:$0x193A0] =	vst v63  }
0x131: {  	p0 =	sne.s32 s5, $0x12000;
	_ =	swait.ge [sflag:s21], $0x1000  }
0x132: {  	[sflag:s21] =	ssyncset.done $0x0  }
0x133: {  	s4 =	sadd.s32 $0x7720, s2;
	[sflag:s21] =	ssyncadd.s32 $0xFFFFF000  }
0x134: {  	[spmem:s1] =	stream.indirect.scatter.add.f32 [tilespmem:s24], [sflag:$0x3], $0x8, s4, s19, $0xb8;
	[tilespmem:$0x193A0] =	vst v63  }
0x135: {  	_ =	swait.ge [sflag:s14], $0x1000  }
0x136: {  	[sflag:s14] =	ssyncset.done $0x0  }
0x137: {  	s4 =	sadd.s32 $0x2B20, s2;
	[sflag:s14] =	ssyncadd.s32 $0xFFFFF000  }
0x138: {  	[tilespmem:s24], [sflag:$0x1] =	stream.indirect.gather [spmem:s3], $0x8, s4, s19, $0xb8;
	[tilespmem:$0x193A0] =	vst v63  }
0x139: {  	_ =	swait.ge [sflag:s22], $0x1000  }
.Ltmp5:
0x13a: {  	[sflag:s22] =	ssyncset.done $0x0;
	(pc) =	sbr.rel @p0 .LBB2_12-.Ltmp5, $4  }
0x13b: {  	s2 =	sadd.s32 $0x7920, s2;
	[sflag:s22] =	ssyncadd.s32 $0xFFFFF000  }
0x13c: {  	[spmem:s1] =	stream.indirect.scatter.add.f32 [tilespmem:s25], [sflag:$0x3], $0x8, s2, s19, $0xb8;
	[tilespmem:$0x193A0] =	vst v63  }
0x13d: {  	_ =	swait.ge [sflag:s14], $0x1000  }
0x13e: {  	s5 =	smov.u32 s7;
	s2 =	sshra.s32 s6, $0x2;
	[sflag:s14] =	ssyncset.done $0x0  }
0x13f: {  	s4 =	sadd.s32 $0x2920, s2;
	[sflag:s14] =	ssyncadd.s32 $0xFFFFF000  }
0x140: {  	[tilespmem:s25], [sflag:$0x2] =	stream.indirect.gather [spmem:s3], $0x8, s4, s19, $0xb8;
	[tilespmem:$0x193A0] =	vst v63  }
0x141: {  	_ =	swait.ge [sflag:s21], $0x1000  }
0x142: {  	[sflag:s21] =	ssyncset.done $0x0  }
0x143: {  	s12 =	sadd.s32 $0x7720, s2;
	[sflag:s21] =	ssyncadd.s32 $0xFFFFF000  }
0x144: {  	[spmem:s1] =	stream.indirect.scatter.add.f32 [tilespmem:s24], [sflag:$0x3], $0x8, s12, s19, $0xb8;
	[tilespmem:$0x193A0] =	vst v63  }
0x145: {  	_ =	swait.ge [sflag:s14], $0x1000  }
0x146: {  	[sflag:s14] =	ssyncset.done $0x0  }
0x147: {  	s20 =	sadd.s32 $0x2B20, s2;
	[sflag:s14] =	ssyncadd.s32 $0xFFFFF000  }
0x148: {  	[tilespmem:s24], [sflag:$0x1] =	stream.indirect.gather [spmem:s3], $0x8, s20, s19, $0xb8;
	[tilespmem:$0x193A0] =	vst v63  }
0x149: {  	_ =	swait.ge [sflag:s22], $0x1000  }
0x14a: {  	[sflag:s22] =	ssyncset.done $0x0  }
0x14b: {  	s31 =	sadd.s32 $0x7920, s2;
	[sflag:s22] =	ssyncadd.s32 $0xFFFFF000  }
0x14c: {  	[spmem:s1] =	stream.indirect.scatter.add.f32 [tilespmem:s25], [sflag:$0x3], $0x8, s31, s19, $0xb8;
	[tilespmem:$0x193A0] =	vst v63  }
0x14d: {  	_ =	swait.ge [sflag:s14], $0x1000  }
0x14e: {  	[sflag:s14] =	ssyncset.done $0x0  }
0x14f: {  	[sflag:s14] =	ssyncadd.s32 $0xFFFFF000  }
0x150: {  	[tilespmem:s25], [sflag:$0x2] =	stream.indirect.gather [spmem:s3], $0x8, s26, s19, $0xb8;
	[tilespmem:$0x193A0] =	vst v63  }
0x151: {  	_ =	swait.ge [sflag:s21], $0x1000  }
0x152: {  	[sflag:s21] =	ssyncset.done $0x0  }
0x153: {  	[sflag:s21] =	ssyncadd.s32 $0xFFFFF000  }
0x154: {  	[spmem:s1] =	stream.indirect.scatter.add.f32 [tilespmem:s24], [sflag:$0x3], $0x8, s28, s19, $0xb8;
	[tilespmem:$0x193A0] =	vst v63  }
0x155: {  	_ =	swait.ge [sflag:s14], $0x1000  }
0x156: {  	[sflag:s14] =	ssyncset.done $0x0  }
0x157: {  	[sflag:s14] =	ssyncadd.s32 $0xFFFFF000  }
0x158: {  	_ =	swait.ge [sflag:s22], $0x1000  }
0x159: {  	[sflag:s22] =	ssyncset.done $0x0  }
0x15a: {  	[sflag:s22] =	ssyncadd.s32 $0xFFFFF000  }
0x15b: {  	[spmem:s1] =	stream.indirect.scatter.add.f32 [tilespmem:s25], [sflag:$0x3], $0x8, s29, s19, $0xb8;
	[tilespmem:$0x193A0] =	vst v63  }
0x15c: {  	_ =	swait.ge [sflag:s14], $0x1000  }
0x15d: {  	[sflag:s14] =	ssyncset.done $0x0  }
0x15e: {  	[sflag:s14] =	ssyncadd.s32 $0xFFFFF000  }
0x15f: {  	[bflag:$0x0] =	sbarrier.arrive $0xFFFF  }
0x160: {  	[tilespmem:s23], [sflag:$0x3] =	stream.linear.gather [spmem:s8], $0x1390, $0x38;
	[tilespmem:$0x193A0] =	vst v63  }
0x161: {  	_ =	swait.ge [sflag:s14], $0x1390  }
0x162: {  	[sflag:s14] =	ssyncset.done $0x0  }
0x163: {  	s4 =	simm.s32 $0x6;
	[sflag:s14] =	ssyncadd.s32 $0xFFFFEC70  }
0x164: {  	v10 =	vmov s4;
	[tilespmem:s30], [sflag:$0x3] =	stream.linear.gather [spmem:s9], $0x1390, $0x38;
	[tilespmem:$0x193A0] =	vst v63  }
0x165: {  	s5 =	simm.s32 $0x2;
	v10 =	vshll.u32 v10, $0x3;
	_ =	swait.ge [sflag:s14], $0x1390  }
0x166: {  	v11 =	vmov s5;
	v10 =	vor.u32 v6, v10;
	[sflag:s14] =	ssyncset.done $0x0  }
0x167: {  	s6 =	simm.s32 $0x4;
	v11 =	vshll.u32 v11, $0x3;
	v13 =	vor.u32 v1, v10;
	[sflag:s14] =	ssyncadd.s32 $0xFFFFEC70  }
0x168: {  	v10 =	vor.u32 v6, v11;
	[spmem:s8] =	stream.linear.scatter [tilespmem:s18], [sflag:$0x3], $0x1390, $0x38;
	[tilespmem:$0x193A0] =	vst v63  }
0x169: {  	v11 =	vmov s6;
	v15 =	vor.u32 v1, v10;
	_ =	swait.ge [sflag:s14], $0x1390  }
0x16a: {  	v10 =	vshll.u32 v11, $0x3;
	[sflag:s14] =	ssyncset.done $0x0  }
0x16b: {  	s7 =	simm.s32 $0x0;
	v10 =	vor.u32 v6, v10;
	[sflag:s14] =	ssyncadd.s32 $0xFFFFEC70  }
0x16c: {  	v11 =	vmov s7;
	v24 =	vor.u32 v1, v10;
	v14 =	vld.idx.msk [tilespmem:v13+s23+$0x0], $0xffff  }
0x16d: {  	v10 =	vshll.u32 v11, $0x3;
	v16 =	vld.idx.msk [tilespmem:v13+s30+$0x0], $0xffff  }
0x16e: {  	v10 =	vor.u32 v6, v10;
	v17 =	vld.idx.msk [tilespmem:v15+s23+$0x0], $0xffff  }
0x16f: {  	s10 =	simm.s32 $0x16CA0;
	v10 =	vor.u32 v1, v10;
	v18 =	vld.idx.msk [tilespmem:v15+s30+$0x0], $0xffff  }
0x170: {  	v19 =	vld [tilespmem:s10+$0x10]  }
0x171: {  	s11 =	simm.s32 $0x18030;
	v20 =	vld.idx.msk [tilespmem:v24+s23+$0x0], $0xffff  }
0x172: {  	v21 =	vld [tilespmem:s11+$0x10]  }
0x173: {  	s5 =	simm.s32 $0xE;
	v22 =	vld.idx.msk [tilespmem:v24+s30+$0x0], $0xffff  }
0x174: {  	v11 =	vmov s5;
	v23 =	vld.idx.msk [tilespmem:v10+s23+$0x0], $0xffff  }
0x175: {  	s12 =	simm.s32 $0xA;
	v11 =	vshll.u32 v11, $0x3;
	v25 =	vld.idx.msk [tilespmem:v10+s30+$0x0], $0xffff  }
0x176: {  	v12 =	vmov s12;
	v11 =	vor.u32 v6, v11;
	v26 =	vld [tilespmem:s10+$0xFFFFFFE0]  }
0x177: {  	v12 =	vshll.u32 v12, $0x3;
	s20 =	simm.s32 $0xC;
	v11 =	vor.u32 v1, v11;
	v27 =	vld [tilespmem:s10+$0xFFFFFFF0]  }
0x178: {  	v12 =	vor.u32 v6, v12;
	v29 =	vmov s20;
	v28 =	vld [tilespmem:s10+$0x0];
	v14 =	vadd.f32 v16, v14  }
0x179: {  	v12 =	vor.u32 v1, v12;
	v30 =	vld [tilespmem:s11+$0xFFFFFFE0];
	v16 =	vshll.u32 v29, $0x3  }
0x17a: {  	v61 =	vld [tilespmem:s11+$0xFFFFFFF0];
	v16 =	vor.u32 v6, v16;
	v14 =	vmul.f32 v14, v19  }
0x17b: {  	v31 =	vld [tilespmem:s11+$0x0];
	v17 =	vadd.f32 v18, v17;
	v18 =	vor.u32 v1, v16;
	v16 =	vadd.f32 v22, v20  }
0x17c: {  	v19 =	vld.idx.msk [tilespmem:v11+s23+$0x0], $0xffff;
	v22 =	vadd.f32 v25, v23;
	v21 =	vadd.f32 v21, v14  }
0x17d: {  	v17 =	vmul.f32 v17, v27;
	v20 =	vld.idx.msk [tilespmem:v11+s30+$0x0], $0xffff  }
0x17e: {  	s31 =	simm.s32 $0x8;
	v23 =	vmul.f32 v16, v28;
	v14 =	vld.idx.msk [tilespmem:v12+s23+$0x0], $0xffff;
	[tilespmem:v13+s23+$0x0] =	vst.idx.msk $0xffff, v21;
	v13 =	vmul.f32 v22, v26  }
0x17f: {  	s2 =	simm.s32 $0x16CE0;
	v62 =	vmov s31;
	v27 =	vadd.f32 v61, v17;
	v16 =	vld.idx.msk [tilespmem:v12+s30+$0x0], $0xffff  }
0x180: {  	v17 =	vshll.u32 v62, $0x3;
	v21 =	vld [tilespmem:s2+$0x10];
	v63 =	vadd.f32 v31, v23  }
0x181: {  	s5 =	simm.s32 $0x18070;
	v22 =	vor.u32 v6, v17;
	[tilespmem:v15+s23+$0x0] =	vst.idx.msk $0xffff, v27;
	v17 =	vld.idx.msk [tilespmem:v18+s23+$0x0], $0xffff;
	v23 =	vadd.f32 v30, v13  }
0x182: {  	s6 =	simm.s32 $0x4;
	s7 =	simm.s32 $0x10;
	v15 =	vor.u32 v1, v22;
	v22 =	vld [tilespmem:s5+$0x10];
	[tilespmem:v24+s23+$0x0] =	vst.idx.msk $0xffff, v63;
	v13 =	vmov v18  }
.LBB2_14:
0x183: {  	v24 =	vmov s7;
	s4 =	sadd.s32 $0x2, s7;
	s10 =	sadd.s32 $0x4, s7;
	s11 =	sadd.s32 $0x6, s7;
	v25 =	vld.idx.msk [tilespmem:v18+s30+$0x0], $0xffff;
	v18 =	vadd.f32 v20, v19;
	[tilespmem:v10+s23+$0x0] =	vst.idx.msk $0xffff, v23;
	v10 =	vmov v15  }
0x184: {  	s6 =	sadd.s32 $0x4, s6;
	v19 =	vmov s4;
	v20 =	vmov s10;
	v23 =	vmov s11;
	v26 =	vld.idx.msk [tilespmem:v15+s23+$0x0], $0xffff  }
0x185: {  	p0 =	slt.u32 s6, $0x134;
	v19 =	vshll.u32 v19, $0x3;
	v23 =	vshll.u32 v23, $0x3;
	v27 =	vld.idx.msk [tilespmem:v15+s30+$0x0], $0xffff;
	v15 =	vmul.f32 v18, v21  }
0x186: {  	v18 =	vshll.u32 v24, $0x3;
	v20 =	vshll.u32 v20, $0x3;
	v21 =	vor.u32 v6, v23;
	v23 =	vld [tilespmem:s2+$0xFFFFFFE0]  }
0x187: {  	v19 =	vor.u32 v6, v19;
	v21 =	vor.u32 v1, v21;
	v24 =	vld [tilespmem:s2+$0xFFFFFFF0];
	v22 =	vadd.f32 v22, v15  }
0x188: {  	v15 =	vor.u32 v6, v18;
	v28 =	vor.u32 v1, v19;
	v18 =	vor.u32 v6, v20;
	v29 =	vld [tilespmem:s2+$0x0]  }
0x189: {  	v15 =	vor.u32 v1, v15;
	v18 =	vor.u32 v1, v18;
	v30 =	vld [tilespmem:s5+$0xFFFFFFE0];
	[tilespmem:v11+s23+$0x0] =	vst.idx.msk $0xffff, v22;
	v11 =	vmov v21  }
0x18a: {  	v14 =	vadd.f32 v16, v14;
	v16 =	vadd.f32 v25, v17;
	v22 =	vld [tilespmem:s5+$0xFFFFFFF0]  }
0x18b: {  	v17 =	vadd.f32 v27, v26;
	v25 =	vld [tilespmem:s5+$0x0]  }
0x18c: {  	v19 =	vld.idx.msk [tilespmem:v21+s23+$0x0], $0xffff;
	v24 =	vmul.f32 v14, v24  }
0x18d: {  	v17 =	vmul.f32 v17, v23;
	v20 =	vld.idx.msk [tilespmem:v21+s30+$0x0], $0xffff;
	v26 =	vmul.f32 v16, v29  }
.Ltmp6:
0x18e: {  	v14 =	vld.idx.msk [tilespmem:v28+s23+$0x0], $0xffff;
	(pc) =	sbr.rel @p0 .LBB2_14-.Ltmp6, $4  }
0x18f: {  	s2 =	sadd.s32 $0x40, s2;
	v23 =	vadd.f32 v30, v17;
	v16 =	vld.idx.msk [tilespmem:v28+s30+$0x0], $0xffff;
	v22 =	vadd.f32 v22, v24  }
0x190: {  	v21 =	vld [tilespmem:s2+$0x10];
	v24 =	vadd.f32 v25, v26  }
0x191: {  	s5 =	sadd.s32 $0x40, s5;
	v17 =	vld.idx.msk [tilespmem:v18+s23+$0x0], $0xffff;
	[tilespmem:v12+s23+$0x0] =	vst.idx.msk $0xffff, v22;
	v12 =	vmov v28  }
0x192: {  	s7 =	sadd.s32 $0x8, s7;
	v22 =	vld [tilespmem:s5+$0x10];
	[tilespmem:v13+s23+$0x0] =	vst.idx.msk $0xffff, v24;
	v13 =	vmov v18  }
0x193: {  	_ =	sdelay $0x3  }
0x194: {  	v18 =	vld.idx.msk [tilespmem:v18+s30+$0x0], $0xffff  }
0x195: {  	v24 =	vld.idx.msk [tilespmem:v15+s23+$0x0], $0xffff  }
0x196: {  	v25 =	vld.idx.msk [tilespmem:v15+s30+$0x0], $0xffff  }
0x197: {  	v26 =	vld [tilespmem:s2+$0xFFFFFFE0]  }
0x198: {  	v27 =	vld [tilespmem:s2+$0xFFFFFFF0]  }
0x199: {  	v28 =	vld [tilespmem:s2+$0x0]  }
0x19a: {  	v19 =	vadd.f32 v20, v19;
	v60 =	vld [tilespmem:s5+$0xFFFFFFF0]  }
0x19b: {  	v61 =	vld [tilespmem:s5+$0x0];
	v14 =	vadd.f32 v16, v14  }
0x19c: {  	v62 =	vld [tilespmem:s5+$0xFFFFFFE0];
	v19 =	vmul.f32 v19, v21;
	v17 =	vadd.f32 v18, v17  }
0x19d: {  	v63 =	vadd.f32 v25, v24;
	v14 =	vmul.f32 v14, v27  }
0x19e: {  	v19 =	vadd.f32 v22, v19;
	v17 =	vmul.f32 v17, v28  }
0x19f: {  	[tilespmem:v10+s23+$0x0] =	vst.idx.msk $0xffff, v23;
	v10 =	vmul.f32 v63, v26;
	v14 =	vadd.f32 v60, v14  }
0x1a0: {  	[tilespmem:v11+s23+$0x0] =	vst.idx.msk $0xffff, v19;
	v11 =	vadd.f32 v61, v17  }
0x1a1: {  	v10 =	vadd.f32 v62, v10;
	[tilespmem:v12+s23+$0x0] =	vst.idx.msk $0xffff, v14  }
0x1a2: {  	[tilespmem:v13+s23+$0x0] =	vst.idx.msk $0xffff, v11  }
0x1a3: {  	[tilespmem:v15+s23+$0x0] =	vst.idx.msk $0xffff, v10  }
0x1a4: {  	v10 =	vld.idx.msk [tilespmem:v9+s23+$0x0], $0xffff  }
0x1a5: {  	v11 =	vld.idx.msk [tilespmem:v9+s30+$0x0], $0xffff;
	_ =	sdelay $0x1  }
0x1a6: {  	v12 =	vld [tilespmem:$0x18000];
	_ =	sdelay $0x1  }
0x1a7: {  	v13 =	vld [tilespmem:$0x19390]  }
0x1a8: {  	v10 =	vadd.f32 v11, v10;
	_ =	sdelay $0x1  }
0x1a9: {  	v10 =	vmul.f32 v10, v12;
	_ =	sdelay $0x1  }
0x1aa: {  	v10 =	vadd.f32 v13, v10;
	_ =	sdelay $0x1  }
0x1ab: {  	[tilespmem:v9+s23+$0x0] =	vst.idx.msk $0xffff, v10  }
0x1ac: {  	[spmem:s9] =	stream.linear.scatter [tilespmem:s23], [sflag:$0x3], $0x1390, $0x38;
	[tilespmem:$0x193A0] =	vst v63  }
0x1ad: {  	_ =	swait.ge [sflag:s14], $0x1390  }
0x1ae: {  	[sflag:s14] =	ssyncset.done $0x0  }
0x1af: {  	[sflag:s14] =	ssyncadd.s32 $0xFFFFEC70  }
0x1b0: {  	[bflag:$0x0] =	sbarrier.arrive $0xFFFF  }
0x1b1: {  	[tilespmem:s24], [sflag:$0x1] =	stream.indirect.gather [spmem:s3], $0x8, s13, s19, $0xb8;
	[tilespmem:$0x193A0] =	vst v63  }
0x1b2: {  	s11 =	simm.s32 $0x2920  }
0x1b3: {  	[tilespmem:s25], [sflag:$0x2] =	stream.indirect.gather [spmem:s3], $0x8, s11, s19, $0xb8;
	[tilespmem:$0x193A0] =	vst v63  }
0x1b4: {  	_ =	swait.ge [sflag:s21], $0x1000  }
0x1b5: {  	[sflag:s21] =	ssyncset.done $0x0  }
0x1b6: {  	s12 =	simm.s32 $0x7720;
	[sflag:s21] =	ssyncadd.s32 $0xFFFFF000  }
0x1b7: {  	[spmem:s1] =	stream.indirect.scatter.add.f32 [tilespmem:s24], [sflag:$0x3], $0x8, s12, s19, $0xb8;
	[tilespmem:$0x193A0] =	vst v63  }
0x1b8: {  	_ =	swait.ge [sflag:s14], $0x1000  }
0x1b9: {  	[sflag:s14] =	ssyncset.done $0x0  }
0x1ba: {  	s20 =	simm.s32 $0x2B20;
	[sflag:s14] =	ssyncadd.s32 $0xFFFFF000  }
0x1bb: {  	[tilespmem:s24], [sflag:$0x1] =	stream.indirect.gather [spmem:s3], $0x8, s20, s19, $0xb8;
	[tilespmem:$0x193A0] =	vst v63  }
0x1bc: {  	_ =	swait.ge [sflag:s22], $0x1000  }
0x1bd: {  	[sflag:s22] =	ssyncset.done $0x0  }
0x1be: {  	s31 =	simm.s32 $0x7920;
	[sflag:s22] =	ssyncadd.s32 $0xFFFFF000  }
0x1bf: {  	[spmem:s1] =	stream.indirect.scatter.add.f32 [tilespmem:s25], [sflag:$0x3], $0x8, s31, s19, $0xb8;
	[tilespmem:$0x193A0] =	vst v63  }
0x1c0: {  	_ =	swait.ge [sflag:s14], $0x1000  }
0x1c1: {  	s5 =	simm.s32 $0x2000;
	s2 =	simm.s32 $0x400;
	[sflag:s14] =	ssyncset.done $0x0  }
.LBB2_16:
0x1c2: {  	s4 =	sadd.s32 $0x2920, s2  }
0x1c3: {  	[sflag:s14] =	ssyncadd.s32 $0xFFFFF000;
	s6 =	smov.u32 s5;
	s7 =	sadd.s32 $0x1000, s5  }
0x1c4: {  	[tilespmem:s25], [sflag:$0x2] =	stream.indirect.gather [spmem:s3], $0x8, s4, s19, $0xb8;
	[tilespmem:$0x193A0] =	vst v63  }
0x1c5: {  	p0 =	sne.s32 s5, $0x12000;
	_ =	swait.ge [sflag:s21], $0x1000  }
0x1c6: {  	[sflag:s21] =	ssyncset.done $0x0  }
0x1c7: {  	s4 =	sadd.s32 $0x7720, s2;
	[sflag:s21] =	ssyncadd.s32 $0xFFFFF000  }
0x1c8: {  	[spmem:s1] =	stream.indirect.scatter.add.f32 [tilespmem:s24], [sflag:$0x3], $0x8, s4, s19, $0xb8;
	[tilespmem:$0x193A0] =	vst v63  }
0x1c9: {  	_ =	swait.ge [sflag:s14], $0x1000  }
0x1ca: {  	[sflag:s14] =	ssyncset.done $0x0  }
0x1cb: {  	s4 =	sadd.s32 $0x2B20, s2;
	[sflag:s14] =	ssyncadd.s32 $0xFFFFF000  }
0x1cc: {  	[tilespmem:s24], [sflag:$0x1] =	stream.indirect.gather [spmem:s3], $0x8, s4, s19, $0xb8;
	[tilespmem:$0x193A0] =	vst v63  }
0x1cd: {  	_ =	swait.ge [sflag:s22], $0x1000  }
.Ltmp7:
0x1ce: {  	[sflag:s22] =	ssyncset.done $0x0;
	(pc) =	sbr.rel @p0 .LBB2_16-.Ltmp7, $4  }
0x1cf: {  	s2 =	sadd.s32 $0x7920, s2;
	[sflag:s22] =	ssyncadd.s32 $0xFFFFF000  }
0x1d0: {  	[spmem:s1] =	stream.indirect.scatter.add.f32 [tilespmem:s25], [sflag:$0x3], $0x8, s2, s19, $0xb8;
	[tilespmem:$0x193A0] =	vst v63  }
0x1d1: {  	_ =	swait.ge [sflag:s14], $0x1000  }
0x1d2: {  	s5 =	smov.u32 s7;
	s2 =	sshra.s32 s6, $0x2;
	[sflag:s14] =	ssyncset.done $0x0  }
0x1d3: {  	s4 =	sadd.s32 $0x2920, s2;
	[sflag:s14] =	ssyncadd.s32 $0xFFFFF000  }
0x1d4: {  	[tilespmem:s25], [sflag:$0x2] =	stream.indirect.gather [spmem:s3], $0x8, s4, s19, $0xb8;
	[tilespmem:$0x193A0] =	vst v63  }
0x1d5: {  	_ =	swait.ge [sflag:s21], $0x1000  }
0x1d6: {  	[sflag:s21] =	ssyncset.done $0x0  }
0x1d7: {  	s12 =	sadd.s32 $0x7720, s2;
	[sflag:s21] =	ssyncadd.s32 $0xFFFFF000  }
0x1d8: {  	[spmem:s1] =	stream.indirect.scatter.add.f32 [tilespmem:s24], [sflag:$0x3], $0x8, s12, s19, $0xb8;
	[tilespmem:$0x193A0] =	vst v63  }
0x1d9: {  	_ =	swait.ge [sflag:s14], $0x1000  }
0x1da: {  	[sflag:s14] =	ssyncset.done $0x0  }
0x1db: {  	s20 =	sadd.s32 $0x2B20, s2;
	[sflag:s14] =	ssyncadd.s32 $0xFFFFF000  }
0x1dc: {  	[tilespmem:s24], [sflag:$0x1] =	stream.indirect.gather [spmem:s3], $0x8, s20, s19, $0xb8;
	[tilespmem:$0x193A0] =	vst v63  }
0x1dd: {  	_ =	swait.ge [sflag:s22], $0x1000  }
0x1de: {  	[sflag:s22] =	ssyncset.done $0x0  }
0x1df: {  	s31 =	sadd.s32 $0x7920, s2;
	[sflag:s22] =	ssyncadd.s32 $0xFFFFF000  }
0x1e0: {  	[spmem:s1] =	stream.indirect.scatter.add.f32 [tilespmem:s25], [sflag:$0x3], $0x8, s31, s19, $0xb8;
	[tilespmem:$0x193A0] =	vst v63  }
0x1e1: {  	_ =	swait.ge [sflag:s14], $0x1000  }
0x1e2: {  	[sflag:s14] =	ssyncset.done $0x0  }
0x1e3: {  	[sflag:s14] =	ssyncadd.s32 $0xFFFFF000  }
0x1e4: {  	[tilespmem:s25], [sflag:$0x2] =	stream.indirect.gather [spmem:s3], $0x8, s26, s19, $0xb8;
	[tilespmem:$0x193A0] =	vst v63  }
0x1e5: {  	_ =	swait.ge [sflag:s21], $0x1000  }
0x1e6: {  	[sflag:s21] =	ssyncset.done $0x0  }
0x1e7: {  	[sflag:s21] =	ssyncadd.s32 $0xFFFFF000  }
0x1e8: {  	[spmem:s1] =	stream.indirect.scatter.add.f32 [tilespmem:s24], [sflag:$0x3], $0x8, s28, s19, $0xb8;
	[tilespmem:$0x193A0] =	vst v63  }
0x1e9: {  	_ =	swait.ge [sflag:s14], $0x1000  }
0x1ea: {  	[sflag:s14] =	ssyncset.done $0x0  }
0x1eb: {  	[sflag:s14] =	ssyncadd.s32 $0xFFFFF000  }
0x1ec: {  	_ =	swait.ge [sflag:s22], $0x1000  }
0x1ed: {  	[sflag:s22] =	ssyncset.done $0x0  }
0x1ee: {  	[sflag:s22] =	ssyncadd.s32 $0xFFFFF000  }
0x1ef: {  	[spmem:s1] =	stream.indirect.scatter.add.f32 [tilespmem:s25], [sflag:$0x3], $0x8, s29, s19, $0xb8;
	[tilespmem:$0x193A0] =	vst v63  }
0x1f0: {  	_ =	swait.ge [sflag:s14], $0x1000  }
0x1f1: {  	[sflag:s14] =	ssyncset.done $0x0  }
0x1f2: {  	[sflag:s14] =	ssyncadd.s32 $0xFFFFF000  }
0x1f3: {  	[bflag:$0x0] =	sbarrier.arrive $0xFFFF  }
0x1f4: {  	[tilespmem:s23], [sflag:$0x3] =	stream.linear.gather [spmem:s8], $0x1390, $0x38;
	[tilespmem:$0x193A0] =	vst v63  }
0x1f5: {  	_ =	swait.ge [sflag:s14], $0x1390  }
0x1f6: {  	[sflag:s14] =	ssyncset.done $0x0  }
0x1f7: {  	s4 =	simm.s32 $0x6;
	[sflag:s14] =	ssyncadd.s32 $0xFFFFEC70  }
0x1f8: {  	v10 =	vmov s4;
	[tilespmem:s30], [sflag:$0x3] =	stream.linear.gather [spmem:s9], $0x1390, $0x38;
	[tilespmem:$0x193A0] =	vst v63  }
0x1f9: {  	s5 =	simm.s32 $0x2;
	v10 =	vshll.u32 v10, $0x3;
	_ =	swait.ge [sflag:s14], $0x1390  }
0x1fa: {  	v11 =	vmov s5;
	v10 =	vor.u32 v6, v10;
	[sflag:s14] =	ssyncset.done $0x0  }
0x1fb: {  	s6 =	simm.s32 $0x4;
	v11 =	vshll.u32 v11, $0x3;
	v13 =	vor.u32 v1, v10;
	[sflag:s14] =	ssyncadd.s32 $0xFFFFEC70  }
0x1fc: {  	v10 =	vor.u32 v6, v11;
	[spmem:s8] =	stream.linear.scatter [tilespmem:s18], [sflag:$0x3], $0x1390, $0x38;
	[tilespmem:$0x193A0] =	vst v63  }
0x1fd: {  	v11 =	vmov s6;
	v15 =	vor.u32 v1, v10;
	_ =	swait.ge [sflag:s14], $0x1390  }
0x1fe: {  	v10 =	vshll.u32 v11, $0x3;
	[sflag:s14] =	ssyncset.done $0x0  }
0x1ff: {  	s7 =	simm.s32 $0x0;
	v10 =	vor.u32 v6, v10;
	[sflag:s14] =	ssyncadd.s32 $0xFFFFEC70  }
0x200: {  	v11 =	vmov s7;
	v24 =	vor.u32 v1, v10;
	v14 =	vld.idx.msk [tilespmem:v13+s23+$0x0], $0xffff  }
0x201: {  	v10 =	vshll.u32 v11, $0x3;
	v16 =	vld.idx.msk [tilespmem:v13+s30+$0x0], $0xffff  }
0x202: {  	v10 =	vor.u32 v6, v10;
	v17 =	vld.idx.msk [tilespmem:v15+s23+$0x0], $0xffff  }
0x203: {  	s10 =	simm.s32 $0x16CA0;
	v10 =	vor.u32 v1, v10;
	v18 =	vld.idx.msk [tilespmem:v15+s30+$0x0], $0xffff  }
0x204: {  	v19 =	vld [tilespmem:s10+$0x10]  }
0x205: {  	s11 =	simm.s32 $0x18030;
	v20 =	vld.idx.msk [tilespmem:v24+s23+$0x0], $0xffff  }
0x206: {  	v21 =	vld [tilespmem:s11+$0x10]  }
0x207: {  	s5 =	simm.s32 $0xE;
	v22 =	vld.idx.msk [tilespmem:v24+s30+$0x0], $0xffff  }
0x208: {  	v11 =	vmov s5;
	v23 =	vld.idx.msk [tilespmem:v10+s23+$0x0], $0xffff  }
0x209: {  	s12 =	simm.s32 $0xA;
	v11 =	vshll.u32 v11, $0x3;
	v25 =	vld.idx.msk [tilespmem:v10+s30+$0x0], $0xffff  }
0x20a: {  	v12 =	vmov s12;
	v11 =	vor.u32 v6, v11;
	v26 =	vld [tilespmem:s10+$0xFFFFFFE0]  }
0x20b: {  	v12 =	vshll.u32 v12, $0x3;
	s20 =	simm.s32 $0xC;
	v11 =	vor.u32 v1, v11;
	v27 =	vld [tilespmem:s10+$0xFFFFFFF0]  }
0x20c: {  	v12 =	vor.u32 v6, v12;
	v29 =	vmov s20;
	v28 =	vld [tilespmem:s10+$0x0];
	v14 =	vadd.f32 v16, v14  }
0x20d: {  	v12 =	vor.u32 v1, v12;
	v30 =	vld [tilespmem:s11+$0xFFFFFFE0];
	v16 =	vshll.u32 v29, $0x3  }
0x20e: {  	v61 =	vld [tilespmem:s11+$0xFFFFFFF0];
	v16 =	vor.u32 v6, v16;
	v14 =	vmul.f32 v14, v19  }
0x20f: {  	v31 =	vld [tilespmem:s11+$0x0];
	v17 =	vadd.f32 v18, v17;
	v18 =	vor.u32 v1, v16;
	v16 =	vadd.f32 v22, v20  }
0x210: {  	v19 =	vld.idx.msk [tilespmem:v11+s23+$0x0], $0xffff;
	v22 =	vadd.f32 v25, v23;
	v21 =	vadd.f32 v21, v14  }
0x211: {  	v17 =	vmul.f32 v17, v27;
	v20 =	vld.idx.msk [tilespmem:v11+s30+$0x0], $0xffff  }
0x212: {  	s31 =	simm.s32 $0x8;
	v23 =	vmul.f32 v16, v28;
	v14 =	vld.idx.msk [tilespmem:v12+s23+$0x0], $0xffff;
	[tilespmem:v13+s23+$0x0] =	vst.idx.msk $0xffff, v21;
	v13 =	vmul.f32 v22, v26  }
0x213: {  	s2 =	simm.s32 $0x16CE0;
	v62 =	vmov s31;
	v27 =	vadd.f32 v61, v17;
	v16 =	vld.idx.msk [tilespmem:v12+s30+$0x0], $0xffff  }
0x214: {  	v17 =	vshll.u32 v62, $0x3;
	v21 =	vld [tilespmem:s2+$0x10];
	v63 =	vadd.f32 v31, v23  }
0x215: {  	s5 =	simm.s32 $0x18070;
	v22 =	vor.u32 v6, v17;
	[tilespmem:v15+s23+$0x0] =	vst.idx.msk $0xffff, v27;
	v17 =	vld.idx.msk [tilespmem:v18+s23+$0x0], $0xffff;
	v23 =	vadd.f32 v30, v13  }
0x216: {  	s6 =	simm.s32 $0x4;
	s7 =	simm.s32 $0x10;
	v15 =	vor.u32 v1, v22;
	v22 =	vld [tilespmem:s5+$0x10];
	[tilespmem:v24+s23+$0x0] =	vst.idx.msk $0xffff, v63;
	v13 =	vmov v18  }
.LBB2_18:
0x217: {  	v24 =	vmov s7;
	s4 =	sadd.s32 $0x2, s7;
	s10 =	sadd.s32 $0x4, s7;
	s11 =	sadd.s32 $0x6, s7;
	v25 =	vld.idx.msk [tilespmem:v18+s30+$0x0], $0xffff;
	v18 =	vadd.f32 v20, v19;
	[tilespmem:v10+s23+$0x0] =	vst.idx.msk $0xffff, v23;
	v10 =	vmov v15  }
0x218: {  	s6 =	sadd.s32 $0x4, s6;
	v19 =	vmov s4;
	v20 =	vmov s10;
	v23 =	vmov s11;
	v26 =	vld.idx.msk [tilespmem:v15+s23+$0x0], $0xffff  }
0x219: {  	p0 =	slt.u32 s6, $0x134;
	v19 =	vshll.u32 v19, $0x3;
	v23 =	vshll.u32 v23, $0x3;
	v27 =	vld.idx.msk [tilespmem:v15+s30+$0x0], $0xffff;
	v15 =	vmul.f32 v18, v21  }
0x21a: {  	v18 =	vshll.u32 v24, $0x3;
	v20 =	vshll.u32 v20, $0x3;
	v21 =	vor.u32 v6, v23;
	v23 =	vld [tilespmem:s2+$0xFFFFFFE0]  }
0x21b: {  	v19 =	vor.u32 v6, v19;
	v21 =	vor.u32 v1, v21;
	v24 =	vld [tilespmem:s2+$0xFFFFFFF0];
	v22 =	vadd.f32 v22, v15  }
0x21c: {  	v15 =	vor.u32 v6, v18;
	v28 =	vor.u32 v1, v19;
	v18 =	vor.u32 v6, v20;
	v29 =	vld [tilespmem:s2+$0x0]  }
0x21d: {  	v15 =	vor.u32 v1, v15;
	v18 =	vor.u32 v1, v18;
	v30 =	vld [tilespmem:s5+$0xFFFFFFE0];
	[tilespmem:v11+s23+$0x0] =	vst.idx.msk $0xffff, v22;
	v11 =	vmov v21  }
0x21e: {  	v14 =	vadd.f32 v16, v14;
	v16 =	vadd.f32 v25, v17;
	v22 =	vld [tilespmem:s5+$0xFFFFFFF0]  }
0x21f: {  	v17 =	vadd.f32 v27, v26;
	v25 =	vld [tilespmem:s5+$0x0]  }
0x220: {  	v19 =	vld.idx.msk [tilespmem:v21+s23+$0x0], $0xffff;
	v24 =	vmul.f32 v14, v24  }
0x221: {  	v17 =	vmul.f32 v17, v23;
	v20 =	vld.idx.msk [tilespmem:v21+s30+$0x0], $0xffff;
	v26 =	vmul.f32 v16, v29  }
.Ltmp8:
0x222: {  	v14 =	vld.idx.msk [tilespmem:v28+s23+$0x0], $0xffff;
	(pc) =	sbr.rel @p0 .LBB2_18-.Ltmp8, $4  }
0x223: {  	s2 =	sadd.s32 $0x40, s2;
	v23 =	vadd.f32 v30, v17;
	v16 =	vld.idx.msk [tilespmem:v28+s30+$0x0], $0xffff;
	v22 =	vadd.f32 v22, v24  }
0x224: {  	v21 =	vld [tilespmem:s2+$0x10];
	v24 =	vadd.f32 v25, v26  }
0x225: {  	s5 =	sadd.s32 $0x40, s5;
	v17 =	vld.idx.msk [tilespmem:v18+s23+$0x0], $0xffff;
	[tilespmem:v12+s23+$0x0] =	vst.idx.msk $0xffff, v22;
	v12 =	vmov v28  }
0x226: {  	s7 =	sadd.s32 $0x8, s7;
	v22 =	vld [tilespmem:s5+$0x10];
	[tilespmem:v13+s23+$0x0] =	vst.idx.msk $0xffff, v24;
	v13 =	vmov v18  }
0x227: {  	_ =	sdelay $0x3  }
0x228: {  	v18 =	vld.idx.msk [tilespmem:v18+s30+$0x0], $0xffff  }
0x229: {  	v24 =	vld.idx.msk [tilespmem:v15+s23+$0x0], $0xffff  }
0x22a: {  	v25 =	vld.idx.msk [tilespmem:v15+s30+$0x0], $0xffff  }
0x22b: {  	v26 =	vld [tilespmem:s2+$0xFFFFFFE0]  }
0x22c: {  	v27 =	vld [tilespmem:s2+$0xFFFFFFF0]  }
0x22d: {  	v28 =	vld [tilespmem:s2+$0x0]  }
0x22e: {  	v19 =	vadd.f32 v20, v19;
	v60 =	vld [tilespmem:s5+$0xFFFFFFF0]  }
0x22f: {  	v61 =	vld [tilespmem:s5+$0x0];
	v14 =	vadd.f32 v16, v14  }
0x230: {  	v62 =	vld [tilespmem:s5+$0xFFFFFFE0];
	v19 =	vmul.f32 v19, v21;
	v17 =	vadd.f32 v18, v17  }
0x231: {  	v63 =	vadd.f32 v25, v24;
	v14 =	vmul.f32 v14, v27  }
0x232: {  	v19 =	vadd.f32 v22, v19;
	v17 =	vmul.f32 v17, v28  }
0x233: {  	[tilespmem:v10+s23+$0x0] =	vst.idx.msk $0xffff, v23;
	v10 =	vmul.f32 v63, v26;
	v14 =	vadd.f32 v60, v14  }
0x234: {  	[tilespmem:v11+s23+$0x0] =	vst.idx.msk $0xffff, v19;
	v11 =	vadd.f32 v61, v17  }
0x235: {  	v10 =	vadd.f32 v62, v10;
	[tilespmem:v12+s23+$0x0] =	vst.idx.msk $0xffff, v14  }
0x236: {  	[tilespmem:v13+s23+$0x0] =	vst.idx.msk $0xffff, v11  }
0x237: {  	[tilespmem:v15+s23+$0x0] =	vst.idx.msk $0xffff, v10  }
0x238: {  	v10 =	vld.idx.msk [tilespmem:v9+s23+$0x0], $0xffff  }
0x239: {  	v11 =	vld.idx.msk [tilespmem:v9+s30+$0x0], $0xffff;
	_ =	sdelay $0x1  }
0x23a: {  	v12 =	vld [tilespmem:$0x18000];
	_ =	sdelay $0x1  }
0x23b: {  	v13 =	vld [tilespmem:$0x19390]  }
0x23c: {  	v10 =	vadd.f32 v11, v10;
	_ =	sdelay $0x1  }
0x23d: {  	v10 =	vmul.f32 v10, v12;
	_ =	sdelay $0x1  }
0x23e: {  	v10 =	vadd.f32 v13, v10;
	_ =	sdelay $0x1  }
0x23f: {  	[tilespmem:v9+s23+$0x0] =	vst.idx.msk $0xffff, v10  }
0x240: {  	[spmem:s9] =	stream.linear.scatter [tilespmem:s23], [sflag:$0x3], $0x1390, $0x38;
	[tilespmem:$0x193A0] =	vst v63  }
0x241: {  	_ =	swait.ge [sflag:s14], $0x1390  }
0x242: {  	[sflag:s14] =	ssyncset.done $0x0  }
0x243: {  	[sflag:s14] =	ssyncadd.s32 $0xFFFFEC70  }
0x244: {  	[bflag:$0x0] =	sbarrier.arrive $0xFFFF  }
0x245: {  	[tilespmem:s24], [sflag:$0x1] =	stream.indirect.gather [spmem:s3], $0x8, s13, s19, $0xb8;
	[tilespmem:$0x193A0] =	vst v63  }
0x246: {  	s11 =	simm.s32 $0x2920  }
0x247: {  	[tilespmem:s25], [sflag:$0x2] =	stream.indirect.gather [spmem:s3], $0x8, s11, s19, $0xb8;
	[tilespmem:$0x193A0] =	vst v63  }
0x248: {  	_ =	swait.ge [sflag:s21], $0x1000  }
0x249: {  	[sflag:s21] =	ssyncset.done $0x0  }
0x24a: {  	s12 =	simm.s32 $0x7720;
	[sflag:s21] =	ssyncadd.s32 $0xFFFFF000  }
0x24b: {  	[spmem:s1] =	stream.indirect.scatter.add.f32 [tilespmem:s24], [sflag:$0x3], $0x8, s12, s19, $0xb8;
	[tilespmem:$0x193A0] =	vst v63  }
0x24c: {  	_ =	swait.ge [sflag:s14], $0x1000  }
0x24d: {  	[sflag:s14] =	ssyncset.done $0x0  }
0x24e: {  	s20 =	simm.s32 $0x2B20;
	[sflag:s14] =	ssyncadd.s32 $0xFFFFF000  }
0x24f: {  	[tilespmem:s24], [sflag:$0x1] =	stream.indirect.gather [spmem:s3], $0x8, s20, s19, $0xb8;
	[tilespmem:$0x193A0] =	vst v63  }
0x250: {  	_ =	swait.ge [sflag:s22], $0x1000  }
0x251: {  	[sflag:s22] =	ssyncset.done $0x0  }
0x252: {  	s31 =	simm.s32 $0x7920;
	[sflag:s22] =	ssyncadd.s32 $0xFFFFF000  }
0x253: {  	[spmem:s1] =	stream.indirect.scatter.add.f32 [tilespmem:s25], [sflag:$0x3], $0x8, s31, s19, $0xb8;
	[tilespmem:$0x193A0] =	vst v63  }
0x254: {  	_ =	swait.ge [sflag:s14], $0x1000  }
0x255: {  	s5 =	simm.s32 $0x2000;
	s2 =	simm.s32 $0x400;
	[sflag:s14] =	ssyncset.done $0x0  }
.LBB2_20:
0x256: {  	s4 =	sadd.s32 $0x2920, s2  }
0x257: {  	[sflag:s14] =	ssyncadd.s32 $0xFFFFF000;
	s6 =	smov.u32 s5;
	s7 =	sadd.s32 $0x1000, s5  }
0x258: {  	[tilespmem:s25], [sflag:$0x2] =	stream.indirect.gather [spmem:s3], $0x8, s4, s19, $0xb8;
	[tilespmem:$0x193A0] =	vst v63  }
0x259: {  	p0 =	sne.s32 s5, $0x12000;
	_ =	swait.ge [sflag:s21], $0x1000  }
0x25a: {  	[sflag:s21] =	ssyncset.done $0x0  }
0x25b: {  	s4 =	sadd.s32 $0x7720, s2;
	[sflag:s21] =	ssyncadd.s32 $0xFFFFF000  }
0x25c: {  	[spmem:s1] =	stream.indirect.scatter.add.f32 [tilespmem:s24], [sflag:$0x3], $0x8, s4, s19, $0xb8;
	[tilespmem:$0x193A0] =	vst v63  }
0x25d: {  	_ =	swait.ge [sflag:s14], $0x1000  }
0x25e: {  	[sflag:s14] =	ssyncset.done $0x0  }
0x25f: {  	s4 =	sadd.s32 $0x2B20, s2;
	[sflag:s14] =	ssyncadd.s32 $0xFFFFF000  }
0x260: {  	[tilespmem:s24], [sflag:$0x1] =	stream.indirect.gather [spmem:s3], $0x8, s4, s19, $0xb8;
	[tilespmem:$0x193A0] =	vst v63  }
0x261: {  	_ =	swait.ge [sflag:s22], $0x1000  }
.Ltmp9:
0x262: {  	[sflag:s22] =	ssyncset.done $0x0;
	(pc) =	sbr.rel @p0 .LBB2_20-.Ltmp9, $4  }
0x263: {  	s2 =	sadd.s32 $0x7920, s2;
	[sflag:s22] =	ssyncadd.s32 $0xFFFFF000  }
0x264: {  	[spmem:s1] =	stream.indirect.scatter.add.f32 [tilespmem:s25], [sflag:$0x3], $0x8, s2, s19, $0xb8;
	[tilespmem:$0x193A0] =	vst v63  }
0x265: {  	_ =	swait.ge [sflag:s14], $0x1000  }
0x266: {  	s5 =	smov.u32 s7;
	s2 =	sshra.s32 s6, $0x2;
	[sflag:s14] =	ssyncset.done $0x0  }
0x267: {  	s4 =	sadd.s32 $0x2920, s2;
	[sflag:s14] =	ssyncadd.s32 $0xFFFFF000  }
0x268: {  	[tilespmem:s25], [sflag:$0x2] =	stream.indirect.gather [spmem:s3], $0x8, s4, s19, $0xb8;
	[tilespmem:$0x193A0] =	vst v63  }
0x269: {  	_ =	swait.ge [sflag:s21], $0x1000  }
0x26a: {  	[sflag:s21] =	ssyncset.done $0x0  }
0x26b: {  	s12 =	sadd.s32 $0x7720, s2;
	[sflag:s21] =	ssyncadd.s32 $0xFFFFF000  }
0x26c: {  	[spmem:s1] =	stream.indirect.scatter.add.f32 [tilespmem:s24], [sflag:$0x3], $0x8, s12, s19, $0xb8;
	[tilespmem:$0x193A0] =	vst v63  }
0x26d: {  	_ =	swait.ge [sflag:s14], $0x1000  }
0x26e: {  	[sflag:s14] =	ssyncset.done $0x0  }
0x26f: {  	s20 =	sadd.s32 $0x2B20, s2;
	[sflag:s14] =	ssyncadd.s32 $0xFFFFF000  }
0x270: {  	[tilespmem:s24], [sflag:$0x1] =	stream.indirect.gather [spmem:s3], $0x8, s20, s19, $0xb8;
	[tilespmem:$0x193A0] =	vst v63  }
0x271: {  	_ =	swait.ge [sflag:s22], $0x1000  }
0x272: {  	[sflag:s22] =	ssyncset.done $0x0  }
0x273: {  	s31 =	sadd.s32 $0x7920, s2;
	[sflag:s22] =	ssyncadd.s32 $0xFFFFF000  }
0x274: {  	[spmem:s1] =	stream.indirect.scatter.add.f32 [tilespmem:s25], [sflag:$0x3], $0x8, s31, s19, $0xb8;
	[tilespmem:$0x193A0] =	vst v63  }
0x275: {  	_ =	swait.ge [sflag:s14], $0x1000  }
0x276: {  	[sflag:s14] =	ssyncset.done $0x0  }
0x277: {  	[sflag:s14] =	ssyncadd.s32 $0xFFFFF000  }
0x278: {  	[tilespmem:s25], [sflag:$0x2] =	stream.indirect.gather [spmem:s3], $0x8, s26, s19, $0xb8;
	[tilespmem:$0x193A0] =	vst v63  }
0x279: {  	_ =	swait.ge [sflag:s21], $0x1000  }
0x27a: {  	[sflag:s21] =	ssyncset.done $0x0  }
0x27b: {  	[sflag:s21] =	ssyncadd.s32 $0xFFFFF000  }
0x27c: {  	[spmem:s1] =	stream.indirect.scatter.add.f32 [tilespmem:s24], [sflag:$0x3], $0x8, s28, s19, $0xb8;
	[tilespmem:$0x193A0] =	vst v63  }
0x27d: {  	_ =	swait.ge [sflag:s14], $0x1000  }
0x27e: {  	[sflag:s14] =	ssyncset.done $0x0  }
0x27f: {  	[sflag:s14] =	ssyncadd.s32 $0xFFFFF000  }
0x280: {  	_ =	swait.ge [sflag:s22], $0x1000  }
0x281: {  	[sflag:s22] =	ssyncset.done $0x0  }
0x282: {  	[sflag:s22] =	ssyncadd.s32 $0xFFFFF000  }
0x283: {  	[spmem:s1] =	stream.indirect.scatter.add.f32 [tilespmem:s25], [sflag:$0x3], $0x8, s29, s19, $0xb8;
	[tilespmem:$0x193A0] =	vst v63  }
0x284: {  	_ =	swait.ge [sflag:s14], $0x1000  }
0x285: {  	[sflag:s14] =	ssyncset.done $0x0  }
0x286: {  	[sflag:s14] =	ssyncadd.s32 $0xFFFFF000  }
0x287: {  	[bflag:$0x0] =	sbarrier.arrive $0xFFFF  }
0x288: {  	[tilespmem:s23], [sflag:$0x3] =	stream.linear.gather [spmem:s8], $0x1390, $0x38;
	[tilespmem:$0x193A0] =	vst v63  }
0x289: {  	_ =	swait.ge [sflag:s14], $0x1390  }
0x28a: {  	[sflag:s14] =	ssyncset.done $0x0  }
0x28b: {  	s4 =	simm.s32 $0x6;
	[sflag:s14] =	ssyncadd.s32 $0xFFFFEC70  }
0x28c: {  	v10 =	vmov s4;
	[tilespmem:s30], [sflag:$0x3] =	stream.linear.gather [spmem:s9], $0x1390, $0x38;
	[tilespmem:$0x193A0] =	vst v63  }
0x28d: {  	s5 =	simm.s32 $0x2;
	v10 =	vshll.u32 v10, $0x3;
	_ =	swait.ge [sflag:s14], $0x1390  }
0x28e: {  	v11 =	vmov s5;
	v10 =	vor.u32 v6, v10;
	[sflag:s14] =	ssyncset.done $0x0  }
0x28f: {  	s6 =	simm.s32 $0x4;
	v11 =	vshll.u32 v11, $0x3;
	v13 =	vor.u32 v1, v10;
	[sflag:s14] =	ssyncadd.s32 $0xFFFFEC70  }
0x290: {  	v10 =	vor.u32 v6, v11;
	[spmem:s8] =	stream.linear.scatter [tilespmem:s18], [sflag:$0x3], $0x1390, $0x38;
	[tilespmem:$0x193A0] =	vst v63  }
0x291: {  	v11 =	vmov s6;
	v15 =	vor.u32 v1, v10;
	_ =	swait.ge [sflag:s14], $0x1390  }
0x292: {  	v10 =	vshll.u32 v11, $0x3;
	[sflag:s14] =	ssyncset.done $0x0  }
0x293: {  	s7 =	simm.s32 $0x0;
	v10 =	vor.u32 v6, v10;
	[sflag:s14] =	ssyncadd.s32 $0xFFFFEC70  }
0x294: {  	v11 =	vmov s7;
	v24 =	vor.u32 v1, v10;
	v14 =	vld.idx.msk [tilespmem:v13+s23+$0x0], $0xffff  }
0x295: {  	v10 =	vshll.u32 v11, $0x3;
	v16 =	vld.idx.msk [tilespmem:v13+s30+$0x0], $0xffff  }
0x296: {  	v10 =	vor.u32 v6, v10;
	v17 =	vld.idx.msk [tilespmem:v15+s23+$0x0], $0xffff  }
0x297: {  	s10 =	simm.s32 $0x16CA0;
	v10 =	vor.u32 v1, v10;
	v18 =	vld.idx.msk [tilespmem:v15+s30+$0x0], $0xffff  }
0x298: {  	v19 =	vld [tilespmem:s10+$0x10]  }
0x299: {  	s11 =	simm.s32 $0x18030;
	v20 =	vld.idx.msk [tilespmem:v24+s23+$0x0], $0xffff  }
0x29a: {  	v21 =	vld [tilespmem:s11+$0x10]  }
0x29b: {  	s5 =	simm.s32 $0xE;
	v22 =	vld.idx.msk [tilespmem:v24+s30+$0x0], $0xffff  }
0x29c: {  	v11 =	vmov s5;
	v23 =	vld.idx.msk [tilespmem:v10+s23+$0x0], $0xffff  }
0x29d: {  	s12 =	simm.s32 $0xA;
	v11 =	vshll.u32 v11, $0x3;
	v25 =	vld.idx.msk [tilespmem:v10+s30+$0x0], $0xffff  }
0x29e: {  	v12 =	vmov s12;
	v11 =	vor.u32 v6, v11;
	v26 =	vld [tilespmem:s10+$0xFFFFFFE0]  }
0x29f: {  	v12 =	vshll.u32 v12, $0x3;
	s20 =	simm.s32 $0xC;
	v11 =	vor.u32 v1, v11;
	v27 =	vld [tilespmem:s10+$0xFFFFFFF0]  }
0x2a0: {  	v12 =	vor.u32 v6, v12;
	v29 =	vmov s20;
	v28 =	vld [tilespmem:s10+$0x0];
	v14 =	vadd.f32 v16, v14  }
0x2a1: {  	v12 =	vor.u32 v1, v12;
	v30 =	vld [tilespmem:s11+$0xFFFFFFE0];
	v16 =	vshll.u32 v29, $0x3  }
0x2a2: {  	v61 =	vld [tilespmem:s11+$0xFFFFFFF0];
	v16 =	vor.u32 v6, v16;
	v14 =	vmul.f32 v14, v19  }
0x2a3: {  	v31 =	vld [tilespmem:s11+$0x0];
	v17 =	vadd.f32 v18, v17;
	v18 =	vor.u32 v1, v16;
	v16 =	vadd.f32 v22, v20  }
0x2a4: {  	v19 =	vld.idx.msk [tilespmem:v11+s23+$0x0], $0xffff;
	v22 =	vadd.f32 v25, v23;
	v21 =	vadd.f32 v21, v14  }
0x2a5: {  	v17 =	vmul.f32 v17, v27;
	v20 =	vld.idx.msk [tilespmem:v11+s30+$0x0], $0xffff  }
0x2a6: {  	s31 =	simm.s32 $0x8;
	v23 =	vmul.f32 v16, v28;
	v14 =	vld.idx.msk [tilespmem:v12+s23+$0x0], $0xffff;
	[tilespmem:v13+s23+$0x0] =	vst.idx.msk $0xffff, v21;
	v13 =	vmul.f32 v22, v26  }
0x2a7: {  	s2 =	simm.s32 $0x16CE0;
	v62 =	vmov s31;
	v27 =	vadd.f32 v61, v17;
	v16 =	vld.idx.msk [tilespmem:v12+s30+$0x0], $0xffff  }
0x2a8: {  	v17 =	vshll.u32 v62, $0x3;
	v21 =	vld [tilespmem:s2+$0x10];
	v63 =	vadd.f32 v31, v23  }
0x2a9: {  	s5 =	simm.s32 $0x18070;
	v22 =	vor.u32 v6, v17;
	[tilespmem:v15+s23+$0x0] =	vst.idx.msk $0xffff, v27;
	v17 =	vld.idx.msk [tilespmem:v18+s23+$0x0], $0xffff;
	v23 =	vadd.f32 v30, v13  }
0x2aa: {  	s6 =	simm.s32 $0x4;
	s7 =	simm.s32 $0x10;
	v15 =	vor.u32 v1, v22;
	v22 =	vld [tilespmem:s5+$0x10];
	[tilespmem:v24+s23+$0x0] =	vst.idx.msk $0xffff, v63;
	v13 =	vmov v18  }
.LBB2_22:
0x2ab: {  	v24 =	vmov s7;
	s4 =	sadd.s32 $0x2, s7;
	s10 =	sadd.s32 $0x4, s7;
	s11 =	sadd.s32 $0x6, s7;
	v25 =	vld.idx.msk [tilespmem:v18+s30+$0x0], $0xffff;
	v18 =	vadd.f32 v20, v19;
	[tilespmem:v10+s23+$0x0] =	vst.idx.msk $0xffff, v23;
	v10 =	vmov v15  }
0x2ac: {  	s6 =	sadd.s32 $0x4, s6;
	v19 =	vmov s4;
	v20 =	vmov s10;
	v23 =	vmov s11;
	v26 =	vld.idx.msk [tilespmem:v15+s23+$0x0], $0xffff  }
0x2ad: {  	p0 =	slt.u32 s6, $0x134;
	v19 =	vshll.u32 v19, $0x3;
	v23 =	vshll.u32 v23, $0x3;
	v27 =	vld.idx.msk [tilespmem:v15+s30+$0x0], $0xffff;
	v15 =	vmul.f32 v18, v21  }
0x2ae: {  	v18 =	vshll.u32 v24, $0x3;
	v20 =	vshll.u32 v20, $0x3;
	v21 =	vor.u32 v6, v23;
	v23 =	vld [tilespmem:s2+$0xFFFFFFE0]  }
0x2af: {  	v19 =	vor.u32 v6, v19;
	v21 =	vor.u32 v1, v21;
	v24 =	vld [tilespmem:s2+$0xFFFFFFF0];
	v22 =	vadd.f32 v22, v15  }
0x2b0: {  	v15 =	vor.u32 v6, v18;
	v28 =	vor.u32 v1, v19;
	v18 =	vor.u32 v6, v20;
	v29 =	vld [tilespmem:s2+$0x0]  }
0x2b1: {  	v15 =	vor.u32 v1, v15;
	v18 =	vor.u32 v1, v18;
	v30 =	vld [tilespmem:s5+$0xFFFFFFE0];
	[tilespmem:v11+s23+$0x0] =	vst.idx.msk $0xffff, v22;
	v11 =	vmov v21  }
0x2b2: {  	v14 =	vadd.f32 v16, v14;
	v16 =	vadd.f32 v25, v17;
	v22 =	vld [tilespmem:s5+$0xFFFFFFF0]  }
0x2b3: {  	v17 =	vadd.f32 v27, v26;
	v25 =	vld [tilespmem:s5+$0x0]  }
0x2b4: {  	v19 =	vld.idx.msk [tilespmem:v21+s23+$0x0], $0xffff;
	v24 =	vmul.f32 v14, v24  }
0x2b5: {  	v17 =	vmul.f32 v17, v23;
	v20 =	vld.idx.msk [tilespmem:v21+s30+$0x0], $0xffff;
	v26 =	vmul.f32 v16, v29  }
.Ltmp10:
0x2b6: {  	v14 =	vld.idx.msk [tilespmem:v28+s23+$0x0], $0xffff;
	(pc) =	sbr.rel @p0 .LBB2_22-.Ltmp10, $4  }
0x2b7: {  	s2 =	sadd.s32 $0x40, s2;
	v23 =	vadd.f32 v30, v17;
	v16 =	vld.idx.msk [tilespmem:v28+s30+$0x0], $0xffff;
	v22 =	vadd.f32 v22, v24  }
0x2b8: {  	v21 =	vld [tilespmem:s2+$0x10];
	v24 =	vadd.f32 v25, v26  }
0x2b9: {  	s5 =	sadd.s32 $0x40, s5;
	v17 =	vld.idx.msk [tilespmem:v18+s23+$0x0], $0xffff;
	[tilespmem:v12+s23+$0x0] =	vst.idx.msk $0xffff, v22;
	v12 =	vmov v28  }
0x2ba: {  	s7 =	sadd.s32 $0x8, s7;
	v22 =	vld [tilespmem:s5+$0x10];
	[tilespmem:v13+s23+$0x0] =	vst.idx.msk $0xffff, v24;
	v13 =	vmov v18  }
0x2bb: {  	_ =	sdelay $0x3  }
0x2bc: {  	v18 =	vld.idx.msk [tilespmem:v18+s30+$0x0], $0xffff  }
0x2bd: {  	v24 =	vld.idx.msk [tilespmem:v15+s23+$0x0], $0xffff  }
0x2be: {  	v25 =	vld.idx.msk [tilespmem:v15+s30+$0x0], $0xffff  }
0x2bf: {  	v26 =	vld [tilespmem:s2+$0xFFFFFFE0]  }
0x2c0: {  	v27 =	vld [tilespmem:s2+$0xFFFFFFF0]  }
0x2c1: {  	v28 =	vld [tilespmem:s2+$0x0]  }
0x2c2: {  	v19 =	vadd.f32 v20, v19;
	v60 =	vld [tilespmem:s5+$0xFFFFFFF0]  }
0x2c3: {  	v61 =	vld [tilespmem:s5+$0x0];
	v14 =	vadd.f32 v16, v14  }
0x2c4: {  	v62 =	vld [tilespmem:s5+$0xFFFFFFE0];
	v19 =	vmul.f32 v19, v21;
	v17 =	vadd.f32 v18, v17  }
0x2c5: {  	v63 =	vadd.f32 v25, v24;
	v14 =	vmul.f32 v14, v27  }
0x2c6: {  	v19 =	vadd.f32 v22, v19;
	v17 =	vmul.f32 v17, v28  }
0x2c7: {  	[tilespmem:v10+s23+$0x0] =	vst.idx.msk $0xffff, v23;
	v10 =	vmul.f32 v63, v26;
	v14 =	vadd.f32 v60, v14  }
0x2c8: {  	[tilespmem:v11+s23+$0x0] =	vst.idx.msk $0xffff, v19;
	v11 =	vadd.f32 v61, v17  }
0x2c9: {  	v10 =	vadd.f32 v62, v10;
	[tilespmem:v12+s23+$0x0] =	vst.idx.msk $0xffff, v14  }
0x2ca: {  	[tilespmem:v13+s23+$0x0] =	vst.idx.msk $0xffff, v11  }
0x2cb: {  	[tilespmem:v15+s23+$0x0] =	vst.idx.msk $0xffff, v10  }
0x2cc: {  	v10 =	vld.idx.msk [tilespmem:v9+s23+$0x0], $0xffff  }
0x2cd: {  	v11 =	vld.idx.msk [tilespmem:v9+s30+$0x0], $0xffff;
	_ =	sdelay $0x1  }
0x2ce: {  	v12 =	vld [tilespmem:$0x18000];
	_ =	sdelay $0x1  }
0x2cf: {  	v13 =	vld [tilespmem:$0x19390]  }
0x2d0: {  	v10 =	vadd.f32 v11, v10;
	_ =	sdelay $0x1  }
0x2d1: {  	v10 =	vmul.f32 v10, v12;
	_ =	sdelay $0x1  }
0x2d2: {  	v10 =	vadd.f32 v13, v10;
	_ =	sdelay $0x1  }
0x2d3: {  	[tilespmem:v9+s23+$0x0] =	vst.idx.msk $0xffff, v10  }
0x2d4: {  	[spmem:s9] =	stream.linear.scatter [tilespmem:s23], [sflag:$0x3], $0x1390, $0x38;
	[tilespmem:$0x193A0] =	vst v63  }
0x2d5: {  	_ =	swait.ge [sflag:s14], $0x1390  }
0x2d6: {  	[sflag:s14] =	ssyncset.done $0x0  }
0x2d7: {  	[sflag:s14] =	ssyncadd.s32 $0xFFFFEC70  }
0x2d8: {  	[bflag:$0x0] =	sbarrier.arrive $0xFFFF  }
0x2d9: {  	[tilespmem:s24], [sflag:$0x1] =	stream.indirect.gather [spmem:s3], $0x8, s13, s19, $0xb8;
	[tilespmem:$0x193A0] =	vst v63  }
0x2da: {  	s11 =	simm.s32 $0x2920  }
0x2db: {  	[tilespmem:s25], [sflag:$0x2] =	stream.indirect.gather [spmem:s3], $0x8, s11, s19, $0xb8;
	[tilespmem:$0x193A0] =	vst v63  }
0x2dc: {  	_ =	swait.ge [sflag:s21], $0x1000  }
0x2dd: {  	[sflag:s21] =	ssyncset.done $0x0  }
0x2de: {  	s12 =	simm.s32 $0x7720;
	[sflag:s21] =	ssyncadd.s32 $0xFFFFF000  }
0x2df: {  	[spmem:s1] =	stream.indirect.scatter.add.f32 [tilespmem:s24], [sflag:$0x3], $0x8, s12, s19, $0xb8;
	[tilespmem:$0x193A0] =	vst v63  }
0x2e0: {  	_ =	swait.ge [sflag:s14], $0x1000  }
0x2e1: {  	[sflag:s14] =	ssyncset.done $0x0  }
0x2e2: {  	s20 =	simm.s32 $0x2B20;
	[sflag:s14] =	ssyncadd.s32 $0xFFFFF000  }
0x2e3: {  	[tilespmem:s24], [sflag:$0x1] =	stream.indirect.gather [spmem:s3], $0x8, s20, s19, $0xb8;
	[tilespmem:$0x193A0] =	vst v63  }
0x2e4: {  	_ =	swait.ge [sflag:s22], $0x1000  }
0x2e5: {  	[sflag:s22] =	ssyncset.done $0x0  }
0x2e6: {  	s31 =	simm.s32 $0x7920;
	[sflag:s22] =	ssyncadd.s32 $0xFFFFF000  }
0x2e7: {  	[spmem:s1] =	stream.indirect.scatter.add.f32 [tilespmem:s25], [sflag:$0x3], $0x8, s31, s19, $0xb8;
	[tilespmem:$0x193A0] =	vst v63  }
0x2e8: {  	_ =	swait.ge [sflag:s14], $0x1000  }
0x2e9: {  	s5 =	simm.s32 $0x2000;
	s2 =	simm.s32 $0x400;
	[sflag:s14] =	ssyncset.done $0x0  }
.LBB2_24:
0x2ea: {  	s4 =	sadd.s32 $0x2920, s2  }
0x2eb: {  	[sflag:s14] =	ssyncadd.s32 $0xFFFFF000;
	s6 =	smov.u32 s5;
	s7 =	sadd.s32 $0x1000, s5  }
0x2ec: {  	[tilespmem:s25], [sflag:$0x2] =	stream.indirect.gather [spmem:s3], $0x8, s4, s19, $0xb8;
	[tilespmem:$0x193A0] =	vst v63  }
0x2ed: {  	p0 =	sne.s32 s5, $0x12000;
	_ =	swait.ge [sflag:s21], $0x1000  }
0x2ee: {  	[sflag:s21] =	ssyncset.done $0x0  }
0x2ef: {  	s4 =	sadd.s32 $0x7720, s2;
	[sflag:s21] =	ssyncadd.s32 $0xFFFFF000  }
0x2f0: {  	[spmem:s1] =	stream.indirect.scatter.add.f32 [tilespmem:s24], [sflag:$0x3], $0x8, s4, s19, $0xb8;
	[tilespmem:$0x193A0] =	vst v63  }
0x2f1: {  	_ =	swait.ge [sflag:s14], $0x1000  }
0x2f2: {  	[sflag:s14] =	ssyncset.done $0x0  }
0x2f3: {  	s4 =	sadd.s32 $0x2B20, s2;
	[sflag:s14] =	ssyncadd.s32 $0xFFFFF000  }
0x2f4: {  	[tilespmem:s24], [sflag:$0x1] =	stream.indirect.gather [spmem:s3], $0x8, s4, s19, $0xb8;
	[tilespmem:$0x193A0] =	vst v63  }
0x2f5: {  	_ =	swait.ge [sflag:s22], $0x1000  }
.Ltmp11:
0x2f6: {  	[sflag:s22] =	ssyncset.done $0x0;
	(pc) =	sbr.rel @p0 .LBB2_24-.Ltmp11, $4  }
0x2f7: {  	s2 =	sadd.s32 $0x7920, s2;
	[sflag:s22] =	ssyncadd.s32 $0xFFFFF000  }
0x2f8: {  	[spmem:s1] =	stream.indirect.scatter.add.f32 [tilespmem:s25], [sflag:$0x3], $0x8, s2, s19, $0xb8;
	[tilespmem:$0x193A0] =	vst v63  }
0x2f9: {  	_ =	swait.ge [sflag:s14], $0x1000  }
0x2fa: {  	s5 =	smov.u32 s7;
	s2 =	sshra.s32 s6, $0x2;
	[sflag:s14] =	ssyncset.done $0x0  }
0x2fb: {  	s4 =	sadd.s32 $0x2920, s2;
	[sflag:s14] =	ssyncadd.s32 $0xFFFFF000  }
0x2fc: {  	[tilespmem:s25], [sflag:$0x2] =	stream.indirect.gather [spmem:s3], $0x8, s4, s19, $0xb8;
	[tilespmem:$0x193A0] =	vst v63  }
0x2fd: {  	_ =	swait.ge [sflag:s21], $0x1000  }
0x2fe: {  	[sflag:s21] =	ssyncset.done $0x0  }
0x2ff: {  	s12 =	sadd.s32 $0x7720, s2;
	[sflag:s21] =	ssyncadd.s32 $0xFFFFF000  }
0x300: {  	[spmem:s1] =	stream.indirect.scatter.add.f32 [tilespmem:s24], [sflag:$0x3], $0x8, s12, s19, $0xb8;
	[tilespmem:$0x193A0] =	vst v63  }
0x301: {  	_ =	swait.ge [sflag:s14], $0x1000  }
0x302: {  	[sflag:s14] =	ssyncset.done $0x0  }
0x303: {  	s20 =	sadd.s32 $0x2B20, s2;
	[sflag:s14] =	ssyncadd.s32 $0xFFFFF000  }
0x304: {  	[tilespmem:s24], [sflag:$0x1] =	stream.indirect.gather [spmem:s3], $0x8, s20, s19, $0xb8;
	[tilespmem:$0x193A0] =	vst v63  }
0x305: {  	_ =	swait.ge [sflag:s22], $0x1000  }
0x306: {  	[sflag:s22] =	ssyncset.done $0x0  }
0x307: {  	s31 =	sadd.s32 $0x7920, s2;
	[sflag:s22] =	ssyncadd.s32 $0xFFFFF000  }
0x308: {  	[spmem:s1] =	stream.indirect.scatter.add.f32 [tilespmem:s25], [sflag:$0x3], $0x8, s31, s19, $0xb8;
	[tilespmem:$0x193A0] =	vst v63  }
0x309: {  	_ =	swait.ge [sflag:s14], $0x1000  }
0x30a: {  	[sflag:s14] =	ssyncset.done $0x0  }
0x30b: {  	[sflag:s14] =	ssyncadd.s32 $0xFFFFF000  }
0x30c: {  	[tilespmem:s25], [sflag:$0x2] =	stream.indirect.gather [spmem:s3], $0x8, s26, s19, $0xb8;
	[tilespmem:$0x193A0] =	vst v63  }
0x30d: {  	_ =	swait.ge [sflag:s21], $0x1000  }
0x30e: {  	[sflag:s21] =	ssyncset.done $0x0  }
0x30f: {  	[sflag:s21] =	ssyncadd.s32 $0xFFFFF000  }
0x310: {  	[spmem:s1] =	stream.indirect.scatter.add.f32 [tilespmem:s24], [sflag:$0x3], $0x8, s28, s19, $0xb8;
	[tilespmem:$0x193A0] =	vst v63  }
0x311: {  	_ =	swait.ge [sflag:s14], $0x1000  }
0x312: {  	[sflag:s14] =	ssyncset.done $0x0  }
0x313: {  	[sflag:s14] =	ssyncadd.s32 $0xFFFFF000  }
0x314: {  	_ =	swait.ge [sflag:s22], $0x1000  }
0x315: {  	[sflag:s22] =	ssyncset.done $0x0  }
0x316: {  	[sflag:s22] =	ssyncadd.s32 $0xFFFFF000  }
0x317: {  	[spmem:s1] =	stream.indirect.scatter.add.f32 [tilespmem:s25], [sflag:$0x3], $0x8, s29, s19, $0xb8;
	[tilespmem:$0x193A0] =	vst v63  }
0x318: {  	_ =	swait.ge [sflag:s14], $0x1000  }
0x319: {  	[sflag:s14] =	ssyncset.done $0x0  }
0x31a: {  	[sflag:s14] =	ssyncadd.s32 $0xFFFFF000  }
0x31b: {  	[bflag:$0x0] =	sbarrier.arrive $0xFFFF  }
0x31c: {  	[tilespmem:s23], [sflag:$0x3] =	stream.linear.gather [spmem:s8], $0x1390, $0x38;
	[tilespmem:$0x193A0] =	vst v63  }
0x31d: {  	_ =	swait.ge [sflag:s14], $0x1390  }
0x31e: {  	[sflag:s14] =	ssyncset.done $0x0  }
0x31f: {  	s4 =	simm.s32 $0x6;
	[sflag:s14] =	ssyncadd.s32 $0xFFFFEC70  }
0x320: {  	v10 =	vmov s4;
	[tilespmem:s30], [sflag:$0x3] =	stream.linear.gather [spmem:s9], $0x1390, $0x38;
	[tilespmem:$0x193A0] =	vst v63  }
0x321: {  	s5 =	simm.s32 $0x2;
	v10 =	vshll.u32 v10, $0x3;
	_ =	swait.ge [sflag:s14], $0x1390  }
0x322: {  	v11 =	vmov s5;
	v10 =	vor.u32 v6, v10;
	[sflag:s14] =	ssyncset.done $0x0  }
0x323: {  	s6 =	simm.s32 $0x4;
	v11 =	vshll.u32 v11, $0x3;
	v13 =	vor.u32 v1, v10;
	[sflag:s14] =	ssyncadd.s32 $0xFFFFEC70  }
0x324: {  	v10 =	vor.u32 v6, v11;
	[spmem:s8] =	stream.linear.scatter [tilespmem:s18], [sflag:$0x3], $0x1390, $0x38;
	[tilespmem:$0x193A0] =	vst v63  }
0x325: {  	v11 =	vmov s6;
	v15 =	vor.u32 v1, v10;
	_ =	swait.ge [sflag:s14], $0x1390  }
0x326: {  	v10 =	vshll.u32 v11, $0x3;
	[sflag:s14] =	ssyncset.done $0x0  }
0x327: {  	s7 =	simm.s32 $0x0;
	v10 =	vor.u32 v6, v10;
	[sflag:s14] =	ssyncadd.s32 $0xFFFFEC70  }
0x328: {  	v11 =	vmov s7;
	v24 =	vor.u32 v1, v10;
	v14 =	vld.idx.msk [tilespmem:v13+s23+$0x0], $0xffff  }
0x329: {  	v10 =	vshll.u32 v11, $0x3;
	v16 =	vld.idx.msk [tilespmem:v13+s30+$0x0], $0xffff  }
0x32a: {  	v10 =	vor.u32 v6, v10;
	v17 =	vld.idx.msk [tilespmem:v15+s23+$0x0], $0xffff  }
0x32b: {  	s10 =	simm.s32 $0x16CA0;
	v10 =	vor.u32 v1, v10;
	v18 =	vld.idx.msk [tilespmem:v15+s30+$0x0], $0xffff  }
0x32c: {  	v19 =	vld [tilespmem:s10+$0x10]  }
0x32d: {  	s11 =	simm.s32 $0x18030;
	v20 =	vld.idx.msk [tilespmem:v24+s23+$0x0], $0xffff  }
0x32e: {  	v21 =	vld [tilespmem:s11+$0x10]  }
0x32f: {  	s5 =	simm.s32 $0xE;
	v22 =	vld.idx.msk [tilespmem:v24+s30+$0x0], $0xffff  }
0x330: {  	v11 =	vmov s5;
	v23 =	vld.idx.msk [tilespmem:v10+s23+$0x0], $0xffff  }
0x331: {  	s12 =	simm.s32 $0xA;
	v11 =	vshll.u32 v11, $0x3;
	v25 =	vld.idx.msk [tilespmem:v10+s30+$0x0], $0xffff  }
0x332: {  	v12 =	vmov s12;
	v11 =	vor.u32 v6, v11;
	v26 =	vld [tilespmem:s10+$0xFFFFFFE0]  }
0x333: {  	v12 =	vshll.u32 v12, $0x3;
	s20 =	simm.s32 $0xC;
	v11 =	vor.u32 v1, v11;
	v27 =	vld [tilespmem:s10+$0xFFFFFFF0]  }
0x334: {  	v12 =	vor.u32 v6, v12;
	v29 =	vmov s20;
	v28 =	vld [tilespmem:s10+$0x0];
	v14 =	vadd.f32 v16, v14  }
0x335: {  	v12 =	vor.u32 v1, v12;
	v30 =	vld [tilespmem:s11+$0xFFFFFFE0];
	v16 =	vshll.u32 v29, $0x3  }
0x336: {  	v61 =	vld [tilespmem:s11+$0xFFFFFFF0];
	v16 =	vor.u32 v6, v16;
	v14 =	vmul.f32 v14, v19  }
0x337: {  	v31 =	vld [tilespmem:s11+$0x0];
	v17 =	vadd.f32 v18, v17;
	v18 =	vor.u32 v1, v16;
	v16 =	vadd.f32 v22, v20  }
0x338: {  	v19 =	vld.idx.msk [tilespmem:v11+s23+$0x0], $0xffff;
	v22 =	vadd.f32 v25, v23;
	v21 =	vadd.f32 v21, v14  }
0x339: {  	v17 =	vmul.f32 v17, v27;
	v20 =	vld.idx.msk [tilespmem:v11+s30+$0x0], $0xffff  }
0x33a: {  	s31 =	simm.s32 $0x8;
	v23 =	vmul.f32 v16, v28;
	v14 =	vld.idx.msk [tilespmem:v12+s23+$0x0], $0xffff;
	[tilespmem:v13+s23+$0x0] =	vst.idx.msk $0xffff, v21;
	v13 =	vmul.f32 v22, v26  }
0x33b: {  	s2 =	simm.s32 $0x16CE0;
	v62 =	vmov s31;
	v27 =	vadd.f32 v61, v17;
	v16 =	vld.idx.msk [tilespmem:v12+s30+$0x0], $0xffff  }
0x33c: {  	v17 =	vshll.u32 v62, $0x3;
	v21 =	vld [tilespmem:s2+$0x10];
	v63 =	vadd.f32 v31, v23  }
0x33d: {  	s5 =	simm.s32 $0x18070;
	v22 =	vor.u32 v6, v17;
	[tilespmem:v15+s23+$0x0] =	vst.idx.msk $0xffff, v27;
	v17 =	vld.idx.msk [tilespmem:v18+s23+$0x0], $0xffff;
	v23 =	vadd.f32 v30, v13  }
0x33e: {  	s6 =	simm.s32 $0x4;
	s7 =	simm.s32 $0x10;
	v15 =	vor.u32 v1, v22;
	v22 =	vld [tilespmem:s5+$0x10];
	[tilespmem:v24+s23+$0x0] =	vst.idx.msk $0xffff, v63;
	v13 =	vmov v18  }
.LBB2_26:
0x33f: {  	v24 =	vmov s7;
	s4 =	sadd.s32 $0x2, s7;
	s10 =	sadd.s32 $0x4, s7;
	s11 =	sadd.s32 $0x6, s7;
	v25 =	vld.idx.msk [tilespmem:v18+s30+$0x0], $0xffff;
	v18 =	vadd.f32 v20, v19;
	[tilespmem:v10+s23+$0x0] =	vst.idx.msk $0xffff, v23;
	v10 =	vmov v15  }
0x340: {  	s6 =	sadd.s32 $0x4, s6;
	v19 =	vmov s4;
	v20 =	vmov s10;
	v23 =	vmov s11;
	v26 =	vld.idx.msk [tilespmem:v15+s23+$0x0], $0xffff  }
0x341: {  	p0 =	slt.u32 s6, $0x134;
	v19 =	vshll.u32 v19, $0x3;
	v23 =	vshll.u32 v23, $0x3;
	v27 =	vld.idx.msk [tilespmem:v15+s30+$0x0], $0xffff;
	v15 =	vmul.f32 v18, v21  }
0x342: {  	v18 =	vshll.u32 v24, $0x3;
	v20 =	vshll.u32 v20, $0x3;
	v21 =	vor.u32 v6, v23;
	v23 =	vld [tilespmem:s2+$0xFFFFFFE0]  }
0x343: {  	v19 =	vor.u32 v6, v19;
	v21 =	vor.u32 v1, v21;
	v24 =	vld [tilespmem:s2+$0xFFFFFFF0];
	v22 =	vadd.f32 v22, v15  }
0x344: {  	v15 =	vor.u32 v6, v18;
	v28 =	vor.u32 v1, v19;
	v18 =	vor.u32 v6, v20;
	v29 =	vld [tilespmem:s2+$0x0]  }
0x345: {  	v15 =	vor.u32 v1, v15;
	v18 =	vor.u32 v1, v18;
	v30 =	vld [tilespmem:s5+$0xFFFFFFE0];
	[tilespmem:v11+s23+$0x0] =	vst.idx.msk $0xffff, v22;
	v11 =	vmov v21  }
0x346: {  	v14 =	vadd.f32 v16, v14;
	v16 =	vadd.f32 v25, v17;
	v22 =	vld [tilespmem:s5+$0xFFFFFFF0]  }
0x347: {  	v17 =	vadd.f32 v27, v26;
	v25 =	vld [tilespmem:s5+$0x0]  }
0x348: {  	v19 =	vld.idx.msk [tilespmem:v21+s23+$0x0], $0xffff;
	v24 =	vmul.f32 v14, v24  }
0x349: {  	v17 =	vmul.f32 v17, v23;
	v20 =	vld.idx.msk [tilespmem:v21+s30+$0x0], $0xffff;
	v26 =	vmul.f32 v16, v29  }
.Ltmp12:
0x34a: {  	v14 =	vld.idx.msk [tilespmem:v28+s23+$0x0], $0xffff;
	(pc) =	sbr.rel @p0 .LBB2_26-.Ltmp12, $4  }
0x34b: {  	s2 =	sadd.s32 $0x40, s2;
	v23 =	vadd.f32 v30, v17;
	v16 =	vld.idx.msk [tilespmem:v28+s30+$0x0], $0xffff;
	v22 =	vadd.f32 v22, v24  }
0x34c: {  	v21 =	vld [tilespmem:s2+$0x10];
	v24 =	vadd.f32 v25, v26  }
0x34d: {  	s5 =	sadd.s32 $0x40, s5;
	v17 =	vld.idx.msk [tilespmem:v18+s23+$0x0], $0xffff;
	[tilespmem:v12+s23+$0x0] =	vst.idx.msk $0xffff, v22;
	v12 =	vmov v28  }
0x34e: {  	s7 =	sadd.s32 $0x8, s7;
	v22 =	vld [tilespmem:s5+$0x10];
	[tilespmem:v13+s23+$0x0] =	vst.idx.msk $0xffff, v24;
	v13 =	vmov v18  }
0x34f: {  	_ =	sdelay $0x3  }
0x350: {  	v18 =	vld.idx.msk [tilespmem:v18+s30+$0x0], $0xffff  }
0x351: {  	v24 =	vld.idx.msk [tilespmem:v15+s23+$0x0], $0xffff  }
0x352: {  	v25 =	vld.idx.msk [tilespmem:v15+s30+$0x0], $0xffff  }
0x353: {  	v26 =	vld [tilespmem:s2+$0xFFFFFFE0]  }
0x354: {  	v27 =	vld [tilespmem:s2+$0xFFFFFFF0]  }
0x355: {  	v28 =	vld [tilespmem:s2+$0x0]  }
0x356: {  	v19 =	vadd.f32 v20, v19;
	v60 =	vld [tilespmem:s5+$0xFFFFFFF0]  }
0x357: {  	v61 =	vld [tilespmem:s5+$0x0];
	v14 =	vadd.f32 v16, v14  }
0x358: {  	v62 =	vld [tilespmem:s5+$0xFFFFFFE0];
	v19 =	vmul.f32 v19, v21;
	v17 =	vadd.f32 v18, v17  }
0x359: {  	v63 =	vadd.f32 v25, v24;
	v14 =	vmul.f32 v14, v27  }
0x35a: {  	v19 =	vadd.f32 v22, v19;
	v17 =	vmul.f32 v17, v28  }
0x35b: {  	[tilespmem:v10+s23+$0x0] =	vst.idx.msk $0xffff, v23;
	v10 =	vmul.f32 v63, v26;
	v14 =	vadd.f32 v60, v14  }
0x35c: {  	[tilespmem:v11+s23+$0x0] =	vst.idx.msk $0xffff, v19;
	v11 =	vadd.f32 v61, v17  }
0x35d: {  	v10 =	vadd.f32 v62, v10;
	[tilespmem:v12+s23+$0x0] =	vst.idx.msk $0xffff, v14  }
0x35e: {  	[tilespmem:v13+s23+$0x0] =	vst.idx.msk $0xffff, v11  }
0x35f: {  	[tilespmem:v15+s23+$0x0] =	vst.idx.msk $0xffff, v10  }
0x360: {  	v10 =	vld.idx.msk [tilespmem:v9+s23+$0x0], $0xffff  }
0x361: {  	v11 =	vld.idx.msk [tilespmem:v9+s30+$0x0], $0xffff;
	_ =	sdelay $0x1  }
0x362: {  	v12 =	vld [tilespmem:$0x18000];
	_ =	sdelay $0x1  }
0x363: {  	v13 =	vld [tilespmem:$0x19390]  }
0x364: {  	v10 =	vadd.f32 v11, v10;
	_ =	sdelay $0x1  }
0x365: {  	v10 =	vmul.f32 v10, v12;
	_ =	sdelay $0x1  }
0x366: {  	v10 =	vadd.f32 v13, v10;
	_ =	sdelay $0x1  }
0x367: {  	[tilespmem:v9+s23+$0x0] =	vst.idx.msk $0xffff, v10  }
0x368: {  	[spmem:s9] =	stream.linear.scatter [tilespmem:s23], [sflag:$0x3], $0x1390, $0x38;
	[tilespmem:$0x193A0] =	vst v63  }
0x369: {  	_ =	swait.ge [sflag:s14], $0x1390  }
0x36a: {  	[sflag:s14] =	ssyncset.done $0x0  }
0x36b: {  	[sflag:s14] =	ssyncadd.s32 $0xFFFFEC70  }
0x36c: {  	[bflag:$0x0] =	sbarrier.arrive $0xFFFF  }
0x36d: {  	[tilespmem:s24], [sflag:$0x1] =	stream.indirect.gather [spmem:s3], $0x8, s13, s19, $0xb8;
	[tilespmem:$0x193A0] =	vst v63  }
0x36e: {  	s11 =	simm.s32 $0x2920  }
0x36f: {  	[tilespmem:s25], [sflag:$0x2] =	stream.indirect.gather [spmem:s3], $0x8, s11, s19, $0xb8;
	[tilespmem:$0x193A0] =	vst v63  }
0x370: {  	_ =	swait.ge [sflag:s21], $0x1000  }
0x371: {  	[sflag:s21] =	ssyncset.done $0x0  }
0x372: {  	s12 =	simm.s32 $0x7720;
	[sflag:s21] =	ssyncadd.s32 $0xFFFFF000  }
0x373: {  	[spmem:s1] =	stream.indirect.scatter.add.f32 [tilespmem:s24], [sflag:$0x3], $0x8, s12, s19, $0xb8;
	[tilespmem:$0x193A0] =	vst v63  }
0x374: {  	_ =	swait.ge [sflag:s14], $0x1000  }
0x375: {  	[sflag:s14] =	ssyncset.done $0x0  }
0x376: {  	s20 =	simm.s32 $0x2B20;
	[sflag:s14] =	ssyncadd.s32 $0xFFFFF000  }
0x377: {  	[tilespmem:s24], [sflag:$0x1] =	stream.indirect.gather [spmem:s3], $0x8, s20, s19, $0xb8;
	[tilespmem:$0x193A0] =	vst v63  }
0x378: {  	_ =	swait.ge [sflag:s22], $0x1000  }
0x379: {  	[sflag:s22] =	ssyncset.done $0x0  }
0x37a: {  	s31 =	simm.s32 $0x7920;
	[sflag:s22] =	ssyncadd.s32 $0xFFFFF000  }
0x37b: {  	[spmem:s1] =	stream.indirect.scatter.add.f32 [tilespmem:s25], [sflag:$0x3], $0x8, s31, s19, $0xb8;
	[tilespmem:$0x193A0] =	vst v63  }
0x37c: {  	_ =	swait.ge [sflag:s14], $0x1000  }
0x37d: {  	s5 =	simm.s32 $0x2000;
	s2 =	simm.s32 $0x400;
	[sflag:s14] =	ssyncset.done $0x0  }
.LBB2_28:
0x37e: {  	s4 =	sadd.s32 $0x2920, s2  }
0x37f: {  	[sflag:s14] =	ssyncadd.s32 $0xFFFFF000;
	s6 =	smov.u32 s5;
	s7 =	sadd.s32 $0x1000, s5  }
0x380: {  	[tilespmem:s25], [sflag:$0x2] =	stream.indirect.gather [spmem:s3], $0x8, s4, s19, $0xb8;
	[tilespmem:$0x193A0] =	vst v63  }
0x381: {  	p0 =	sne.s32 s5, $0x12000;
	_ =	swait.ge [sflag:s21], $0x1000  }
0x382: {  	[sflag:s21] =	ssyncset.done $0x0  }
0x383: {  	s4 =	sadd.s32 $0x7720, s2;
	[sflag:s21] =	ssyncadd.s32 $0xFFFFF000  }
0x384: {  	[spmem:s1] =	stream.indirect.scatter.add.f32 [tilespmem:s24], [sflag:$0x3], $0x8, s4, s19, $0xb8;
	[tilespmem:$0x193A0] =	vst v63  }
0x385: {  	_ =	swait.ge [sflag:s14], $0x1000  }
0x386: {  	[sflag:s14] =	ssyncset.done $0x0  }
0x387: {  	s4 =	sadd.s32 $0x2B20, s2;
	[sflag:s14] =	ssyncadd.s32 $0xFFFFF000  }
0x388: {  	[tilespmem:s24], [sflag:$0x1] =	stream.indirect.gather [spmem:s3], $0x8, s4, s19, $0xb8;
	[tilespmem:$0x193A0] =	vst v63  }
0x389: {  	_ =	swait.ge [sflag:s22], $0x1000  }
.Ltmp13:
0x38a: {  	[sflag:s22] =	ssyncset.done $0x0;
	(pc) =	sbr.rel @p0 .LBB2_28-.Ltmp13, $4  }
0x38b: {  	s2 =	sadd.s32 $0x7920, s2;
	[sflag:s22] =	ssyncadd.s32 $0xFFFFF000  }
0x38c: {  	[spmem:s1] =	stream.indirect.scatter.add.f32 [tilespmem:s25], [sflag:$0x3], $0x8, s2, s19, $0xb8;
	[tilespmem:$0x193A0] =	vst v63  }
0x38d: {  	_ =	swait.ge [sflag:s14], $0x1000  }
0x38e: {  	s5 =	smov.u32 s7;
	s2 =	sshra.s32 s6, $0x2;
	[sflag:s14] =	ssyncset.done $0x0  }
0x38f: {  	s4 =	sadd.s32 $0x2920, s2;
	[sflag:s14] =	ssyncadd.s32 $0xFFFFF000  }
0x390: {  	[tilespmem:s25], [sflag:$0x2] =	stream.indirect.gather [spmem:s3], $0x8, s4, s19, $0xb8;
	[tilespmem:$0x193A0] =	vst v63  }
0x391: {  	_ =	swait.ge [sflag:s21], $0x1000  }
0x392: {  	[sflag:s21] =	ssyncset.done $0x0  }
0x393: {  	s12 =	sadd.s32 $0x7720, s2;
	[sflag:s21] =	ssyncadd.s32 $0xFFFFF000  }
0x394: {  	[spmem:s1] =	stream.indirect.scatter.add.f32 [tilespmem:s24], [sflag:$0x3], $0x8, s12, s19, $0xb8;
	[tilespmem:$0x193A0] =	vst v63  }
0x395: {  	_ =	swait.ge [sflag:s14], $0x1000  }
0x396: {  	[sflag:s14] =	ssyncset.done $0x0  }
0x397: {  	s20 =	sadd.s32 $0x2B20, s2;
	[sflag:s14] =	ssyncadd.s32 $0xFFFFF000  }
0x398: {  	[tilespmem:s24], [sflag:$0x1] =	stream.indirect.gather [spmem:s3], $0x8, s20, s19, $0xb8;
	[tilespmem:$0x193A0] =	vst v63  }
0x399: {  	_ =	swait.ge [sflag:s22], $0x1000  }
0x39a: {  	[sflag:s22] =	ssyncset.done $0x0  }
0x39b: {  	s31 =	sadd.s32 $0x7920, s2;
	[sflag:s22] =	ssyncadd.s32 $0xFFFFF000  }
0x39c: {  	[spmem:s1] =	stream.indirect.scatter.add.f32 [tilespmem:s25], [sflag:$0x3], $0x8, s31, s19, $0xb8;
	[tilespmem:$0x193A0] =	vst v63  }
0x39d: {  	_ =	swait.ge [sflag:s14], $0x1000  }
0x39e: {  	[sflag:s14] =	ssyncset.done $0x0  }
0x39f: {  	[sflag:s14] =	ssyncadd.s32 $0xFFFFF000  }
0x3a0: {  	[tilespmem:s25], [sflag:$0x2] =	stream.indirect.gather [spmem:s3], $0x8, s26, s19, $0xb8;
	[tilespmem:$0x193A0] =	vst v63  }
0x3a1: {  	_ =	swait.ge [sflag:s21], $0x1000  }
0x3a2: {  	[sflag:s21] =	ssyncset.done $0x0  }
0x3a3: {  	[sflag:s21] =	ssyncadd.s32 $0xFFFFF000  }
0x3a4: {  	[spmem:s1] =	stream.indirect.scatter.add.f32 [tilespmem:s24], [sflag:$0x3], $0x8, s28, s19, $0xb8;
	[tilespmem:$0x193A0] =	vst v63  }
0x3a5: {  	_ =	swait.ge [sflag:s14], $0x1000  }
0x3a6: {  	[sflag:s14] =	ssyncset.done $0x0  }
0x3a7: {  	[sflag:s14] =	ssyncadd.s32 $0xFFFFF000  }
0x3a8: {  	_ =	swait.ge [sflag:s22], $0x1000  }
0x3a9: {  	[sflag:s22] =	ssyncset.done $0x0  }
0x3aa: {  	[sflag:s22] =	ssyncadd.s32 $0xFFFFF000  }
0x3ab: {  	[spmem:s1] =	stream.indirect.scatter.add.f32 [tilespmem:s25], [sflag:$0x3], $0x8, s29, s19, $0xb8;
	[tilespmem:$0x193A0] =	vst v63  }
0x3ac: {  	_ =	swait.ge [sflag:s14], $0x1000  }
0x3ad: {  	[sflag:s14] =	ssyncset.done $0x0  }
0x3ae: {  	[sflag:s14] =	ssyncadd.s32 $0xFFFFF000  }
0x3af: {  	[bflag:$0x0] =	sbarrier.arrive $0xFFFF  }
0x3b0: {  	[tilespmem:s23], [sflag:$0x3] =	stream.linear.gather [spmem:s8], $0x1390, $0x38;
	[tilespmem:$0x193A0] =	vst v63  }
0x3b1: {  	_ =	swait.ge [sflag:s14], $0x1390  }
0x3b2: {  	[sflag:s14] =	ssyncset.done $0x0  }
0x3b3: {  	s4 =	simm.s32 $0x6;
	[sflag:s14] =	ssyncadd.s32 $0xFFFFEC70  }
0x3b4: {  	v10 =	vmov s4;
	[tilespmem:s30], [sflag:$0x3] =	stream.linear.gather [spmem:s9], $0x1390, $0x38;
	[tilespmem:$0x193A0] =	vst v63  }
0x3b5: {  	s5 =	simm.s32 $0x2;
	v10 =	vshll.u32 v10, $0x3;
	_ =	swait.ge [sflag:s14], $0x1390  }
0x3b6: {  	v11 =	vmov s5;
	v10 =	vor.u32 v6, v10;
	[sflag:s14] =	ssyncset.done $0x0  }
0x3b7: {  	s6 =	simm.s32 $0x4;
	v11 =	vshll.u32 v11, $0x3;
	v13 =	vor.u32 v1, v10;
	[sflag:s14] =	ssyncadd.s32 $0xFFFFEC70  }
0x3b8: {  	v10 =	vor.u32 v6, v11;
	[spmem:s8] =	stream.linear.scatter [tilespmem:s18], [sflag:$0x3], $0x1390, $0x38;
	[tilespmem:$0x193A0] =	vst v63  }
0x3b9: {  	v11 =	vmov s6;
	v15 =	vor.u32 v1, v10;
	_ =	swait.ge [sflag:s14], $0x1390  }
0x3ba: {  	v10 =	vshll.u32 v11, $0x3;
	[sflag:s14] =	ssyncset.done $0x0  }
0x3bb: {  	s7 =	simm.s32 $0x0;
	v10 =	vor.u32 v6, v10;
	[sflag:s14] =	ssyncadd.s32 $0xFFFFEC70  }
0x3bc: {  	v11 =	vmov s7;
	v24 =	vor.u32 v1, v10;
	v14 =	vld.idx.msk [tilespmem:v13+s23+$0x0], $0xffff  }
0x3bd: {  	v10 =	vshll.u32 v11, $0x3;
	v16 =	vld.idx.msk [tilespmem:v13+s30+$0x0], $0xffff  }
0x3be: {  	v10 =	vor.u32 v6, v10;
	v17 =	vld.idx.msk [tilespmem:v15+s23+$0x0], $0xffff  }
0x3bf: {  	s10 =	simm.s32 $0x16CA0;
	v10 =	vor.u32 v1, v10;
	v18 =	vld.idx.msk [tilespmem:v15+s30+$0x0], $0xffff  }
0x3c0: {  	v19 =	vld [tilespmem:s10+$0x10]  }
0x3c1: {  	s11 =	simm.s32 $0x18030;
	v20 =	vld.idx.msk [tilespmem:v24+s23+$0x0], $0xffff  }
0x3c2: {  	v21 =	vld [tilespmem:s11+$0x10]  }
0x3c3: {  	s5 =	simm.s32 $0xE;
	v22 =	vld.idx.msk [tilespmem:v24+s30+$0x0], $0xffff  }
0x3c4: {  	v11 =	vmov s5;
	v23 =	vld.idx.msk [tilespmem:v10+s23+$0x0], $0xffff  }
0x3c5: {  	s12 =	simm.s32 $0xA;
	v11 =	vshll.u32 v11, $0x3;
	v25 =	vld.idx.msk [tilespmem:v10+s30+$0x0], $0xffff  }
0x3c6: {  	v12 =	vmov s12;
	v11 =	vor.u32 v6, v11;
	v26 =	vld [tilespmem:s10+$0xFFFFFFE0]  }
0x3c7: {  	v12 =	vshll.u32 v12, $0x3;
	s20 =	simm.s32 $0xC;
	v11 =	vor.u32 v1, v11;
	v27 =	vld [tilespmem:s10+$0xFFFFFFF0]  }
0x3c8: {  	v12 =	vor.u32 v6, v12;
	v29 =	vmov s20;
	v28 =	vld [tilespmem:s10+$0x0];
	v14 =	vadd.f32 v16, v14  }
0x3c9: {  	v12 =	vor.u32 v1, v12;
	v30 =	vld [tilespmem:s11+$0xFFFFFFE0];
	v16 =	vshll.u32 v29, $0x3  }
0x3ca: {  	v61 =	vld [tilespmem:s11+$0xFFFFFFF0];
	v16 =	vor.u32 v6, v16;
	v14 =	vmul.f32 v14, v19  }
0x3cb: {  	v31 =	vld [tilespmem:s11+$0x0];
	v17 =	vadd.f32 v18, v17;
	v18 =	vor.u32 v1, v16;
	v16 =	vadd.f32 v22, v20  }
0x3cc: {  	v19 =	vld.idx.msk [tilespmem:v11+s23+$0x0], $0xffff;
	v22 =	vadd.f32 v25, v23;
	v21 =	vadd.f32 v21, v14  }
0x3cd: {  	v17 =	vmul.f32 v17, v27;
	v20 =	vld.idx.msk [tilespmem:v11+s30+$0x0], $0xffff  }
0x3ce: {  	s31 =	simm.s32 $0x8;
	v23 =	vmul.f32 v16, v28;
	v14 =	vld.idx.msk [tilespmem:v12+s23+$0x0], $0xffff;
	[tilespmem:v13+s23+$0x0] =	vst.idx.msk $0xffff, v21;
	v13 =	vmul.f32 v22, v26  }
0x3cf: {  	s2 =	simm.s32 $0x16CE0;
	v62 =	vmov s31;
	v27 =	vadd.f32 v61, v17;
	v16 =	vld.idx.msk [tilespmem:v12+s30+$0x0], $0xffff  }
0x3d0: {  	v17 =	vshll.u32 v62, $0x3;
	v21 =	vld [tilespmem:s2+$0x10];
	v63 =	vadd.f32 v31, v23  }
0x3d1: {  	s5 =	simm.s32 $0x18070;
	v22 =	vor.u32 v6, v17;
	[tilespmem:v15+s23+$0x0] =	vst.idx.msk $0xffff, v27;
	v17 =	vld.idx.msk [tilespmem:v18+s23+$0x0], $0xffff;
	v23 =	vadd.f32 v30, v13  }
0x3d2: {  	s6 =	simm.s32 $0x4;
	s7 =	simm.s32 $0x10;
	v15 =	vor.u32 v1, v22;
	v22 =	vld [tilespmem:s5+$0x10];
	[tilespmem:v24+s23+$0x0] =	vst.idx.msk $0xffff, v63;
	v13 =	vmov v18  }
.LBB2_30:
0x3d3: {  	v24 =	vmov s7;
	s4 =	sadd.s32 $0x2, s7;
	s10 =	sadd.s32 $0x4, s7;
	s11 =	sadd.s32 $0x6, s7;
	v25 =	vld.idx.msk [tilespmem:v18+s30+$0x0], $0xffff;
	v18 =	vadd.f32 v20, v19;
	[tilespmem:v10+s23+$0x0] =	vst.idx.msk $0xffff, v23;
	v10 =	vmov v15  }
0x3d4: {  	s6 =	sadd.s32 $0x4, s6;
	v19 =	vmov s4;
	v20 =	vmov s10;
	v23 =	vmov s11;
	v26 =	vld.idx.msk [tilespmem:v15+s23+$0x0], $0xffff  }
0x3d5: {  	p0 =	slt.u32 s6, $0x134;
	v19 =	vshll.u32 v19, $0x3;
	v23 =	vshll.u32 v23, $0x3;
	v27 =	vld.idx.msk [tilespmem:v15+s30+$0x0], $0xffff;
	v15 =	vmul.f32 v18, v21  }
0x3d6: {  	v18 =	vshll.u32 v24, $0x3;
	v20 =	vshll.u32 v20, $0x3;
	v21 =	vor.u32 v6, v23;
	v23 =	vld [tilespmem:s2+$0xFFFFFFE0]  }
0x3d7: {  	v19 =	vor.u32 v6, v19;
	v21 =	vor.u32 v1, v21;
	v24 =	vld [tilespmem:s2+$0xFFFFFFF0];
	v22 =	vadd.f32 v22, v15  }
0x3d8: {  	v15 =	vor.u32 v6, v18;
	v28 =	vor.u32 v1, v19;
	v18 =	vor.u32 v6, v20;
	v29 =	vld [tilespmem:s2+$0x0]  }
0x3d9: {  	v15 =	vor.u32 v1, v15;
	v18 =	vor.u32 v1, v18;
	v30 =	vld [tilespmem:s5+$0xFFFFFFE0];
	[tilespmem:v11+s23+$0x0] =	vst.idx.msk $0xffff, v22;
	v11 =	vmov v21  }
0x3da: {  	v14 =	vadd.f32 v16, v14;
	v16 =	vadd.f32 v25, v17;
	v22 =	vld [tilespmem:s5+$0xFFFFFFF0]  }
0x3db: {  	v17 =	vadd.f32 v27, v26;
	v25 =	vld [tilespmem:s5+$0x0]  }
0x3dc: {  	v19 =	vld.idx.msk [tilespmem:v21+s23+$0x0], $0xffff;
	v24 =	vmul.f32 v14, v24  }
0x3dd: {  	v17 =	vmul.f32 v17, v23;
	v20 =	vld.idx.msk [tilespmem:v21+s30+$0x0], $0xffff;
	v26 =	vmul.f32 v16, v29  }
.Ltmp14:
0x3de: {  	v14 =	vld.idx.msk [tilespmem:v28+s23+$0x0], $0xffff;
	(pc) =	sbr.rel @p0 .LBB2_30-.Ltmp14, $4  }
0x3df: {  	s2 =	sadd.s32 $0x40, s2;
	v23 =	vadd.f32 v30, v17;
	v16 =	vld.idx.msk [tilespmem:v28+s30+$0x0], $0xffff;
	v22 =	vadd.f32 v22, v24  }
0x3e0: {  	v21 =	vld [tilespmem:s2+$0x10];
	v24 =	vadd.f32 v25, v26  }
0x3e1: {  	s5 =	sadd.s32 $0x40, s5;
	v17 =	vld.idx.msk [tilespmem:v18+s23+$0x0], $0xffff;
	[tilespmem:v12+s23+$0x0] =	vst.idx.msk $0xffff, v22;
	v12 =	vmov v28  }
0x3e2: {  	s7 =	sadd.s32 $0x8, s7;
	v22 =	vld [tilespmem:s5+$0x10];
	[tilespmem:v13+s23+$0x0] =	vst.idx.msk $0xffff, v24;
	v13 =	vmov v18  }
0x3e3: {  	_ =	sdelay $0x3  }
0x3e4: {  	v18 =	vld.idx.msk [tilespmem:v18+s30+$0x0], $0xffff  }
0x3e5: {  	v24 =	vld.idx.msk [tilespmem:v15+s23+$0x0], $0xffff  }
0x3e6: {  	v25 =	vld.idx.msk [tilespmem:v15+s30+$0x0], $0xffff  }
0x3e7: {  	v26 =	vld [tilespmem:s2+$0xFFFFFFE0]  }
0x3e8: {  	v27 =	vld [tilespmem:s2+$0xFFFFFFF0]  }
0x3e9: {  	v28 =	vld [tilespmem:s2+$0x0]  }
0x3ea: {  	v19 =	vadd.f32 v20, v19;
	v60 =	vld [tilespmem:s5+$0xFFFFFFF0]  }
0x3eb: {  	v61 =	vld [tilespmem:s5+$0x0];
	v14 =	vadd.f32 v16, v14  }
0x3ec: {  	v62 =	vld [tilespmem:s5+$0xFFFFFFE0];
	v19 =	vmul.f32 v19, v21;
	v17 =	vadd.f32 v18, v17  }
0x3ed: {  	v63 =	vadd.f32 v25, v24;
	v14 =	vmul.f32 v14, v27  }
0x3ee: {  	v19 =	vadd.f32 v22, v19;
	v17 =	vmul.f32 v17, v28  }
0x3ef: {  	[tilespmem:v10+s23+$0x0] =	vst.idx.msk $0xffff, v23;
	v10 =	vmul.f32 v63, v26;
	v14 =	vadd.f32 v60, v14  }
0x3f0: {  	[tilespmem:v11+s23+$0x0] =	vst.idx.msk $0xffff, v19;
	v11 =	vadd.f32 v61, v17  }
0x3f1: {  	v10 =	vadd.f32 v62, v10;
	[tilespmem:v12+s23+$0x0] =	vst.idx.msk $0xffff, v14  }
0x3f2: {  	[tilespmem:v13+s23+$0x0] =	vst.idx.msk $0xffff, v11  }
0x3f3: {  	[tilespmem:v15+s23+$0x0] =	vst.idx.msk $0xffff, v10  }
0x3f4: {  	v10 =	vld.idx.msk [tilespmem:v9+s23+$0x0], $0xffff  }
0x3f5: {  	v11 =	vld.idx.msk [tilespmem:v9+s30+$0x0], $0xffff;
	_ =	sdelay $0x1  }
0x3f6: {  	v12 =	vld [tilespmem:$0x18000];
	_ =	sdelay $0x1  }
0x3f7: {  	v13 =	vld [tilespmem:$0x19390]  }
0x3f8: {  	v10 =	vadd.f32 v11, v10;
	_ =	sdelay $0x1  }
0x3f9: {  	v10 =	vmul.f32 v10, v12;
	_ =	sdelay $0x1  }
0x3fa: {  	v10 =	vadd.f32 v13, v10;
	_ =	sdelay $0x1  }
0x3fb: {  	[tilespmem:v9+s23+$0x0] =	vst.idx.msk $0xffff, v10  }
0x3fc: {  	[spmem:s9] =	stream.linear.scatter [tilespmem:s23], [sflag:$0x3], $0x1390, $0x38;
	[tilespmem:$0x193A0] =	vst v63  }
0x3fd: {  	_ =	swait.ge [sflag:s14], $0x1390  }
0x3fe: {  	[sflag:s14] =	ssyncset.done $0x0  }
0x3ff: {  	[sflag:s14] =	ssyncadd.s32 $0xFFFFEC70  }
0x400: {  	[bflag:$0x0] =	sbarrier.arrive $0xFFFF  }
0x401: {  	[tilespmem:s24], [sflag:$0x1] =	stream.indirect.gather [spmem:s3], $0x8, s13, s19, $0xb8;
	[tilespmem:$0x193A0] =	vst v63  }
0x402: {  	s11 =	simm.s32 $0x2920  }
0x403: {  	[tilespmem:s25], [sflag:$0x2] =	stream.indirect.gather [spmem:s3], $0x8, s11, s19, $0xb8;
	[tilespmem:$0x193A0] =	vst v63  }
0x404: {  	_ =	swait.ge [sflag:s21], $0x1000  }
0x405: {  	[sflag:s21] =	ssyncset.done $0x0  }
0x406: {  	s12 =	simm.s32 $0x7720;
	[sflag:s21] =	ssyncadd.s32 $0xFFFFF000  }
0x407: {  	[spmem:s1] =	stream.indirect.scatter.add.f32 [tilespmem:s24], [sflag:$0x3], $0x8, s12, s19, $0xb8;
	[tilespmem:$0x193A0] =	vst v63  }
0x408: {  	_ =	swait.ge [sflag:s14], $0x1000  }
0x409: {  	[sflag:s14] =	ssyncset.done $0x0  }
0x40a: {  	s20 =	simm.s32 $0x2B20;
	[sflag:s14] =	ssyncadd.s32 $0xFFFFF000  }
0x40b: {  	[tilespmem:s24], [sflag:$0x1] =	stream.indirect.gather [spmem:s3], $0x8, s20, s19, $0xb8;
	[tilespmem:$0x193A0] =	vst v63  }
0x40c: {  	_ =	swait.ge [sflag:s22], $0x1000  }
0x40d: {  	[sflag:s22] =	ssyncset.done $0x0  }
0x40e: {  	s31 =	simm.s32 $0x7920;
	[sflag:s22] =	ssyncadd.s32 $0xFFFFF000  }
0x40f: {  	[spmem:s1] =	stream.indirect.scatter.add.f32 [tilespmem:s25], [sflag:$0x3], $0x8, s31, s19, $0xb8;
	[tilespmem:$0x193A0] =	vst v63  }
0x410: {  	_ =	swait.ge [sflag:s14], $0x1000  }
0x411: {  	s5 =	simm.s32 $0x2000;
	s2 =	simm.s32 $0x400;
	[sflag:s14] =	ssyncset.done $0x0  }
.LBB2_32:
0x412: {  	s4 =	sadd.s32 $0x2920, s2  }
0x413: {  	[sflag:s14] =	ssyncadd.s32 $0xFFFFF000;
	s6 =	smov.u32 s5;
	s7 =	sadd.s32 $0x1000, s5  }
0x414: {  	[tilespmem:s25], [sflag:$0x2] =	stream.indirect.gather [spmem:s3], $0x8, s4, s19, $0xb8;
	[tilespmem:$0x193A0] =	vst v63  }
0x415: {  	p0 =	sne.s32 s5, $0x12000;
	_ =	swait.ge [sflag:s21], $0x1000  }
0x416: {  	[sflag:s21] =	ssyncset.done $0x0  }
0x417: {  	s4 =	sadd.s32 $0x7720, s2;
	[sflag:s21] =	ssyncadd.s32 $0xFFFFF000  }
0x418: {  	[spmem:s1] =	stream.indirect.scatter.add.f32 [tilespmem:s24], [sflag:$0x3], $0x8, s4, s19, $0xb8;
	[tilespmem:$0x193A0] =	vst v63  }
0x419: {  	_ =	swait.ge [sflag:s14], $0x1000  }
0x41a: {  	[sflag:s14] =	ssyncset.done $0x0  }
0x41b: {  	s4 =	sadd.s32 $0x2B20, s2;
	[sflag:s14] =	ssyncadd.s32 $0xFFFFF000  }
0x41c: {  	[tilespmem:s24], [sflag:$0x1] =	stream.indirect.gather [spmem:s3], $0x8, s4, s19, $0xb8;
	[tilespmem:$0x193A0] =	vst v63  }
0x41d: {  	_ =	swait.ge [sflag:s22], $0x1000  }
.Ltmp15:
0x41e: {  	[sflag:s22] =	ssyncset.done $0x0;
	(pc) =	sbr.rel @p0 .LBB2_32-.Ltmp15, $4  }
0x41f: {  	s2 =	sadd.s32 $0x7920, s2;
	[sflag:s22] =	ssyncadd.s32 $0xFFFFF000  }
0x420: {  	[spmem:s1] =	stream.indirect.scatter.add.f32 [tilespmem:s25], [sflag:$0x3], $0x8, s2, s19, $0xb8;
	[tilespmem:$0x193A0] =	vst v63  }
0x421: {  	_ =	swait.ge [sflag:s14], $0x1000  }
0x422: {  	s5 =	smov.u32 s7;
	s2 =	sshra.s32 s6, $0x2;
	[sflag:s14] =	ssyncset.done $0x0  }
0x423: {  	s4 =	sadd.s32 $0x2920, s2;
	[sflag:s14] =	ssyncadd.s32 $0xFFFFF000  }
0x424: {  	[tilespmem:s25], [sflag:$0x2] =	stream.indirect.gather [spmem:s3], $0x8, s4, s19, $0xb8;
	[tilespmem:$0x193A0] =	vst v63  }
0x425: {  	_ =	swait.ge [sflag:s21], $0x1000  }
0x426: {  	[sflag:s21] =	ssyncset.done $0x0  }
0x427: {  	s12 =	sadd.s32 $0x7720, s2;
	[sflag:s21] =	ssyncadd.s32 $0xFFFFF000  }
0x428: {  	[spmem:s1] =	stream.indirect.scatter.add.f32 [tilespmem:s24], [sflag:$0x3], $0x8, s12, s19, $0xb8;
	[tilespmem:$0x193A0] =	vst v63  }
0x429: {  	_ =	swait.ge [sflag:s14], $0x1000  }
0x42a: {  	[sflag:s14] =	ssyncset.done $0x0  }
0x42b: {  	s20 =	sadd.s32 $0x2B20, s2;
	[sflag:s14] =	ssyncadd.s32 $0xFFFFF000  }
0x42c: {  	[tilespmem:s24], [sflag:$0x1] =	stream.indirect.gather [spmem:s3], $0x8, s20, s19, $0xb8;
	[tilespmem:$0x193A0] =	vst v63  }
0x42d: {  	_ =	swait.ge [sflag:s22], $0x1000  }
0x42e: {  	[sflag:s22] =	ssyncset.done $0x0  }
0x42f: {  	s31 =	sadd.s32 $0x7920, s2;
	[sflag:s22] =	ssyncadd.s32 $0xFFFFF000  }
0x430: {  	[spmem:s1] =	stream.indirect.scatter.add.f32 [tilespmem:s25], [sflag:$0x3], $0x8, s31, s19, $0xb8;
	[tilespmem:$0x193A0] =	vst v63  }
0x431: {  	_ =	swait.ge [sflag:s14], $0x1000  }
0x432: {  	[sflag:s14] =	ssyncset.done $0x0  }
0x433: {  	[sflag:s14] =	ssyncadd.s32 $0xFFFFF000  }
0x434: {  	[tilespmem:s25], [sflag:$0x2] =	stream.indirect.gather [spmem:s3], $0x8, s26, s19, $0xb8;
	[tilespmem:$0x193A0] =	vst v63  }
0x435: {  	_ =	swait.ge [sflag:s21], $0x1000  }
0x436: {  	[sflag:s21] =	ssyncset.done $0x0  }
0x437: {  	[sflag:s21] =	ssyncadd.s32 $0xFFFFF000  }
0x438: {  	[spmem:s1] =	stream.indirect.scatter.add.f32 [tilespmem:s24], [sflag:$0x3], $0x8, s28, s19, $0xb8;
	[tilespmem:$0x193A0] =	vst v63  }
0x439: {  	_ =	swait.ge [sflag:s14], $0x1000  }
0x43a: {  	[sflag:s14] =	ssyncset.done $0x0  }
0x43b: {  	[sflag:s14] =	ssyncadd.s32 $0xFFFFF000  }
0x43c: {  	_ =	swait.ge [sflag:s22], $0x1000  }
0x43d: {  	[sflag:s22] =	ssyncset.done $0x0  }
0x43e: {  	[sflag:s22] =	ssyncadd.s32 $0xFFFFF000  }
0x43f: {  	[spmem:s1] =	stream.indirect.scatter.add.f32 [tilespmem:s25], [sflag:$0x3], $0x8, s29, s19, $0xb8;
	[tilespmem:$0x193A0] =	vst v63  }
0x440: {  	_ =	swait.ge [sflag:s14], $0x1000  }
0x441: {  	[sflag:s14] =	ssyncset.done $0x0  }
0x442: {  	[sflag:s14] =	ssyncadd.s32 $0xFFFFF000  }
0x443: {  	[bflag:$0x0] =	sbarrier.arrive $0xFFFF  }
0x444: {  	[tilespmem:s23], [sflag:$0x3] =	stream.linear.gather [spmem:s8], $0x1390, $0x38;
	[tilespmem:$0x193A0] =	vst v63  }
0x445: {  	_ =	swait.ge [sflag:s14], $0x1390  }
0x446: {  	[sflag:s14] =	ssyncset.done $0x0  }
0x447: {  	s4 =	simm.s32 $0x6;
	[sflag:s14] =	ssyncadd.s32 $0xFFFFEC70  }
0x448: {  	v10 =	vmov s4;
	[tilespmem:s30], [sflag:$0x3] =	stream.linear.gather [spmem:s9], $0x1390, $0x38;
	[tilespmem:$0x193A0] =	vst v63  }
0x449: {  	s5 =	simm.s32 $0x2;
	v10 =	vshll.u32 v10, $0x3;
	_ =	swait.ge [sflag:s14], $0x1390  }
0x44a: {  	v11 =	vmov s5;
	v10 =	vor.u32 v6, v10;
	[sflag:s14] =	ssyncset.done $0x0  }
0x44b: {  	s6 =	simm.s32 $0x4;
	v11 =	vshll.u32 v11, $0x3;
	v13 =	vor.u32 v1, v10;
	[sflag:s14] =	ssyncadd.s32 $0xFFFFEC70  }
0x44c: {  	v10 =	vor.u32 v6, v11;
	[spmem:s8] =	stream.linear.scatter [tilespmem:s18], [sflag:$0x3], $0x1390, $0x38;
	[tilespmem:$0x193A0] =	vst v63  }
0x44d: {  	v11 =	vmov s6;
	v15 =	vor.u32 v1, v10;
	_ =	swait.ge [sflag:s14], $0x1390  }
0x44e: {  	v10 =	vshll.u32 v11, $0x3;
	[sflag:s14] =	ssyncset.done $0x0  }
0x44f: {  	s7 =	simm.s32 $0x0;
	v10 =	vor.u32 v6, v10;
	[sflag:s14] =	ssyncadd.s32 $0xFFFFEC70  }
0x450: {  	v11 =	vmov s7;
	v24 =	vor.u32 v1, v10;
	v14 =	vld.idx.msk [tilespmem:v13+s23+$0x0], $0xffff  }
0x451: {  	v10 =	vshll.u32 v11, $0x3;
	v16 =	vld.idx.msk [tilespmem:v13+s30+$0x0], $0xffff  }
0x452: {  	v10 =	vor.u32 v6, v10;
	v17 =	vld.idx.msk [tilespmem:v15+s23+$0x0], $0xffff  }
0x453: {  	s10 =	simm.s32 $0x16CA0;
	v10 =	vor.u32 v1, v10;
	v18 =	vld.idx.msk [tilespmem:v15+s30+$0x0], $0xffff  }
0x454: {  	v19 =	vld [tilespmem:s10+$0x10]  }
0x455: {  	s11 =	simm.s32 $0x18030;
	v20 =	vld.idx.msk [tilespmem:v24+s23+$0x0], $0xffff  }
0x456: {  	v21 =	vld [tilespmem:s11+$0x10]  }
0x457: {  	s5 =	simm.s32 $0xE;
	v22 =	vld.idx.msk [tilespmem:v24+s30+$0x0], $0xffff  }
0x458: {  	v11 =	vmov s5;
	v23 =	vld.idx.msk [tilespmem:v10+s23+$0x0], $0xffff  }
0x459: {  	s12 =	simm.s32 $0xA;
	v11 =	vshll.u32 v11, $0x3;
	v25 =	vld.idx.msk [tilespmem:v10+s30+$0x0], $0xffff  }
0x45a: {  	v12 =	vmov s12;
	v11 =	vor.u32 v6, v11;
	v26 =	vld [tilespmem:s10+$0xFFFFFFE0]  }
0x45b: {  	v12 =	vshll.u32 v12, $0x3;
	s20 =	simm.s32 $0xC;
	v11 =	vor.u32 v1, v11;
	v27 =	vld [tilespmem:s10+$0xFFFFFFF0]  }
0x45c: {  	v12 =	vor.u32 v6, v12;
	v29 =	vmov s20;
	v28 =	vld [tilespmem:s10+$0x0];
	v14 =	vadd.f32 v16, v14  }
0x45d: {  	v12 =	vor.u32 v1, v12;
	v30 =	vld [tilespmem:s11+$0xFFFFFFE0];
	v16 =	vshll.u32 v29, $0x3  }
0x45e: {  	v61 =	vld [tilespmem:s11+$0xFFFFFFF0];
	v16 =	vor.u32 v6, v16;
	v14 =	vmul.f32 v14, v19  }
0x45f: {  	v31 =	vld [tilespmem:s11+$0x0];
	v17 =	vadd.f32 v18, v17;
	v18 =	vor.u32 v1, v16;
	v16 =	vadd.f32 v22, v20  }
0x460: {  	v19 =	vld.idx.msk [tilespmem:v11+s23+$0x0], $0xffff;
	v22 =	vadd.f32 v25, v23;
	v21 =	vadd.f32 v21, v14  }
0x461: {  	v17 =	vmul.f32 v17, v27;
	v20 =	vld.idx.msk [tilespmem:v11+s30+$0x0], $0xffff  }
0x462: {  	s31 =	simm.s32 $0x8;
	v23 =	vmul.f32 v16, v28;
	v14 =	vld.idx.msk [tilespmem:v12+s23+$0x0], $0xffff;
	[tilespmem:v13+s23+$0x0] =	vst.idx.msk $0xffff, v21;
	v13 =	vmul.f32 v22, v26  }
0x463: {  	s2 =	simm.s32 $0x16CE0;
	v62 =	vmov s31;
	v27 =	vadd.f32 v61, v17;
	v16 =	vld.idx.msk [tilespmem:v12+s30+$0x0], $0xffff  }
0x464: {  	v17 =	vshll.u32 v62, $0x3;
	v21 =	vld [tilespmem:s2+$0x10];
	v63 =	vadd.f32 v31, v23  }
0x465: {  	s5 =	simm.s32 $0x18070;
	v22 =	vor.u32 v6, v17;
	[tilespmem:v15+s23+$0x0] =	vst.idx.msk $0xffff, v27;
	v17 =	vld.idx.msk [tilespmem:v18+s23+$0x0], $0xffff;
	v23 =	vadd.f32 v30, v13  }
0x466: {  	s6 =	simm.s32 $0x4;
	s7 =	simm.s32 $0x10;
	v15 =	vor.u32 v1, v22;
	v22 =	vld [tilespmem:s5+$0x10];
	[tilespmem:v24+s23+$0x0] =	vst.idx.msk $0xffff, v63;
	v13 =	vmov v18  }
.LBB2_34:
0x467: {  	v24 =	vmov s7;
	s4 =	sadd.s32 $0x2, s7;
	s10 =	sadd.s32 $0x4, s7;
	s11 =	sadd.s32 $0x6, s7;
	v25 =	vld.idx.msk [tilespmem:v18+s30+$0x0], $0xffff;
	v18 =	vadd.f32 v20, v19;
	[tilespmem:v10+s23+$0x0] =	vst.idx.msk $0xffff, v23;
	v10 =	vmov v15  }
0x468: {  	s6 =	sadd.s32 $0x4, s6;
	v19 =	vmov s4;
	v20 =	vmov s10;
	v23 =	vmov s11;
	v26 =	vld.idx.msk [tilespmem:v15+s23+$0x0], $0xffff  }
0x469: {  	p0 =	slt.u32 s6, $0x134;
	v19 =	vshll.u32 v19, $0x3;
	v23 =	vshll.u32 v23, $0x3;
	v27 =	vld.idx.msk [tilespmem:v15+s30+$0x0], $0xffff;
	v15 =	vmul.f32 v18, v21  }
0x46a: {  	v18 =	vshll.u32 v24, $0x3;
	v20 =	vshll.u32 v20, $0x3;
	v21 =	vor.u32 v6, v23;
	v23 =	vld [tilespmem:s2+$0xFFFFFFE0]  }
0x46b: {  	v19 =	vor.u32 v6, v19;
	v21 =	vor.u32 v1, v21;
	v24 =	vld [tilespmem:s2+$0xFFFFFFF0];
	v22 =	vadd.f32 v22, v15  }
0x46c: {  	v15 =	vor.u32 v6, v18;
	v28 =	vor.u32 v1, v19;
	v18 =	vor.u32 v6, v20;
	v29 =	vld [tilespmem:s2+$0x0]  }
0x46d: {  	v15 =	vor.u32 v1, v15;
	v18 =	vor.u32 v1, v18;
	v30 =	vld [tilespmem:s5+$0xFFFFFFE0];
	[tilespmem:v11+s23+$0x0] =	vst.idx.msk $0xffff, v22;
	v11 =	vmov v21  }
0x46e: {  	v14 =	vadd.f32 v16, v14;
	v16 =	vadd.f32 v25, v17;
	v22 =	vld [tilespmem:s5+$0xFFFFFFF0]  }
0x46f: {  	v17 =	vadd.f32 v27, v26;
	v25 =	vld [tilespmem:s5+$0x0]  }
0x470: {  	v19 =	vld.idx.msk [tilespmem:v21+s23+$0x0], $0xffff;
	v24 =	vmul.f32 v14, v24  }
0x471: {  	v17 =	vmul.f32 v17, v23;
	v20 =	vld.idx.msk [tilespmem:v21+s30+$0x0], $0xffff;
	v26 =	vmul.f32 v16, v29  }
.Ltmp16:
0x472: {  	v14 =	vld.idx.msk [tilespmem:v28+s23+$0x0], $0xffff;
	(pc) =	sbr.rel @p0 .LBB2_34-.Ltmp16, $4  }
0x473: {  	s2 =	sadd.s32 $0x40, s2;
	v23 =	vadd.f32 v30, v17;
	v16 =	vld.idx.msk [tilespmem:v28+s30+$0x0], $0xffff;
	v22 =	vadd.f32 v22, v24  }
0x474: {  	v21 =	vld [tilespmem:s2+$0x10];
	v24 =	vadd.f32 v25, v26  }
0x475: {  	s5 =	sadd.s32 $0x40, s5;
	v17 =	vld.idx.msk [tilespmem:v18+s23+$0x0], $0xffff;
	[tilespmem:v12+s23+$0x0] =	vst.idx.msk $0xffff, v22;
	v12 =	vmov v28  }
0x476: {  	s7 =	sadd.s32 $0x8, s7;
	v22 =	vld [tilespmem:s5+$0x10];
	[tilespmem:v13+s23+$0x0] =	vst.idx.msk $0xffff, v24;
	v13 =	vmov v18  }
0x477: {  	_ =	sdelay $0x3  }
0x478: {  	v18 =	vld.idx.msk [tilespmem:v18+s30+$0x0], $0xffff  }
0x479: {  	v24 =	vld.idx.msk [tilespmem:v15+s23+$0x0], $0xffff  }
0x47a: {  	v25 =	vld.idx.msk [tilespmem:v15+s30+$0x0], $0xffff  }
0x47b: {  	v26 =	vld [tilespmem:s2+$0xFFFFFFE0]  }
0x47c: {  	v27 =	vld [tilespmem:s2+$0xFFFFFFF0]  }
0x47d: {  	v28 =	vld [tilespmem:s2+$0x0]  }
0x47e: {  	v19 =	vadd.f32 v20, v19;
	v60 =	vld [tilespmem:s5+$0xFFFFFFF0]  }
0x47f: {  	v61 =	vld [tilespmem:s5+$0x0];
	v14 =	vadd.f32 v16, v14  }
0x480: {  	v62 =	vld [tilespmem:s5+$0xFFFFFFE0];
	v19 =	vmul.f32 v19, v21;
	v17 =	vadd.f32 v18, v17  }
0x481: {  	v63 =	vadd.f32 v25, v24;
	v14 =	vmul.f32 v14, v27  }
0x482: {  	v19 =	vadd.f32 v22, v19;
	v17 =	vmul.f32 v17, v28  }
0x483: {  	[tilespmem:v10+s23+$0x0] =	vst.idx.msk $0xffff, v23;
	v10 =	vmul.f32 v63, v26;
	v14 =	vadd.f32 v60, v14  }
0x484: {  	[tilespmem:v11+s23+$0x0] =	vst.idx.msk $0xffff, v19;
	v11 =	vadd.f32 v61, v17  }
0x485: {  	v10 =	vadd.f32 v62, v10;
	[tilespmem:v12+s23+$0x0] =	vst.idx.msk $0xffff, v14  }
0x486: {  	[tilespmem:v13+s23+$0x0] =	vst.idx.msk $0xffff, v11  }
0x487: {  	[tilespmem:v15+s23+$0x0] =	vst.idx.msk $0xffff, v10  }
0x488: {  	v10 =	vld.idx.msk [tilespmem:v9+s23+$0x0], $0xffff  }
0x489: {  	v11 =	vld.idx.msk [tilespmem:v9+s30+$0x0], $0xffff;
	_ =	sdelay $0x1  }
0x48a: {  	v12 =	vld [tilespmem:$0x18000];
	_ =	sdelay $0x1  }
0x48b: {  	v13 =	vld [tilespmem:$0x19390]  }
0x48c: {  	v10 =	vadd.f32 v11, v10;
	_ =	sdelay $0x1  }
0x48d: {  	v10 =	vmul.f32 v10, v12;
	_ =	sdelay $0x1  }
0x48e: {  	v10 =	vadd.f32 v13, v10;
	_ =	sdelay $0x1  }
0x48f: {  	[tilespmem:v9+s23+$0x0] =	vst.idx.msk $0xffff, v10  }
0x490: {  	[spmem:s9] =	stream.linear.scatter [tilespmem:s23], [sflag:$0x3], $0x1390, $0x38;
	[tilespmem:$0x193A0] =	vst v63  }
0x491: {  	_ =	swait.ge [sflag:s14], $0x1390  }
0x492: {  	[sflag:s14] =	ssyncset.done $0x0  }
0x493: {  	[sflag:s14] =	ssyncadd.s32 $0xFFFFEC70  }
0x494: {  	[bflag:$0x0] =	sbarrier.arrive $0xFFFF  }
0x495: {  	[tilespmem:s24], [sflag:$0x1] =	stream.indirect.gather [spmem:s3], $0x8, s13, s19, $0xb8;
	[tilespmem:$0x193A0] =	vst v63  }
0x496: {  	s11 =	simm.s32 $0x2920  }
0x497: {  	[tilespmem:s25], [sflag:$0x2] =	stream.indirect.gather [spmem:s3], $0x8, s11, s19, $0xb8;
	[tilespmem:$0x193A0] =	vst v63  }
0x498: {  	_ =	swait.ge [sflag:s21], $0x1000  }
0x499: {  	[sflag:s21] =	ssyncset.done $0x0  }
0x49a: {  	s12 =	simm.s32 $0x7720;
	[sflag:s21] =	ssyncadd.s32 $0xFFFFF000  }
0x49b: {  	[spmem:s1] =	stream.indirect.scatter.add.f32 [tilespmem:s24], [sflag:$0x3], $0x8, s12, s19, $0xb8;
	[tilespmem:$0x193A0] =	vst v63  }
0x49c: {  	_ =	swait.ge [sflag:s14], $0x1000  }
0x49d: {  	[sflag:s14] =	ssyncset.done $0x0  }
0x49e: {  	s20 =	simm.s32 $0x2B20;
	[sflag:s14] =	ssyncadd.s32 $0xFFFFF000  }
0x49f: {  	[tilespmem:s24], [sflag:$0x1] =	stream.indirect.gather [spmem:s3], $0x8, s20, s19, $0xb8;
	[tilespmem:$0x193A0] =	vst v63  }
0x4a0: {  	_ =	swait.ge [sflag:s22], $0x1000  }
0x4a1: {  	[sflag:s22] =	ssyncset.done $0x0  }
0x4a2: {  	s31 =	simm.s32 $0x7920;
	[sflag:s22] =	ssyncadd.s32 $0xFFFFF000  }
0x4a3: {  	[spmem:s1] =	stream.indirect.scatter.add.f32 [tilespmem:s25], [sflag:$0x3], $0x8, s31, s19, $0xb8;
	[tilespmem:$0x193A0] =	vst v63  }
0x4a4: {  	_ =	swait.ge [sflag:s14], $0x1000  }
0x4a5: {  	s5 =	simm.s32 $0x2000;
	s2 =	simm.s32 $0x400;
	[sflag:s14] =	ssyncset.done $0x0  }
.LBB2_36:
0x4a6: {  	s4 =	sadd.s32 $0x2920, s2  }
0x4a7: {  	[sflag:s14] =	ssyncadd.s32 $0xFFFFF000;
	s6 =	smov.u32 s5;
	s7 =	sadd.s32 $0x1000, s5  }
0x4a8: {  	[tilespmem:s25], [sflag:$0x2] =	stream.indirect.gather [spmem:s3], $0x8, s4, s19, $0xb8;
	[tilespmem:$0x193A0] =	vst v63  }
0x4a9: {  	p0 =	sne.s32 s5, $0x12000;
	_ =	swait.ge [sflag:s21], $0x1000  }
0x4aa: {  	[sflag:s21] =	ssyncset.done $0x0  }
0x4ab: {  	s4 =	sadd.s32 $0x7720, s2;
	[sflag:s21] =	ssyncadd.s32 $0xFFFFF000  }
0x4ac: {  	[spmem:s1] =	stream.indirect.scatter.add.f32 [tilespmem:s24], [sflag:$0x3], $0x8, s4, s19, $0xb8;
	[tilespmem:$0x193A0] =	vst v63  }
0x4ad: {  	_ =	swait.ge [sflag:s14], $0x1000  }
0x4ae: {  	[sflag:s14] =	ssyncset.done $0x0  }
0x4af: {  	s4 =	sadd.s32 $0x2B20, s2;
	[sflag:s14] =	ssyncadd.s32 $0xFFFFF000  }
0x4b0: {  	[tilespmem:s24], [sflag:$0x1] =	stream.indirect.gather [spmem:s3], $0x8, s4, s19, $0xb8;
	[tilespmem:$0x193A0] =	vst v63  }
0x4b1: {  	_ =	swait.ge [sflag:s22], $0x1000  }
.Ltmp17:
0x4b2: {  	[sflag:s22] =	ssyncset.done $0x0;
	(pc) =	sbr.rel @p0 .LBB2_36-.Ltmp17, $4  }
0x4b3: {  	s2 =	sadd.s32 $0x7920, s2;
	[sflag:s22] =	ssyncadd.s32 $0xFFFFF000  }
0x4b4: {  	[spmem:s1] =	stream.indirect.scatter.add.f32 [tilespmem:s25], [sflag:$0x3], $0x8, s2, s19, $0xb8;
	[tilespmem:$0x193A0] =	vst v63  }
0x4b5: {  	_ =	swait.ge [sflag:s14], $0x1000  }
0x4b6: {  	s5 =	smov.u32 s7;
	s2 =	sshra.s32 s6, $0x2;
	[sflag:s14] =	ssyncset.done $0x0  }
0x4b7: {  	s4 =	sadd.s32 $0x2920, s2;
	[sflag:s14] =	ssyncadd.s32 $0xFFFFF000  }
0x4b8: {  	[tilespmem:s25], [sflag:$0x2] =	stream.indirect.gather [spmem:s3], $0x8, s4, s19, $0xb8;
	[tilespmem:$0x193A0] =	vst v63  }
0x4b9: {  	_ =	swait.ge [sflag:s21], $0x1000  }
0x4ba: {  	[sflag:s21] =	ssyncset.done $0x0  }
0x4bb: {  	s12 =	sadd.s32 $0x7720, s2;
	[sflag:s21] =	ssyncadd.s32 $0xFFFFF000  }
0x4bc: {  	[spmem:s1] =	stream.indirect.scatter.add.f32 [tilespmem:s24], [sflag:$0x3], $0x8, s12, s19, $0xb8;
	[tilespmem:$0x193A0] =	vst v63  }
0x4bd: {  	_ =	swait.ge [sflag:s14], $0x1000  }
0x4be: {  	[sflag:s14] =	ssyncset.done $0x0  }
0x4bf: {  	s20 =	sadd.s32 $0x2B20, s2;
	[sflag:s14] =	ssyncadd.s32 $0xFFFFF000  }
0x4c0: {  	[tilespmem:s24], [sflag:$0x1] =	stream.indirect.gather [spmem:s3], $0x8, s20, s19, $0xb8;
	[tilespmem:$0x193A0] =	vst v63  }
0x4c1: {  	_ =	swait.ge [sflag:s22], $0x1000  }
0x4c2: {  	[sflag:s22] =	ssyncset.done $0x0  }
0x4c3: {  	s31 =	sadd.s32 $0x7920, s2;
	[sflag:s22] =	ssyncadd.s32 $0xFFFFF000  }
0x4c4: {  	[spmem:s1] =	stream.indirect.scatter.add.f32 [tilespmem:s25], [sflag:$0x3], $0x8, s31, s19, $0xb8;
	[tilespmem:$0x193A0] =	vst v63  }
0x4c5: {  	_ =	swait.ge [sflag:s14], $0x1000  }
0x4c6: {  	[sflag:s14] =	ssyncset.done $0x0  }
0x4c7: {  	[sflag:s14] =	ssyncadd.s32 $0xFFFFF000  }
0x4c8: {  	[tilespmem:s25], [sflag:$0x2] =	stream.indirect.gather [spmem:s3], $0x8, s26, s19, $0xb8;
	[tilespmem:$0x193A0] =	vst v63  }
0x4c9: {  	_ =	swait.ge [sflag:s21], $0x1000  }
0x4ca: {  	[sflag:s21] =	ssyncset.done $0x0  }
0x4cb: {  	[sflag:s21] =	ssyncadd.s32 $0xFFFFF000  }
0x4cc: {  	[spmem:s1] =	stream.indirect.scatter.add.f32 [tilespmem:s24], [sflag:$0x3], $0x8, s28, s19, $0xb8;
	[tilespmem:$0x193A0] =	vst v63  }
0x4cd: {  	_ =	swait.ge [sflag:s14], $0x1000  }
0x4ce: {  	[sflag:s14] =	ssyncset.done $0x0  }
0x4cf: {  	[sflag:s14] =	ssyncadd.s32 $0xFFFFF000  }
0x4d0: {  	_ =	swait.ge [sflag:s22], $0x1000  }
0x4d1: {  	[sflag:s22] =	ssyncset.done $0x0  }
0x4d2: {  	[sflag:s22] =	ssyncadd.s32 $0xFFFFF000  }
0x4d3: {  	[spmem:s1] =	stream.indirect.scatter.add.f32 [tilespmem:s25], [sflag:$0x3], $0x8, s29, s19, $0xb8;
	[tilespmem:$0x193A0] =	vst v63  }
0x4d4: {  	_ =	swait.ge [sflag:s14], $0x1000  }
0x4d5: {  	[sflag:s14] =	ssyncset.done $0x0  }
0x4d6: {  	[sflag:s14] =	ssyncadd.s32 $0xFFFFF000  }
0x4d7: {  	[bflag:$0x0] =	sbarrier.arrive $0xFFFF  }
0x4d8: {  	[tilespmem:s23], [sflag:$0x3] =	stream.linear.gather [spmem:s8], $0x1390, $0x38;
	[tilespmem:$0x193A0] =	vst v63  }
0x4d9: {  	_ =	swait.ge [sflag:s14], $0x1390  }
0x4da: {  	[sflag:s14] =	ssyncset.done $0x0  }
0x4db: {  	s4 =	simm.s32 $0x6;
	[sflag:s14] =	ssyncadd.s32 $0xFFFFEC70  }
0x4dc: {  	v10 =	vmov s4;
	[tilespmem:s30], [sflag:$0x3] =	stream.linear.gather [spmem:s9], $0x1390, $0x38;
	[tilespmem:$0x193A0] =	vst v63  }
0x4dd: {  	s5 =	simm.s32 $0x2;
	v10 =	vshll.u32 v10, $0x3;
	_ =	swait.ge [sflag:s14], $0x1390  }
0x4de: {  	v11 =	vmov s5;
	v10 =	vor.u32 v6, v10;
	[sflag:s14] =	ssyncset.done $0x0  }
0x4df: {  	s6 =	simm.s32 $0x4;
	v11 =	vshll.u32 v11, $0x3;
	v13 =	vor.u32 v1, v10;
	[sflag:s14] =	ssyncadd.s32 $0xFFFFEC70  }
0x4e0: {  	v10 =	vor.u32 v6, v11;
	[spmem:s8] =	stream.linear.scatter [tilespmem:s18], [sflag:$0x3], $0x1390, $0x38;
	[tilespmem:$0x193A0] =	vst v63  }
0x4e1: {  	v11 =	vmov s6;
	v15 =	vor.u32 v1, v10;
	_ =	swait.ge [sflag:s14], $0x1390  }
0x4e2: {  	v10 =	vshll.u32 v11, $0x3;
	[sflag:s14] =	ssyncset.done $0x0  }
0x4e3: {  	s7 =	simm.s32 $0x0;
	v10 =	vor.u32 v6, v10;
	[sflag:s14] =	ssyncadd.s32 $0xFFFFEC70  }
0x4e4: {  	v11 =	vmov s7;
	v24 =	vor.u32 v1, v10;
	v14 =	vld.idx.msk [tilespmem:v13+s23+$0x0], $0xffff  }
0x4e5: {  	v10 =	vshll.u32 v11, $0x3;
	v16 =	vld.idx.msk [tilespmem:v13+s30+$0x0], $0xffff  }
0x4e6: {  	v10 =	vor.u32 v6, v10;
	v17 =	vld.idx.msk [tilespmem:v15+s23+$0x0], $0xffff  }
0x4e7: {  	s10 =	simm.s32 $0x16CA0;
	v10 =	vor.u32 v1, v10;
	v18 =	vld.idx.msk [tilespmem:v15+s30+$0x0], $0xffff  }
0x4e8: {  	v19 =	vld [tilespmem:s10+$0x10]  }
0x4e9: {  	s11 =	simm.s32 $0x18030;
	v20 =	vld.idx.msk [tilespmem:v24+s23+$0x0], $0xffff  }
0x4ea: {  	v21 =	vld [tilespmem:s11+$0x10]  }
0x4eb: {  	s5 =	simm.s32 $0xE;
	v22 =	vld.idx.msk [tilespmem:v24+s30+$0x0], $0xffff  }
0x4ec: {  	v11 =	vmov s5;
	v23 =	vld.idx.msk [tilespmem:v10+s23+$0x0], $0xffff  }
0x4ed: {  	s12 =	simm.s32 $0xA;
	v11 =	vshll.u32 v11, $0x3;
	v25 =	vld.idx.msk [tilespmem:v10+s30+$0x0], $0xffff  }
0x4ee: {  	v12 =	vmov s12;
	v11 =	vor.u32 v6, v11;
	v26 =	vld [tilespmem:s10+$0xFFFFFFE0]  }
0x4ef: {  	v12 =	vshll.u32 v12, $0x3;
	s20 =	simm.s32 $0xC;
	v11 =	vor.u32 v1, v11;
	v27 =	vld [tilespmem:s10+$0xFFFFFFF0]  }
0x4f0: {  	v12 =	vor.u32 v6, v12;
	v29 =	vmov s20;
	v28 =	vld [tilespmem:s10+$0x0];
	v14 =	vadd.f32 v16, v14  }
0x4f1: {  	v12 =	vor.u32 v1, v12;
	v30 =	vld [tilespmem:s11+$0xFFFFFFE0];
	v16 =	vshll.u32 v29, $0x3  }
0x4f2: {  	v61 =	vld [tilespmem:s11+$0xFFFFFFF0];
	v16 =	vor.u32 v6, v16;
	v14 =	vmul.f32 v14, v19  }
0x4f3: {  	v31 =	vld [tilespmem:s11+$0x0];
	v17 =	vadd.f32 v18, v17;
	v18 =	vor.u32 v1, v16;
	v16 =	vadd.f32 v22, v20  }
0x4f4: {  	v19 =	vld.idx.msk [tilespmem:v11+s23+$0x0], $0xffff;
	v22 =	vadd.f32 v25, v23;
	v21 =	vadd.f32 v21, v14  }
0x4f5: {  	v17 =	vmul.f32 v17, v27;
	v20 =	vld.idx.msk [tilespmem:v11+s30+$0x0], $0xffff  }
0x4f6: {  	s31 =	simm.s32 $0x8;
	v23 =	vmul.f32 v16, v28;
	v14 =	vld.idx.msk [tilespmem:v12+s23+$0x0], $0xffff;
	[tilespmem:v13+s23+$0x0] =	vst.idx.msk $0xffff, v21;
	v13 =	vmul.f32 v22, v26  }
0x4f7: {  	s2 =	simm.s32 $0x16CE0;
	v62 =	vmov s31;
	v27 =	vadd.f32 v61, v17;
	v16 =	vld.idx.msk [tilespmem:v12+s30+$0x0], $0xffff  }
0x4f8: {  	v17 =	vshll.u32 v62, $0x3;
	v21 =	vld [tilespmem:s2+$0x10];
	v63 =	vadd.f32 v31, v23  }
0x4f9: {  	s5 =	simm.s32 $0x18070;
	v22 =	vor.u32 v6, v17;
	[tilespmem:v15+s23+$0x0] =	vst.idx.msk $0xffff, v27;
	v17 =	vld.idx.msk [tilespmem:v18+s23+$0x0], $0xffff;
	v23 =	vadd.f32 v30, v13  }
0x4fa: {  	s6 =	simm.s32 $0x4;
	s7 =	simm.s32 $0x10;
	v15 =	vor.u32 v1, v22;
	v22 =	vld [tilespmem:s5+$0x10];
	[tilespmem:v24+s23+$0x0] =	vst.idx.msk $0xffff, v63;
	v13 =	vmov v18  }
.LBB2_38:
0x4fb: {  	v24 =	vmov s7;
	s4 =	sadd.s32 $0x2, s7;
	s10 =	sadd.s32 $0x4, s7;
	s11 =	sadd.s32 $0x6, s7;
	v25 =	vld.idx.msk [tilespmem:v18+s30+$0x0], $0xffff;
	v18 =	vadd.f32 v20, v19;
	[tilespmem:v10+s23+$0x0] =	vst.idx.msk $0xffff, v23;
	v10 =	vmov v15  }
0x4fc: {  	s6 =	sadd.s32 $0x4, s6;
	v19 =	vmov s4;
	v20 =	vmov s10;
	v23 =	vmov s11;
	v26 =	vld.idx.msk [tilespmem:v15+s23+$0x0], $0xffff  }
0x4fd: {  	p0 =	slt.u32 s6, $0x134;
	v19 =	vshll.u32 v19, $0x3;
	v23 =	vshll.u32 v23, $0x3;
	v27 =	vld.idx.msk [tilespmem:v15+s30+$0x0], $0xffff;
	v15 =	vmul.f32 v18, v21  }
0x4fe: {  	v18 =	vshll.u32 v24, $0x3;
	v20 =	vshll.u32 v20, $0x3;
	v21 =	vor.u32 v6, v23;
	v23 =	vld [tilespmem:s2+$0xFFFFFFE0]  }
0x4ff: {  	v19 =	vor.u32 v6, v19;
	v21 =	vor.u32 v1, v21;
	v24 =	vld [tilespmem:s2+$0xFFFFFFF0];
	v22 =	vadd.f32 v22, v15  }
0x500: {  	v15 =	vor.u32 v6, v18;
	v28 =	vor.u32 v1, v19;
	v18 =	vor.u32 v6, v20;
	v29 =	vld [tilespmem:s2+$0x0]  }
0x501: {  	v15 =	vor.u32 v1, v15;
	v18 =	vor.u32 v1, v18;
	v30 =	vld [tilespmem:s5+$0xFFFFFFE0];
	[tilespmem:v11+s23+$0x0] =	vst.idx.msk $0xffff, v22;
	v11 =	vmov v21  }
0x502: {  	v14 =	vadd.f32 v16, v14;
	v16 =	vadd.f32 v25, v17;
	v22 =	vld [tilespmem:s5+$0xFFFFFFF0]  }
0x503: {  	v17 =	vadd.f32 v27, v26;
	v25 =	vld [tilespmem:s5+$0x0]  }
0x504: {  	v19 =	vld.idx.msk [tilespmem:v21+s23+$0x0], $0xffff;
	v24 =	vmul.f32 v14, v24  }
0x505: {  	v17 =	vmul.f32 v17, v23;
	v20 =	vld.idx.msk [tilespmem:v21+s30+$0x0], $0xffff;
	v26 =	vmul.f32 v16, v29  }
.Ltmp18:
0x506: {  	v14 =	vld.idx.msk [tilespmem:v28+s23+$0x0], $0xffff;
	(pc) =	sbr.rel @p0 .LBB2_38-.Ltmp18, $4  }
0x507: {  	s2 =	sadd.s32 $0x40, s2;
	v23 =	vadd.f32 v30, v17;
	v16 =	vld.idx.msk [tilespmem:v28+s30+$0x0], $0xffff;
	v22 =	vadd.f32 v22, v24  }
0x508: {  	v21 =	vld [tilespmem:s2+$0x10];
	v24 =	vadd.f32 v25, v26  }
0x509: {  	s5 =	sadd.s32 $0x40, s5;
	v17 =	vld.idx.msk [tilespmem:v18+s23+$0x0], $0xffff;
	[tilespmem:v12+s23+$0x0] =	vst.idx.msk $0xffff, v22;
	v12 =	vmov v28  }
0x50a: {  	s7 =	sadd.s32 $0x8, s7;
	v22 =	vld [tilespmem:s5+$0x10];
	[tilespmem:v13+s23+$0x0] =	vst.idx.msk $0xffff, v24;
	v13 =	vmov v18  }
0x50b: {  	_ =	sdelay $0x3  }
0x50c: {  	v18 =	vld.idx.msk [tilespmem:v18+s30+$0x0], $0xffff  }
0x50d: {  	v24 =	vld.idx.msk [tilespmem:v15+s23+$0x0], $0xffff  }
0x50e: {  	v25 =	vld.idx.msk [tilespmem:v15+s30+$0x0], $0xffff  }
0x50f: {  	v26 =	vld [tilespmem:s2+$0xFFFFFFE0]  }
0x510: {  	v27 =	vld [tilespmem:s2+$0xFFFFFFF0]  }
0x511: {  	v28 =	vld [tilespmem:s2+$0x0]  }
0x512: {  	v19 =	vadd.f32 v20, v19;
	v60 =	vld [tilespmem:s5+$0xFFFFFFF0]  }
0x513: {  	v61 =	vld [tilespmem:s5+$0x0];
	v14 =	vadd.f32 v16, v14  }
0x514: {  	v62 =	vld [tilespmem:s5+$0xFFFFFFE0];
	v19 =	vmul.f32 v19, v21;
	v17 =	vadd.f32 v18, v17  }
0x515: {  	v63 =	vadd.f32 v25, v24;
	v14 =	vmul.f32 v14, v27  }
0x516: {  	v19 =	vadd.f32 v22, v19;
	v17 =	vmul.f32 v17, v28  }
0x517: {  	[tilespmem:v10+s23+$0x0] =	vst.idx.msk $0xffff, v23;
	v10 =	vmul.f32 v63, v26;
	v14 =	vadd.f32 v60, v14  }
0x518: {  	[tilespmem:v11+s23+$0x0] =	vst.idx.msk $0xffff, v19;
	v11 =	vadd.f32 v61, v17  }
0x519: {  	v10 =	vadd.f32 v62, v10;
	[tilespmem:v12+s23+$0x0] =	vst.idx.msk $0xffff, v14  }
0x51a: {  	[tilespmem:v13+s23+$0x0] =	vst.idx.msk $0xffff, v11  }
0x51b: {  	[tilespmem:v15+s23+$0x0] =	vst.idx.msk $0xffff, v10  }
0x51c: {  	v10 =	vld.idx.msk [tilespmem:v9+s23+$0x0], $0xffff  }
0x51d: {  	v11 =	vld.idx.msk [tilespmem:v9+s30+$0x0], $0xffff;
	_ =	sdelay $0x1  }
0x51e: {  	v12 =	vld [tilespmem:$0x18000];
	_ =	sdelay $0x1  }
0x51f: {  	v13 =	vld [tilespmem:$0x19390]  }
0x520: {  	v10 =	vadd.f32 v11, v10;
	_ =	sdelay $0x1  }
0x521: {  	v10 =	vmul.f32 v10, v12;
	_ =	sdelay $0x1  }
0x522: {  	v10 =	vadd.f32 v13, v10;
	_ =	sdelay $0x1  }
0x523: {  	[tilespmem:v9+s23+$0x0] =	vst.idx.msk $0xffff, v10  }
0x524: {  	[spmem:s9] =	stream.linear.scatter [tilespmem:s23], [sflag:$0x3], $0x1390, $0x38;
	[tilespmem:$0x193A0] =	vst v63  }
0x525: {  	_ =	swait.ge [sflag:s14], $0x1390  }
0x526: {  	[sflag:s14] =	ssyncset.done $0x0  }
0x527: {  	[sflag:s14] =	ssyncadd.s32 $0xFFFFEC70  }
0x528: {  	[bflag:$0x0] =	sbarrier.arrive $0xFFFF  }
0x529: {  	[tilespmem:s24], [sflag:$0x1] =	stream.indirect.gather [spmem:s3], $0x8, s13, s19, $0xb8;
	[tilespmem:$0x193A0] =	vst v63  }
0x52a: {  	s11 =	simm.s32 $0x2920  }
0x52b: {  	[tilespmem:s25], [sflag:$0x2] =	stream.indirect.gather [spmem:s3], $0x8, s11, s19, $0xb8;
	[tilespmem:$0x193A0] =	vst v63  }
0x52c: {  	_ =	swait.ge [sflag:s21], $0x1000  }
0x52d: {  	[sflag:s21] =	ssyncset.done $0x0  }
0x52e: {  	s12 =	simm.s32 $0x7720;
	[sflag:s21] =	ssyncadd.s32 $0xFFFFF000  }
0x52f: {  	[spmem:s1] =	stream.indirect.scatter.add.f32 [tilespmem:s24], [sflag:$0x3], $0x8, s12, s19, $0xb8;
	[tilespmem:$0x193A0] =	vst v63  }
0x530: {  	_ =	swait.ge [sflag:s14], $0x1000  }
0x531: {  	[sflag:s14] =	ssyncset.done $0x0  }
0x532: {  	s20 =	simm.s32 $0x2B20;
	[sflag:s14] =	ssyncadd.s32 $0xFFFFF000  }
0x533: {  	[tilespmem:s24], [sflag:$0x1] =	stream.indirect.gather [spmem:s3], $0x8, s20, s19, $0xb8;
	[tilespmem:$0x193A0] =	vst v63  }
0x534: {  	_ =	swait.ge [sflag:s22], $0x1000  }
0x535: {  	[sflag:s22] =	ssyncset.done $0x0  }
0x536: {  	s31 =	simm.s32 $0x7920;
	[sflag:s22] =	ssyncadd.s32 $0xFFFFF000  }
0x537: {  	[spmem:s1] =	stream.indirect.scatter.add.f32 [tilespmem:s25], [sflag:$0x3], $0x8, s31, s19, $0xb8;
	[tilespmem:$0x193A0] =	vst v63  }
0x538: {  	_ =	swait.ge [sflag:s14], $0x1000  }
0x539: {  	s5 =	simm.s32 $0x2000;
	s2 =	simm.s32 $0x400;
	[sflag:s14] =	ssyncset.done $0x0  }
.LBB2_40:
0x53a: {  	s4 =	sadd.s32 $0x2920, s2  }
0x53b: {  	[sflag:s14] =	ssyncadd.s32 $0xFFFFF000;
	s6 =	smov.u32 s5;
	s7 =	sadd.s32 $0x1000, s5  }
0x53c: {  	[tilespmem:s25], [sflag:$0x2] =	stream.indirect.gather [spmem:s3], $0x8, s4, s19, $0xb8;
	[tilespmem:$0x193A0] =	vst v63  }
0x53d: {  	p0 =	sne.s32 s5, $0x12000;
	_ =	swait.ge [sflag:s21], $0x1000  }
0x53e: {  	[sflag:s21] =	ssyncset.done $0x0  }
0x53f: {  	s4 =	sadd.s32 $0x7720, s2;
	[sflag:s21] =	ssyncadd.s32 $0xFFFFF000  }
0x540: {  	[spmem:s1] =	stream.indirect.scatter.add.f32 [tilespmem:s24], [sflag:$0x3], $0x8, s4, s19, $0xb8;
	[tilespmem:$0x193A0] =	vst v63  }
0x541: {  	_ =	swait.ge [sflag:s14], $0x1000  }
0x542: {  	[sflag:s14] =	ssyncset.done $0x0  }
0x543: {  	s4 =	sadd.s32 $0x2B20, s2;
	[sflag:s14] =	ssyncadd.s32 $0xFFFFF000  }
0x544: {  	[tilespmem:s24], [sflag:$0x1] =	stream.indirect.gather [spmem:s3], $0x8, s4, s19, $0xb8;
	[tilespmem:$0x193A0] =	vst v63  }
0x545: {  	_ =	swait.ge [sflag:s22], $0x1000  }
.Ltmp19:
0x546: {  	[sflag:s22] =	ssyncset.done $0x0;
	(pc) =	sbr.rel @p0 .LBB2_40-.Ltmp19, $4  }
0x547: {  	s2 =	sadd.s32 $0x7920, s2;
	[sflag:s22] =	ssyncadd.s32 $0xFFFFF000  }
0x548: {  	[spmem:s1] =	stream.indirect.scatter.add.f32 [tilespmem:s25], [sflag:$0x3], $0x8, s2, s19, $0xb8;
	[tilespmem:$0x193A0] =	vst v63  }
0x549: {  	_ =	swait.ge [sflag:s14], $0x1000  }
0x54a: {  	s5 =	smov.u32 s7;
	s2 =	sshra.s32 s6, $0x2;
	[sflag:s14] =	ssyncset.done $0x0  }
0x54b: {  	s4 =	sadd.s32 $0x2920, s2;
	[sflag:s14] =	ssyncadd.s32 $0xFFFFF000  }
0x54c: {  	[tilespmem:s25], [sflag:$0x2] =	stream.indirect.gather [spmem:s3], $0x8, s4, s19, $0xb8;
	[tilespmem:$0x193A0] =	vst v63  }
0x54d: {  	_ =	swait.ge [sflag:s21], $0x1000  }
0x54e: {  	[sflag:s21] =	ssyncset.done $0x0  }
0x54f: {  	s12 =	sadd.s32 $0x7720, s2;
	[sflag:s21] =	ssyncadd.s32 $0xFFFFF000  }
0x550: {  	[spmem:s1] =	stream.indirect.scatter.add.f32 [tilespmem:s24], [sflag:$0x3], $0x8, s12, s19, $0xb8;
	[tilespmem:$0x193A0] =	vst v63  }
0x551: {  	_ =	swait.ge [sflag:s14], $0x1000  }
0x552: {  	[sflag:s14] =	ssyncset.done $0x0  }
0x553: {  	s20 =	sadd.s32 $0x2B20, s2;
	[sflag:s14] =	ssyncadd.s32 $0xFFFFF000  }
0x554: {  	[tilespmem:s24], [sflag:$0x1] =	stream.indirect.gather [spmem:s3], $0x8, s20, s19, $0xb8;
	[tilespmem:$0x193A0] =	vst v63  }
0x555: {  	_ =	swait.ge [sflag:s22], $0x1000  }
0x556: {  	[sflag:s22] =	ssyncset.done $0x0  }
0x557: {  	s31 =	sadd.s32 $0x7920, s2;
	[sflag:s22] =	ssyncadd.s32 $0xFFFFF000  }
0x558: {  	[spmem:s1] =	stream.indirect.scatter.add.f32 [tilespmem:s25], [sflag:$0x3], $0x8, s31, s19, $0xb8;
	[tilespmem:$0x193A0] =	vst v63  }
0x559: {  	_ =	swait.ge [sflag:s14], $0x1000  }
0x55a: {  	[sflag:s14] =	ssyncset.done $0x0  }
0x55b: {  	[sflag:s14] =	ssyncadd.s32 $0xFFFFF000  }
0x55c: {  	[tilespmem:s25], [sflag:$0x2] =	stream.indirect.gather [spmem:s3], $0x8, s26, s19, $0xb8;
	[tilespmem:$0x193A0] =	vst v63  }
0x55d: {  	_ =	swait.ge [sflag:s21], $0x1000  }
0x55e: {  	[sflag:s21] =	ssyncset.done $0x0  }
0x55f: {  	[sflag:s21] =	ssyncadd.s32 $0xFFFFF000  }
0x560: {  	[spmem:s1] =	stream.indirect.scatter.add.f32 [tilespmem:s24], [sflag:$0x3], $0x8, s28, s19, $0xb8;
	[tilespmem:$0x193A0] =	vst v63  }
0x561: {  	_ =	swait.ge [sflag:s14], $0x1000  }
0x562: {  	[sflag:s14] =	ssyncset.done $0x0  }
0x563: {  	[sflag:s14] =	ssyncadd.s32 $0xFFFFF000  }
0x564: {  	_ =	swait.ge [sflag:s22], $0x1000  }
0x565: {  	[sflag:s22] =	ssyncset.done $0x0  }
0x566: {  	[sflag:s22] =	ssyncadd.s32 $0xFFFFF000  }
0x567: {  	[spmem:s1] =	stream.indirect.scatter.add.f32 [tilespmem:s25], [sflag:$0x3], $0x8, s29, s19, $0xb8;
	[tilespmem:$0x193A0] =	vst v63  }
0x568: {  	_ =	swait.ge [sflag:s14], $0x1000  }
0x569: {  	[sflag:s14] =	ssyncset.done $0x0  }
0x56a: {  	[sflag:s14] =	ssyncadd.s32 $0xFFFFF000  }
0x56b: {  	[bflag:$0x0] =	sbarrier.arrive $0xFFFF  }
0x56c: {  	[tilespmem:s23], [sflag:$0x3] =	stream.linear.gather [spmem:s8], $0x1390, $0x38;
	[tilespmem:$0x193A0] =	vst v63  }
0x56d: {  	_ =	swait.ge [sflag:s14], $0x1390  }
0x56e: {  	[sflag:s14] =	ssyncset.done $0x0  }
0x56f: {  	s4 =	simm.s32 $0x6;
	[sflag:s14] =	ssyncadd.s32 $0xFFFFEC70  }
0x570: {  	v10 =	vmov s4;
	[tilespmem:s30], [sflag:$0x3] =	stream.linear.gather [spmem:s9], $0x1390, $0x38;
	[tilespmem:$0x193A0] =	vst v63  }
0x571: {  	s5 =	simm.s32 $0x2;
	v10 =	vshll.u32 v10, $0x3;
	_ =	swait.ge [sflag:s14], $0x1390  }
0x572: {  	v11 =	vmov s5;
	v10 =	vor.u32 v6, v10;
	[sflag:s14] =	ssyncset.done $0x0  }
0x573: {  	s6 =	simm.s32 $0x4;
	v11 =	vshll.u32 v11, $0x3;
	v13 =	vor.u32 v1, v10;
	[sflag:s14] =	ssyncadd.s32 $0xFFFFEC70  }
0x574: {  	v10 =	vor.u32 v6, v11;
	[spmem:s8] =	stream.linear.scatter [tilespmem:s18], [sflag:$0x3], $0x1390, $0x38;
	[tilespmem:$0x193A0] =	vst v63  }
0x575: {  	v11 =	vmov s6;
	v15 =	vor.u32 v1, v10;
	_ =	swait.ge [sflag:s14], $0x1390  }
0x576: {  	v10 =	vshll.u32 v11, $0x3;
	[sflag:s14] =	ssyncset.done $0x0  }
0x577: {  	s7 =	simm.s32 $0x0;
	v10 =	vor.u32 v6, v10;
	[sflag:s14] =	ssyncadd.s32 $0xFFFFEC70  }
0x578: {  	v11 =	vmov s7;
	v24 =	vor.u32 v1, v10;
	v14 =	vld.idx.msk [tilespmem:v13+s23+$0x0], $0xffff  }
0x579: {  	v10 =	vshll.u32 v11, $0x3;
	v16 =	vld.idx.msk [tilespmem:v13+s30+$0x0], $0xffff  }
0x57a: {  	v10 =	vor.u32 v6, v10;
	v17 =	vld.idx.msk [tilespmem:v15+s23+$0x0], $0xffff  }
0x57b: {  	s10 =	simm.s32 $0x16CA0;
	v10 =	vor.u32 v1, v10;
	v18 =	vld.idx.msk [tilespmem:v15+s30+$0x0], $0xffff  }
0x57c: {  	v19 =	vld [tilespmem:s10+$0x10]  }
0x57d: {  	s11 =	simm.s32 $0x18030;
	v20 =	vld.idx.msk [tilespmem:v24+s23+$0x0], $0xffff  }
0x57e: {  	v21 =	vld [tilespmem:s11+$0x10]  }
0x57f: {  	s5 =	simm.s32 $0xE;
	v22 =	vld.idx.msk [tilespmem:v24+s30+$0x0], $0xffff  }
0x580: {  	v11 =	vmov s5;
	v23 =	vld.idx.msk [tilespmem:v10+s23+$0x0], $0xffff  }
0x581: {  	s12 =	simm.s32 $0xA;
	v11 =	vshll.u32 v11, $0x3;
	v25 =	vld.idx.msk [tilespmem:v10+s30+$0x0], $0xffff  }
0x582: {  	v12 =	vmov s12;
	v11 =	vor.u32 v6, v11;
	v26 =	vld [tilespmem:s10+$0xFFFFFFE0]  }
0x583: {  	v12 =	vshll.u32 v12, $0x3;
	s20 =	simm.s32 $0xC;
	v11 =	vor.u32 v1, v11;
	v27 =	vld [tilespmem:s10+$0xFFFFFFF0]  }
0x584: {  	v12 =	vor.u32 v6, v12;
	v29 =	vmov s20;
	v28 =	vld [tilespmem:s10+$0x0];
	v14 =	vadd.f32 v16, v14  }
0x585: {  	v12 =	vor.u32 v1, v12;
	v30 =	vld [tilespmem:s11+$0xFFFFFFE0];
	v16 =	vshll.u32 v29, $0x3  }
0x586: {  	v61 =	vld [tilespmem:s11+$0xFFFFFFF0];
	v16 =	vor.u32 v6, v16;
	v14 =	vmul.f32 v14, v19  }
0x587: {  	v31 =	vld [tilespmem:s11+$0x0];
	v17 =	vadd.f32 v18, v17;
	v18 =	vor.u32 v1, v16;
	v16 =	vadd.f32 v22, v20  }
0x588: {  	v19 =	vld.idx.msk [tilespmem:v11+s23+$0x0], $0xffff;
	v22 =	vadd.f32 v25, v23;
	v21 =	vadd.f32 v21, v14  }
0x589: {  	v17 =	vmul.f32 v17, v27;
	v20 =	vld.idx.msk [tilespmem:v11+s30+$0x0], $0xffff  }
0x58a: {  	s31 =	simm.s32 $0x8;
	v23 =	vmul.f32 v16, v28;
	v14 =	vld.idx.msk [tilespmem:v12+s23+$0x0], $0xffff;
	[tilespmem:v13+s23+$0x0] =	vst.idx.msk $0xffff, v21;
	v13 =	vmul.f32 v22, v26  }
0x58b: {  	s2 =	simm.s32 $0x16CE0;
	v62 =	vmov s31;
	v27 =	vadd.f32 v61, v17;
	v16 =	vld.idx.msk [tilespmem:v12+s30+$0x0], $0xffff  }
0x58c: {  	v17 =	vshll.u32 v62, $0x3;
	v21 =	vld [tilespmem:s2+$0x10];
	v63 =	vadd.f32 v31, v23  }
0x58d: {  	s5 =	simm.s32 $0x18070;
	v22 =	vor.u32 v6, v17;
	[tilespmem:v15+s23+$0x0] =	vst.idx.msk $0xffff, v27;
	v17 =	vld.idx.msk [tilespmem:v18+s23+$0x0], $0xffff;
	v23 =	vadd.f32 v30, v13  }
0x58e: {  	s6 =	simm.s32 $0x4;
	s7 =	simm.s32 $0x10;
	v15 =	vor.u32 v1, v22;
	v22 =	vld [tilespmem:s5+$0x10];
	[tilespmem:v24+s23+$0x0] =	vst.idx.msk $0xffff, v63;
	v13 =	vmov v18  }
.LBB2_42:
0x58f: {  	v24 =	vmov s7;
	s4 =	sadd.s32 $0x2, s7;
	s10 =	sadd.s32 $0x4, s7;
	s11 =	sadd.s32 $0x6, s7;
	v25 =	vld.idx.msk [tilespmem:v18+s30+$0x0], $0xffff;
	v18 =	vadd.f32 v20, v19;
	[tilespmem:v10+s23+$0x0] =	vst.idx.msk $0xffff, v23;
	v10 =	vmov v15  }
0x590: {  	s6 =	sadd.s32 $0x4, s6;
	v19 =	vmov s4;
	v20 =	vmov s10;
	v23 =	vmov s11;
	v26 =	vld.idx.msk [tilespmem:v15+s23+$0x0], $0xffff  }
0x591: {  	p0 =	slt.u32 s6, $0x134;
	v19 =	vshll.u32 v19, $0x3;
	v23 =	vshll.u32 v23, $0x3;
	v27 =	vld.idx.msk [tilespmem:v15+s30+$0x0], $0xffff;
	v15 =	vmul.f32 v18, v21  }
0x592: {  	v18 =	vshll.u32 v24, $0x3;
	v20 =	vshll.u32 v20, $0x3;
	v21 =	vor.u32 v6, v23;
	v23 =	vld [tilespmem:s2+$0xFFFFFFE0]  }
0x593: {  	v19 =	vor.u32 v6, v19;
	v21 =	vor.u32 v1, v21;
	v24 =	vld [tilespmem:s2+$0xFFFFFFF0];
	v22 =	vadd.f32 v22, v15  }
0x594: {  	v15 =	vor.u32 v6, v18;
	v28 =	vor.u32 v1, v19;
	v18 =	vor.u32 v6, v20;
	v29 =	vld [tilespmem:s2+$0x0]  }
0x595: {  	v15 =	vor.u32 v1, v15;
	v18 =	vor.u32 v1, v18;
	v30 =	vld [tilespmem:s5+$0xFFFFFFE0];
	[tilespmem:v11+s23+$0x0] =	vst.idx.msk $0xffff, v22;
	v11 =	vmov v21  }
0x596: {  	v14 =	vadd.f32 v16, v14;
	v16 =	vadd.f32 v25, v17;
	v22 =	vld [tilespmem:s5+$0xFFFFFFF0]  }
0x597: {  	v17 =	vadd.f32 v27, v26;
	v25 =	vld [tilespmem:s5+$0x0]  }
0x598: {  	v19 =	vld.idx.msk [tilespmem:v21+s23+$0x0], $0xffff;
	v24 =	vmul.f32 v14, v24  }
0x599: {  	v17 =	vmul.f32 v17, v23;
	v20 =	vld.idx.msk [tilespmem:v21+s30+$0x0], $0xffff;
	v26 =	vmul.f32 v16, v29  }
.Ltmp20:
0x59a: {  	v14 =	vld.idx.msk [tilespmem:v28+s23+$0x0], $0xffff;
	(pc) =	sbr.rel @p0 .LBB2_42-.Ltmp20, $4  }
0x59b: {  	s2 =	sadd.s32 $0x40, s2;
	v23 =	vadd.f32 v30, v17;
	v16 =	vld.idx.msk [tilespmem:v28+s30+$0x0], $0xffff;
	v22 =	vadd.f32 v22, v24  }
0x59c: {  	v21 =	vld [tilespmem:s2+$0x10];
	v24 =	vadd.f32 v25, v26  }
0x59d: {  	s5 =	sadd.s32 $0x40, s5;
	v17 =	vld.idx.msk [tilespmem:v18+s23+$0x0], $0xffff;
	[tilespmem:v12+s23+$0x0] =	vst.idx.msk $0xffff, v22;
	v12 =	vmov v28  }
0x59e: {  	s7 =	sadd.s32 $0x8, s7;
	v22 =	vld [tilespmem:s5+$0x10];
	[tilespmem:v13+s23+$0x0] =	vst.idx.msk $0xffff, v24;
	v13 =	vmov v18  }
0x59f: {  	_ =	sdelay $0x3  }
0x5a0: {  	v18 =	vld.idx.msk [tilespmem:v18+s30+$0x0], $0xffff  }
0x5a1: {  	v24 =	vld.idx.msk [tilespmem:v15+s23+$0x0], $0xffff  }
0x5a2: {  	v25 =	vld.idx.msk [tilespmem:v15+s30+$0x0], $0xffff  }
0x5a3: {  	v26 =	vld [tilespmem:s2+$0xFFFFFFE0]  }
0x5a4: {  	v27 =	vld [tilespmem:s2+$0xFFFFFFF0]  }
0x5a5: {  	v28 =	vld [tilespmem:s2+$0x0]  }
0x5a6: {  	v19 =	vadd.f32 v20, v19;
	v60 =	vld [tilespmem:s5+$0xFFFFFFF0]  }
0x5a7: {  	v61 =	vld [tilespmem:s5+$0x0];
	v14 =	vadd.f32 v16, v14  }
0x5a8: {  	v62 =	vld [tilespmem:s5+$0xFFFFFFE0];
	v19 =	vmul.f32 v19, v21;
	v17 =	vadd.f32 v18, v17  }
0x5a9: {  	v63 =	vadd.f32 v25, v24;
	v14 =	vmul.f32 v14, v27  }
0x5aa: {  	v19 =	vadd.f32 v22, v19;
	v17 =	vmul.f32 v17, v28  }
0x5ab: {  	[tilespmem:v10+s23+$0x0] =	vst.idx.msk $0xffff, v23;
	v10 =	vmul.f32 v63, v26;
	v14 =	vadd.f32 v60, v14  }
0x5ac: {  	[tilespmem:v11+s23+$0x0] =	vst.idx.msk $0xffff, v19;
	v11 =	vadd.f32 v61, v17  }
0x5ad: {  	v10 =	vadd.f32 v62, v10;
	[tilespmem:v12+s23+$0x0] =	vst.idx.msk $0xffff, v14  }
0x5ae: {  	[tilespmem:v13+s23+$0x0] =	vst.idx.msk $0xffff, v11  }
0x5af: {  	[tilespmem:v15+s23+$0x0] =	vst.idx.msk $0xffff, v10  }
0x5b0: {  	v10 =	vld.idx.msk [tilespmem:v9+s23+$0x0], $0xffff  }
0x5b1: {  	v11 =	vld.idx.msk [tilespmem:v9+s30+$0x0], $0xffff;
	_ =	sdelay $0x1  }
0x5b2: {  	v12 =	vld [tilespmem:$0x18000];
	_ =	sdelay $0x1  }
0x5b3: {  	v13 =	vld [tilespmem:$0x19390]  }
0x5b4: {  	v10 =	vadd.f32 v11, v10;
	_ =	sdelay $0x1  }
0x5b5: {  	v10 =	vmul.f32 v10, v12;
	_ =	sdelay $0x1  }
0x5b6: {  	v10 =	vadd.f32 v13, v10;
	_ =	sdelay $0x1  }
0x5b7: {  	[tilespmem:v9+s23+$0x0] =	vst.idx.msk $0xffff, v10  }
0x5b8: {  	[spmem:s9] =	stream.linear.scatter [tilespmem:s23], [sflag:$0x3], $0x1390, $0x38;
	[tilespmem:$0x193A0] =	vst v63  }
0x5b9: {  	_ =	swait.ge [sflag:s14], $0x1390  }
0x5ba: {  	[sflag:s14] =	ssyncset.done $0x0  }
0x5bb: {  	[sflag:s14] =	ssyncadd.s32 $0xFFFFEC70  }
0x5bc: {  	[bflag:$0x0] =	sbarrier.arrive $0xFFFF  }
0x5bd: {  	[tilespmem:s24], [sflag:$0x1] =	stream.indirect.gather [spmem:s3], $0x8, s13, s19, $0xb8;
	[tilespmem:$0x193A0] =	vst v63  }
0x5be: {  	s11 =	simm.s32 $0x2920  }
0x5bf: {  	[tilespmem:s25], [sflag:$0x2] =	stream.indirect.gather [spmem:s3], $0x8, s11, s19, $0xb8;
	[tilespmem:$0x193A0] =	vst v63  }
0x5c0: {  	_ =	swait.ge [sflag:s21], $0x1000  }
0x5c1: {  	[sflag:s21] =	ssyncset.done $0x0  }
0x5c2: {  	s12 =	simm.s32 $0x7720;
	[sflag:s21] =	ssyncadd.s32 $0xFFFFF000  }
0x5c3: {  	[spmem:s1] =	stream.indirect.scatter.add.f32 [tilespmem:s24], [sflag:$0x3], $0x8, s12, s19, $0xb8;
	[tilespmem:$0x193A0] =	vst v63  }
0x5c4: {  	_ =	swait.ge [sflag:s14], $0x1000  }
0x5c5: {  	[sflag:s14] =	ssyncset.done $0x0  }
0x5c6: {  	s20 =	simm.s32 $0x2B20;
	[sflag:s14] =	ssyncadd.s32 $0xFFFFF000  }
0x5c7: {  	[tilespmem:s24], [sflag:$0x1] =	stream.indirect.gather [spmem:s3], $0x8, s20, s19, $0xb8;
	[tilespmem:$0x193A0] =	vst v63  }
0x5c8: {  	_ =	swait.ge [sflag:s22], $0x1000  }
0x5c9: {  	[sflag:s22] =	ssyncset.done $0x0  }
0x5ca: {  	s31 =	simm.s32 $0x7920;
	[sflag:s22] =	ssyncadd.s32 $0xFFFFF000  }
0x5cb: {  	[spmem:s1] =	stream.indirect.scatter.add.f32 [tilespmem:s25], [sflag:$0x3], $0x8, s31, s19, $0xb8;
	[tilespmem:$0x193A0] =	vst v63  }
0x5cc: {  	_ =	swait.ge [sflag:s14], $0x1000  }
0x5cd: {  	s5 =	simm.s32 $0x2000;
	s2 =	simm.s32 $0x400;
	[sflag:s14] =	ssyncset.done $0x0  }
.LBB2_44:
0x5ce: {  	s4 =	sadd.s32 $0x2920, s2  }
0x5cf: {  	[sflag:s14] =	ssyncadd.s32 $0xFFFFF000;
	s6 =	smov.u32 s5;
	s7 =	sadd.s32 $0x1000, s5  }
0x5d0: {  	[tilespmem:s25], [sflag:$0x2] =	stream.indirect.gather [spmem:s3], $0x8, s4, s19, $0xb8;
	[tilespmem:$0x193A0] =	vst v63  }
0x5d1: {  	p0 =	sne.s32 s5, $0x12000;
	_ =	swait.ge [sflag:s21], $0x1000  }
0x5d2: {  	[sflag:s21] =	ssyncset.done $0x0  }
0x5d3: {  	s4 =	sadd.s32 $0x7720, s2;
	[sflag:s21] =	ssyncadd.s32 $0xFFFFF000  }
0x5d4: {  	[spmem:s1] =	stream.indirect.scatter.add.f32 [tilespmem:s24], [sflag:$0x3], $0x8, s4, s19, $0xb8;
	[tilespmem:$0x193A0] =	vst v63  }
0x5d5: {  	_ =	swait.ge [sflag:s14], $0x1000  }
0x5d6: {  	[sflag:s14] =	ssyncset.done $0x0  }
0x5d7: {  	s4 =	sadd.s32 $0x2B20, s2;
	[sflag:s14] =	ssyncadd.s32 $0xFFFFF000  }
0x5d8: {  	[tilespmem:s24], [sflag:$0x1] =	stream.indirect.gather [spmem:s3], $0x8, s4, s19, $0xb8;
	[tilespmem:$0x193A0] =	vst v63  }
0x5d9: {  	_ =	swait.ge [sflag:s22], $0x1000  }
.Ltmp21:
0x5da: {  	[sflag:s22] =	ssyncset.done $0x0;
	(pc) =	sbr.rel @p0 .LBB2_44-.Ltmp21, $4  }
0x5db: {  	s2 =	sadd.s32 $0x7920, s2;
	[sflag:s22] =	ssyncadd.s32 $0xFFFFF000  }
0x5dc: {  	[spmem:s1] =	stream.indirect.scatter.add.f32 [tilespmem:s25], [sflag:$0x3], $0x8, s2, s19, $0xb8;
	[tilespmem:$0x193A0] =	vst v63  }
0x5dd: {  	_ =	swait.ge [sflag:s14], $0x1000  }
0x5de: {  	s5 =	smov.u32 s7;
	s2 =	sshra.s32 s6, $0x2;
	[sflag:s14] =	ssyncset.done $0x0  }
0x5df: {  	s4 =	sadd.s32 $0x2920, s2;
	[sflag:s14] =	ssyncadd.s32 $0xFFFFF000  }
0x5e0: {  	[tilespmem:s25], [sflag:$0x2] =	stream.indirect.gather [spmem:s3], $0x8, s4, s19, $0xb8;
	[tilespmem:$0x193A0] =	vst v63  }
0x5e1: {  	_ =	swait.ge [sflag:s21], $0x1000  }
0x5e2: {  	[sflag:s21] =	ssyncset.done $0x0  }
0x5e3: {  	s12 =	sadd.s32 $0x7720, s2;
	[sflag:s21] =	ssyncadd.s32 $0xFFFFF000  }
0x5e4: {  	[spmem:s1] =	stream.indirect.scatter.add.f32 [tilespmem:s24], [sflag:$0x3], $0x8, s12, s19, $0xb8;
	[tilespmem:$0x193A0] =	vst v63  }
0x5e5: {  	_ =	swait.ge [sflag:s14], $0x1000  }
0x5e6: {  	[sflag:s14] =	ssyncset.done $0x0  }
0x5e7: {  	s20 =	sadd.s32 $0x2B20, s2;
	[sflag:s14] =	ssyncadd.s32 $0xFFFFF000  }
0x5e8: {  	[tilespmem:s24], [sflag:$0x1] =	stream.indirect.gather [spmem:s3], $0x8, s20, s19, $0xb8;
	[tilespmem:$0x193A0] =	vst v63  }
0x5e9: {  	_ =	swait.ge [sflag:s22], $0x1000  }
0x5ea: {  	[sflag:s22] =	ssyncset.done $0x0  }
0x5eb: {  	s31 =	sadd.s32 $0x7920, s2;
	[sflag:s22] =	ssyncadd.s32 $0xFFFFF000  }
0x5ec: {  	[spmem:s1] =	stream.indirect.scatter.add.f32 [tilespmem:s25], [sflag:$0x3], $0x8, s31, s19, $0xb8;
	[tilespmem:$0x193A0] =	vst v63  }
0x5ed: {  	_ =	swait.ge [sflag:s14], $0x1000  }
0x5ee: {  	[sflag:s14] =	ssyncset.done $0x0  }
0x5ef: {  	[sflag:s14] =	ssyncadd.s32 $0xFFFFF000  }
0x5f0: {  	[tilespmem:s25], [sflag:$0x2] =	stream.indirect.gather [spmem:s3], $0x8, s26, s19, $0xb8;
	[tilespmem:$0x193A0] =	vst v63  }
0x5f1: {  	_ =	swait.ge [sflag:s21], $0x1000  }
0x5f2: {  	[sflag:s21] =	ssyncset.done $0x0  }
0x5f3: {  	[sflag:s21] =	ssyncadd.s32 $0xFFFFF000  }
0x5f4: {  	[spmem:s1] =	stream.indirect.scatter.add.f32 [tilespmem:s24], [sflag:$0x3], $0x8, s28, s19, $0xb8;
	[tilespmem:$0x193A0] =	vst v63  }
0x5f5: {  	_ =	swait.ge [sflag:s14], $0x1000  }
0x5f6: {  	[sflag:s14] =	ssyncset.done $0x0  }
0x5f7: {  	[sflag:s14] =	ssyncadd.s32 $0xFFFFF000  }
0x5f8: {  	_ =	swait.ge [sflag:s22], $0x1000  }
0x5f9: {  	[sflag:s22] =	ssyncset.done $0x0  }
0x5fa: {  	[sflag:s22] =	ssyncadd.s32 $0xFFFFF000  }
0x5fb: {  	[spmem:s1] =	stream.indirect.scatter.add.f32 [tilespmem:s25], [sflag:$0x3], $0x8, s29, s19, $0xb8;
	[tilespmem:$0x193A0] =	vst v63  }
0x5fc: {  	_ =	swait.ge [sflag:s14], $0x1000  }
0x5fd: {  	[sflag:s14] =	ssyncset.done $0x0  }
0x5fe: {  	[sflag:s14] =	ssyncadd.s32 $0xFFFFF000  }
0x5ff: {  	[bflag:$0x0] =	sbarrier.arrive $0xFFFF  }
0x600: {  	[tilespmem:s23], [sflag:$0x3] =	stream.linear.gather [spmem:s8], $0x1390, $0x38;
	[tilespmem:$0x193A0] =	vst v63  }
0x601: {  	_ =	swait.ge [sflag:s14], $0x1390  }
0x602: {  	[sflag:s14] =	ssyncset.done $0x0  }
0x603: {  	s4 =	simm.s32 $0x6;
	[sflag:s14] =	ssyncadd.s32 $0xFFFFEC70  }
0x604: {  	v10 =	vmov s4;
	[tilespmem:s30], [sflag:$0x3] =	stream.linear.gather [spmem:s9], $0x1390, $0x38;
	[tilespmem:$0x193A0] =	vst v63  }
0x605: {  	s5 =	simm.s32 $0x2;
	v10 =	vshll.u32 v10, $0x3;
	_ =	swait.ge [sflag:s14], $0x1390  }
0x606: {  	v11 =	vmov s5;
	v10 =	vor.u32 v6, v10;
	[sflag:s14] =	ssyncset.done $0x0  }
0x607: {  	s6 =	simm.s32 $0x4;
	v11 =	vshll.u32 v11, $0x3;
	v13 =	vor.u32 v1, v10;
	[sflag:s14] =	ssyncadd.s32 $0xFFFFEC70  }
0x608: {  	v10 =	vor.u32 v6, v11;
	[spmem:s8] =	stream.linear.scatter [tilespmem:s18], [sflag:$0x3], $0x1390, $0x38;
	[tilespmem:$0x193A0] =	vst v63  }
0x609: {  	v11 =	vmov s6;
	v15 =	vor.u32 v1, v10;
	_ =	swait.ge [sflag:s14], $0x1390  }
0x60a: {  	v10 =	vshll.u32 v11, $0x3;
	[sflag:s14] =	ssyncset.done $0x0  }
0x60b: {  	s7 =	simm.s32 $0x0;
	v10 =	vor.u32 v6, v10;
	[sflag:s14] =	ssyncadd.s32 $0xFFFFEC70  }
0x60c: {  	v11 =	vmov s7;
	v24 =	vor.u32 v1, v10;
	v14 =	vld.idx.msk [tilespmem:v13+s23+$0x0], $0xffff  }
0x60d: {  	v10 =	vshll.u32 v11, $0x3;
	v16 =	vld.idx.msk [tilespmem:v13+s30+$0x0], $0xffff  }
0x60e: {  	v10 =	vor.u32 v6, v10;
	v17 =	vld.idx.msk [tilespmem:v15+s23+$0x0], $0xffff  }
0x60f: {  	s10 =	simm.s32 $0x16CA0;
	v10 =	vor.u32 v1, v10;
	v18 =	vld.idx.msk [tilespmem:v15+s30+$0x0], $0xffff  }
0x610: {  	v19 =	vld [tilespmem:s10+$0x10]  }
0x611: {  	s11 =	simm.s32 $0x18030;
	v20 =	vld.idx.msk [tilespmem:v24+s23+$0x0], $0xffff  }
0x612: {  	v21 =	vld [tilespmem:s11+$0x10]  }
0x613: {  	s5 =	simm.s32 $0xE;
	v22 =	vld.idx.msk [tilespmem:v24+s30+$0x0], $0xffff  }
0x614: {  	v11 =	vmov s5;
	v23 =	vld.idx.msk [tilespmem:v10+s23+$0x0], $0xffff  }
0x615: {  	s12 =	simm.s32 $0xA;
	v11 =	vshll.u32 v11, $0x3;
	v25 =	vld.idx.msk [tilespmem:v10+s30+$0x0], $0xffff  }
0x616: {  	v12 =	vmov s12;
	v11 =	vor.u32 v6, v11;
	v26 =	vld [tilespmem:s10+$0xFFFFFFE0]  }
0x617: {  	v12 =	vshll.u32 v12, $0x3;
	s20 =	simm.s32 $0xC;
	v11 =	vor.u32 v1, v11;
	v27 =	vld [tilespmem:s10+$0xFFFFFFF0]  }
0x618: {  	v12 =	vor.u32 v6, v12;
	v29 =	vmov s20;
	v28 =	vld [tilespmem:s10+$0x0];
	v14 =	vadd.f32 v16, v14  }
0x619: {  	v12 =	vor.u32 v1, v12;
	v30 =	vld [tilespmem:s11+$0xFFFFFFE0];
	v16 =	vshll.u32 v29, $0x3  }
0x61a: {  	v61 =	vld [tilespmem:s11+$0xFFFFFFF0];
	v16 =	vor.u32 v6, v16;
	v14 =	vmul.f32 v14, v19  }
0x61b: {  	v31 =	vld [tilespmem:s11+$0x0];
	v17 =	vadd.f32 v18, v17;
	v18 =	vor.u32 v1, v16;
	v16 =	vadd.f32 v22, v20  }
0x61c: {  	v19 =	vld.idx.msk [tilespmem:v11+s23+$0x0], $0xffff;
	v22 =	vadd.f32 v25, v23;
	v21 =	vadd.f32 v21, v14  }
0x61d: {  	v17 =	vmul.f32 v17, v27;
	v20 =	vld.idx.msk [tilespmem:v11+s30+$0x0], $0xffff  }
0x61e: {  	s31 =	simm.s32 $0x8;
	v23 =	vmul.f32 v16, v28;
	v14 =	vld.idx.msk [tilespmem:v12+s23+$0x0], $0xffff;
	[tilespmem:v13+s23+$0x0] =	vst.idx.msk $0xffff, v21;
	v13 =	vmul.f32 v22, v26  }
0x61f: {  	s2 =	simm.s32 $0x16CE0;
	v62 =	vmov s31;
	v27 =	vadd.f32 v61, v17;
	v16 =	vld.idx.msk [tilespmem:v12+s30+$0x0], $0xffff  }
0x620: {  	v17 =	vshll.u32 v62, $0x3;
	v21 =	vld [tilespmem:s2+$0x10];
	v63 =	vadd.f32 v31, v23  }
0x621: {  	s5 =	simm.s32 $0x18070;
	v22 =	vor.u32 v6, v17;
	[tilespmem:v15+s23+$0x0] =	vst.idx.msk $0xffff, v27;
	v17 =	vld.idx.msk [tilespmem:v18+s23+$0x0], $0xffff;
	v23 =	vadd.f32 v30, v13  }
0x622: {  	s6 =	simm.s32 $0x4;
	s7 =	simm.s32 $0x10;
	v15 =	vor.u32 v1, v22;
	v22 =	vld [tilespmem:s5+$0x10];
	[tilespmem:v24+s23+$0x0] =	vst.idx.msk $0xffff, v63;
	v13 =	vmov v18  }
.LBB2_46:
0x623: {  	v24 =	vmov s7;
	s4 =	sadd.s32 $0x2, s7;
	s10 =	sadd.s32 $0x4, s7;
	s11 =	sadd.s32 $0x6, s7;
	v25 =	vld.idx.msk [tilespmem:v18+s30+$0x0], $0xffff;
	v18 =	vadd.f32 v20, v19;
	[tilespmem:v10+s23+$0x0] =	vst.idx.msk $0xffff, v23;
	v10 =	vmov v15  }
0x624: {  	s6 =	sadd.s32 $0x4, s6;
	v19 =	vmov s4;
	v20 =	vmov s10;
	v23 =	vmov s11;
	v26 =	vld.idx.msk [tilespmem:v15+s23+$0x0], $0xffff  }
0x625: {  	p0 =	slt.u32 s6, $0x134;
	v19 =	vshll.u32 v19, $0x3;
	v23 =	vshll.u32 v23, $0x3;
	v27 =	vld.idx.msk [tilespmem:v15+s30+$0x0], $0xffff;
	v15 =	vmul.f32 v18, v21  }
0x626: {  	v18 =	vshll.u32 v24, $0x3;
	v20 =	vshll.u32 v20, $0x3;
	v21 =	vor.u32 v6, v23;
	v23 =	vld [tilespmem:s2+$0xFFFFFFE0]  }
0x627: {  	v19 =	vor.u32 v6, v19;
	v21 =	vor.u32 v1, v21;
	v24 =	vld [tilespmem:s2+$0xFFFFFFF0];
	v22 =	vadd.f32 v22, v15  }
0x628: {  	v15 =	vor.u32 v6, v18;
	v28 =	vor.u32 v1, v19;
	v18 =	vor.u32 v6, v20;
	v29 =	vld [tilespmem:s2+$0x0]  }
0x629: {  	v15 =	vor.u32 v1, v15;
	v18 =	vor.u32 v1, v18;
	v30 =	vld [tilespmem:s5+$0xFFFFFFE0];
	[tilespmem:v11+s23+$0x0] =	vst.idx.msk $0xffff, v22;
	v11 =	vmov v21  }
0x62a: {  	v14 =	vadd.f32 v16, v14;
	v16 =	vadd.f32 v25, v17;
	v22 =	vld [tilespmem:s5+$0xFFFFFFF0]  }
0x62b: {  	v17 =	vadd.f32 v27, v26;
	v25 =	vld [tilespmem:s5+$0x0]  }
0x62c: {  	v19 =	vld.idx.msk [tilespmem:v21+s23+$0x0], $0xffff;
	v24 =	vmul.f32 v14, v24  }
0x62d: {  	v17 =	vmul.f32 v17, v23;
	v20 =	vld.idx.msk [tilespmem:v21+s30+$0x0], $0xffff;
	v26 =	vmul.f32 v16, v29  }
.Ltmp22:
0x62e: {  	v14 =	vld.idx.msk [tilespmem:v28+s23+$0x0], $0xffff;
	(pc) =	sbr.rel @p0 .LBB2_46-.Ltmp22, $4  }
0x62f: {  	s2 =	sadd.s32 $0x40, s2;
	v23 =	vadd.f32 v30, v17;
	v16 =	vld.idx.msk [tilespmem:v28+s30+$0x0], $0xffff;
	v22 =	vadd.f32 v22, v24  }
0x630: {  	v21 =	vld [tilespmem:s2+$0x10];
	v24 =	vadd.f32 v25, v26  }
0x631: {  	s5 =	sadd.s32 $0x40, s5;
	v17 =	vld.idx.msk [tilespmem:v18+s23+$0x0], $0xffff;
	[tilespmem:v12+s23+$0x0] =	vst.idx.msk $0xffff, v22;
	v12 =	vmov v28  }
0x632: {  	s7 =	sadd.s32 $0x8, s7;
	v22 =	vld [tilespmem:s5+$0x10];
	[tilespmem:v13+s23+$0x0] =	vst.idx.msk $0xffff, v24;
	v13 =	vmov v18  }
0x633: {  	_ =	sdelay $0x3  }
0x634: {  	v18 =	vld.idx.msk [tilespmem:v18+s30+$0x0], $0xffff  }
0x635: {  	v24 =	vld.idx.msk [tilespmem:v15+s23+$0x0], $0xffff  }
0x636: {  	v25 =	vld.idx.msk [tilespmem:v15+s30+$0x0], $0xffff  }
0x637: {  	v26 =	vld [tilespmem:s2+$0xFFFFFFE0]  }
0x638: {  	v27 =	vld [tilespmem:s2+$0xFFFFFFF0]  }
0x639: {  	v28 =	vld [tilespmem:s2+$0x0]  }
0x63a: {  	v19 =	vadd.f32 v20, v19;
	v60 =	vld [tilespmem:s5+$0xFFFFFFF0]  }
0x63b: {  	v61 =	vld [tilespmem:s5+$0x0];
	v14 =	vadd.f32 v16, v14  }
0x63c: {  	v62 =	vld [tilespmem:s5+$0xFFFFFFE0];
	v19 =	vmul.f32 v19, v21;
	v17 =	vadd.f32 v18, v17  }
0x63d: {  	v63 =	vadd.f32 v25, v24;
	v14 =	vmul.f32 v14, v27  }
0x63e: {  	v19 =	vadd.f32 v22, v19;
	v17 =	vmul.f32 v17, v28  }
0x63f: {  	[tilespmem:v10+s23+$0x0] =	vst.idx.msk $0xffff, v23;
	v10 =	vmul.f32 v63, v26;
	v14 =	vadd.f32 v60, v14  }
0x640: {  	[tilespmem:v11+s23+$0x0] =	vst.idx.msk $0xffff, v19;
	v11 =	vadd.f32 v61, v17  }
0x641: {  	v10 =	vadd.f32 v62, v10;
	[tilespmem:v12+s23+$0x0] =	vst.idx.msk $0xffff, v14  }
0x642: {  	[tilespmem:v13+s23+$0x0] =	vst.idx.msk $0xffff, v11  }
0x643: {  	[tilespmem:v15+s23+$0x0] =	vst.idx.msk $0xffff, v10  }
0x644: {  	v10 =	vld.idx.msk [tilespmem:v9+s23+$0x0], $0xffff  }
0x645: {  	v11 =	vld.idx.msk [tilespmem:v9+s30+$0x0], $0xffff;
	_ =	sdelay $0x1  }
0x646: {  	v12 =	vld [tilespmem:$0x18000];
	_ =	sdelay $0x1  }
0x647: {  	v13 =	vld [tilespmem:$0x19390]  }
0x648: {  	v10 =	vadd.f32 v11, v10;
	_ =	sdelay $0x1  }
0x649: {  	v10 =	vmul.f32 v10, v12;
	_ =	sdelay $0x1  }
0x64a: {  	v10 =	vadd.f32 v13, v10;
	_ =	sdelay $0x1  }
0x64b: {  	[tilespmem:v9+s23+$0x0] =	vst.idx.msk $0xffff, v10  }
0x64c: {  	[spmem:s9] =	stream.linear.scatter [tilespmem:s23], [sflag:$0x3], $0x1390, $0x38;
	[tilespmem:$0x193A0] =	vst v63  }
0x64d: {  	_ =	swait.ge [sflag:s14], $0x1390  }
0x64e: {  	[sflag:s14] =	ssyncset.done $0x0  }
0x64f: {  	[sflag:s14] =	ssyncadd.s32 $0xFFFFEC70  }
0x650: {  	[bflag:$0x0] =	sbarrier.arrive $0xFFFF  }
0x651: {  	[tilespmem:s24], [sflag:$0x1] =	stream.indirect.gather [spmem:s3], $0x8, s13, s19, $0xb8;
	[tilespmem:$0x193A0] =	vst v63  }
0x652: {  	s11 =	simm.s32 $0x2920  }
0x653: {  	[tilespmem:s25], [sflag:$0x2] =	stream.indirect.gather [spmem:s3], $0x8, s11, s19, $0xb8;
	[tilespmem:$0x193A0] =	vst v63  }
0x654: {  	_ =	swait.ge [sflag:s21], $0x1000  }
0x655: {  	[sflag:s21] =	ssyncset.done $0x0  }
0x656: {  	s12 =	simm.s32 $0x7720;
	[sflag:s21] =	ssyncadd.s32 $0xFFFFF000  }
0x657: {  	[spmem:s1] =	stream.indirect.scatter.add.f32 [tilespmem:s24], [sflag:$0x3], $0x8, s12, s19, $0xb8;
	[tilespmem:$0x193A0] =	vst v63  }
0x658: {  	_ =	swait.ge [sflag:s14], $0x1000  }
0x659: {  	[sflag:s14] =	ssyncset.done $0x0  }
0x65a: {  	s20 =	simm.s32 $0x2B20;
	[sflag:s14] =	ssyncadd.s32 $0xFFFFF000  }
0x65b: {  	[tilespmem:s24], [sflag:$0x1] =	stream.indirect.gather [spmem:s3], $0x8, s20, s19, $0xb8;
	[tilespmem:$0x193A0] =	vst v63  }
0x65c: {  	_ =	swait.ge [sflag:s22], $0x1000  }
0x65d: {  	[sflag:s22] =	ssyncset.done $0x0  }
0x65e: {  	s31 =	simm.s32 $0x7920;
	[sflag:s22] =	ssyncadd.s32 $0xFFFFF000  }
0x65f: {  	[spmem:s1] =	stream.indirect.scatter.add.f32 [tilespmem:s25], [sflag:$0x3], $0x8, s31, s19, $0xb8;
	[tilespmem:$0x193A0] =	vst v63  }
0x660: {  	_ =	swait.ge [sflag:s14], $0x1000  }
0x661: {  	s5 =	simm.s32 $0x2000;
	s2 =	simm.s32 $0x400;
	[sflag:s14] =	ssyncset.done $0x0  }
.LBB2_48:
0x662: {  	s4 =	sadd.s32 $0x2920, s2  }
0x663: {  	[sflag:s14] =	ssyncadd.s32 $0xFFFFF000;
	s6 =	smov.u32 s5;
	s7 =	sadd.s32 $0x1000, s5  }
0x664: {  	[tilespmem:s25], [sflag:$0x2] =	stream.indirect.gather [spmem:s3], $0x8, s4, s19, $0xb8;
	[tilespmem:$0x193A0] =	vst v63  }
0x665: {  	p0 =	sne.s32 s5, $0x12000;
	_ =	swait.ge [sflag:s21], $0x1000  }
0x666: {  	[sflag:s21] =	ssyncset.done $0x0  }
0x667: {  	s4 =	sadd.s32 $0x7720, s2;
	[sflag:s21] =	ssyncadd.s32 $0xFFFFF000  }
0x668: {  	[spmem:s1] =	stream.indirect.scatter.add.f32 [tilespmem:s24], [sflag:$0x3], $0x8, s4, s19, $0xb8;
	[tilespmem:$0x193A0] =	vst v63  }
0x669: {  	_ =	swait.ge [sflag:s14], $0x1000  }
0x66a: {  	[sflag:s14] =	ssyncset.done $0x0  }
0x66b: {  	s4 =	sadd.s32 $0x2B20, s2;
	[sflag:s14] =	ssyncadd.s32 $0xFFFFF000  }
0x66c: {  	[tilespmem:s24], [sflag:$0x1] =	stream.indirect.gather [spmem:s3], $0x8, s4, s19, $0xb8;
	[tilespmem:$0x193A0] =	vst v63  }
0x66d: {  	_ =	swait.ge [sflag:s22], $0x1000  }
.Ltmp23:
0x66e: {  	[sflag:s22] =	ssyncset.done $0x0;
	(pc) =	sbr.rel @p0 .LBB2_48-.Ltmp23, $4  }
0x66f: {  	s2 =	sadd.s32 $0x7920, s2;
	[sflag:s22] =	ssyncadd.s32 $0xFFFFF000  }
0x670: {  	[spmem:s1] =	stream.indirect.scatter.add.f32 [tilespmem:s25], [sflag:$0x3], $0x8, s2, s19, $0xb8;
	[tilespmem:$0x193A0] =	vst v63  }
0x671: {  	_ =	swait.ge [sflag:s14], $0x1000  }
0x672: {  	s5 =	smov.u32 s7;
	s2 =	sshra.s32 s6, $0x2;
	[sflag:s14] =	ssyncset.done $0x0  }
0x673: {  	s4 =	sadd.s32 $0x2920, s2;
	[sflag:s14] =	ssyncadd.s32 $0xFFFFF000  }
0x674: {  	[tilespmem:s25], [sflag:$0x2] =	stream.indirect.gather [spmem:s3], $0x8, s4, s19, $0xb8;
	[tilespmem:$0x193A0] =	vst v63  }
0x675: {  	_ =	swait.ge [sflag:s21], $0x1000  }
0x676: {  	[sflag:s21] =	ssyncset.done $0x0  }
0x677: {  	s6 =	sadd.s32 $0x7720, s2;
	[sflag:s21] =	ssyncadd.s32 $0xFFFFF000  }
0x678: {  	[spmem:s1] =	stream.indirect.scatter.add.f32 [tilespmem:s24], [sflag:$0x3], $0x8, s6, s19, $0xb8;
	[tilespmem:$0x193A0] =	vst v63  }
0x679: {  	_ =	swait.ge [sflag:s14], $0x1000  }
0x67a: {  	[sflag:s14] =	ssyncset.done $0x0  }
0x67b: {  	s7 =	sadd.s32 $0x2B20, s2;
	[sflag:s14] =	ssyncadd.s32 $0xFFFFF000  }
0x67c: {  	[tilespmem:s24], [sflag:$0x1] =	stream.indirect.gather [spmem:s3], $0x8, s7, s19, $0xb8;
	[tilespmem:$0x193A0] =	vst v63  }
0x67d: {  	_ =	swait.ge [sflag:s22], $0x1000  }
0x67e: {  	[sflag:s22] =	ssyncset.done $0x0  }
0x67f: {  	s10 =	sadd.s32 $0x7920, s2;
	[sflag:s22] =	ssyncadd.s32 $0xFFFFF000  }
0x680: {  	[spmem:s1] =	stream.indirect.scatter.add.f32 [tilespmem:s25], [sflag:$0x3], $0x8, s10, s19, $0xb8;
	[tilespmem:$0x193A0] =	vst v63  }
0x681: {  	_ =	swait.ge [sflag:s14], $0x1000  }
0x682: {  	[sflag:s14] =	ssyncset.done $0x0  }
0x683: {  	[sflag:s14] =	ssyncadd.s32 $0xFFFFF000  }
0x684: {  	[tilespmem:s25], [sflag:$0x2] =	stream.indirect.gather [spmem:s3], $0x8, s26, s19, $0xb8;
	[tilespmem:$0x193A0] =	vst v63  }
0x685: {  	_ =	swait.ge [sflag:s21], $0x1000  }
0x686: {  	[sflag:s21] =	ssyncset.done $0x0  }
0x687: {  	[sflag:s21] =	ssyncadd.s32 $0xFFFFF000  }
0x688: {  	[spmem:s1] =	stream.indirect.scatter.add.f32 [tilespmem:s24], [sflag:$0x3], $0x8, s28, s19, $0xb8;
	[tilespmem:$0x193A0] =	vst v63  }
0x689: {  	_ =	swait.ge [sflag:s14], $0x1000  }
0x68a: {  	[sflag:s14] =	ssyncset.done $0x0  }
0x68b: {  	[sflag:s14] =	ssyncadd.s32 $0xFFFFF000  }
0x68c: {  	_ =	swait.ge [sflag:s22], $0x1000  }
0x68d: {  	[sflag:s22] =	ssyncset.done $0x0  }
0x68e: {  	[sflag:s22] =	ssyncadd.s32 $0xFFFFF000  }
0x68f: {  	[spmem:s1] =	stream.indirect.scatter.add.f32 [tilespmem:s25], [sflag:$0x3], $0x8, s29, s19, $0xb8;
	[tilespmem:$0x193A0] =	vst v63  }
0x690: {  	_ =	swait.ge [sflag:s14], $0x1000  }
0x691: {  	[sflag:s14] =	ssyncset.done $0x0  }
0x692: {  	[sflag:s14] =	ssyncadd.s32 $0xFFFFF000  }
0x693: {  	[bflag:$0x0] =	sbarrier.arrive $0xFFFF  }
0x694: {  	[tilespmem:s23], [sflag:$0x3] =	stream.linear.gather [spmem:s8], $0x1390, $0x38;
	[tilespmem:$0x193A0] =	vst v63  }
0x695: {  	_ =	swait.ge [sflag:s14], $0x1390  }
0x696: {  	[sflag:s14] =	ssyncset.done $0x0  }
0x697: {  	[sflag:s14] =	ssyncadd.s32 $0xFFFFEC70  }
0x698: {  	[tilespmem:s30], [sflag:$0x3] =	stream.linear.gather [spmem:s9], $0x1390, $0x38;
	[tilespmem:$0x193A0] =	vst v63  }
0x699: {  	s11 =	simm.s32 $0x6;
	_ =	swait.ge [sflag:s14], $0x1390  }
0x69a: {  	v10 =	vmov s11;
	[sflag:s14] =	ssyncset.done $0x0  }
0x69b: {  	v10 =	vshll.u32 v10, $0x3;
	[sflag:s14] =	ssyncadd.s32 $0xFFFFEC70  }
0x69c: {  	v10 =	vor.u32 v6, v10;
	[spmem:s8] =	stream.linear.scatter [tilespmem:s18], [sflag:$0x3], $0x1390, $0x38;
	[tilespmem:$0x193A0] =	vst v63  }
0x69d: {  	v10 =	vor.u32 v1, v10;
	_ =	swait.ge [sflag:s14], $0x1390  }
0x69e: {  	s12 =	simm.s32 $0x2;
	[sflag:s14] =	ssyncset.done $0x0  }
0x69f: {  	s2 =	simm.s32 $0x15910;
	v11 =	vmov s12;
	[sflag:s14] =	ssyncadd.s32 $0xFFFFEC70  }
0x6a0: {  	v11 =	vshll.u32 v11, $0x3;
	v13 =	vld [tilespmem:s2+$0x10]  }
0x6a1: {  	s20 =	simm.s32 $0x4;
	v11 =	vor.u32 v6, v11;
	v16 =	vld [tilespmem:s2+$0xFFFFFFE0]  }
0x6a2: {  	s31 =	simm.s32 $0x0;
	v12 =	vmov s20;
	v11 =	vor.u32 v1, v11;
	v18 =	vld.idx.msk [tilespmem:v10+s23+$0x0], $0xffff  }
0x6a3: {  	v14 =	vmov s31;
	v12 =	vshll.u32 v12, $0x3;
	v19 =	vld.idx.msk [tilespmem:v10+s30+$0x0], $0xffff  }
0x6a4: {  	v14 =	vshll.u32 v14, $0x3;
	v12 =	vor.u32 v6, v12;
	v21 =	vld [tilespmem:s2+$0xFFFFFFF0]  }
0x6a5: {  	s5 =	simm.s32 $0x16CA0;
	v14 =	vor.u32 v6, v14;
	v12 =	vor.u32 v1, v12;
	v22 =	vld [tilespmem:s2+$0x0];
	(erf) = vrcp.f32 v13  }
0x6a6: {  	v15 =	vor.u32 v1, v14;
	v23 =	vld [tilespmem:s5+$0x10];
	(erf) = vrcp.f32 v16  }
0x6a7: {  	s6 =	simm.s32 $0x18030;
	v14 =	vld.idx.msk [tilespmem:v11+s23+$0x0], $0xffff  }
0x6a8: {  	v20 =	vld [tilespmem:s6+$0x10];
	v13 =	vadd.f32 v19, v18  }
0x6a9: {  	v17 =	vld.idx.msk [tilespmem:v11+s30+$0x0], $0xffff;
	(erf) = vrcp.f32 v21  }
0x6aa: {  	v18 =	vld.idx.msk [tilespmem:v12+s30+$0x0], $0xffff;
	(erf) = vrcp.f32 v22  }
0x6ab: {  	v19 =	vld.idx.msk [tilespmem:v15+s23+$0x0], $0xffff;
	v21 =	vmul.f32 v13, v23  }
0x6ac: {  	s7 =	simm.s32 $0x0;
	s10 =	simm.s32 $0x8;
	v16 =	vld.idx.msk [tilespmem:v12+s23+$0x0], $0xffff;
	v13 =	vmov v15  }
.LBB2_50:
0x6ad: {  	v22 =	vmov s10;
	s4 =	sadd.s32 $0x2, s10;
	s11 =	sadd.s32 $0x4, s10;
	s12 =	sadd.s32 $0x6, s10;
	v23 =	vld.idx.msk [tilespmem:v15+s30+$0x0], $0xffff;
	v15 =	vadd.f32 v20, v21  }
0x6ae: {  	s7 =	sadd.s32 $0x4, s7;
	v20 =	vmov s4;
	v21 =	vmov s11;
	v24 =	vmov s12;
	v25 =	vld [tilespmem:s5+$0xFFFFFFE0];
	v26 =	vpop (erf)  }
0x6af: {  	p0 =	slt.u32 s7, $0x134;
	v20 =	vshll.u32 v20, $0x3;
	v24 =	vshll.u32 v24, $0x3;
	v27 =	vld [tilespmem:s5+$0xFFFFFFF0];
	v15 =	vmul.f32 v26, v15;
	v26 =	vpop (erf)  }
0x6b0: {  	v22 =	vshll.u32 v22, $0x3;
	v21 =	vshll.u32 v21, $0x3;
	v30 =	vor.u32 v6, v24;
	v28 =	vld [tilespmem:s5+$0x0]  }
0x6b1: {  	v32 =	vor.u32 v6, v20;
	v29 =	vld [tilespmem:s6+$0xFFFFFFE0];
	[tilespmem:v10+s23+$0x0] =	vst.idx.msk $0xffff, v15;
	v10 =	vor.u32 v1, v30  }
0x6b2: {  	v31 =	vor.u32 v6, v21;
	v15 =	vor.u32 v6, v22;
	v22 =	vor.u32 v1, v32;
	v21 =	vld [tilespmem:s6+$0xFFFFFFF0];
	v24 =	vpop (erf)  }
0x6b3: {  	s2 =	sadd.s32 $0x40, s2;
	v14 =	vadd.f32 v17, v14;
	v30 =	vor.u32 v1, v31;
	v15 =	vor.u32 v1, v15;
	v17 =	vld [tilespmem:s6+$0x0];
	v20 =	vpop (erf)  }
0x6b4: {  	v16 =	vadd.f32 v18, v16;
	v19 =	vadd.f32 v23, v19;
	v31 =	vld [tilespmem:s2+$0x10]  }
0x6b5: {  	v14 =	vmul.f32 v14, v27;
	v18 =	vld [tilespmem:s2+$0xFFFFFFE0]  }
0x6b6: {  	v19 =	vmul.f32 v19, v25;
	v16 =	vmul.f32 v16, v28;
	v23 =	vld.idx.msk [tilespmem:v10+s23+$0x0], $0xffff  }
0x6b7: {  	v25 =	vld.idx.msk [tilespmem:v10+s30+$0x0], $0xffff;
	v14 =	vadd.f32 v21, v14  }
0x6b8: {  	v19 =	vadd.f32 v29, v19;
	v21 =	vld [tilespmem:s2+$0xFFFFFFF0];
	v16 =	vadd.f32 v17, v16  }
0x6b9: {  	s5 =	sadd.s32 $0x40, s5;
	v27 =	vld [tilespmem:s2+$0x0];
	(erf) = vrcp.f32 v31;
	v17 =	vmul.f32 v24, v14  }
0x6ba: {  	v24 =	vld [tilespmem:s5+$0x10];
	(erf) = vrcp.f32 v18;
	v16 =	vmul.f32 v20, v16  }
0x6bb: {  	s6 =	sadd.s32 $0x40, s6;
	v18 =	vmul.f32 v26, v19;
	v14 =	vld.idx.msk [tilespmem:v22+s23+$0x0], $0xffff;
	[tilespmem:v11+s23+$0x0] =	vst.idx.msk $0xffff, v17;
	v11 =	vmov v22  }
.Ltmp24:
0x6bc: {  	v20 =	vld [tilespmem:s6+$0x10];
	[tilespmem:v12+s23+$0x0] =	vst.idx.msk $0xffff, v16;
	v12 =	vmov v30;
	(pc) =	sbr.rel @p0 .LBB2_50-.Ltmp24, $4  }
0x6bd: {  	v19 =	vadd.f32 v25, v23;
	v17 =	vld.idx.msk [tilespmem:v22+s30+$0x0], $0xffff;
	(erf) = vrcp.f32 v21;
	[tilespmem:v13+s23+$0x0] =	vst.idx.msk $0xffff, v18;
	v13 =	vmov v15  }
0x6be: {  	v16 =	vld.idx.msk [tilespmem:v30+s23+$0x0], $0xffff;
	(erf) = vrcp.f32 v27  }
0x6bf: {  	v18 =	vld.idx.msk [tilespmem:v30+s30+$0x0], $0xffff;
	v21 =	vmul.f32 v19, v24  }
0x6c0: {  	s10 =	sadd.s32 $0x8, s10;
	v19 =	vld.idx.msk [tilespmem:v15+s23+$0x0], $0xffff  }
0x6c1: {  	_ =	sdelay $0x3  }
0x6c2: {  	v15 =	vld.idx.msk [tilespmem:v15+s30+$0x0], $0xffff  }
0x6c3: {  	v22 =	vld [tilespmem:s5+$0xFFFFFFE0]  }
0x6c4: {  	v23 =	vld [tilespmem:s5+$0xFFFFFFF0]  }
0x6c5: {  	v24 =	vld [tilespmem:s5+$0x0]  }
0x6c6: {  	v25 =	vld [tilespmem:s6+$0xFFFFFFF0]  }
0x6c7: {  	v58 =	vld [tilespmem:s6+$0x0];
	v14 =	vadd.f32 v17, v14  }
0x6c8: {  	v26 =	vld [tilespmem:s6+$0xFFFFFFE0];
	v16 =	vadd.f32 v18, v16  }
0x6c9: {  	v15 =	vadd.f32 v15, v19;
	v14 =	vmul.f32 v14, v23  }
0x6ca: {  	v59 =	vadd.f32 v20, v21;
	v60 =	vpop (erf);
	v16 =	vmul.f32 v16, v24  }
0x6cb: {  	v61 =	vpop (erf);
	v15 =	vmul.f32 v15, v22;
	v14 =	vadd.f32 v25, v14  }
0x6cc: {  	v18 =	vmul.f32 v60, v59;
	v62 =	vpop (erf);
	v16 =	vadd.f32 v58, v16  }
0x6cd: {  	v63 =	vpop (erf);
	v15 =	vadd.f32 v26, v15;
	v14 =	vmul.f32 v62, v14  }
0x6ce: {  	[tilespmem:v10+s23+$0x0] =	vst.idx.msk $0xffff, v18;
	v10 =	vmul.f32 v63, v16  }
0x6cf: {  	v15 =	vmul.f32 v61, v15;
	[tilespmem:v11+s23+$0x0] =	vst.idx.msk $0xffff, v14  }
0x6d0: {  	[tilespmem:v12+s23+$0x0] =	vst.idx.msk $0xffff, v10  }
0x6d1: {  	[tilespmem:v13+s23+$0x0] =	vst.idx.msk $0xffff, v15  }
0x6d2: {  	v10 =	vld [tilespmem:$0x16C70];
	_ =	sdelay $0x2  }
0x6d3: {  	v11 =	vld.idx.msk [tilespmem:v9+s23+$0x0], $0xffff  }
0x6d4: {  	v12 =	vld.idx.msk [tilespmem:v9+s30+$0x0], $0xffff  }
0x6d5: {  	(erf) = vrcp.f32 v10  }
0x6d6: {  	v10 =	vld [tilespmem:$0x18000];
	_ =	sdelay $0x1  }
0x6d7: {  	v13 =	vld [tilespmem:$0x19390]  }
0x6d8: {  	v11 =	vadd.f32 v12, v11;
	_ =	sdelay $0x1  }
0x6d9: {  	v10 =	vmul.f32 v11, v10;
	_ =	sdelay $0x1  }
0x6da: {  	v10 =	vadd.f32 v13, v10  }
0x6db: {  	v11 =	vpop (erf)  }
0x6dc: {  	v10 =	vmul.f32 v11, v10;
	_ =	sdelay $0x1  }
0x6dd: {  	[tilespmem:v9+s23+$0x0] =	vst.idx.msk $0xffff, v10  }
0x6de: {  	[spmem:s9] =	stream.linear.scatter [tilespmem:s23], [sflag:$0x3], $0x1390, $0x38;
	[tilespmem:$0x193A0] =	vst v63  }
0x6df: {  	_ =	swait.ge [sflag:s14], $0x1390  }
0x6e0: {  	[sflag:s14] =	ssyncset.done $0x0  }
0x6e1: {  	[sflag:s14] =	ssyncadd.s32 $0xFFFFEC70  }
0x6e2: {  	[bflag:$0x0] =	sbarrier.arrive $0xFFFF  }
0x6e3: {  	s2 =	rddreg [dreg:$0x8]  }
0x6e4: {  	[tilespmem:s23], [sflag:$0x3] =	stream.linear.gather [spmem:s2], $0x1388, $0x38;
	[tilespmem:$0x193A0] =	vst v63  }
0x6e5: {  	_ =	swait.ge [sflag:s14], $0x1388  }
0x6e6: {  	s4 =	simm.s32 $0x8;
	[sflag:s14] =	ssyncset.done $0x0  }
0x6e7: {  	s20 =	simm.s32 $0x10;
	s12 =	rddreg [dreg:$0x9];
	[sflag:s14] =	ssyncadd.s32 $0xFFFFEC78  }
0x6e8: {  	[hbm4b:s12+s4] =	stream.strided.scatter [tilespmem:s23], [sflag:$0x3], $0x1388, s20, s4, $0x38;
	[tilespmem:$0x193A0] =	vst v63  }
0x6e9: {  	_ =	swait.ge [sflag:s14], $0x1388  }
0x6ea: {  	s0 =	sadd.s32 $0x1, s0;
	s31 =	rddreg [dreg:$0xa]  }
0x6eb: {  	p0 =	sne.s32 s0, s31  }
.Ltmp25:
0x6ec: {  	_ = 	snop;
	(pc) =	sbr.rel @p0 .LBB2_1-.Ltmp25, $3  }
0x6ed: {  	_ =	sdelay $0x1  }
0x6ee: {  	[sflag:s14] =	ssyncset.done $0x0  }
0x6ef: {  	[sflag:s14] =	ssyncadd.s32 $0xFFFFEC78  }
0x6f0: {  	_ =	sfence.sel $0x180000  }
0x6f1: {  	[bflag:$0x0] =	sbarrier.arrive $0xFFFF  }
0x6f2: {  	_ =	strace $0x90000047  }
0x6f3: {  	s0 =	stileid.u32;
	[bflag:$0x2] =	sbarrier.arrive $0xFFFF  }
0x6f4: {  	p0 =	sne.s32 s0, $0x0;
	s0 =	rddreg [dreg:$0x4]  }
0x6f5: {  	s0 =	sadd.s32 @!p0 $0x100000, s0  }
0x6f6: {  	[sflag:s0] =	ssyncadd.tile.s32 @!p0 $0x1;
	_ =	shalt  }
.Lfunc_end2:
_tile_overlayer_lowered:
.L_overlay_start_2:
0x6f7: {  	(tag) =	ssettag $0x2  }
0x6f8: {  	s0 =	rddreg [dreg:$0x0];
	s2 =	stileid.u32  }
0x6f9: {  	s1 =	rddreg [dreg:$0x1];
	p0 =	sne.s32 s2, $0x0  }
0x6fa: {  	s3 =	rddreg [dreg:$0x2];
	[bflag:$0x3] =	sbarrier.arrive $0xFFFF;
	s2 =	simm.s32 @!p0 $0x1C03  }
0x6fb: {  	[timem:s3], [sflag:s2] =	dma.local @!p0 [hbm:s0], s1  }
0x6fc: {  	s0 =	simm.s32 @!p0 $0x3  }
0x6fd: {  	_ =	swait.ge @!p0 [sflag:s0], s1  }
0x6fe: {  	s1 =	ssub.s32 @!p0 $0x0, s1;
	[sflag:s0] =	ssyncset.done @!p0 $0x0  }
0x6ff: {  	[sflag:s0] =	ssyncadd.s32 @!p0 s1  }
0x700: {  	[bflag:$0x3] =	sbarrier.arrive $0xFFFF  }
0x701: {  	_ =	shalt  }

</sc_bundles>
